<compile_context>
chip_gen: v7x
topology: tpu7x:2x2x1
jax: 0.10.2.dev20260603
libtpu: 0.0.44.dev20260713+nightly
codegen_flags: <defaults>
</compile_context>

<pallas_src>
import functools

import jax
import jax.numpy as jnp
from jax import lax
from jax.experimental import pallas as pl
from jax.experimental.pallas import tpu as pltpu
from jax.experimental.pallas import tpu_sc as plsc

_N = 10000
_E = 320000
_OD = 128
_RD = 16

_NC = 2
_NS = 16
_NW = _NC * _NS
_NSPLIT = 2
_EH = _E // _NSPLIT
_EW = _EH // _NW
_C = 80
_NCHUNK = _EW // _C
_CT = _EW - _NCHUNK * _C
_CG = 128
_NCG = _EW // _CG
_CGT = _EW - _NCG * _CG
_ROWS_PER_TILE = 624
_TAIL_ROWS = _N - _NS * _ROWS_PER_TILE



def _pre_body(obj_ref, rw1a_ref, rw1b_ref, rb1_ref, ew1a_ref, eb1_ref,
              p_ref, q_ref, u_ref):
    obj = obj_ref[...]
    p_ref[...] = jnp.dot(obj, rw1a_ref[...], preferred_element_type=jnp.float32)
    q_ref[...] = (jnp.dot(obj, rw1b_ref[...], preferred_element_type=jnp.float32)
                  + rb1_ref[...])
    u_ref[...] = (jnp.dot(obj, ew1a_ref[...], preferred_element_type=jnp.float32)
                  + eb1_ref[...])



def _add_rows(pbuf, qbuf, sbuf, rows):
    def row(r, carry):
        for g in range(_OD // 16):
            sl = pl.ds(g * 16, 16)
            sbuf[r, sl] = pbuf[r, sl] + qbuf[r, sl]
        return carry

    lax.fori_loop(0, rows, row, 0)


def _gather_body(p_hbm, q_hbm, snd_hbm, rcv_hbm, s_hbm,
                 sall, rall, pbuf0, qbuf0, sbuf0, pbuf1, qbuf1, sbuf1,
                 semg0, semg1, semo0, semo1):
    c = lax.axis_index("c")
    s = lax.axis_index("s")
    wid = s * _NC + c
    base = wid * _EW

    pltpu.sync_copy(snd_hbm.at[pl.ds(base, _EW)], sall)
    pltpu.sync_copy(rcv_hbm.at[pl.ds(base, _EW)], rall)

    npair = _NCG // 2

    def pair(i, carry):
        a = 2 * i * _CG
        b = a + _CG
        cpa_p = pltpu.async_copy(p_hbm.at[sall.at[pl.ds(a, _CG)]], pbuf0, semg0)
        cpa_q = pltpu.async_copy(q_hbm.at[rall.at[pl.ds(a, _CG)]], qbuf0, semg0)
        cpb_p = pltpu.async_copy(p_hbm.at[sall.at[pl.ds(b, _CG)]], pbuf1, semg1)
        cpb_q = pltpu.async_copy(q_hbm.at[rall.at[pl.ds(b, _CG)]], qbuf1, semg1)
        cpa_p.wait()
        cpa_q.wait()

        @pl.when(i > 0)
        def _drain0():
            pltpu.make_async_copy(sbuf0, s_hbm.at[pl.ds(base, _CG)], semo0).wait()

        _add_rows(pbuf0, qbuf0, sbuf0, _CG)
        pltpu.async_copy(sbuf0, s_hbm.at[pl.ds(base + a, _CG)], semo0)
        cpb_p.wait()
        cpb_q.wait()

        @pl.when(i > 0)
        def _drain1():
            pltpu.make_async_copy(sbuf1, s_hbm.at[pl.ds(base, _CG)], semo1).wait()

        _add_rows(pbuf1, qbuf1, sbuf1, _CG)
        pltpu.async_copy(sbuf1, s_hbm.at[pl.ds(base + b, _CG)], semo1)
        return carry

    lax.fori_loop(0, npair, pair, 0)
    pltpu.make_async_copy(sbuf0, s_hbm.at[pl.ds(base, _CG)], semo0).wait()
    pltpu.make_async_copy(sbuf1, s_hbm.at[pl.ds(base, _CG)], semo1).wait()

    loff = 2 * npair * _CG
    cp_p = pltpu.async_copy(p_hbm.at[sall.at[pl.ds(loff, _CG)]], pbuf0, semg0)
    cp_q = pltpu.async_copy(q_hbm.at[rall.at[pl.ds(loff, _CG)]], qbuf0, semg0)
    toff = loff + _CG
    cp_tp = pltpu.async_copy(p_hbm.at[sall.at[pl.ds(toff, _CGT)]],
                             pbuf1.at[pl.ds(0, _CGT)], semg1)
    cp_tq = pltpu.async_copy(q_hbm.at[rall.at[pl.ds(toff, _CGT)]],
                             qbuf1.at[pl.ds(0, _CGT)], semg1)
    cp_p.wait()
    cp_q.wait()
    _add_rows(pbuf0, qbuf0, sbuf0, _CG)
    pltpu.sync_copy(sbuf0, s_hbm.at[pl.ds(base + loff, _CG)])
    cp_tp.wait()
    cp_tq.wait()
    _add_rows(pbuf1, qbuf1, sbuf1, _CGT)
    pltpu.sync_copy(sbuf1.at[pl.ds(0, _CGT)], s_hbm.at[pl.ds(base + toff, _CGT)])



def _edge_body(s_ref, rel_ref, w1c_ref, w2_ref, b2_ref, out_ref):
    x = (s_ref[...]
         + jnp.dot(rel_ref[...], w1c_ref[...], preferred_element_type=jnp.float32))
    h = jnp.maximum(x, 0.0)
    out_ref[...] = (jnp.dot(h, w2_ref[...], preferred_element_type=jnp.float32)
                    + b2_ref[...])



def _scatter_body(eff_hbm, rcv_hbm, zeros_hbm, out_hbm,
                  ridx0, ridx1, ridx2, ridx3, ridx_t,
                  ebuf0, ebuf1, ebuf2, ebuf3, acc,
                  seml0, seml1, seml2, seml3,
                  sema0, sema1, sema2, sema3):
    c = lax.axis_index("c")
    s = lax.axis_index("s")
    wid = s * _NC + c

    pltpu.sync_copy(zeros_hbm.at[pl.ds(s * _ROWS_PER_TILE, _ROWS_PER_TILE)],
                    acc.at[pl.ds(s * _ROWS_PER_TILE, _ROWS_PER_TILE)])

    @pl.when(s == _NS - 1)
    def _zero_tail():
        pltpu.sync_copy(zeros_hbm.at[pl.ds(_NS * _ROWS_PER_TILE, _TAIL_ROWS)],
                        acc.at[pl.ds(_NS * _ROWS_PER_TILE, _TAIL_ROWS)])

    plsc.subcore_barrier()

    base = wid * _EW
    nquad = _NCHUNK // 4

    def quad(i, carry):
        o0 = base + 4 * i * _C
        o1 = o0 + _C
        o2 = o1 + _C
        o3 = o2 + _C

        @pl.when(i > 0)
        def _drain01():
            pltpu.make_async_copy(ebuf0, acc.at[ridx0], sema0).wait()
            pltpu.make_async_copy(ebuf1, acc.at[ridx1], sema1).wait()

        pltpu.sync_copy(rcv_hbm.at[pl.ds(o0, _C)], ridx0)
        cp0 = pltpu.async_copy(eff_hbm.at[pl.ds(o0, _C)], ebuf0, seml0)
        pltpu.sync_copy(rcv_hbm.at[pl.ds(o1, _C)], ridx1)
        cp1 = pltpu.async_copy(eff_hbm.at[pl.ds(o1, _C)], ebuf1, seml1)

        @pl.when(i > 0)
        def _drain23():
            pltpu.make_async_copy(ebuf2, acc.at[ridx2], sema2).wait()
            pltpu.make_async_copy(ebuf3, acc.at[ridx3], sema3).wait()

        pltpu.sync_copy(rcv_hbm.at[pl.ds(o2, _C)], ridx2)
        cp2 = pltpu.async_copy(eff_hbm.at[pl.ds(o2, _C)], ebuf2, seml2)
        pltpu.sync_copy(rcv_hbm.at[pl.ds(o3, _C)], ridx3)
        cp3 = pltpu.async_copy(eff_hbm.at[pl.ds(o3, _C)], ebuf3, seml3)

        cp0.wait()
        pltpu.async_copy(ebuf0, acc.at[ridx0], sema0, add=True)
        cp1.wait()
        pltpu.async_copy(ebuf1, acc.at[ridx1], sema1, add=True)
        cp2.wait()
        pltpu.async_copy(ebuf2, acc.at[ridx2], sema2, add=True)
        cp3.wait()
        pltpu.async_copy(ebuf3, acc.at[ridx3], sema3, add=True)
        return carry

    lax.fori_loop(0, nquad, quad, 0)
    pltpu.make_async_copy(ebuf0, acc.at[ridx0], sema0).wait()
    pltpu.make_async_copy(ebuf1, acc.at[ridx1], sema1).wait()
    pltpu.make_async_copy(ebuf2, acc.at[ridx2], sema2).wait()
    pltpu.make_async_copy(ebuf3, acc.at[ridx3], sema3).wait()

    for k in range(4 * nquad, _NCHUNK):
        off = base + k * _C
        pltpu.sync_copy(rcv_hbm.at[pl.ds(off, _C)], ridx0)
        pltpu.sync_copy(eff_hbm.at[pl.ds(off, _C)], ebuf0)
        pltpu.sync_copy(ebuf0, acc.at[ridx0], add=True)

    toff = base + _NCHUNK * _C
    pltpu.sync_copy(rcv_hbm.at[pl.ds(toff, _CT)], ridx_t)
    pltpu.sync_copy(eff_hbm.at[pl.ds(toff, _CT)], ebuf0.at[pl.ds(0, _CT)])
    pltpu.sync_copy(ebuf0.at[pl.ds(0, _CT)], acc.at[ridx_t], add=True)
    plsc.subcore_barrier()

    pltpu.sync_copy(acc.at[pl.ds(s * _ROWS_PER_TILE, _ROWS_PER_TILE)],
                    out_hbm.at[c, pl.ds(s * _ROWS_PER_TILE, _ROWS_PER_TILE)])

    @pl.when(s == _NS - 1)
    def _flush_tail():
        pltpu.sync_copy(acc.at[pl.ds(_NS * _ROWS_PER_TILE, _TAIL_ROWS)],
                        out_hbm.at[c, pl.ds(_NS * _ROWS_PER_TILE, _TAIL_ROWS)])



def _node_body(u_ref, a_ref, b_ref, ew1b_ref, ew2_ref, eb2_ref, out_ref):
    agg = a_ref[0] + a_ref[1] + b_ref[0] + b_ref[1]
    x = u_ref[...] + jnp.dot(agg, ew1b_ref[...], preferred_element_type=jnp.float32)
    h = jnp.maximum(x, 0.0)
    out_ref[...] = (jnp.dot(h, ew2_ref[...], preferred_element_type=jnp.float32)
                    + eb2_ref[...])



_NODE_BLK = 2000
_EDGE_BLK = 2000


def _full_spec(shape):
    return pl.BlockSpec(shape, lambda i: tuple(0 for _ in shape))


def kernel(objects, relations, senders, receivers,
           rW1, rb1, rW2, rb2,
           oW1, ob1, oW2, ob2,
           eW1, eb1, eW2, eb2):
    f32 = jnp.float32
    rW1a = rW1[:_OD]
    rW1b = rW1[_OD:2 * _OD]
    rW1c = rW1[2 * _OD:]
    eW1a = eW1[:_OD]
    eW1b = eW1[_OD:]
    rb1_2d = rb1.reshape(1, _OD)
    rb2_2d = rb2.reshape(1, _OD)
    eb1_2d = eb1.reshape(1, _OD)
    eb2_2d = eb2.reshape(1, _OD)

    n_grid = _N // _NODE_BLK
    row_spec = pl.BlockSpec((_NODE_BLK, _OD), lambda i: (i, 0))
    P, Q, U = pl.pallas_call(
        _pre_body,
        grid=(n_grid,),
        in_specs=[row_spec, _full_spec((_OD, _OD)), _full_spec((_OD, _OD)),
                  _full_spec((1, _OD)), _full_spec((_OD, _OD)),
                  _full_spec((1, _OD))],
        out_specs=[row_spec, row_spec, row_spec],
        out_shape=[jax.ShapeDtypeStruct((_N, _OD), f32)] * 3,
    )(objects, rW1a, rW1b, rb1_2d, eW1a, eb1_2d)

    mesh = plsc.VectorSubcoreMesh(core_axis_name="c", subcore_axis_name="s")
    gather = functools.partial(
        pl.kernel,
        mesh=mesh,
        out_type=jax.ShapeDtypeStruct((_EH, _OD), f32),
        scratch_types=(
            [pltpu.VMEM((_EW,), jnp.int32)] * 2
            + [pltpu.VMEM((_CG, _OD), f32)] * 6
            + [pltpu.SemaphoreType.DMA] * 4
        ),
    )(_gather_body)

    scatter = functools.partial(
        pl.kernel,
        mesh=mesh,
        out_type=jax.ShapeDtypeStruct((_NC, _N, _OD), f32),
        scratch_types=(
            [pltpu.VMEM((_C,), jnp.int32)] * 4
            + [pltpu.VMEM((_CT,), jnp.int32)]
            + [pltpu.VMEM((_C, _OD), f32)] * 4
            + [pltpu.VMEM_SHARED((_N, _OD), f32)]
            + [pltpu.SemaphoreType.DMA] * 8
        ),
    )(_scatter_body)

    e_grid = _EH // _EDGE_BLK
    erow_spec = pl.BlockSpec((_EDGE_BLK, _OD), lambda i: (i, 0))
    rel_spec = pl.BlockSpec((_EDGE_BLK, _RD), lambda i: (i, 0))
    edge_mlp = pl.pallas_call(
        _edge_body,
        grid=(e_grid,),
        in_specs=[erow_spec, rel_spec, _full_spec((_RD, _OD)),
                  _full_spec((_OD, _OD)), _full_spec((1, _OD))],
        out_specs=erow_spec,
        out_shape=jax.ShapeDtypeStruct((_EH, _OD), f32),
    )

    zeros = jnp.zeros((_N, _OD), f32)
    aggs = []
    for h in range(_NSPLIT):
        lo, hi = h * _EH, (h + 1) * _EH
        snd_h = senders[lo:hi]
        rcv_h = receivers[lo:hi]
        S = gather(P, Q, snd_h, rcv_h)
        eff = edge_mlp(S, relations[lo:hi], rW1c, rW2, rb2_2d)
        aggs.append(scatter(eff, rcv_h, zeros))

    agg_spec = pl.BlockSpec((_NC, _NODE_BLK, _OD), lambda i: (0, i, 0))
    out = pl.pallas_call(
        _node_body,
        grid=(n_grid,),
        in_specs=[row_spec, agg_spec, agg_spec, _full_spec((_OD, _OD)),
                  _full_spec((_OD, _OD)), _full_spec((1, _OD))],
        out_specs=row_spec,
        out_shape=jax.ShapeDtypeStruct((_N, _OD), f32),
    )(U, aggs[0], aggs[1], eW1b, eW2, eb2_2d)
    return out

# --- scband reference (transcript-rebuilt; emitter-appended) ---
"""Pipeline reference for scband-interaction-network-37220186587415 (READ-ONLY COPY).

The authoritative reference and input builder live on the scoring server;
editing this copy changes nothing except your own understanding.
"""

import jax, jax.numpy as jnp
import numpy as np

N = 10000
E = 320000
OD = 128
RD = 16
ED = 128
HD = 128


def _mlp(x, W1, b1, W2, b2):
    h = jax.nn.relu(x @ W1 + b1)
    return h @ W2 + b2


def _lin(key, fan_in, fan_out):
    return jax.random.normal(key, (fan_in, fan_out), dtype=jnp.float32) * (1.0 / np.sqrt(fan_in))


def setup_inputs(seed: int = 0) -> dict:
    key = jax.random.key(seed)
    ks = jax.random.split(key, 12)
    objects = jax.random.normal(ks[0], (N, OD), dtype=jnp.float32)
    relations = jax.random.normal(ks[1], (E, RD), dtype=jnp.float32)
    senders = jax.random.randint(ks[2], (E,), 0, N, dtype=jnp.int32)
    receivers = jax.random.randint(ks[3], (E,), 0, N, dtype=jnp.int32)
    # relation_encoder: MLP(2*OD+RD -> HD -> ED)
    rW1 = _lin(ks[4], 2 * OD + RD, HD)
    rb1 = jnp.zeros((HD,), dtype=jnp.float32)
    rW2 = _lin(ks[5], HD, ED)
    rb2 = jnp.zeros((ED,), dtype=jnp.float32)
    # object_encoder: MLP(OD -> HD -> ED)
    oW1 = _lin(ks[6], OD, HD)
    ob1 = jnp.zeros((HD,), dtype=jnp.float32)
    oW2 = _lin(ks[7], HD, ED)
    ob2 = jnp.zeros((ED,), dtype=jnp.float32)
    # effect_aggregator: MLP(ED+OD -> HD -> OD)
    eW1 = _lin(ks[8], ED + OD, HD)
    eb1 = jnp.zeros((HD,), dtype=jnp.float32)
    eW2 = _lin(ks[9], HD, OD)
    eb2 = jnp.zeros((OD,), dtype=jnp.float32)
    return {
        "objects": objects, "relations": relations,
        "senders": senders, "receivers": receivers,
        "rW1": rW1, "rb1": rb1, "rW2": rW2, "rb2": rb2,
        "oW1": oW1, "ob1": ob1, "oW2": oW2, "ob2": ob2,
        "eW1": eW1, "eb1": eb1, "eW2": eW2, "eb2": eb2,
    }


def reference(objects, relations, senders, receivers,
              rW1, rb1, rW2, rb2,
              oW1, ob1, oW2, ob2,
              eW1, eb1, eW2, eb2):
    # object encoder (computed in the original forward, though unused downstream)
    obj_enc = _mlp(objects, oW1, ob1, oW2, ob2)
    # relation encoder on gathered endpoint features
    rel_inputs = jnp.concatenate([objects[senders], objects[receivers], relations], axis=-1)
    rel_effects = _mlp(rel_inputs, rW1, rb1, rW2, rb2)
    # scatter-add effects to receiver nodes
    agg_effects = jnp.zeros_like(objects).at[receivers].add(rel_effects)
    effect_inputs = jnp.concatenate([objects, agg_effects], axis=-1)
    updated_objects = _mlp(effect_inputs, eW1, eb1, eW2, eb2)
    return updated_objects

if __name__ == "__main__":
    import jax
    _d = setup_inputs()
    print(jax.jit(kernel)(*tuple(_d.values())))

</pallas_src>

<mosaic_0001>
#map = affine_map<(d0, d1) -> (0, 0)>
#map1 = affine_map<(d0, d1) -> (0)>
module attributes {stable_mosaic.version = 14 : i64} {
  func.func @_gather_body(%arg0: i32, %arg1: i32, %arg2: memref<10000x128xf32, #tpu.memory_space<hbm>>, %arg3: memref<10000x128xf32, #tpu.memory_space<hbm>>, %arg4: memref<160000xi32, #tpu.memory_space<hbm>>, %arg5: memref<160000xi32, #tpu.memory_space<hbm>>, %arg6: memref<160000x128xf32, #tpu.memory_space<hbm>>, %arg7: memref<5000xi32, #tpu.memory_space<vmem>>, %arg8: memref<5000xi32, #tpu.memory_space<vmem>>, %arg9: memref<128x128xf32, #tpu.memory_space<vmem>>, %arg10: memref<128x128xf32, #tpu.memory_space<vmem>>, %arg11: memref<128x128xf32, #tpu.memory_space<vmem>>, %arg12: memref<128x128xf32, #tpu.memory_space<vmem>>, %arg13: memref<128x128xf32, #tpu.memory_space<vmem>>, %arg14: memref<128x128xf32, #tpu.memory_space<vmem>>, %arg15: memref<!tpu.dma_semaphore, #tpu.memory_space<semaphore_mem>>, %arg16: memref<!tpu.dma_semaphore, #tpu.memory_space<semaphore_mem>>, %arg17: memref<!tpu.dma_semaphore, #tpu.memory_space<semaphore_mem>>, %arg18: memref<!tpu.dma_semaphore, #tpu.memory_space<semaphore_mem>>) attributes {dimension_semantics = [#tpu.dimension_semantics<core_parallel>, #tpu.dimension_semantics<subcore_parallel>], iteration_bounds = array<i64: 2, 16>, scalar_prefetch = 0 : i64, scratch_operands = 12 : i64, tpu.core_type = #tpu.core_type<sc_vector_subcore>, window_params = [{transform_indices = #map}, {transform_indices = #map}, {transform_indices = #map1}, {transform_indices = #map1}, {transform_indices = #map}]} {
    %mul3A = arith.constant 2 : i32
    %mul3A_0 = arith.muli %arg1, %mul3A : i32
    %add3A = arith.addi %mul3A_0, %arg0 : i32
    %mul3A_1 = arith.constant 5000 : i32
    %mul3A_2 = arith.muli %add3A, %mul3A_1 : i32
    "tpu.region"() ({
      %run_scoped3A = tpu.sem_alloc : memref<!tpu.dma_semaphore, #tpu.memory_space<semaphore_mem>>
      %dma_start3A_82 = tpu.memref_slice %arg4[%mul3A_2] : memref<160000xi32, #tpu.memory_space<hbm>> -> memref<5000xi32, #tpu.memory_space<hbm>>
      %dma_start3A_83 = tpu.memref_slice %arg4[%mul3A_2] : memref<160000xi32, #tpu.memory_space<hbm>> -> memref<5000xi32, #tpu.memory_space<hbm>>
      tpu.enqueue_dma source(%dma_start3A_83 : memref<5000xi32, #tpu.memory_space<hbm>>) target(%arg7 : memref<5000xi32, #tpu.memory_space<vmem>>) target_semaphore(%run_scoped3A : memref<!tpu.dma_semaphore, #tpu.memory_space<semaphore_mem>>)
      %dma_wait3A_84 = tpu.memref_slice %arg4[%mul3A_2] : memref<160000xi32, #tpu.memory_space<hbm>> -> memref<5000xi32, #tpu.memory_space<hbm>>
      %dma_wait3A_85 = tpu.memref_slice %arg4[%mul3A_2] : memref<160000xi32, #tpu.memory_space<hbm>> -> memref<5000xi32, #tpu.memory_space<hbm>>
      tpu.wait_dma2 semaphore(%run_scoped3A : memref<!tpu.dma_semaphore, #tpu.memory_space<semaphore_mem>>) src(%dma_wait3A_85 : memref<5000xi32, #tpu.memory_space<hbm>>) dst(%arg7 : memref<5000xi32, #tpu.memory_space<vmem>>)
      tpu.yield
    }) : () -> ()
    "tpu.region"() ({
      %run_scoped3A = tpu.sem_alloc : memref<!tpu.dma_semaphore, #tpu.memory_space<semaphore_mem>>
      %dma_start3A_82 = tpu.memref_slice %arg5[%mul3A_2] : memref<160000xi32, #tpu.memory_space<hbm>> -> memref<5000xi32, #tpu.memory_space<hbm>>
      %dma_start3A_83 = tpu.memref_slice %arg5[%mul3A_2] : memref<160000xi32, #tpu.memory_space<hbm>> -> memref<5000xi32, #tpu.memory_space<hbm>>
      tpu.enqueue_dma source(%dma_start3A_83 : memref<5000xi32, #tpu.memory_space<hbm>>) target(%arg8 : memref<5000xi32, #tpu.memory_space<vmem>>) target_semaphore(%run_scoped3A : memref<!tpu.dma_semaphore, #tpu.memory_space<semaphore_mem>>)
      %dma_wait3A_84 = tpu.memref_slice %arg5[%mul3A_2] : memref<160000xi32, #tpu.memory_space<hbm>> -> memref<5000xi32, #tpu.memory_space<hbm>>
      %dma_wait3A_85 = tpu.memref_slice %arg5[%mul3A_2] : memref<160000xi32, #tpu.memory_space<hbm>> -> memref<5000xi32, #tpu.memory_space<hbm>>
      tpu.wait_dma2 semaphore(%run_scoped3A : memref<!tpu.dma_semaphore, #tpu.memory_space<semaphore_mem>>) src(%dma_wait3A_85 : memref<5000xi32, #tpu.memory_space<hbm>>) dst(%arg8 : memref<5000xi32, #tpu.memory_space<vmem>>)
      tpu.yield
    }) : () -> ()
    %scan3A = arith.constant 0 : i32
    %scan3A_3 = arith.constant 0 : i32
    %scan3A_4 = arith.constant 19 : i32
    %scan3A_5 = arith.addi %scan3A_3, %scan3A_4 : i32
    %scan3A_6 = arith.constant 1 : i32
    scf.for %scan3A_82 = %scan3A_3 to %scan3A_5 step %scan3A_6  : i32 {
      %mul3A_83 = arith.constant 2 : i32
      %mul3A_84 = arith.muli %mul3A_83, %scan3A_82 : i32
      %mul3A_85 = arith.constant 128 : i32
      %mul3A_86 = arith.muli %mul3A_84, %mul3A_85 : i32
      %add3A_87 = arith.constant 128 : i32
      %add3A_88 = arith.addi %mul3A_86, %add3A_87 : i32
      %dma_start3A_89 = tpu.memref_slice %arg7[%mul3A_86] : memref<5000xi32, #tpu.memory_space<vmem>> -> memref<128xi32, #tpu.memory_space<vmem>>
      %dma_start3A_90 = arith.constant 0 : i32
      %dma_start3A_91 = arith.constant 0 : i32
      %dma_start3A_92 = tpu.memref_slice %arg2[%dma_start3A_90, %dma_start3A_91] : memref<10000x128xf32, #tpu.memory_space<hbm>> -> memref<10000x128xf32, #tpu.memory_space<hbm>>
      tpu.enqueue_indirect_dma source(%dma_start3A_92 : memref<10000x128xf32, #tpu.memory_space<hbm>>) target(%arg9 : memref<128x128xf32, #tpu.memory_space<vmem>>) offsets(%dma_start3A_89 : memref<128xi32, #tpu.memory_space<vmem>>) semaphore(%arg15 : memref<!tpu.dma_semaphore, #tpu.memory_space<semaphore_mem>>)
      %dma_start3A_93 = tpu.memref_slice %arg8[%mul3A_86] : memref<5000xi32, #tpu.memory_space<vmem>> -> memref<128xi32, #tpu.memory_space<vmem>>
      %dma_start3A_94 = arith.constant 0 : i32
      %dma_start3A_95 = arith.constant 0 : i32
      %dma_start3A_96 = tpu.memref_slice %arg3[%dma_start3A_94, %dma_start3A_95] : memref<10000x128xf32, #tpu.memory_space<hbm>> -> memref<10000x128xf32, #tpu.memory_space<hbm>>
      tpu.enqueue_indirect_dma source(%dma_start3A_96 : memref<10000x128xf32, #tpu.memory_space<hbm>>) target(%arg10 : memref<128x128xf32, #tpu.memory_space<vmem>>) offsets(%dma_start3A_93 : memref<128xi32, #tpu.memory_space<vmem>>) semaphore(%arg15 : memref<!tpu.dma_semaphore, #tpu.memory_space<semaphore_mem>>)
      %dma_start3A_97 = tpu.memref_slice %arg7[%add3A_88] : memref<5000xi32, #tpu.memory_space<vmem>> -> memref<128xi32, #tpu.memory_space<vmem>>
      %dma_start3A_98 = arith.constant 0 : i32
      %dma_start3A_99 = arith.constant 0 : i32
      %dma_start3A_100 = tpu.memref_slice %arg2[%dma_start3A_98, %dma_start3A_99] : memref<10000x128xf32, #tpu.memory_space<hbm>> -> memref<10000x128xf32, #tpu.memory_space<hbm>>
      tpu.enqueue_indirect_dma source(%dma_start3A_100 : memref<10000x128xf32, #tpu.memory_space<hbm>>) target(%arg12 : memref<128x128xf32, #tpu.memory_space<vmem>>) offsets(%dma_start3A_97 : memref<128xi32, #tpu.memory_space<vmem>>) semaphore(%arg16 : memref<!tpu.dma_semaphore, #tpu.memory_space<semaphore_mem>>)
      %dma_start3A_101 = tpu.memref_slice %arg8[%add3A_88] : memref<5000xi32, #tpu.memory_space<vmem>> -> memref<128xi32, #tpu.memory_space<vmem>>
      %dma_start3A_102 = arith.constant 0 : i32
      %dma_start3A_103 = arith.constant 0 : i32
      %dma_start3A_104 = tpu.memref_slice %arg3[%dma_start3A_102, %dma_start3A_103] : memref<10000x128xf32, #tpu.memory_space<hbm>> -> memref<10000x128xf32, #tpu.memory_space<hbm>>
      tpu.enqueue_indirect_dma source(%dma_start3A_104 : memref<10000x128xf32, #tpu.memory_space<hbm>>) target(%arg13 : memref<128x128xf32, #tpu.memory_space<vmem>>) offsets(%dma_start3A_101 : memref<128xi32, #tpu.memory_space<vmem>>) semaphore(%arg16 : memref<!tpu.dma_semaphore, #tpu.memory_space<semaphore_mem>>)
      %dma_wait3A_105 = tpu.memref_slice %arg7[%mul3A_86] : memref<5000xi32, #tpu.memory_space<vmem>> -> memref<128xi32, #tpu.memory_space<vmem>>
      %dma_wait3A_106 = arith.constant 0 : i32
      %dma_wait3A_107 = arith.constant 0 : i32
      %dma_wait3A_108 = tpu.memref_slice %arg2[%dma_wait3A_106, %dma_wait3A_107] : memref<10000x128xf32, #tpu.memory_space<hbm>> -> memref<10000x128xf32, #tpu.memory_space<hbm>>
      tpu.wait_indirect_dma semaphore(%arg15 : memref<!tpu.dma_semaphore, #tpu.memory_space<semaphore_mem>>) src(%dma_wait3A_108 : memref<10000x128xf32, #tpu.memory_space<hbm>>) dst(%arg9 : memref<128x128xf32, #tpu.memory_space<vmem>>)
      %dma_wait3A_109 = tpu.memref_slice %arg8[%mul3A_86] : memref<5000xi32, #tpu.memory_space<vmem>> -> memref<128xi32, #tpu.memory_space<vmem>>
      %dma_wait3A_110 = arith.constant 0 : i32
      %dma_wait3A_111 = arith.constant 0 : i32
      %dma_wait3A_112 = tpu.memref_slice %arg3[%dma_wait3A_110, %dma_wait3A_111] : memref<10000x128xf32, #tpu.memory_space<hbm>> -> memref<10000x128xf32, #tpu.memory_space<hbm>>
      tpu.wait_indirect_dma semaphore(%arg15 : memref<!tpu.dma_semaphore, #tpu.memory_space<semaphore_mem>>) src(%dma_wait3A_112 : memref<10000x128xf32, #tpu.memory_space<hbm>>) dst(%arg10 : memref<128x128xf32, #tpu.memory_space<vmem>>)
      %gt3A = arith.constant 0 : i32
      %gt3A_113 = arith.cmpi sgt, %scan3A_82, %gt3A : i32
      %convert_element_type3A = arith.extui %gt3A_113 : i1 to i32
      %cond3A = arith.constant 0 : i32
      %cond3A_114 = arith.cmpi ne, %convert_element_type3A, %cond3A : i32
      scf.if %cond3A_114 {
        %dma_wait3A_150 = arith.constant 0 : i32
        %dma_wait3A_151 = tpu.memref_slice %arg6[%mul3A_2, %dma_wait3A_150] : memref<160000x128xf32, #tpu.memory_space<hbm>> -> memref<128x128xf32, #tpu.memory_space<hbm>>
        %dma_wait3A_152 = arith.constant 0 : i32
        %dma_wait3A_153 = tpu.memref_slice %arg6[%mul3A_2, %dma_wait3A_152] : memref<160000x128xf32, #tpu.memory_space<hbm>> -> memref<128x128xf32, #tpu.memory_space<hbm>>
        tpu.wait_dma2 semaphore(%arg17 : memref<!tpu.dma_semaphore, #tpu.memory_space<semaphore_mem>>) src(%arg11 : memref<128x128xf32, #tpu.memory_space<vmem>>) dst(%dma_wait3A_153 : memref<128x128xf32, #tpu.memory_space<hbm>>)
      } else {
      }
      %scan3A_115 = arith.constant 0 : i32
      %scan3A_116 = arith.constant 0 : i32
      %scan3A_117 = arith.constant 128 : i32
      %scan3A_118 = arith.addi %scan3A_116, %scan3A_117 : i32
      %scan3A_119 = arith.constant 1 : i32
      scf.for %scan3A_150 = %scan3A_116 to %scan3A_118 step %scan3A_119  : i32 {
        %get3A = arith.index_cast %scan3A_150 : i32 to index
        %get3A_151 = arith.constant 0 : index
        %get3A_152 = tpu.vector_load %arg9[%get3A, %get3A_151] {strides = array<i32>} : memref<128x128xf32, #tpu.memory_space<vmem>>, vector<1x16xf32>,
        %get3A_153 = vector.shape_cast %get3A_152 : vector<1x16xf32> to vector<16xf32>
        %get3A_154 = arith.index_cast %scan3A_150 : i32 to index
        %get3A_155 = arith.constant 0 : index
        %get3A_156 = tpu.vector_load %arg10[%get3A_154, %get3A_155] {strides = array<i32>} : memref<128x128xf32, #tpu.memory_space<vmem>>, vector<1x16xf32>,
        %get3A_157 = vector.shape_cast %get3A_156 : vector<1x16xf32> to vector<16xf32>
        %add3A_158 = arith.addf %get3A_153, %get3A_157 : vector<16xf32>
        %swap3A = arith.index_cast %scan3A_150 : i32 to index
        %swap3A_159 = arith.constant 0 : index
        %swap3A_160 = tpu.vector_load %arg11[%swap3A, %swap3A_159] {strides = array<i32>} : memref<128x128xf32, #tpu.memory_space<vmem>>, vector<1x16xf32>,
        %swap3A_161 = vector.shape_cast %swap3A_160 : vector<1x16xf32> to vector<16xf32>
        %swap3A_162 = vector.shape_cast %add3A_158 : vector<16xf32> to vector<1x16xf32>
        tpu.vector_store %arg11[%swap3A, %swap3A_159], %swap3A_162 {strides = array<i32>} : memref<128x128xf32, #tpu.memory_space<vmem>>, vector<1x16xf32>,
        %get3A_163 = arith.index_cast %scan3A_150 : i32 to index
        %get3A_164 = arith.constant 16 : index
        %get3A_165 = tpu.vector_load %arg9[%get3A_163, %get3A_164] {strides = array<i32>} : memref<128x128xf32, #tpu.memory_space<vmem>>, vector<1x16xf32>,
        %get3A_166 = vector.shape_cast %get3A_165 : vector<1x16xf32> to vector<16xf32>
        %get3A_167 = arith.index_cast %scan3A_150 : i32 to index
        %get3A_168 = arith.constant 16 : index
        %get3A_169 = tpu.vector_load %arg10[%get3A_167, %get3A_168] {strides = array<i32>} : memref<128x128xf32, #tpu.memory_space<vmem>>, vector<1x16xf32>,
        %get3A_170 = vector.shape_cast %get3A_169 : vector<1x16xf32> to vector<16xf32>
        %add3A_171 = arith.addf %get3A_166, %get3A_170 : vector<16xf32>
        %swap3A_172 = arith.index_cast %scan3A_150 : i32 to index
        %swap3A_173 = arith.constant 16 : index
        %swap3A_174 = tpu.vector_load %arg11[%swap3A_172, %swap3A_173] {strides = array<i32>} : memref<128x128xf32, #tpu.memory_space<vmem>>, vector<1x16xf32>,
        %swap3A_175 = vector.shape_cast %swap3A_174 : vector<1x16xf32> to vector<16xf32>
        %swap3A_176 = vector.shape_cast %add3A_171 : vector<16xf32> to vector<1x16xf32>
        tpu.vector_store %arg11[%swap3A_172, %swap3A_173], %swap3A_176 {strides = array<i32>} : memref<128x128xf32, #tpu.memory_space<vmem>>, vector<1x16xf32>,
        %get3A_177 = arith.index_cast %scan3A_150 : i32 to index
        %get3A_178 = arith.constant 32 : index
        %get3A_179 = tpu.vector_load %arg9[%get3A_177, %get3A_178] {strides = array<i32>} : memref<128x128xf32, #tpu.memory_space<vmem>>, vector<1x16xf32>,
        %get3A_180 = vector.shape_cast %get3A_179 : vector<1x16xf32> to vector<16xf32>
        %get3A_181 = arith.index_cast %scan3A_150 : i32 to index
        %get3A_182 = arith.constant 32 : index
        %get3A_183 = tpu.vector_load %arg10[%get3A_181, %get3A_182] {strides = array<i32>} : memref<128x128xf32, #tpu.memory_space<vmem>>, vector<1x16xf32>,
        %get3A_184 = vector.shape_cast %get3A_183 : vector<1x16xf32> to vector<16xf32>
        %add3A_185 = arith.addf %get3A_180, %get3A_184 : vector<16xf32>
        %swap3A_186 = arith.index_cast %scan3A_150 : i32 to index
        %swap3A_187 = arith.constant 32 : index
        %swap3A_188 = tpu.vector_load %arg11[%swap3A_186, %swap3A_187] {strides = array<i32>} : memref<128x128xf32, #tpu.memory_space<vmem>>, vector<1x16xf32>,
        %swap3A_189 = vector.shape_cast %swap3A_188 : vector<1x16xf32> to vector<16xf32>
        %swap3A_190 = vector.shape_cast %add3A_185 : vector<16xf32> to vector<1x16xf32>
        tpu.vector_store %arg11[%swap3A_186, %swap3A_187], %swap3A_190 {strides = array<i32>} : memref<128x128xf32, #tpu.memory_space<vmem>>, vector<1x16xf32>,
        %get3A_191 = arith.index_cast %scan3A_150 : i32 to index
        %get3A_192 = arith.constant 48 : index
        %get3A_193 = tpu.vector_load %arg9[%get3A_191, %get3A_192] {strides = array<i32>} : memref<128x128xf32, #tpu.memory_space<vmem>>, vector<1x16xf32>,
        %get3A_194 = vector.shape_cast %get3A_193 : vector<1x16xf32> to vector<16xf32>
        %get3A_195 = arith.index_cast %scan3A_150 : i32 to index
        %get3A_196 = arith.constant 48 : index
        %get3A_197 = tpu.vector_load %arg10[%get3A_195, %get3A_196] {strides = array<i32>} : memref<128x128xf32, #tpu.memory_space<vmem>>, vector<1x16xf32>,
        %get3A_198 = vector.shape_cast %get3A_197 : vector<1x16xf32> to vector<16xf32>
        %add3A_199 = arith.addf %get3A_194, %get3A_198 : vector<16xf32>
        %swap3A_200 = arith.index_cast %scan3A_150 : i32 to index
        %swap3A_201 = arith.constant 48 : index
        %swap3A_202 = tpu.vector_load %arg11[%swap3A_200, %swap3A_201] {strides = array<i32>} : memref<128x128xf32, #tpu.memory_space<vmem>>, vector<1x16xf32>,
        %swap3A_203 = vector.shape_cast %swap3A_202 : vector<1x16xf32> to vector<16xf32>
        %swap3A_204 = vector.shape_cast %add3A_199 : vector<16xf32> to vector<1x16xf32>
        tpu.vector_store %arg11[%swap3A_200, %swap3A_201], %swap3A_204 {strides = array<i32>} : memref<128x128xf32, #tpu.memory_space<vmem>>, vector<1x16xf32>,
        %get3A_205 = arith.index_cast %scan3A_150 : i32 to index
        %get3A_206 = arith.constant 64 : index
        %get3A_207 = tpu.vector_load %arg9[%get3A_205, %get3A_206] {strides = array<i32>} : memref<128x128xf32, #tpu.memory_space<vmem>>, vector<1x16xf32>,
        %get3A_208 = vector.shape_cast %get3A_207 : vector<1x16xf32> to vector<16xf32>
        %get3A_209 = arith.index_cast %scan3A_150 : i32 to index
        %get3A_210 = arith.constant 64 : index
        %get3A_211 = tpu.vector_load %arg10[%get3A_209, %get3A_210] {strides = array<i32>} : memref<128x128xf32, #tpu.memory_space<vmem>>, vector<1x16xf32>,
        %get3A_212 = vector.shape_cast %get3A_211 : vector<1x16xf32> to vector<16xf32>
        %add3A_213 = arith.addf %get3A_208, %get3A_212 : vector<16xf32>
        %swap3A_214 = arith.index_cast %scan3A_150 : i32 to index
        %swap3A_215 = arith.constant 64 : index
        %swap3A_216 = tpu.vector_load %arg11[%swap3A_214, %swap3A_215] {strides = array<i32>} : memref<128x128xf32, #tpu.memory_space<vmem>>, vector<1x16xf32>,
        %swap3A_217 = vector.shape_cast %swap3A_216 : vector<1x16xf32> to vector<16xf32>
        %swap3A_218 = vector.shape_cast %add3A_213 : vector<16xf32> to vector<1x16xf32>
        tpu.vector_store %arg11[%swap3A_214, %swap3A_215], %swap3A_218 {strides = array<i32>} : memref<128x128xf32, #tpu.memory_space<vmem>>, vector<1x16xf32>,
        %get3A_219 = arith.index_cast %scan3A_150 : i32 to index
        %get3A_220 = arith.constant 80 : index
        %get3A_221 = tpu.vector_load %arg9[%get3A_219, %get3A_220] {strides = array<i32>} : memref<128x128xf32, #tpu.memory_space<vmem>>, vector<1x16xf32>,
        %get3A_222 = vector.shape_cast %get3A_221 : vector<1x16xf32> to vector<16xf32>
        %get3A_223 = arith.index_cast %scan3A_150 : i32 to index
        %get3A_224 = arith.constant 80 : index
        %get3A_225 = tpu.vector_load %arg10[%get3A_223, %get3A_224] {strides = array<i32>} : memref<128x128xf32, #tpu.memory_space<vmem>>, vector<1x16xf32>,
        %get3A_226 = vector.shape_cast %get3A_225 : vector<1x16xf32> to vector<16xf32>
        %add3A_227 = arith.addf %get3A_222, %get3A_226 : vector<16xf32>
        %swap3A_228 = arith.index_cast %scan3A_150 : i32 to index
        %swap3A_229 = arith.constant 80 : index
        %swap3A_230 = tpu.vector_load %arg11[%swap3A_228, %swap3A_229] {strides = array<i32>} : memref<128x128xf32, #tpu.memory_space<vmem>>, vector<1x16xf32>,
        %swap3A_231 = vector.shape_cast %swap3A_230 : vector<1x16xf32> to vector<16xf32>
        %swap3A_232 = vector.shape_cast %add3A_227 : vector<16xf32> to vector<1x16xf32>
        tpu.vector_store %arg11[%swap3A_228, %swap3A_229], %swap3A_232 {strides = array<i32>} : memref<128x128xf32, #tpu.memory_space<vmem>>, vector<1x16xf32>,
        %get3A_233 = arith.index_cast %scan3A_150 : i32 to index
        %get3A_234 = arith.constant 96 : index
        %get3A_235 = tpu.vector_load %arg9[%get3A_233, %get3A_234] {strides = array<i32>} : memref<128x128xf32, #tpu.memory_space<vmem>>, vector<1x16xf32>,
        %get3A_236 = vector.shape_cast %get3A_235 : vector<1x16xf32> to vector<16xf32>
        %get3A_237 = arith.index_cast %scan3A_150 : i32 to index
        %get3A_238 = arith.constant 96 : index
        %get3A_239 = tpu.vector_load %arg10[%get3A_237, %get3A_238] {strides = array<i32>} : memref<128x128xf32, #tpu.memory_space<vmem>>, vector<1x16xf32>,
        %get3A_240 = vector.shape_cast %get3A_239 : vector<1x16xf32> to vector<16xf32>
        %add3A_241 = arith.addf %get3A_236, %get3A_240 : vector<16xf32>
        %swap3A_242 = arith.index_cast %scan3A_150 : i32 to index
        %swap3A_243 = arith.constant 96 : index
        %swap3A_244 = tpu.vector_load %arg11[%swap3A_242, %swap3A_243] {strides = array<i32>} : memref<128x128xf32, #tpu.memory_space<vmem>>, vector<1x16xf32>,
        %swap3A_245 = vector.shape_cast %swap3A_244 : vector<1x16xf32> to vector<16xf32>
        %swap3A_246 = vector.shape_cast %add3A_241 : vector<16xf32> to vector<1x16xf32>
        tpu.vector_store %arg11[%swap3A_242, %swap3A_243], %swap3A_246 {strides = array<i32>} : memref<128x128xf32, #tpu.memory_space<vmem>>, vector<1x16xf32>,
        %get3A_247 = arith.index_cast %scan3A_150 : i32 to index
        %get3A_248 = arith.constant 112 : index
        %get3A_249 = tpu.vector_load %arg9[%get3A_247, %get3A_248] {strides = array<i32>} : memref<128x128xf32, #tpu.memory_space<vmem>>, vector<1x16xf32>,
        %get3A_250 = vector.shape_cast %get3A_249 : vector<1x16xf32> to vector<16xf32>
        %get3A_251 = arith.index_cast %scan3A_150 : i32 to index
        %get3A_252 = arith.constant 112 : index
        %get3A_253 = tpu.vector_load %arg10[%get3A_251, %get3A_252] {strides = array<i32>} : memref<128x128xf32, #tpu.memory_space<vmem>>, vector<1x16xf32>,
        %get3A_254 = vector.shape_cast %get3A_253 : vector<1x16xf32> to vector<16xf32>
        %add3A_255 = arith.addf %get3A_250, %get3A_254 : vector<16xf32>
        %swap3A_256 = arith.index_cast %scan3A_150 : i32 to index
        %swap3A_257 = arith.constant 112 : index
        %swap3A_258 = tpu.vector_load %arg11[%swap3A_256, %swap3A_257] {strides = array<i32>} : memref<128x128xf32, #tpu.memory_space<vmem>>, vector<1x16xf32>,
        %swap3A_259 = vector.shape_cast %swap3A_258 : vector<1x16xf32> to vector<16xf32>
        %swap3A_260 = vector.shape_cast %add3A_255 : vector<16xf32> to vector<1x16xf32>
        tpu.vector_store %arg11[%swap3A_256, %swap3A_257], %swap3A_260 {strides = array<i32>} : memref<128x128xf32, #tpu.memory_space<vmem>>, vector<1x16xf32>,
      }
      %scan3A_120 = arith.constant 128 : i32
      %add3A_121 = arith.addi %mul3A_2, %mul3A_86 : i32
      %dma_start3A_122 = arith.constant 0 : i32
      %dma_start3A_123 = tpu.memref_slice %arg6[%add3A_121, %dma_start3A_122] : memref<160000x128xf32, #tpu.memory_space<hbm>> -> memref<128x128xf32, #tpu.memory_space<hbm>>
      %dma_start3A_124 = arith.constant 0 : i32
      %dma_start3A_125 = tpu.memref_slice %arg6[%add3A_121, %dma_start3A_124] : memref<160000x128xf32, #tpu.memory_space<hbm>> -> memref<128x128xf32, #tpu.memory_space<hbm>>
      tpu.enqueue_dma source(%arg11 : memref<128x128xf32, #tpu.memory_space<vmem>>) target(%dma_start3A_125 : memref<128x128xf32, #tpu.memory_space<hbm>>) target_semaphore(%arg17 : memref<!tpu.dma_semaphore, #tpu.memory_space<semaphore_mem>>)
      %dma_wait3A_126 = tpu.memref_slice %arg7[%add3A_88] : memref<5000xi32, #tpu.memory_space<vmem>> -> memref<128xi32, #tpu.memory_space<vmem>>
      %dma_wait3A_127 = arith.constant 0 : i32
      %dma_wait3A_128 = arith.constant 0 : i32
      %dma_wait3A_129 = tpu.memref_slice %arg2[%dma_wait3A_127, %dma_wait3A_128] : memref<10000x128xf32, #tpu.memory_space<hbm>> -> memref<10000x128xf32, #tpu.memory_space<hbm>>
      tpu.wait_indirect_dma semaphore(%arg16 : memref<!tpu.dma_semaphore, #tpu.memory_space<semaphore_mem>>) src(%dma_wait3A_129 : memref<10000x128xf32, #tpu.memory_space<hbm>>) dst(%arg12 : memref<128x128xf32, #tpu.memory_space<vmem>>)
      %dma_wait3A_130 = tpu.memref_slice %arg8[%add3A_88] : memref<5000xi32, #tpu.memory_space<vmem>> -> memref<128xi32, #tpu.memory_space<vmem>>
      %dma_wait3A_131 = arith.constant 0 : i32
      %dma_wait3A_132 = arith.constant 0 : i32
      %dma_wait3A_133 = tpu.memref_slice %arg3[%dma_wait3A_131, %dma_wait3A_132] : memref<10000x128xf32, #tpu.memory_space<hbm>> -> memref<10000x128xf32, #tpu.memory_space<hbm>>
      tpu.wait_indirect_dma semaphore(%arg16 : memref<!tpu.dma_semaphore, #tpu.memory_space<semaphore_mem>>) src(%dma_wait3A_133 : memref<10000x128xf32, #tpu.memory_space<hbm>>) dst(%arg13 : memref<128x128xf32, #tpu.memory_space<vmem>>)
      %gt3A_134 = arith.constant 0 : i32
      %gt3A_135 = arith.cmpi sgt, %scan3A_82, %gt3A_134 : i32
      %convert_element_type3A_136 = arith.extui %gt3A_135 : i1 to i32
      %cond3A_137 = arith.constant 0 : i32
      %cond3A_138 = arith.cmpi ne, %convert_element_type3A_136, %cond3A_137 : i32
      scf.if %cond3A_138 {
        %dma_wait3A_150 = arith.constant 0 : i32
        %dma_wait3A_151 = tpu.memref_slice %arg6[%mul3A_2, %dma_wait3A_150] : memref<160000x128xf32, #tpu.memory_space<hbm>> -> memref<128x128xf32, #tpu.memory_space<hbm>>
        %dma_wait3A_152 = arith.constant 0 : i32
        %dma_wait3A_153 = tpu.memref_slice %arg6[%mul3A_2, %dma_wait3A_152] : memref<160000x128xf32, #tpu.memory_space<hbm>> -> memref<128x128xf32, #tpu.memory_space<hbm>>
        tpu.wait_dma2 semaphore(%arg18 : memref<!tpu.dma_semaphore, #tpu.memory_space<semaphore_mem>>) src(%arg14 : memref<128x128xf32, #tpu.memory_space<vmem>>) dst(%dma_wait3A_153 : memref<128x128xf32, #tpu.memory_space<hbm>>)
      } else {
      }
      %scan3A_139 = arith.constant 0 : i32
      %scan3A_140 = arith.constant 0 : i32
      %scan3A_141 = arith.constant 128 : i32
      %scan3A_142 = arith.addi %scan3A_140, %scan3A_141 : i32
      %scan3A_143 = arith.constant 1 : i32
      scf.for %scan3A_150 = %scan3A_140 to %scan3A_142 step %scan3A_143  : i32 {
        %get3A = arith.index_cast %scan3A_150 : i32 to index
        %get3A_151 = arith.constant 0 : index
        %get3A_152 = tpu.vector_load %arg12[%get3A, %get3A_151] {strides = array<i32>} : memref<128x128xf32, #tpu.memory_space<vmem>>, vector<1x16xf32>,
        %get3A_153 = vector.shape_cast %get3A_152 : vector<1x16xf32> to vector<16xf32>
        %get3A_154 = arith.index_cast %scan3A_150 : i32 to index
        %get3A_155 = arith.constant 0 : index
        %get3A_156 = tpu.vector_load %arg13[%get3A_154, %get3A_155] {strides = array<i32>} : memref<128x128xf32, #tpu.memory_space<vmem>>, vector<1x16xf32>,
        %get3A_157 = vector.shape_cast %get3A_156 : vector<1x16xf32> to vector<16xf32>
        %add3A_158 = arith.addf %get3A_153, %get3A_157 : vector<16xf32>
        %swap3A = arith.index_cast %scan3A_150 : i32 to index
        %swap3A_159 = arith.constant 0 : index
        %swap3A_160 = tpu.vector_load %arg14[%swap3A, %swap3A_159] {strides = array<i32>} : memref<128x128xf32, #tpu.memory_space<vmem>>, vector<1x16xf32>,
        %swap3A_161 = vector.shape_cast %swap3A_160 : vector<1x16xf32> to vector<16xf32>
        %swap3A_162 = vector.shape_cast %add3A_158 : vector<16xf32> to vector<1x16xf32>
        tpu.vector_store %arg14[%swap3A, %swap3A_159], %swap3A_162 {strides = array<i32>} : memref<128x128xf32, #tpu.memory_space<vmem>>, vector<1x16xf32>,
        %get3A_163 = arith.index_cast %scan3A_150 : i32 to index
        %get3A_164 = arith.constant 16 : index
        %get3A_165 = tpu.vector_load %arg12[%get3A_163, %get3A_164] {strides = array<i32>} : memref<128x128xf32, #tpu.memory_space<vmem>>, vector<1x16xf32>,
        %get3A_166 = vector.shape_cast %get3A_165 : vector<1x16xf32> to vector<16xf32>
        %get3A_167 = arith.index_cast %scan3A_150 : i32 to index
        %get3A_168 = arith.constant 16 : index
        %get3A_169 = tpu.vector_load %arg13[%get3A_167, %get3A_168] {strides = array<i32>} : memref<128x128xf32, #tpu.memory_space<vmem>>, vector<1x16xf32>,
        %get3A_170 = vector.shape_cast %get3A_169 : vector<1x16xf32> to vector<16xf32>
        %add3A_171 = arith.addf %get3A_166, %get3A_170 : vector<16xf32>
        %swap3A_172 = arith.index_cast %scan3A_150 : i32 to index
        %swap3A_173 = arith.constant 16 : index
        %swap3A_174 = tpu.vector_load %arg14[%swap3A_172, %swap3A_173] {strides = array<i32>} : memref<128x128xf32, #tpu.memory_space<vmem>>, vector<1x16xf32>,
        %swap3A_175 = vector.shape_cast %swap3A_174 : vector<1x16xf32> to vector<16xf32>
        %swap3A_176 = vector.shape_cast %add3A_171 : vector<16xf32> to vector<1x16xf32>
        tpu.vector_store %arg14[%swap3A_172, %swap3A_173], %swap3A_176 {strides = array<i32>} : memref<128x128xf32, #tpu.memory_space<vmem>>, vector<1x16xf32>,
        %get3A_177 = arith.index_cast %scan3A_150 : i32 to index
        %get3A_178 = arith.constant 32 : index
        %get3A_179 = tpu.vector_load %arg12[%get3A_177, %get3A_178] {strides = array<i32>} : memref<128x128xf32, #tpu.memory_space<vmem>>, vector<1x16xf32>,
        %get3A_180 = vector.shape_cast %get3A_179 : vector<1x16xf32> to vector<16xf32>
        %get3A_181 = arith.index_cast %scan3A_150 : i32 to index
        %get3A_182 = arith.constant 32 : index
        %get3A_183 = tpu.vector_load %arg13[%get3A_181, %get3A_182] {strides = array<i32>} : memref<128x128xf32, #tpu.memory_space<vmem>>, vector<1x16xf32>,
        %get3A_184 = vector.shape_cast %get3A_183 : vector<1x16xf32> to vector<16xf32>
        %add3A_185 = arith.addf %get3A_180, %get3A_184 : vector<16xf32>
        %swap3A_186 = arith.index_cast %scan3A_150 : i32 to index
        %swap3A_187 = arith.constant 32 : index
        %swap3A_188 = tpu.vector_load %arg14[%swap3A_186, %swap3A_187] {strides = array<i32>} : memref<128x128xf32, #tpu.memory_space<vmem>>, vector<1x16xf32>,
        %swap3A_189 = vector.shape_cast %swap3A_188 : vector<1x16xf32> to vector<16xf32>
        %swap3A_190 = vector.shape_cast %add3A_185 : vector<16xf32> to vector<1x16xf32>
        tpu.vector_store %arg14[%swap3A_186, %swap3A_187], %swap3A_190 {strides = array<i32>} : memref<128x128xf32, #tpu.memory_space<vmem>>, vector<1x16xf32>,
        %get3A_191 = arith.index_cast %scan3A_150 : i32 to index
        %get3A_192 = arith.constant 48 : index
        %get3A_193 = tpu.vector_load %arg12[%get3A_191, %get3A_192] {strides = array<i32>} : memref<128x128xf32, #tpu.memory_space<vmem>>, vector<1x16xf32>,
        %get3A_194 = vector.shape_cast %get3A_193 : vector<1x16xf32> to vector<16xf32>
        %get3A_195 = arith.index_cast %scan3A_150 : i32 to index
        %get3A_196 = arith.constant 48 : index
        %get3A_197 = tpu.vector_load %arg13[%get3A_195, %get3A_196] {strides = array<i32>} : memref<128x128xf32, #tpu.memory_space<vmem>>, vector<1x16xf32>,
        %get3A_198 = vector.shape_cast %get3A_197 : vector<1x16xf32> to vector<16xf32>
        %add3A_199 = arith.addf %get3A_194, %get3A_198 : vector<16xf32>
        %swap3A_200 = arith.index_cast %scan3A_150 : i32 to index
        %swap3A_201 = arith.constant 48 : index
        %swap3A_202 = tpu.vector_load %arg14[%swap3A_200, %swap3A_201] {strides = array<i32>} : memref<128x128xf32, #tpu.memory_space<vmem>>, vector<1x16xf32>,
        %swap3A_203 = vector.shape_cast %swap3A_202 : vector<1x16xf32> to vector<16xf32>
        %swap3A_204 = vector.shape_cast %add3A_199 : vector<16xf32> to vector<1x16xf32>
        tpu.vector_store %arg14[%swap3A_200, %swap3A_201], %swap3A_204 {strides = array<i32>} : memref<128x128xf32, #tpu.memory_space<vmem>>, vector<1x16xf32>,
        %get3A_205 = arith.index_cast %scan3A_150 : i32 to index
        %get3A_206 = arith.constant 64 : index
        %get3A_207 = tpu.vector_load %arg12[%get3A_205, %get3A_206] {strides = array<i32>} : memref<128x128xf32, #tpu.memory_space<vmem>>, vector<1x16xf32>,
        %get3A_208 = vector.shape_cast %get3A_207 : vector<1x16xf32> to vector<16xf32>
        %get3A_209 = arith.index_cast %scan3A_150 : i32 to index
        %get3A_210 = arith.constant 64 : index
        %get3A_211 = tpu.vector_load %arg13[%get3A_209, %get3A_210] {strides = array<i32>} : memref<128x128xf32, #tpu.memory_space<vmem>>, vector<1x16xf32>,
        %get3A_212 = vector.shape_cast %get3A_211 : vector<1x16xf32> to vector<16xf32>
        %add3A_213 = arith.addf %get3A_208, %get3A_212 : vector<16xf32>
        %swap3A_214 = arith.index_cast %scan3A_150 : i32 to index
        %swap3A_215 = arith.constant 64 : index
        %swap3A_216 = tpu.vector_load %arg14[%swap3A_214, %swap3A_215] {strides = array<i32>} : memref<128x128xf32, #tpu.memory_space<vmem>>, vector<1x16xf32>,
        %swap3A_217 = vector.shape_cast %swap3A_216 : vector<1x16xf32> to vector<16xf32>
        %swap3A_218 = vector.shape_cast %add3A_213 : vector<16xf32> to vector<1x16xf32>
        tpu.vector_store %arg14[%swap3A_214, %swap3A_215], %swap3A_218 {strides = array<i32>} : memref<128x128xf32, #tpu.memory_space<vmem>>, vector<1x16xf32>,
        %get3A_219 = arith.index_cast %scan3A_150 : i32 to index
        %get3A_220 = arith.constant 80 : index
        %get3A_221 = tpu.vector_load %arg12[%get3A_219, %get3A_220] {strides = array<i32>} : memref<128x128xf32, #tpu.memory_space<vmem>>, vector<1x16xf32>,
        %get3A_222 = vector.shape_cast %get3A_221 : vector<1x16xf32> to vector<16xf32>
        %get3A_223 = arith.index_cast %scan3A_150 : i32 to index
        %get3A_224 = arith.constant 80 : index
        %get3A_225 = tpu.vector_load %arg13[%get3A_223, %get3A_224] {strides = array<i32>} : memref<128x128xf32, #tpu.memory_space<vmem>>, vector<1x16xf32>,
        %get3A_226 = vector.shape_cast %get3A_225 : vector<1x16xf32> to vector<16xf32>
        %add3A_227 = arith.addf %get3A_222, %get3A_226 : vector<16xf32>
        %swap3A_228 = arith.index_cast %scan3A_150 : i32 to index
        %swap3A_229 = arith.constant 80 : index
        %swap3A_230 = tpu.vector_load %arg14[%swap3A_228, %swap3A_229] {strides = array<i32>} : memref<128x128xf32, #tpu.memory_space<vmem>>, vector<1x16xf32>,
        %swap3A_231 = vector.shape_cast %swap3A_230 : vector<1x16xf32> to vector<16xf32>
        %swap3A_232 = vector.shape_cast %add3A_227 : vector<16xf32> to vector<1x16xf32>
        tpu.vector_store %arg14[%swap3A_228, %swap3A_229], %swap3A_232 {strides = array<i32>} : memref<128x128xf32, #tpu.memory_space<vmem>>, vector<1x16xf32>,
        %get3A_233 = arith.index_cast %scan3A_150 : i32 to index
        %get3A_234 = arith.constant 96 : index
        %get3A_235 = tpu.vector_load %arg12[%get3A_233, %get3A_234] {strides = array<i32>} : memref<128x128xf32, #tpu.memory_space<vmem>>, vector<1x16xf32>,
        %get3A_236 = vector.shape_cast %get3A_235 : vector<1x16xf32> to vector<16xf32>
        %get3A_237 = arith.index_cast %scan3A_150 : i32 to index
        %get3A_238 = arith.constant 96 : index
        %get3A_239 = tpu.vector_load %arg13[%get3A_237, %get3A_238] {strides = array<i32>} : memref<128x128xf32, #tpu.memory_space<vmem>>, vector<1x16xf32>,
        %get3A_240 = vector.shape_cast %get3A_239 : vector<1x16xf32> to vector<16xf32>
        %add3A_241 = arith.addf %get3A_236, %get3A_240 : vector<16xf32>
        %swap3A_242 = arith.index_cast %scan3A_150 : i32 to index
        %swap3A_243 = arith.constant 96 : index
        %swap3A_244 = tpu.vector_load %arg14[%swap3A_242, %swap3A_243] {strides = array<i32>} : memref<128x128xf32, #tpu.memory_space<vmem>>, vector<1x16xf32>,
        %swap3A_245 = vector.shape_cast %swap3A_244 : vector<1x16xf32> to vector<16xf32>
        %swap3A_246 = vector.shape_cast %add3A_241 : vector<16xf32> to vector<1x16xf32>
        tpu.vector_store %arg14[%swap3A_242, %swap3A_243], %swap3A_246 {strides = array<i32>} : memref<128x128xf32, #tpu.memory_space<vmem>>, vector<1x16xf32>,
        %get3A_247 = arith.index_cast %scan3A_150 : i32 to index
        %get3A_248 = arith.constant 112 : index
        %get3A_249 = tpu.vector_load %arg12[%get3A_247, %get3A_248] {strides = array<i32>} : memref<128x128xf32, #tpu.memory_space<vmem>>, vector<1x16xf32>,
        %get3A_250 = vector.shape_cast %get3A_249 : vector<1x16xf32> to vector<16xf32>
        %get3A_251 = arith.index_cast %scan3A_150 : i32 to index
        %get3A_252 = arith.constant 112 : index
        %get3A_253 = tpu.vector_load %arg13[%get3A_251, %get3A_252] {strides = array<i32>} : memref<128x128xf32, #tpu.memory_space<vmem>>, vector<1x16xf32>,
        %get3A_254 = vector.shape_cast %get3A_253 : vector<1x16xf32> to vector<16xf32>
        %add3A_255 = arith.addf %get3A_250, %get3A_254 : vector<16xf32>
        %swap3A_256 = arith.index_cast %scan3A_150 : i32 to index
        %swap3A_257 = arith.constant 112 : index
        %swap3A_258 = tpu.vector_load %arg14[%swap3A_256, %swap3A_257] {strides = array<i32>} : memref<128x128xf32, #tpu.memory_space<vmem>>, vector<1x16xf32>,
        %swap3A_259 = vector.shape_cast %swap3A_258 : vector<1x16xf32> to vector<16xf32>
        %swap3A_260 = vector.shape_cast %add3A_255 : vector<16xf32> to vector<1x16xf32>
        tpu.vector_store %arg14[%swap3A_256, %swap3A_257], %swap3A_260 {strides = array<i32>} : memref<128x128xf32, #tpu.memory_space<vmem>>, vector<1x16xf32>,
      }
      %scan3A_144 = arith.constant 128 : i32
      %add3A_145 = arith.addi %mul3A_2, %add3A_88 : i32
      %dma_start3A_146 = arith.constant 0 : i32
      %dma_start3A_147 = tpu.memref_slice %arg6[%add3A_145, %dma_start3A_146] : memref<160000x128xf32, #tpu.memory_space<hbm>> -> memref<128x128xf32, #tpu.memory_space<hbm>>
      %dma_start3A_148 = arith.constant 0 : i32
      %dma_start3A_149 = tpu.memref_slice %arg6[%add3A_145, %dma_start3A_148] : memref<160000x128xf32, #tpu.memory_space<hbm>> -> memref<128x128xf32, #tpu.memory_space<hbm>>
      tpu.enqueue_dma source(%arg14 : memref<128x128xf32, #tpu.memory_space<vmem>>) target(%dma_start3A_149 : memref<128x128xf32, #tpu.memory_space<hbm>>) target_semaphore(%arg18 : memref<!tpu.dma_semaphore, #tpu.memory_space<semaphore_mem>>)
    }
    %scan3A_7 = arith.constant 19 : i32
    %dma_wait3A = arith.constant 0 : i32
    %dma_wait3A_8 = tpu.memref_slice %arg6[%mul3A_2, %dma_wait3A] : memref<160000x128xf32, #tpu.memory_space<hbm>> -> memref<128x128xf32, #tpu.memory_space<hbm>>
    %dma_wait3A_9 = arith.constant 0 : i32
    %dma_wait3A_10 = tpu.memref_slice %arg6[%mul3A_2, %dma_wait3A_9] : memref<160000x128xf32, #tpu.memory_space<hbm>> -> memref<128x128xf32, #tpu.memory_space<hbm>>
    tpu.wait_dma2 semaphore(%arg17 : memref<!tpu.dma_semaphore, #tpu.memory_space<semaphore_mem>>) src(%arg11 : memref<128x128xf32, #tpu.memory_space<vmem>>) dst(%dma_wait3A_10 : memref<128x128xf32, #tpu.memory_space<hbm>>)
    %dma_wait3A_11 = arith.constant 0 : i32
    %dma_wait3A_12 = tpu.memref_slice %arg6[%mul3A_2, %dma_wait3A_11] : memref<160000x128xf32, #tpu.memory_space<hbm>> -> memref<128x128xf32, #tpu.memory_space<hbm>>
    %dma_wait3A_13 = arith.constant 0 : i32
    %dma_wait3A_14 = tpu.memref_slice %arg6[%mul3A_2, %dma_wait3A_13] : memref<160000x128xf32, #tpu.memory_space<hbm>> -> memref<128x128xf32, #tpu.memory_space<hbm>>
    tpu.wait_dma2 semaphore(%arg18 : memref<!tpu.dma_semaphore, #tpu.memory_space<semaphore_mem>>) src(%arg14 : memref<128x128xf32, #tpu.memory_space<vmem>>) dst(%dma_wait3A_14 : memref<128x128xf32, #tpu.memory_space<hbm>>)
    %dma_start3A = arith.constant 4864 : i32
    %dma_start3A_15 = tpu.memref_slice %arg7[%dma_start3A] : memref<5000xi32, #tpu.memory_space<vmem>> -> memref<128xi32, #tpu.memory_space<vmem>>
    %dma_start3A_16 = arith.constant 0 : i32
    %dma_start3A_17 = arith.constant 0 : i32
    %dma_start3A_18 = tpu.memref_slice %arg2[%dma_start3A_16, %dma_start3A_17] : memref<10000x128xf32, #tpu.memory_space<hbm>> -> memref<10000x128xf32, #tpu.memory_space<hbm>>
    tpu.enqueue_indirect_dma source(%dma_start3A_18 : memref<10000x128xf32, #tpu.memory_space<hbm>>) target(%arg9 : memref<128x128xf32, #tpu.memory_space<vmem>>) offsets(%dma_start3A_15 : memref<128xi32, #tpu.memory_space<vmem>>) semaphore(%arg15 : memref<!tpu.dma_semaphore, #tpu.memory_space<semaphore_mem>>)
    %dma_start3A_19 = arith.constant 4864 : i32
    %dma_start3A_20 = tpu.memref_slice %arg8[%dma_start3A_19] : memref<5000xi32, #tpu.memory_space<vmem>> -> memref<128xi32, #tpu.memory_space<vmem>>
    %dma_start3A_21 = arith.constant 0 : i32
    %dma_start3A_22 = arith.constant 0 : i32
    %dma_start3A_23 = tpu.memref_slice %arg3[%dma_start3A_21, %dma_start3A_22] : memref<10000x128xf32, #tpu.memory_space<hbm>> -> memref<10000x128xf32, #tpu.memory_space<hbm>>
    tpu.enqueue_indirect_dma source(%dma_start3A_23 : memref<10000x128xf32, #tpu.memory_space<hbm>>) target(%arg10 : memref<128x128xf32, #tpu.memory_space<vmem>>) offsets(%dma_start3A_20 : memref<128xi32, #tpu.memory_space<vmem>>) semaphore(%arg15 : memref<!tpu.dma_semaphore, #tpu.memory_space<semaphore_mem>>)
    %dma_start3A_24 = arith.constant 0 : i32
    %dma_start3A_25 = arith.constant 0 : i32
    %dma_start3A_26 = tpu.memref_slice %arg12[%dma_start3A_24, %dma_start3A_25] : memref<128x128xf32, #tpu.memory_space<vmem>> -> memref<8x128xf32, #tpu.memory_space<vmem>>
    %dma_start3A_27 = arith.constant 4992 : i32
    %dma_start3A_28 = tpu.memref_slice %arg7[%dma_start3A_27] : memref<5000xi32, #tpu.memory_space<vmem>> -> memref<8xi32, #tpu.memory_space<vmem>>
    %dma_start3A_29 = arith.constant 0 : i32
    %dma_start3A_30 = arith.constant 0 : i32
    %dma_start3A_31 = tpu.memref_slice %arg2[%dma_start3A_29, %dma_start3A_30] : memref<10000x128xf32, #tpu.memory_space<hbm>> -> memref<10000x128xf32, #tpu.memory_space<hbm>>
    tpu.enqueue_indirect_dma source(%dma_start3A_31 : memref<10000x128xf32, #tpu.memory_space<hbm>>) target(%dma_start3A_26 : memref<8x128xf32, #tpu.memory_space<vmem>>) offsets(%dma_start3A_28 : memref<8xi32, #tpu.memory_space<vmem>>) semaphore(%arg16 : memref<!tpu.dma_semaphore, #tpu.memory_space<semaphore_mem>>)
    %dma_start3A_32 = arith.constant 0 : i32
    %dma_start3A_33 = arith.constant 0 : i32
    %dma_start3A_34 = tpu.memref_slice %arg13[%dma_start3A_32, %dma_start3A_33] : memref<128x128xf32, #tpu.memory_space<vmem>> -> memref<8x128xf32, #tpu.memory_space<vmem>>
    %dma_start3A_35 = arith.constant 4992 : i32
    %dma_start3A_36 = tpu.memref_slice %arg8[%dma_start3A_35] : memref<5000xi32, #tpu.memory_space<vmem>> -> memref<8xi32, #tpu.memory_space<vmem>>
    %dma_start3A_37 = arith.constant 0 : i32
    %dma_start3A_38 = arith.constant 0 : i32
    %dma_start3A_39 = tpu.memref_slice %arg3[%dma_start3A_37, %dma_start3A_38] : memref<10000x128xf32, #tpu.memory_space<hbm>> -> memref<10000x128xf32, #tpu.memory_space<hbm>>
    tpu.enqueue_indirect_dma source(%dma_start3A_39 : memref<10000x128xf32, #tpu.memory_space<hbm>>) target(%dma_start3A_34 : memref<8x128xf32, #tpu.memory_space<vmem>>) offsets(%dma_start3A_36 : memref<8xi32, #tpu.memory_space<vmem>>) semaphore(%arg16 : memref<!tpu.dma_semaphore, #tpu.memory_space<semaphore_mem>>)
    %dma_wait3A_40 = arith.constant 4864 : i32
    %dma_wait3A_41 = tpu.memref_slice %arg7[%dma_wait3A_40] : memref<5000xi32, #tpu.memory_space<vmem>> -> memref<128xi32, #tpu.memory_space<vmem>>
    %dma_wait3A_42 = arith.constant 0 : i32
    %dma_wait3A_43 = arith.constant 0 : i32
    %dma_wait3A_44 = tpu.memref_slice %arg2[%dma_wait3A_42, %dma_wait3A_43] : memref<10000x128xf32, #tpu.memory_space<hbm>> -> memref<10000x128xf32, #tpu.memory_space<hbm>>
    tpu.wait_indirect_dma semaphore(%arg15 : memref<!tpu.dma_semaphore, #tpu.memory_space<semaphore_mem>>) src(%dma_wait3A_44 : memref<10000x128xf32, #tpu.memory_space<hbm>>) dst(%arg9 : memref<128x128xf32, #tpu.memory_space<vmem>>)
    %dma_wait3A_45 = arith.constant 4864 : i32
    %dma_wait3A_46 = tpu.memref_slice %arg8[%dma_wait3A_45] : memref<5000xi32, #tpu.memory_space<vmem>> -> memref<128xi32, #tpu.memory_space<vmem>>
    %dma_wait3A_47 = arith.constant 0 : i32
    %dma_wait3A_48 = arith.constant 0 : i32
    %dma_wait3A_49 = tpu.memref_slice %arg3[%dma_wait3A_47, %dma_wait3A_48] : memref<10000x128xf32, #tpu.memory_space<hbm>> -> memref<10000x128xf32, #tpu.memory_space<hbm>>
    tpu.wait_indirect_dma semaphore(%arg15 : memref<!tpu.dma_semaphore, #tpu.memory_space<semaphore_mem>>) src(%dma_wait3A_49 : memref<10000x128xf32, #tpu.memory_space<hbm>>) dst(%arg10 : memref<128x128xf32, #tpu.memory_space<vmem>>)
    %scan3A_50 = arith.constant 0 : i32
    %scan3A_51 = arith.constant 0 : i32
    %scan3A_52 = arith.constant 128 : i32
    %scan3A_53 = arith.addi %scan3A_51, %scan3A_52 : i32
    %scan3A_54 = arith.constant 1 : i32
    scf.for %scan3A_82 = %scan3A_51 to %scan3A_53 step %scan3A_54  : i32 {
      %get3A = arith.index_cast %scan3A_82 : i32 to index
      %get3A_83 = arith.constant 0 : index
      %get3A_84 = tpu.vector_load %arg9[%get3A, %get3A_83] {strides = array<i32>} : memref<128x128xf32, #tpu.memory_space<vmem>>, vector<1x16xf32>,
      %get3A_85 = vector.shape_cast %get3A_84 : vector<1x16xf32> to vector<16xf32>
      %get3A_86 = arith.index_cast %scan3A_82 : i32 to index
      %get3A_87 = arith.constant 0 : index
      %get3A_88 = tpu.vector_load %arg10[%get3A_86, %get3A_87] {strides = array<i32>} : memref<128x128xf32, #tpu.memory_space<vmem>>, vector<1x16xf32>,
      %get3A_89 = vector.shape_cast %get3A_88 : vector<1x16xf32> to vector<16xf32>
      %add3A_90 = arith.addf %get3A_85, %get3A_89 : vector<16xf32>
      %swap3A = arith.index_cast %scan3A_82 : i32 to index
      %swap3A_91 = arith.constant 0 : index
      %swap3A_92 = tpu.vector_load %arg11[%swap3A, %swap3A_91] {strides = array<i32>} : memref<128x128xf32, #tpu.memory_space<vmem>>, vector<1x16xf32>,
      %swap3A_93 = vector.shape_cast %swap3A_92 : vector<1x16xf32> to vector<16xf32>
      %swap3A_94 = vector.shape_cast %add3A_90 : vector<16xf32> to vector<1x16xf32>
      tpu.vector_store %arg11[%swap3A, %swap3A_91], %swap3A_94 {strides = array<i32>} : memref<128x128xf32, #tpu.memory_space<vmem>>, vector<1x16xf32>,
      %get3A_95 = arith.index_cast %scan3A_82 : i32 to index
      %get3A_96 = arith.constant 16 : index
      %get3A_97 = tpu.vector_load %arg9[%get3A_95, %get3A_96] {strides = array<i32>} : memref<128x128xf32, #tpu.memory_space<vmem>>, vector<1x16xf32>,
      %get3A_98 = vector.shape_cast %get3A_97 : vector<1x16xf32> to vector<16xf32>
      %get3A_99 = arith.index_cast %scan3A_82 : i32 to index
      %get3A_100 = arith.constant 16 : index
      %get3A_101 = tpu.vector_load %arg10[%get3A_99, %get3A_100] {strides = array<i32>} : memref<128x128xf32, #tpu.memory_space<vmem>>, vector<1x16xf32>,
      %get3A_102 = vector.shape_cast %get3A_101 : vector<1x16xf32> to vector<16xf32>
      %add3A_103 = arith.addf %get3A_98, %get3A_102 : vector<16xf32>
      %swap3A_104 = arith.index_cast %scan3A_82 : i32 to index
      %swap3A_105 = arith.constant 16 : index
      %swap3A_106 = tpu.vector_load %arg11[%swap3A_104, %swap3A_105] {strides = array<i32>} : memref<128x128xf32, #tpu.memory_space<vmem>>, vector<1x16xf32>,
      %swap3A_107 = vector.shape_cast %swap3A_106 : vector<1x16xf32> to vector<16xf32>
      %swap3A_108 = vector.shape_cast %add3A_103 : vector<16xf32> to vector<1x16xf32>
      tpu.vector_store %arg11[%swap3A_104, %swap3A_105], %swap3A_108 {strides = array<i32>} : memref<128x128xf32, #tpu.memory_space<vmem>>, vector<1x16xf32>,
      %get3A_109 = arith.index_cast %scan3A_82 : i32 to index
      %get3A_110 = arith.constant 32 : index
      %get3A_111 = tpu.vector_load %arg9[%get3A_109, %get3A_110] {strides = array<i32>} : memref<128x128xf32, #tpu.memory_space<vmem>>, vector<1x16xf32>,
      %get3A_112 = vector.shape_cast %get3A_111 : vector<1x16xf32> to vector<16xf32>
      %get3A_113 = arith.index_cast %scan3A_82 : i32 to index
      %get3A_114 = arith.constant 32 : index
      %get3A_115 = tpu.vector_load %arg10[%get3A_113, %get3A_114] {strides = array<i32>} : memref<128x128xf32, #tpu.memory_space<vmem>>, vector<1x16xf32>,
      %get3A_116 = vector.shape_cast %get3A_115 : vector<1x16xf32> to vector<16xf32>
      %add3A_117 = arith.addf %get3A_112, %get3A_116 : vector<16xf32>
      %swap3A_118 = arith.index_cast %scan3A_82 : i32 to index
      %swap3A_119 = arith.constant 32 : index
      %swap3A_120 = tpu.vector_load %arg11[%swap3A_118, %swap3A_119] {strides = array<i32>} : memref<128x128xf32, #tpu.memory_space<vmem>>, vector<1x16xf32>,
      %swap3A_121 = vector.shape_cast %swap3A_120 : vector<1x16xf32> to vector<16xf32>
      %swap3A_122 = vector.shape_cast %add3A_117 : vector<16xf32> to vector<1x16xf32>
      tpu.vector_store %arg11[%swap3A_118, %swap3A_119], %swap3A_122 {strides = array<i32>} : memref<128x128xf32, #tpu.memory_space<vmem>>, vector<1x16xf32>,
      %get3A_123 = arith.index_cast %scan3A_82 : i32 to index
      %get3A_124 = arith.constant 48 : index
      %get3A_125 = tpu.vector_load %arg9[%get3A_123, %get3A_124] {strides = array<i32>} : memref<128x128xf32, #tpu.memory_space<vmem>>, vector<1x16xf32>,
      %get3A_126 = vector.shape_cast %get3A_125 : vector<1x16xf32> to vector<16xf32>
      %get3A_127 = arith.index_cast %scan3A_82 : i32 to index
      %get3A_128 = arith.constant 48 : index
      %get3A_129 = tpu.vector_load %arg10[%get3A_127, %get3A_128] {strides = array<i32>} : memref<128x128xf32, #tpu.memory_space<vmem>>, vector<1x16xf32>,
      %get3A_130 = vector.shape_cast %get3A_129 : vector<1x16xf32> to vector<16xf32>
      %add3A_131 = arith.addf %get3A_126, %get3A_130 : vector<16xf32>
      %swap3A_132 = arith.index_cast %scan3A_82 : i32 to index
      %swap3A_133 = arith.constant 48 : index
      %swap3A_134 = tpu.vector_load %arg11[%swap3A_132, %swap3A_133] {strides = array<i32>} : memref<128x128xf32, #tpu.memory_space<vmem>>, vector<1x16xf32>,
      %swap3A_135 = vector.shape_cast %swap3A_134 : vector<1x16xf32> to vector<16xf32>
      %swap3A_136 = vector.shape_cast %add3A_131 : vector<16xf32> to vector<1x16xf32>
      tpu.vector_store %arg11[%swap3A_132, %swap3A_133], %swap3A_136 {strides = array<i32>} : memref<128x128xf32, #tpu.memory_space<vmem>>, vector<1x16xf32>,
      %get3A_137 = arith.index_cast %scan3A_82 : i32 to index
      %get3A_138 = arith.constant 64 : index
      %get3A_139 = tpu.vector_load %arg9[%get3A_137, %get3A_138] {strides = array<i32>} : memref<128x128xf32, #tpu.memory_space<vmem>>, vector<1x16xf32>,
      %get3A_140 = vector.shape_cast %get3A_139 : vector<1x16xf32> to vector<16xf32>
      %get3A_141 = arith.index_cast %scan3A_82 : i32 to index
      %get3A_142 = arith.constant 64 : index
      %get3A_143 = tpu.vector_load %arg10[%get3A_141, %get3A_142] {strides = array<i32>} : memref<128x128xf32, #tpu.memory_space<vmem>>, vector<1x16xf32>,
      %get3A_144 = vector.shape_cast %get3A_143 : vector<1x16xf32> to vector<16xf32>
      %add3A_145 = arith.addf %get3A_140, %get3A_144 : vector<16xf32>
      %swap3A_146 = arith.index_cast %scan3A_82 : i32 to index
      %swap3A_147 = arith.constant 64 : index
      %swap3A_148 = tpu.vector_load %arg11[%swap3A_146, %swap3A_147] {strides = array<i32>} : memref<128x128xf32, #tpu.memory_space<vmem>>, vector<1x16xf32>,
      %swap3A_149 = vector.shape_cast %swap3A_148 : vector<1x16xf32> to vector<16xf32>
      %swap3A_150 = vector.shape_cast %add3A_145 : vector<16xf32> to vector<1x16xf32>
      tpu.vector_store %arg11[%swap3A_146, %swap3A_147], %swap3A_150 {strides = array<i32>} : memref<128x128xf32, #tpu.memory_space<vmem>>, vector<1x16xf32>,
      %get3A_151 = arith.index_cast %scan3A_82 : i32 to index
      %get3A_152 = arith.constant 80 : index
      %get3A_153 = tpu.vector_load %arg9[%get3A_151, %get3A_152] {strides = array<i32>} : memref<128x128xf32, #tpu.memory_space<vmem>>, vector<1x16xf32>,
      %get3A_154 = vector.shape_cast %get3A_153 : vector<1x16xf32> to vector<16xf32>
      %get3A_155 = arith.index_cast %scan3A_82 : i32 to index
      %get3A_156 = arith.constant 80 : index
      %get3A_157 = tpu.vector_load %arg10[%get3A_155, %get3A_156] {strides = array<i32>} : memref<128x128xf32, #tpu.memory_space<vmem>>, vector<1x16xf32>,
      %get3A_158 = vector.shape_cast %get3A_157 : vector<1x16xf32> to vector<16xf32>
      %add3A_159 = arith.addf %get3A_154, %get3A_158 : vector<16xf32>
      %swap3A_160 = arith.index_cast %scan3A_82 : i32 to index
      %swap3A_161 = arith.constant 80 : index
      %swap3A_162 = tpu.vector_load %arg11[%swap3A_160, %swap3A_161] {strides = array<i32>} : memref<128x128xf32, #tpu.memory_space<vmem>>, vector<1x16xf32>,
      %swap3A_163 = vector.shape_cast %swap3A_162 : vector<1x16xf32> to vector<16xf32>
      %swap3A_164 = vector.shape_cast %add3A_159 : vector<16xf32> to vector<1x16xf32>
      tpu.vector_store %arg11[%swap3A_160, %swap3A_161], %swap3A_164 {strides = array<i32>} : memref<128x128xf32, #tpu.memory_space<vmem>>, vector<1x16xf32>,
      %get3A_165 = arith.index_cast %scan3A_82 : i32 to index
      %get3A_166 = arith.constant 96 : index
      %get3A_167 = tpu.vector_load %arg9[%get3A_165, %get3A_166] {strides = array<i32>} : memref<128x128xf32, #tpu.memory_space<vmem>>, vector<1x16xf32>,
      %get3A_168 = vector.shape_cast %get3A_167 : vector<1x16xf32> to vector<16xf32>
      %get3A_169 = arith.index_cast %scan3A_82 : i32 to index
      %get3A_170 = arith.constant 96 : index
      %get3A_171 = tpu.vector_load %arg10[%get3A_169, %get3A_170] {strides = array<i32>} : memref<128x128xf32, #tpu.memory_space<vmem>>, vector<1x16xf32>,
      %get3A_172 = vector.shape_cast %get3A_171 : vector<1x16xf32> to vector<16xf32>
      %add3A_173 = arith.addf %get3A_168, %get3A_172 : vector<16xf32>
      %swap3A_174 = arith.index_cast %scan3A_82 : i32 to index
      %swap3A_175 = arith.constant 96 : index
      %swap3A_176 = tpu.vector_load %arg11[%swap3A_174, %swap3A_175] {strides = array<i32>} : memref<128x128xf32, #tpu.memory_space<vmem>>, vector<1x16xf32>,
      %swap3A_177 = vector.shape_cast %swap3A_176 : vector<1x16xf32> to vector<16xf32>
      %swap3A_178 = vector.shape_cast %add3A_173 : vector<16xf32> to vector<1x16xf32>
      tpu.vector_store %arg11[%swap3A_174, %swap3A_175], %swap3A_178 {strides = array<i32>} : memref<128x128xf32, #tpu.memory_space<vmem>>, vector<1x16xf32>,
      %get3A_179 = arith.index_cast %scan3A_82 : i32 to index
      %get3A_180 = arith.constant 112 : index
      %get3A_181 = tpu.vector_load %arg9[%get3A_179, %get3A_180] {strides = array<i32>} : memref<128x128xf32, #tpu.memory_space<vmem>>, vector<1x16xf32>,
      %get3A_182 = vector.shape_cast %get3A_181 : vector<1x16xf32> to vector<16xf32>
      %get3A_183 = arith.index_cast %scan3A_82 : i32 to index
      %get3A_184 = arith.constant 112 : index
      %get3A_185 = tpu.vector_load %arg10[%get3A_183, %get3A_184] {strides = array<i32>} : memref<128x128xf32, #tpu.memory_space<vmem>>, vector<1x16xf32>,
      %get3A_186 = vector.shape_cast %get3A_185 : vector<1x16xf32> to vector<16xf32>
      %add3A_187 = arith.addf %get3A_182, %get3A_186 : vector<16xf32>
      %swap3A_188 = arith.index_cast %scan3A_82 : i32 to index
      %swap3A_189 = arith.constant 112 : index
      %swap3A_190 = tpu.vector_load %arg11[%swap3A_188, %swap3A_189] {strides = array<i32>} : memref<128x128xf32, #tpu.memory_space<vmem>>, vector<1x16xf32>,
      %swap3A_191 = vector.shape_cast %swap3A_190 : vector<1x16xf32> to vector<16xf32>
      %swap3A_192 = vector.shape_cast %add3A_187 : vector<16xf32> to vector<1x16xf32>
      tpu.vector_store %arg11[%swap3A_188, %swap3A_189], %swap3A_192 {strides = array<i32>} : memref<128x128xf32, #tpu.memory_space<vmem>>, vector<1x16xf32>,
    }
    %scan3A_55 = arith.constant 128 : i32
    %add3A_56 = arith.constant 4864 : i32
    %add3A_57 = arith.addi %mul3A_2, %add3A_56 : i32
    "tpu.region"() ({
      %run_scoped3A = tpu.sem_alloc : memref<!tpu.dma_semaphore, #tpu.memory_space<semaphore_mem>>
      %dma_start3A_82 = arith.constant 0 : i32
      %dma_start3A_83 = tpu.memref_slice %arg6[%add3A_57, %dma_start3A_82] : memref<160000x128xf32, #tpu.memory_space<hbm>> -> memref<128x128xf32, #tpu.memory_space<hbm>>
      %dma_start3A_84 = arith.constant 0 : i32
      %dma_start3A_85 = tpu.memref_slice %arg6[%add3A_57, %dma_start3A_84] : memref<160000x128xf32, #tpu.memory_space<hbm>> -> memref<128x128xf32, #tpu.memory_space<hbm>>
      tpu.enqueue_dma source(%arg11 : memref<128x128xf32, #tpu.memory_space<vmem>>) target(%dma_start3A_85 : memref<128x128xf32, #tpu.memory_space<hbm>>) target_semaphore(%run_scoped3A : memref<!tpu.dma_semaphore, #tpu.memory_space<semaphore_mem>>)
      %dma_wait3A_86 = arith.constant 0 : i32
      %dma_wait3A_87 = tpu.memref_slice %arg6[%add3A_57, %dma_wait3A_86] : memref<160000x128xf32, #tpu.memory_space<hbm>> -> memref<128x128xf32, #tpu.memory_space<hbm>>
      %dma_wait3A_88 = arith.constant 0 : i32
      %dma_wait3A_89 = tpu.memref_slice %arg6[%add3A_57, %dma_wait3A_88] : memref<160000x128xf32, #tpu.memory_space<hbm>> -> memref<128x128xf32, #tpu.memory_space<hbm>>
      tpu.wait_dma2 semaphore(%run_scoped3A : memref<!tpu.dma_semaphore, #tpu.memory_space<semaphore_mem>>) src(%arg11 : memref<128x128xf32, #tpu.memory_space<vmem>>) dst(%dma_wait3A_89 : memref<128x128xf32, #tpu.memory_space<hbm>>)
      tpu.yield
    }) : () -> ()
    %dma_wait3A_58 = arith.constant 0 : i32
    %dma_wait3A_59 = arith.constant 0 : i32
    %dma_wait3A_60 = tpu.memref_slice %arg12[%dma_wait3A_58, %dma_wait3A_59] : memref<128x128xf32, #tpu.memory_space<vmem>> -> memref<8x128xf32, #tpu.memory_space<vmem>>
    %dma_wait3A_61 = arith.constant 4992 : i32
    %dma_wait3A_62 = tpu.memref_slice %arg7[%dma_wait3A_61] : memref<5000xi32, #tpu.memory_space<vmem>> -> memref<8xi32, #tpu.memory_space<vmem>>
    %dma_wait3A_63 = arith.constant 0 : i32
    %dma_wait3A_64 = arith.constant 0 : i32
    %dma_wait3A_65 = tpu.memref_slice %arg2[%dma_wait3A_63, %dma_wait3A_64] : memref<10000x128xf32, #tpu.memory_space<hbm>> -> memref<10000x128xf32, #tpu.memory_space<hbm>>
    tpu.wait_indirect_dma semaphore(%arg16 : memref<!tpu.dma_semaphore, #tpu.memory_space<semaphore_mem>>) src(%dma_wait3A_65 : memref<10000x128xf32, #tpu.memory_space<hbm>>) dst(%dma_wait3A_60 : memref<8x128xf32, #tpu.memory_space<vmem>>)
    %dma_wait3A_66 = arith.constant 0 : i32
    %dma_wait3A_67 = arith.constant 0 : i32
    %dma_wait3A_68 = tpu.memref_slice %arg13[%dma_wait3A_66, %dma_wait3A_67] : memref<128x128xf32, #tpu.memory_space<vmem>> -> memref<8x128xf32, #tpu.memory_space<vmem>>
    %dma_wait3A_69 = arith.constant 4992 : i32
    %dma_wait3A_70 = tpu.memref_slice %arg8[%dma_wait3A_69] : memref<5000xi32, #tpu.memory_space<vmem>> -> memref<8xi32, #tpu.memory_space<vmem>>
    %dma_wait3A_71 = arith.constant 0 : i32
    %dma_wait3A_72 = arith.constant 0 : i32
    %dma_wait3A_73 = tpu.memref_slice %arg3[%dma_wait3A_71, %dma_wait3A_72] : memref<10000x128xf32, #tpu.memory_space<hbm>> -> memref<10000x128xf32, #tpu.memory_space<hbm>>
    tpu.wait_indirect_dma semaphore(%arg16 : memref<!tpu.dma_semaphore, #tpu.memory_space<semaphore_mem>>) src(%dma_wait3A_73 : memref<10000x128xf32, #tpu.memory_space<hbm>>) dst(%dma_wait3A_68 : memref<8x128xf32, #tpu.memory_space<vmem>>)
    %scan3A_74 = arith.constant 0 : i32
    %scan3A_75 = arith.constant 0 : i32
    %scan3A_76 = arith.constant 8 : i32
    %scan3A_77 = arith.addi %scan3A_75, %scan3A_76 : i32
    %scan3A_78 = arith.constant 1 : i32
    scf.for %scan3A_82 = %scan3A_75 to %scan3A_77 step %scan3A_78  : i32 {
      %get3A = arith.index_cast %scan3A_82 : i32 to index
      %get3A_83 = arith.constant 0 : index
      %get3A_84 = tpu.vector_load %arg12[%get3A, %get3A_83] {strides = array<i32>} : memref<128x128xf32, #tpu.memory_space<vmem>>, vector<1x16xf32>,
      %get3A_85 = vector.shape_cast %get3A_84 : vector<1x16xf32> to vector<16xf32>
      %get3A_86 = arith.index_cast %scan3A_82 : i32 to index
      %get3A_87 = arith.constant 0 : index
      %get3A_88 = tpu.vector_load %arg13[%get3A_86, %get3A_87] {strides = array<i32>} : memref<128x128xf32, #tpu.memory_space<vmem>>, vector<1x16xf32>,
      %get3A_89 = vector.shape_cast %get3A_88 : vector<1x16xf32> to vector<16xf32>
      %add3A_90 = arith.addf %get3A_85, %get3A_89 : vector<16xf32>
      %swap3A = arith.index_cast %scan3A_82 : i32 to index
      %swap3A_91 = arith.constant 0 : index
      %swap3A_92 = tpu.vector_load %arg14[%swap3A, %swap3A_91] {strides = array<i32>} : memref<128x128xf32, #tpu.memory_space<vmem>>, vector<1x16xf32>,
      %swap3A_93 = vector.shape_cast %swap3A_92 : vector<1x16xf32> to vector<16xf32>
      %swap3A_94 = vector.shape_cast %add3A_90 : vector<16xf32> to vector<1x16xf32>
      tpu.vector_store %arg14[%swap3A, %swap3A_91], %swap3A_94 {strides = array<i32>} : memref<128x128xf32, #tpu.memory_space<vmem>>, vector<1x16xf32>,
      %get3A_95 = arith.index_cast %scan3A_82 : i32 to index
      %get3A_96 = arith.constant 16 : index
      %get3A_97 = tpu.vector_load %arg12[%get3A_95, %get3A_96] {strides = array<i32>} : memref<128x128xf32, #tpu.memory_space<vmem>>, vector<1x16xf32>,
      %get3A_98 = vector.shape_cast %get3A_97 : vector<1x16xf32> to vector<16xf32>
      %get3A_99 = arith.index_cast %scan3A_82 : i32 to index
      %get3A_100 = arith.constant 16 : index
      %get3A_101 = tpu.vector_load %arg13[%get3A_99, %get3A_100] {strides = array<i32>} : memref<128x128xf32, #tpu.memory_space<vmem>>, vector<1x16xf32>,
      %get3A_102 = vector.shape_cast %get3A_101 : vector<1x16xf32> to vector<16xf32>
      %add3A_103 = arith.addf %get3A_98, %get3A_102 : vector<16xf32>
      %swap3A_104 = arith.index_cast %scan3A_82 : i32 to index
      %swap3A_105 = arith.constant 16 : index
      %swap3A_106 = tpu.vector_load %arg14[%swap3A_104, %swap3A_105] {strides = array<i32>} : memref<128x128xf32, #tpu.memory_space<vmem>>, vector<1x16xf32>,
      %swap3A_107 = vector.shape_cast %swap3A_106 : vector<1x16xf32> to vector<16xf32>
      %swap3A_108 = vector.shape_cast %add3A_103 : vector<16xf32> to vector<1x16xf32>
      tpu.vector_store %arg14[%swap3A_104, %swap3A_105], %swap3A_108 {strides = array<i32>} : memref<128x128xf32, #tpu.memory_space<vmem>>, vector<1x16xf32>,
      %get3A_109 = arith.index_cast %scan3A_82 : i32 to index
      %get3A_110 = arith.constant 32 : index
      %get3A_111 = tpu.vector_load %arg12[%get3A_109, %get3A_110] {strides = array<i32>} : memref<128x128xf32, #tpu.memory_space<vmem>>, vector<1x16xf32>,
      %get3A_112 = vector.shape_cast %get3A_111 : vector<1x16xf32> to vector<16xf32>
      %get3A_113 = arith.index_cast %scan3A_82 : i32 to index
      %get3A_114 = arith.constant 32 : index
      %get3A_115 = tpu.vector_load %arg13[%get3A_113, %get3A_114] {strides = array<i32>} : memref<128x128xf32, #tpu.memory_space<vmem>>, vector<1x16xf32>,
      %get3A_116 = vector.shape_cast %get3A_115 : vector<1x16xf32> to vector<16xf32>
      %add3A_117 = arith.addf %get3A_112, %get3A_116 : vector<16xf32>
      %swap3A_118 = arith.index_cast %scan3A_82 : i32 to index
      %swap3A_119 = arith.constant 32 : index
      %swap3A_120 = tpu.vector_load %arg14[%swap3A_118, %swap3A_119] {strides = array<i32>} : memref<128x128xf32, #tpu.memory_space<vmem>>, vector<1x16xf32>,
      %swap3A_121 = vector.shape_cast %swap3A_120 : vector<1x16xf32> to vector<16xf32>
      %swap3A_122 = vector.shape_cast %add3A_117 : vector<16xf32> to vector<1x16xf32>
      tpu.vector_store %arg14[%swap3A_118, %swap3A_119], %swap3A_122 {strides = array<i32>} : memref<128x128xf32, #tpu.memory_space<vmem>>, vector<1x16xf32>,
      %get3A_123 = arith.index_cast %scan3A_82 : i32 to index
      %get3A_124 = arith.constant 48 : index
      %get3A_125 = tpu.vector_load %arg12[%get3A_123, %get3A_124] {strides = array<i32>} : memref<128x128xf32, #tpu.memory_space<vmem>>, vector<1x16xf32>,
      %get3A_126 = vector.shape_cast %get3A_125 : vector<1x16xf32> to vector<16xf32>
      %get3A_127 = arith.index_cast %scan3A_82 : i32 to index
      %get3A_128 = arith.constant 48 : index
      %get3A_129 = tpu.vector_load %arg13[%get3A_127, %get3A_128] {strides = array<i32>} : memref<128x128xf32, #tpu.memory_space<vmem>>, vector<1x16xf32>,
      %get3A_130 = vector.shape_cast %get3A_129 : vector<1x16xf32> to vector<16xf32>
      %add3A_131 = arith.addf %get3A_126, %get3A_130 : vector<16xf32>
      %swap3A_132 = arith.index_cast %scan3A_82 : i32 to index
      %swap3A_133 = arith.constant 48 : index
      %swap3A_134 = tpu.vector_load %arg14[%swap3A_132, %swap3A_133] {strides = array<i32>} : memref<128x128xf32, #tpu.memory_space<vmem>>, vector<1x16xf32>,
      %swap3A_135 = vector.shape_cast %swap3A_134 : vector<1x16xf32> to vector<16xf32>
      %swap3A_136 = vector.shape_cast %add3A_131 : vector<16xf32> to vector<1x16xf32>
      tpu.vector_store %arg14[%swap3A_132, %swap3A_133], %swap3A_136 {strides = array<i32>} : memref<128x128xf32, #tpu.memory_space<vmem>>, vector<1x16xf32>,
      %get3A_137 = arith.index_cast %scan3A_82 : i32 to index
      %get3A_138 = arith.constant 64 : index
      %get3A_139 = tpu.vector_load %arg12[%get3A_137, %get3A_138] {strides = array<i32>} : memref<128x128xf32, #tpu.memory_space<vmem>>, vector<1x16xf32>,
      %get3A_140 = vector.shape_cast %get3A_139 : vector<1x16xf32> to vector<16xf32>
      %get3A_141 = arith.index_cast %scan3A_82 : i32 to index
      %get3A_142 = arith.constant 64 : index
      %get3A_143 = tpu.vector_load %arg13[%get3A_141, %get3A_142] {strides = array<i32>} : memref<128x128xf32, #tpu.memory_space<vmem>>, vector<1x16xf32>,
      %get3A_144 = vector.shape_cast %get3A_143 : vector<1x16xf32> to vector<16xf32>
      %add3A_145 = arith.addf %get3A_140, %get3A_144 : vector<16xf32>
      %swap3A_146 = arith.index_cast %scan3A_82 : i32 to index
      %swap3A_147 = arith.constant 64 : index
      %swap3A_148 = tpu.vector_load %arg14[%swap3A_146, %swap3A_147] {strides = array<i32>} : memref<128x128xf32, #tpu.memory_space<vmem>>, vector<1x16xf32>,
      %swap3A_149 = vector.shape_cast %swap3A_148 : vector<1x16xf32> to vector<16xf32>
      %swap3A_150 = vector.shape_cast %add3A_145 : vector<16xf32> to vector<1x16xf32>
      tpu.vector_store %arg14[%swap3A_146, %swap3A_147], %swap3A_150 {strides = array<i32>} : memref<128x128xf32, #tpu.memory_space<vmem>>, vector<1x16xf32>,
      %get3A_151 = arith.index_cast %scan3A_82 : i32 to index
      %get3A_152 = arith.constant 80 : index
      %get3A_153 = tpu.vector_load %arg12[%get3A_151, %get3A_152] {strides = array<i32>} : memref<128x128xf32, #tpu.memory_space<vmem>>, vector<1x16xf32>,
      %get3A_154 = vector.shape_cast %get3A_153 : vector<1x16xf32> to vector<16xf32>
      %get3A_155 = arith.index_cast %scan3A_82 : i32 to index
      %get3A_156 = arith.constant 80 : index
      %get3A_157 = tpu.vector_load %arg13[%get3A_155, %get3A_156] {strides = array<i32>} : memref<128x128xf32, #tpu.memory_space<vmem>>, vector<1x16xf32>,
      %get3A_158 = vector.shape_cast %get3A_157 : vector<1x16xf32> to vector<16xf32>
      %add3A_159 = arith.addf %get3A_154, %get3A_158 : vector<16xf32>
      %swap3A_160 = arith.index_cast %scan3A_82 : i32 to index
      %swap3A_161 = arith.constant 80 : index
      %swap3A_162 = tpu.vector_load %arg14[%swap3A_160, %swap3A_161] {strides = array<i32>} : memref<128x128xf32, #tpu.memory_space<vmem>>, vector<1x16xf32>,
      %swap3A_163 = vector.shape_cast %swap3A_162 : vector<1x16xf32> to vector<16xf32>
      %swap3A_164 = vector.shape_cast %add3A_159 : vector<16xf32> to vector<1x16xf32>
      tpu.vector_store %arg14[%swap3A_160, %swap3A_161], %swap3A_164 {strides = array<i32>} : memref<128x128xf32, #tpu.memory_space<vmem>>, vector<1x16xf32>,
      %get3A_165 = arith.index_cast %scan3A_82 : i32 to index
      %get3A_166 = arith.constant 96 : index
      %get3A_167 = tpu.vector_load %arg12[%get3A_165, %get3A_166] {strides = array<i32>} : memref<128x128xf32, #tpu.memory_space<vmem>>, vector<1x16xf32>,
      %get3A_168 = vector.shape_cast %get3A_167 : vector<1x16xf32> to vector<16xf32>
      %get3A_169 = arith.index_cast %scan3A_82 : i32 to index
      %get3A_170 = arith.constant 96 : index
      %get3A_171 = tpu.vector_load %arg13[%get3A_169, %get3A_170] {strides = array<i32>} : memref<128x128xf32, #tpu.memory_space<vmem>>, vector<1x16xf32>,
      %get3A_172 = vector.shape_cast %get3A_171 : vector<1x16xf32> to vector<16xf32>
      %add3A_173 = arith.addf %get3A_168, %get3A_172 : vector<16xf32>
      %swap3A_174 = arith.index_cast %scan3A_82 : i32 to index
      %swap3A_175 = arith.constant 96 : index
      %swap3A_176 = tpu.vector_load %arg14[%swap3A_174, %swap3A_175] {strides = array<i32>} : memref<128x128xf32, #tpu.memory_space<vmem>>, vector<1x16xf32>,
      %swap3A_177 = vector.shape_cast %swap3A_176 : vector<1x16xf32> to vector<16xf32>
      %swap3A_178 = vector.shape_cast %add3A_173 : vector<16xf32> to vector<1x16xf32>
      tpu.vector_store %arg14[%swap3A_174, %swap3A_175], %swap3A_178 {strides = array<i32>} : memref<128x128xf32, #tpu.memory_space<vmem>>, vector<1x16xf32>,
      %get3A_179 = arith.index_cast %scan3A_82 : i32 to index
      %get3A_180 = arith.constant 112 : index
      %get3A_181 = tpu.vector_load %arg12[%get3A_179, %get3A_180] {strides = array<i32>} : memref<128x128xf32, #tpu.memory_space<vmem>>, vector<1x16xf32>,
      %get3A_182 = vector.shape_cast %get3A_181 : vector<1x16xf32> to vector<16xf32>
      %get3A_183 = arith.index_cast %scan3A_82 : i32 to index
      %get3A_184 = arith.constant 112 : index
      %get3A_185 = tpu.vector_load %arg13[%get3A_183, %get3A_184] {strides = array<i32>} : memref<128x128xf32, #tpu.memory_space<vmem>>, vector<1x16xf32>,
      %get3A_186 = vector.shape_cast %get3A_185 : vector<1x16xf32> to vector<16xf32>
      %add3A_187 = arith.addf %get3A_182, %get3A_186 : vector<16xf32>
      %swap3A_188 = arith.index_cast %scan3A_82 : i32 to index
      %swap3A_189 = arith.constant 112 : index
      %swap3A_190 = tpu.vector_load %arg14[%swap3A_188, %swap3A_189] {strides = array<i32>} : memref<128x128xf32, #tpu.memory_space<vmem>>, vector<1x16xf32>,
      %swap3A_191 = vector.shape_cast %swap3A_190 : vector<1x16xf32> to vector<16xf32>
      %swap3A_192 = vector.shape_cast %add3A_187 : vector<16xf32> to vector<1x16xf32>
      tpu.vector_store %arg14[%swap3A_188, %swap3A_189], %swap3A_192 {strides = array<i32>} : memref<128x128xf32, #tpu.memory_space<vmem>>, vector<1x16xf32>,
    }
    %scan3A_79 = arith.constant 8 : i32
    %add3A_80 = arith.constant 4992 : i32
    %add3A_81 = arith.addi %mul3A_2, %add3A_80 : i32
    "tpu.region"() ({
      %run_scoped3A = tpu.sem_alloc : memref<!tpu.dma_semaphore, #tpu.memory_space<semaphore_mem>>
      %dma_start3A_82 = arith.constant 0 : i32
      %dma_start3A_83 = arith.constant 0 : i32
      %dma_start3A_84 = tpu.memref_slice %arg14[%dma_start3A_82, %dma_start3A_83] : memref<128x128xf32, #tpu.memory_space<vmem>> -> memref<8x128xf32, #tpu.memory_space<vmem>>
      %dma_start3A_85 = arith.constant 0 : i32
      %dma_start3A_86 = tpu.memref_slice %arg6[%add3A_81, %dma_start3A_85] : memref<160000x128xf32, #tpu.memory_space<hbm>> -> memref<8x128xf32, #tpu.memory_space<hbm>>
      %dma_start3A_87 = arith.constant 0 : i32
      %dma_start3A_88 = tpu.memref_slice %arg6[%add3A_81, %dma_start3A_87] : memref<160000x128xf32, #tpu.memory_space<hbm>> -> memref<8x128xf32, #tpu.memory_space<hbm>>
      %dma_start3A_89 = arith.constant 0 : i32
      %dma_start3A_90 = arith.constant 0 : i32
      %dma_start3A_91 = tpu.memref_slice %arg14[%dma_start3A_89, %dma_start3A_90] : memref<128x128xf32, #tpu.memory_space<vmem>> -> memref<8x128xf32, #tpu.memory_space<vmem>>
      tpu.enqueue_dma source(%dma_start3A_91 : memref<8x128xf32, #tpu.memory_space<vmem>>) target(%dma_start3A_88 : memref<8x128xf32, #tpu.memory_space<hbm>>) target_semaphore(%run_scoped3A : memref<!tpu.dma_semaphore, #tpu.memory_space<semaphore_mem>>)
      %dma_wait3A_92 = arith.constant 0 : i32
      %dma_wait3A_93 = arith.constant 0 : i32
      %dma_wait3A_94 = tpu.memref_slice %arg14[%dma_wait3A_92, %dma_wait3A_93] : memref<128x128xf32, #tpu.memory_space<vmem>> -> memref<8x128xf32, #tpu.memory_space<vmem>>
      %dma_wait3A_95 = arith.constant 0 : i32
      %dma_wait3A_96 = tpu.memref_slice %arg6[%add3A_81, %dma_wait3A_95] : memref<160000x128xf32, #tpu.memory_space<hbm>> -> memref<8x128xf32, #tpu.memory_space<hbm>>
      %dma_wait3A_97 = arith.constant 0 : i32
      %dma_wait3A_98 = tpu.memref_slice %arg6[%add3A_81, %dma_wait3A_97] : memref<160000x128xf32, #tpu.memory_space<hbm>> -> memref<8x128xf32, #tpu.memory_space<hbm>>
      %dma_wait3A_99 = arith.constant 0 : i32
      %dma_wait3A_100 = arith.constant 0 : i32
      %dma_wait3A_101 = tpu.memref_slice %arg14[%dma_wait3A_99, %dma_wait3A_100] : memref<128x128xf32, #tpu.memory_space<vmem>> -> memref<8x128xf32, #tpu.memory_space<vmem>>
      tpu.wait_dma2 semaphore(%run_scoped3A : memref<!tpu.dma_semaphore, #tpu.memory_space<semaphore_mem>>) src(%dma_wait3A_101 : memref<8x128xf32, #tpu.memory_space<vmem>>) dst(%dma_wait3A_98 : memref<8x128xf32, #tpu.memory_space<hbm>>)
      tpu.yield
    }) : () -> ()
    return
  }
}

#map = affine_map<(d0, d1) -> (0, 0)>
#map1 = affine_map<(d0, d1) -> (0)>
#map2 = affine_map<(d0, d1) -> (0, 0, 0)>
module attributes {stable_mosaic.version = 14 : i64} {
  func.func @_scatter_body(%arg0: i32, %arg1: i32, %arg2: memref<160000x128xf32, #tpu.memory_space<hbm>>, %arg3: memref<160000xi32, #tpu.memory_space<hbm>>, %arg4: memref<10000x128xf32, #tpu.memory_space<hbm>>, %arg5: memref<2x10000x128xf32, #tpu.memory_space<hbm>>, %arg6: memref<80xi32, #tpu.memory_space<vmem>>, %arg7: memref<80xi32, #tpu.memory_space<vmem>>, %arg8: memref<80xi32, #tpu.memory_space<vmem>>, %arg9: memref<80xi32, #tpu.memory_space<vmem>>, %arg10: memref<40xi32, #tpu.memory_space<vmem>>, %arg11: memref<80x128xf32, #tpu.memory_space<vmem>>, %arg12: memref<80x128xf32, #tpu.memory_space<vmem>>, %arg13: memref<80x128xf32, #tpu.memory_space<vmem>>, %arg14: memref<80x128xf32, #tpu.memory_space<vmem>>, %arg15: memref<10000x128xf32, #tpu.memory_space<vmem_shared>>, %arg16: memref<!tpu.dma_semaphore, #tpu.memory_space<semaphore_mem>>, %arg17: memref<!tpu.dma_semaphore, #tpu.memory_space<semaphore_mem>>, %arg18: memref<!tpu.dma_semaphore, #tpu.memory_space<semaphore_mem>>, %arg19: memref<!tpu.dma_semaphore, #tpu.memory_space<semaphore_mem>>, %arg20: memref<!tpu.dma_semaphore, #tpu.memory_space<semaphore_mem>>, %arg21: memref<!tpu.dma_semaphore, #tpu.memory_space<semaphore_mem>>, %arg22: memref<!tpu.dma_semaphore, #tpu.memory_space<semaphore_mem>>, %arg23: memref<!tpu.dma_semaphore, #tpu.memory_space<semaphore_mem>>) attributes {dimension_semantics = [#tpu.dimension_semantics<core_parallel>, #tpu.dimension_semantics<subcore_parallel>], iteration_bounds = array<i64: 2, 16>, scalar_prefetch = 0 : i64, scratch_operands = 18 : i64, tpu.core_type = #tpu.core_type<sc_vector_subcore>, window_params = [{transform_indices = #map}, {transform_indices = #map1}, {transform_indices = #map}, {transform_indices = #map2}]} {
    %mul3A = arith.constant 2 : i32
    %mul3A_0 = arith.muli %arg1, %mul3A : i32
    %add3A = arith.addi %mul3A_0, %arg0 : i32
    %mul3A_1 = arith.constant 624 : i32
    %mul3A_2 = arith.muli %arg1, %mul3A_1 : i32
    %mul3A_3 = arith.constant 624 : i32
    %mul3A_4 = arith.muli %arg1, %mul3A_3 : i32
    "tpu.region"() ({
      %run_scoped3A = tpu.sem_alloc : memref<!tpu.dma_semaphore, #tpu.memory_space<semaphore_mem>>
      %dma_start3A = arith.constant 0 : i32
      %dma_start3A_41 = tpu.memref_slice %arg15[%mul3A_4, %dma_start3A] : memref<10000x128xf32, #tpu.memory_space<vmem_shared>> -> memref<624x128xf32, #tpu.memory_space<vmem_shared>>
      %dma_start3A_42 = arith.constant 0 : i32
      %dma_start3A_43 = tpu.memref_slice %arg4[%mul3A_2, %dma_start3A_42] : memref<10000x128xf32, #tpu.memory_space<hbm>> -> memref<624x128xf32, #tpu.memory_space<hbm>>
      tpu.enqueue_dma source(%dma_start3A_43 : memref<624x128xf32, #tpu.memory_space<hbm>>) target(%dma_start3A_41 : memref<624x128xf32, #tpu.memory_space<vmem_shared>>) target_semaphore(%run_scoped3A : memref<!tpu.dma_semaphore, #tpu.memory_space<semaphore_mem>>)
      %dma_wait3A_44 = arith.constant 0 : i32
      %dma_wait3A_45 = tpu.memref_slice %arg15[%mul3A_4, %dma_wait3A_44] : memref<10000x128xf32, #tpu.memory_space<vmem_shared>> -> memref<624x128xf32, #tpu.memory_space<vmem_shared>>
      %dma_wait3A_46 = arith.constant 0 : i32
      %dma_wait3A_47 = tpu.memref_slice %arg4[%mul3A_2, %dma_wait3A_46] : memref<10000x128xf32, #tpu.memory_space<hbm>> -> memref<624x128xf32, #tpu.memory_space<hbm>>
      tpu.wait_dma2 semaphore(%run_scoped3A : memref<!tpu.dma_semaphore, #tpu.memory_space<semaphore_mem>>) src(%dma_wait3A_47 : memref<624x128xf32, #tpu.memory_space<hbm>>) dst(%dma_wait3A_45 : memref<624x128xf32, #tpu.memory_space<vmem_shared>>)
      tpu.yield
    }) : () -> ()
    %eq3A = arith.constant 15 : i32
    %eq3A_5 = arith.cmpi eq, %arg1, %eq3A : i32
    %convert_element_type3A = arith.extui %eq3A_5 : i1 to i32
    %cond3A = arith.constant 0 : i32
    %cond3A_6 = arith.cmpi ne, %convert_element_type3A, %cond3A : i32
    scf.if %cond3A_6 {
      "tpu.region"() ({
        %run_scoped3A = tpu.sem_alloc : memref<!tpu.dma_semaphore, #tpu.memory_space<semaphore_mem>>
        %dma_start3A = arith.constant 9984 : i32
        %dma_start3A_41 = arith.constant 0 : i32
        %dma_start3A_42 = tpu.memref_slice %arg15[%dma_start3A, %dma_start3A_41] : memref<10000x128xf32, #tpu.memory_space<vmem_shared>> -> memref<16x128xf32, #tpu.memory_space<vmem_shared>>
        %dma_start3A_43 = arith.constant 9984 : i32
        %dma_start3A_44 = arith.constant 0 : i32
        %dma_start3A_45 = tpu.memref_slice %arg4[%dma_start3A_43, %dma_start3A_44] : memref<10000x128xf32, #tpu.memory_space<hbm>> -> memref<16x128xf32, #tpu.memory_space<hbm>>
        tpu.enqueue_dma source(%dma_start3A_45 : memref<16x128xf32, #tpu.memory_space<hbm>>) target(%dma_start3A_42 : memref<16x128xf32, #tpu.memory_space<vmem_shared>>) target_semaphore(%run_scoped3A : memref<!tpu.dma_semaphore, #tpu.memory_space<semaphore_mem>>)
        %dma_wait3A_46 = arith.constant 9984 : i32
        %dma_wait3A_47 = arith.constant 0 : i32
        %dma_wait3A_48 = tpu.memref_slice %arg15[%dma_wait3A_46, %dma_wait3A_47] : memref<10000x128xf32, #tpu.memory_space<vmem_shared>> -> memref<16x128xf32, #tpu.memory_space<vmem_shared>>
        %dma_wait3A_49 = arith.constant 9984 : i32
        %dma_wait3A_50 = arith.constant 0 : i32
        %dma_wait3A_51 = tpu.memref_slice %arg4[%dma_wait3A_49, %dma_wait3A_50] : memref<10000x128xf32, #tpu.memory_space<hbm>> -> memref<16x128xf32, #tpu.memory_space<hbm>>
        tpu.wait_dma2 semaphore(%run_scoped3A : memref<!tpu.dma_semaphore, #tpu.memory_space<semaphore_mem>>) src(%dma_wait3A_51 : memref<16x128xf32, #tpu.memory_space<hbm>>) dst(%dma_wait3A_48 : memref<16x128xf32, #tpu.memory_space<vmem_shared>>)
        tpu.yield
      }) : () -> ()
    } else {
    }
    %barrier3A = arith.constant 0 : index
    tpu.barrier barrier_id(%barrier3A)
    %mul3A_7 = arith.constant 5000 : i32
    %mul3A_8 = arith.muli %add3A, %mul3A_7 : i32
    %scan3A = arith.constant 0 : i32
    %scan3A_9 = arith.constant 0 : i32
    %scan3A_10 = arith.constant 15 : i32
    %scan3A_11 = arith.addi %scan3A_9, %scan3A_10 : i32
    %scan3A_12 = arith.constant 1 : i32
    scf.for %scan3A_41 = %scan3A_9 to %scan3A_11 step %scan3A_12  : i32 {
      %mul3A_42 = arith.constant 4 : i32
      %mul3A_43 = arith.muli %mul3A_42, %scan3A_41 : i32
      %mul3A_44 = arith.constant 80 : i32
      %mul3A_45 = arith.muli %mul3A_43, %mul3A_44 : i32
      %add3A_46 = arith.addi %mul3A_8, %mul3A_45 : i32
      %add3A_47 = arith.constant 80 : i32
      %add3A_48 = arith.addi %add3A_46, %add3A_47 : i32
      %add3A_49 = arith.constant 80 : i32
      %add3A_50 = arith.addi %add3A_48, %add3A_49 : i32
      %add3A_51 = arith.constant 80 : i32
      %add3A_52 = arith.addi %add3A_50, %add3A_51 : i32
      %gt3A = arith.constant 0 : i32
      %gt3A_53 = arith.cmpi sgt, %scan3A_41, %gt3A : i32
      %convert_element_type3A_54 = arith.extui %gt3A_53 : i1 to i32
      %cond3A_55 = arith.constant 0 : i32
      %cond3A_56 = arith.cmpi ne, %convert_element_type3A_54, %cond3A_55 : i32
      scf.if %cond3A_56 {
        %dma_wait3A_105 = arith.constant 0 : i32
        %dma_wait3A_106 = arith.constant 0 : i32
        %dma_wait3A_107 = tpu.memref_slice %arg15[%dma_wait3A_105, %dma_wait3A_106] : memref<10000x128xf32, #tpu.memory_space<vmem_shared>> -> memref<10000x128xf32, #tpu.memory_space<vmem_shared>>
        tpu.wait_indirect_dma semaphore(%arg20 : memref<!tpu.dma_semaphore, #tpu.memory_space<semaphore_mem>>) src(%arg11 : memref<80x128xf32, #tpu.memory_space<vmem>>) dst(%dma_wait3A_107 : memref<10000x128xf32, #tpu.memory_space<vmem_shared>>)
        %dma_wait3A_108 = arith.constant 0 : i32
        %dma_wait3A_109 = arith.constant 0 : i32
        %dma_wait3A_110 = tpu.memref_slice %arg15[%dma_wait3A_108, %dma_wait3A_109] : memref<10000x128xf32, #tpu.memory_space<vmem_shared>> -> memref<10000x128xf32, #tpu.memory_space<vmem_shared>>
        tpu.wait_indirect_dma semaphore(%arg21 : memref<!tpu.dma_semaphore, #tpu.memory_space<semaphore_mem>>) src(%arg12 : memref<80x128xf32, #tpu.memory_space<vmem>>) dst(%dma_wait3A_110 : memref<10000x128xf32, #tpu.memory_space<vmem_shared>>)
      } else {
      }
      "tpu.region"() ({
        %run_scoped3A = tpu.sem_alloc : memref<!tpu.dma_semaphore, #tpu.memory_space<semaphore_mem>>
        %dma_start3A_105 = tpu.memref_slice %arg3[%add3A_46] : memref<160000xi32, #tpu.memory_space<hbm>> -> memref<80xi32, #tpu.memory_space<hbm>>
        %dma_start3A_106 = tpu.memref_slice %arg3[%add3A_46] : memref<160000xi32, #tpu.memory_space<hbm>> -> memref<80xi32, #tpu.memory_space<hbm>>
        tpu.enqueue_dma source(%dma_start3A_106 : memref<80xi32, #tpu.memory_space<hbm>>) target(%arg6 : memref<80xi32, #tpu.memory_space<vmem>>) target_semaphore(%run_scoped3A : memref<!tpu.dma_semaphore, #tpu.memory_space<semaphore_mem>>)
        %dma_wait3A_107 = tpu.memref_slice %arg3[%add3A_46] : memref<160000xi32, #tpu.memory_space<hbm>> -> memref<80xi32, #tpu.memory_space<hbm>>
        %dma_wait3A_108 = tpu.memref_slice %arg3[%add3A_46] : memref<160000xi32, #tpu.memory_space<hbm>> -> memref<80xi32, #tpu.memory_space<hbm>>
        tpu.wait_dma2 semaphore(%run_scoped3A : memref<!tpu.dma_semaphore, #tpu.memory_space<semaphore_mem>>) src(%dma_wait3A_108 : memref<80xi32, #tpu.memory_space<hbm>>) dst(%arg6 : memref<80xi32, #tpu.memory_space<vmem>>)
        tpu.yield
      }) : () -> ()
      %dma_start3A = arith.constant 0 : i32
      %dma_start3A_57 = tpu.memref_slice %arg2[%add3A_46, %dma_start3A] : memref<160000x128xf32, #tpu.memory_space<hbm>> -> memref<80x128xf32, #tpu.memory_space<hbm>>
      %dma_start3A_58 = arith.constant 0 : i32
      %dma_start3A_59 = tpu.memref_slice %arg2[%add3A_46, %dma_start3A_58] : memref<160000x128xf32, #tpu.memory_space<hbm>> -> memref<80x128xf32, #tpu.memory_space<hbm>>
      tpu.enqueue_dma source(%dma_start3A_59 : memref<80x128xf32, #tpu.memory_space<hbm>>) target(%arg11 : memref<80x128xf32, #tpu.memory_space<vmem>>) target_semaphore(%arg16 : memref<!tpu.dma_semaphore, #tpu.memory_space<semaphore_mem>>)
      "tpu.region"() ({
        %run_scoped3A = tpu.sem_alloc : memref<!tpu.dma_semaphore, #tpu.memory_space<semaphore_mem>>
        %dma_start3A_105 = tpu.memref_slice %arg3[%add3A_48] : memref<160000xi32, #tpu.memory_space<hbm>> -> memref<80xi32, #tpu.memory_space<hbm>>
        %dma_start3A_106 = tpu.memref_slice %arg3[%add3A_48] : memref<160000xi32, #tpu.memory_space<hbm>> -> memref<80xi32, #tpu.memory_space<hbm>>
        tpu.enqueue_dma source(%dma_start3A_106 : memref<80xi32, #tpu.memory_space<hbm>>) target(%arg7 : memref<80xi32, #tpu.memory_space<vmem>>) target_semaphore(%run_scoped3A : memref<!tpu.dma_semaphore, #tpu.memory_space<semaphore_mem>>)
        %dma_wait3A_107 = tpu.memref_slice %arg3[%add3A_48] : memref<160000xi32, #tpu.memory_space<hbm>> -> memref<80xi32, #tpu.memory_space<hbm>>
        %dma_wait3A_108 = tpu.memref_slice %arg3[%add3A_48] : memref<160000xi32, #tpu.memory_space<hbm>> -> memref<80xi32, #tpu.memory_space<hbm>>
        tpu.wait_dma2 semaphore(%run_scoped3A : memref<!tpu.dma_semaphore, #tpu.memory_space<semaphore_mem>>) src(%dma_wait3A_108 : memref<80xi32, #tpu.memory_space<hbm>>) dst(%arg7 : memref<80xi32, #tpu.memory_space<vmem>>)
        tpu.yield
      }) : () -> ()
      %dma_start3A_60 = arith.constant 0 : i32
      %dma_start3A_61 = tpu.memref_slice %arg2[%add3A_48, %dma_start3A_60] : memref<160000x128xf32, #tpu.memory_space<hbm>> -> memref<80x128xf32, #tpu.memory_space<hbm>>
      %dma_start3A_62 = arith.constant 0 : i32
      %dma_start3A_63 = tpu.memref_slice %arg2[%add3A_48, %dma_start3A_62] : memref<160000x128xf32, #tpu.memory_space<hbm>> -> memref<80x128xf32, #tpu.memory_space<hbm>>
      tpu.enqueue_dma source(%dma_start3A_63 : memref<80x128xf32, #tpu.memory_space<hbm>>) target(%arg12 : memref<80x128xf32, #tpu.memory_space<vmem>>) target_semaphore(%arg17 : memref<!tpu.dma_semaphore, #tpu.memory_space<semaphore_mem>>)
      %gt3A_64 = arith.constant 0 : i32
      %gt3A_65 = arith.cmpi sgt, %scan3A_41, %gt3A_64 : i32
      %convert_element_type3A_66 = arith.extui %gt3A_65 : i1 to i32
      %cond3A_67 = arith.constant 0 : i32
      %cond3A_68 = arith.cmpi ne, %convert_element_type3A_66, %cond3A_67 : i32
      scf.if %cond3A_68 {
        %dma_wait3A_105 = arith.constant 0 : i32
        %dma_wait3A_106 = arith.constant 0 : i32
        %dma_wait3A_107 = tpu.memref_slice %arg15[%dma_wait3A_105, %dma_wait3A_106] : memref<10000x128xf32, #tpu.memory_space<vmem_shared>> -> memref<10000x128xf32, #tpu.memory_space<vmem_shared>>
        tpu.wait_indirect_dma semaphore(%arg22 : memref<!tpu.dma_semaphore, #tpu.memory_space<semaphore_mem>>) src(%arg13 : memref<80x128xf32, #tpu.memory_space<vmem>>) dst(%dma_wait3A_107 : memref<10000x128xf32, #tpu.memory_space<vmem_shared>>)
        %dma_wait3A_108 = arith.constant 0 : i32
        %dma_wait3A_109 = arith.constant 0 : i32
        %dma_wait3A_110 = tpu.memref_slice %arg15[%dma_wait3A_108, %dma_wait3A_109] : memref<10000x128xf32, #tpu.memory_space<vmem_shared>> -> memref<10000x128xf32, #tpu.memory_space<vmem_shared>>
        tpu.wait_indirect_dma semaphore(%arg23 : memref<!tpu.dma_semaphore, #tpu.memory_space<semaphore_mem>>) src(%arg14 : memref<80x128xf32, #tpu.memory_space<vmem>>) dst(%dma_wait3A_110 : memref<10000x128xf32, #tpu.memory_space<vmem_shared>>)
      } else {
      }
      "tpu.region"() ({
        %run_scoped3A = tpu.sem_alloc : memref<!tpu.dma_semaphore, #tpu.memory_space<semaphore_mem>>
        %dma_start3A_105 = tpu.memref_slice %arg3[%add3A_50] : memref<160000xi32, #tpu.memory_space<hbm>> -> memref<80xi32, #tpu.memory_space<hbm>>
        %dma_start3A_106 = tpu.memref_slice %arg3[%add3A_50] : memref<160000xi32, #tpu.memory_space<hbm>> -> memref<80xi32, #tpu.memory_space<hbm>>
        tpu.enqueue_dma source(%dma_start3A_106 : memref<80xi32, #tpu.memory_space<hbm>>) target(%arg8 : memref<80xi32, #tpu.memory_space<vmem>>) target_semaphore(%run_scoped3A : memref<!tpu.dma_semaphore, #tpu.memory_space<semaphore_mem>>)
        %dma_wait3A_107 = tpu.memref_slice %arg3[%add3A_50] : memref<160000xi32, #tpu.memory_space<hbm>> -> memref<80xi32, #tpu.memory_space<hbm>>
        %dma_wait3A_108 = tpu.memref_slice %arg3[%add3A_50] : memref<160000xi32, #tpu.memory_space<hbm>> -> memref<80xi32, #tpu.memory_space<hbm>>
        tpu.wait_dma2 semaphore(%run_scoped3A : memref<!tpu.dma_semaphore, #tpu.memory_space<semaphore_mem>>) src(%dma_wait3A_108 : memref<80xi32, #tpu.memory_space<hbm>>) dst(%arg8 : memref<80xi32, #tpu.memory_space<vmem>>)
        tpu.yield
      }) : () -> ()
      %dma_start3A_69 = arith.constant 0 : i32
      %dma_start3A_70 = tpu.memref_slice %arg2[%add3A_50, %dma_start3A_69] : memref<160000x128xf32, #tpu.memory_space<hbm>> -> memref<80x128xf32, #tpu.memory_space<hbm>>
      %dma_start3A_71 = arith.constant 0 : i32
      %dma_start3A_72 = tpu.memref_slice %arg2[%add3A_50, %dma_start3A_71] : memref<160000x128xf32, #tpu.memory_space<hbm>> -> memref<80x128xf32, #tpu.memory_space<hbm>>
      tpu.enqueue_dma source(%dma_start3A_72 : memref<80x128xf32, #tpu.memory_space<hbm>>) target(%arg13 : memref<80x128xf32, #tpu.memory_space<vmem>>) target_semaphore(%arg18 : memref<!tpu.dma_semaphore, #tpu.memory_space<semaphore_mem>>)
      "tpu.region"() ({
        %run_scoped3A = tpu.sem_alloc : memref<!tpu.dma_semaphore, #tpu.memory_space<semaphore_mem>>
        %dma_start3A_105 = tpu.memref_slice %arg3[%add3A_52] : memref<160000xi32, #tpu.memory_space<hbm>> -> memref<80xi32, #tpu.memory_space<hbm>>
        %dma_start3A_106 = tpu.memref_slice %arg3[%add3A_52] : memref<160000xi32, #tpu.memory_space<hbm>> -> memref<80xi32, #tpu.memory_space<hbm>>
        tpu.enqueue_dma source(%dma_start3A_106 : memref<80xi32, #tpu.memory_space<hbm>>) target(%arg9 : memref<80xi32, #tpu.memory_space<vmem>>) target_semaphore(%run_scoped3A : memref<!tpu.dma_semaphore, #tpu.memory_space<semaphore_mem>>)
        %dma_wait3A_107 = tpu.memref_slice %arg3[%add3A_52] : memref<160000xi32, #tpu.memory_space<hbm>> -> memref<80xi32, #tpu.memory_space<hbm>>
        %dma_wait3A_108 = tpu.memref_slice %arg3[%add3A_52] : memref<160000xi32, #tpu.memory_space<hbm>> -> memref<80xi32, #tpu.memory_space<hbm>>
        tpu.wait_dma2 semaphore(%run_scoped3A : memref<!tpu.dma_semaphore, #tpu.memory_space<semaphore_mem>>) src(%dma_wait3A_108 : memref<80xi32, #tpu.memory_space<hbm>>) dst(%arg9 : memref<80xi32, #tpu.memory_space<vmem>>)
        tpu.yield
      }) : () -> ()
      %dma_start3A_73 = arith.constant 0 : i32
      %dma_start3A_74 = tpu.memref_slice %arg2[%add3A_52, %dma_start3A_73] : memref<160000x128xf32, #tpu.memory_space<hbm>> -> memref<80x128xf32, #tpu.memory_space<hbm>>
      %dma_start3A_75 = arith.constant 0 : i32
      %dma_start3A_76 = tpu.memref_slice %arg2[%add3A_52, %dma_start3A_75] : memref<160000x128xf32, #tpu.memory_space<hbm>> -> memref<80x128xf32, #tpu.memory_space<hbm>>
      tpu.enqueue_dma source(%dma_start3A_76 : memref<80x128xf32, #tpu.memory_space<hbm>>) target(%arg14 : memref<80x128xf32, #tpu.memory_space<vmem>>) target_semaphore(%arg19 : memref<!tpu.dma_semaphore, #tpu.memory_space<semaphore_mem>>)
      %dma_wait3A_77 = arith.constant 0 : i32
      %dma_wait3A_78 = tpu.memref_slice %arg2[%add3A_46, %dma_wait3A_77] : memref<160000x128xf32, #tpu.memory_space<hbm>> -> memref<80x128xf32, #tpu.memory_space<hbm>>
      %dma_wait3A_79 = arith.constant 0 : i32
      %dma_wait3A_80 = tpu.memref_slice %arg2[%add3A_46, %dma_wait3A_79] : memref<160000x128xf32, #tpu.memory_space<hbm>> -> memref<80x128xf32, #tpu.memory_space<hbm>>
      tpu.wait_dma2 semaphore(%arg16 : memref<!tpu.dma_semaphore, #tpu.memory_space<semaphore_mem>>) src(%dma_wait3A_80 : memref<80x128xf32, #tpu.memory_space<hbm>>) dst(%arg11 : memref<80x128xf32, #tpu.memory_space<vmem>>)
      %dma_start3A_81 = arith.constant 0 : i32
      %dma_start3A_82 = arith.constant 0 : i32
      %dma_start3A_83 = tpu.memref_slice %arg15[%dma_start3A_81, %dma_start3A_82] : memref<10000x128xf32, #tpu.memory_space<vmem_shared>> -> memref<10000x128xf32, #tpu.memory_space<vmem_shared>>
      tpu.enqueue_indirect_dma source(%arg11 : memref<80x128xf32, #tpu.memory_space<vmem>>) target(%dma_start3A_83 : memref<10000x128xf32, #tpu.memory_space<vmem_shared>>) offsets(%arg6 : memref<80xi32, #tpu.memory_space<vmem>>) semaphore(%arg20 : memref<!tpu.dma_semaphore, #tpu.memory_space<semaphore_mem>>) {add = true}
      %dma_wait3A_84 = arith.constant 0 : i32
      %dma_wait3A_85 = tpu.memref_slice %arg2[%add3A_48, %dma_wait3A_84] : memref<160000x128xf32, #tpu.memory_space<hbm>> -> memref<80x128xf32, #tpu.memory_space<hbm>>
      %dma_wait3A_86 = arith.constant 0 : i32
      %dma_wait3A_87 = tpu.memref_slice %arg2[%add3A_48, %dma_wait3A_86] : memref<160000x128xf32, #tpu.memory_space<hbm>> -> memref<80x128xf32, #tpu.memory_space<hbm>>
      tpu.wait_dma2 semaphore(%arg17 : memref<!tpu.dma_semaphore, #tpu.memory_space<semaphore_mem>>) src(%dma_wait3A_87 : memref<80x128xf32, #tpu.memory_space<hbm>>) dst(%arg12 : memref<80x128xf32, #tpu.memory_space<vmem>>)
      %dma_start3A_88 = arith.constant 0 : i32
      %dma_start3A_89 = arith.constant 0 : i32
      %dma_start3A_90 = tpu.memref_slice %arg15[%dma_start3A_88, %dma_start3A_89] : memref<10000x128xf32, #tpu.memory_space<vmem_shared>> -> memref<10000x128xf32, #tpu.memory_space<vmem_shared>>
      tpu.enqueue_indirect_dma source(%arg12 : memref<80x128xf32, #tpu.memory_space<vmem>>) target(%dma_start3A_90 : memref<10000x128xf32, #tpu.memory_space<vmem_shared>>) offsets(%arg7 : memref<80xi32, #tpu.memory_space<vmem>>) semaphore(%arg21 : memref<!tpu.dma_semaphore, #tpu.memory_space<semaphore_mem>>) {add = true}
      %dma_wait3A_91 = arith.constant 0 : i32
      %dma_wait3A_92 = tpu.memref_slice %arg2[%add3A_50, %dma_wait3A_91] : memref<160000x128xf32, #tpu.memory_space<hbm>> -> memref<80x128xf32, #tpu.memory_space<hbm>>
      %dma_wait3A_93 = arith.constant 0 : i32
      %dma_wait3A_94 = tpu.memref_slice %arg2[%add3A_50, %dma_wait3A_93] : memref<160000x128xf32, #tpu.memory_space<hbm>> -> memref<80x128xf32, #tpu.memory_space<hbm>>
      tpu.wait_dma2 semaphore(%arg18 : memref<!tpu.dma_semaphore, #tpu.memory_space<semaphore_mem>>) src(%dma_wait3A_94 : memref<80x128xf32, #tpu.memory_space<hbm>>) dst(%arg13 : memref<80x128xf32, #tpu.memory_space<vmem>>)
      %dma_start3A_95 = arith.constant 0 : i32
      %dma_start3A_96 = arith.constant 0 : i32
      %dma_start3A_97 = tpu.memref_slice %arg15[%dma_start3A_95, %dma_start3A_96] : memref<10000x128xf32, #tpu.memory_space<vmem_shared>> -> memref<10000x128xf32, #tpu.memory_space<vmem_shared>>
      tpu.enqueue_indirect_dma source(%arg13 : memref<80x128xf32, #tpu.memory_space<vmem>>) target(%dma_start3A_97 : memref<10000x128xf32, #tpu.memory_space<vmem_shared>>) offsets(%arg8 : memref<80xi32, #tpu.memory_space<vmem>>) semaphore(%arg22 : memref<!tpu.dma_semaphore, #tpu.memory_space<semaphore_mem>>) {add = true}
      %dma_wait3A_98 = arith.constant 0 : i32
      %dma_wait3A_99 = tpu.memref_slice %arg2[%add3A_52, %dma_wait3A_98] : memref<160000x128xf32, #tpu.memory_space<hbm>> -> memref<80x128xf32, #tpu.memory_space<hbm>>
      %dma_wait3A_100 = arith.constant 0 : i32
      %dma_wait3A_101 = tpu.memref_slice %arg2[%add3A_52, %dma_wait3A_100] : memref<160000x128xf32, #tpu.memory_space<hbm>> -> memref<80x128xf32, #tpu.memory_space<hbm>>
      tpu.wait_dma2 semaphore(%arg19 : memref<!tpu.dma_semaphore, #tpu.memory_space<semaphore_mem>>) src(%dma_wait3A_101 : memref<80x128xf32, #tpu.memory_space<hbm>>) dst(%arg14 : memref<80x128xf32, #tpu.memory_space<vmem>>)
      %dma_start3A_102 = arith.constant 0 : i32
      %dma_start3A_103 = arith.constant 0 : i32
      %dma_start3A_104 = tpu.memref_slice %arg15[%dma_start3A_102, %dma_start3A_103] : memref<10000x128xf32, #tpu.memory_space<vmem_shared>> -> memref<10000x128xf32, #tpu.memory_space<vmem_shared>>
      tpu.enqueue_indirect_dma source(%arg14 : memref<80x128xf32, #tpu.memory_space<vmem>>) target(%dma_start3A_104 : memref<10000x128xf32, #tpu.memory_space<vmem_shared>>) offsets(%arg9 : memref<80xi32, #tpu.memory_space<vmem>>) semaphore(%arg23 : memref<!tpu.dma_semaphore, #tpu.memory_space<semaphore_mem>>) {add = true}
    }
    %scan3A_13 = arith.constant 15 : i32
    %dma_wait3A = arith.constant 0 : i32
    %dma_wait3A_14 = arith.constant 0 : i32
    %dma_wait3A_15 = tpu.memref_slice %arg15[%dma_wait3A, %dma_wait3A_14] : memref<10000x128xf32, #tpu.memory_space<vmem_shared>> -> memref<10000x128xf32, #tpu.memory_space<vmem_shared>>
    tpu.wait_indirect_dma semaphore(%arg20 : memref<!tpu.dma_semaphore, #tpu.memory_space<semaphore_mem>>) src(%arg11 : memref<80x128xf32, #tpu.memory_space<vmem>>) dst(%dma_wait3A_15 : memref<10000x128xf32, #tpu.memory_space<vmem_shared>>)
    %dma_wait3A_16 = arith.constant 0 : i32
    %dma_wait3A_17 = arith.constant 0 : i32
    %dma_wait3A_18 = tpu.memref_slice %arg15[%dma_wait3A_16, %dma_wait3A_17] : memref<10000x128xf32, #tpu.memory_space<vmem_shared>> -> memref<10000x128xf32, #tpu.memory_space<vmem_shared>>
    tpu.wait_indirect_dma semaphore(%arg21 : memref<!tpu.dma_semaphore, #tpu.memory_space<semaphore_mem>>) src(%arg12 : memref<80x128xf32, #tpu.memory_space<vmem>>) dst(%dma_wait3A_18 : memref<10000x128xf32, #tpu.memory_space<vmem_shared>>)
    %dma_wait3A_19 = arith.constant 0 : i32
    %dma_wait3A_20 = arith.constant 0 : i32
    %dma_wait3A_21 = tpu.memref_slice %arg15[%dma_wait3A_19, %dma_wait3A_20] : memref<10000x128xf32, #tpu.memory_space<vmem_shared>> -> memref<10000x128xf32, #tpu.memory_space<vmem_shared>>
    tpu.wait_indirect_dma semaphore(%arg22 : memref<!tpu.dma_semaphore, #tpu.memory_space<semaphore_mem>>) src(%arg13 : memref<80x128xf32, #tpu.memory_space<vmem>>) dst(%dma_wait3A_21 : memref<10000x128xf32, #tpu.memory_space<vmem_shared>>)
    %dma_wait3A_22 = arith.constant 0 : i32
    %dma_wait3A_23 = arith.constant 0 : i32
    %dma_wait3A_24 = tpu.memref_slice %arg15[%dma_wait3A_22, %dma_wait3A_23] : memref<10000x128xf32, #tpu.memory_space<vmem_shared>> -> memref<10000x128xf32, #tpu.memory_space<vmem_shared>>
    tpu.wait_indirect_dma semaphore(%arg23 : memref<!tpu.dma_semaphore, #tpu.memory_space<semaphore_mem>>) src(%arg14 : memref<80x128xf32, #tpu.memory_space<vmem>>) dst(%dma_wait3A_24 : memref<10000x128xf32, #tpu.memory_space<vmem_shared>>)
    %add3A_25 = arith.constant 4800 : i32
    %add3A_26 = arith.addi %mul3A_8, %add3A_25 : i32
    "tpu.region"() ({
      %run_scoped3A = tpu.sem_alloc : memref<!tpu.dma_semaphore, #tpu.memory_space<semaphore_mem>>
      %dma_start3A = tpu.memref_slice %arg3[%add3A_26] : memref<160000xi32, #tpu.memory_space<hbm>> -> memref<80xi32, #tpu.memory_space<hbm>>
      %dma_start3A_41 = tpu.memref_slice %arg3[%add3A_26] : memref<160000xi32, #tpu.memory_space<hbm>> -> memref<80xi32, #tpu.memory_space<hbm>>
      tpu.enqueue_dma source(%dma_start3A_41 : memref<80xi32, #tpu.memory_space<hbm>>) target(%arg6 : memref<80xi32, #tpu.memory_space<vmem>>) target_semaphore(%run_scoped3A : memref<!tpu.dma_semaphore, #tpu.memory_space<semaphore_mem>>)
      %dma_wait3A_42 = tpu.memref_slice %arg3[%add3A_26] : memref<160000xi32, #tpu.memory_space<hbm>> -> memref<80xi32, #tpu.memory_space<hbm>>
      %dma_wait3A_43 = tpu.memref_slice %arg3[%add3A_26] : memref<160000xi32, #tpu.memory_space<hbm>> -> memref<80xi32, #tpu.memory_space<hbm>>
      tpu.wait_dma2 semaphore(%run_scoped3A : memref<!tpu.dma_semaphore, #tpu.memory_space<semaphore_mem>>) src(%dma_wait3A_43 : memref<80xi32, #tpu.memory_space<hbm>>) dst(%arg6 : memref<80xi32, #tpu.memory_space<vmem>>)
      tpu.yield
    }) : () -> ()
    "tpu.region"() ({
      %run_scoped3A = tpu.sem_alloc : memref<!tpu.dma_semaphore, #tpu.memory_space<semaphore_mem>>
      %dma_start3A = arith.constant 0 : i32
      %dma_start3A_41 = tpu.memref_slice %arg2[%add3A_26, %dma_start3A] : memref<160000x128xf32, #tpu.memory_space<hbm>> -> memref<80x128xf32, #tpu.memory_space<hbm>>
      %dma_start3A_42 = arith.constant 0 : i32
      %dma_start3A_43 = tpu.memref_slice %arg2[%add3A_26, %dma_start3A_42] : memref<160000x128xf32, #tpu.memory_space<hbm>> -> memref<80x128xf32, #tpu.memory_space<hbm>>
      tpu.enqueue_dma source(%dma_start3A_43 : memref<80x128xf32, #tpu.memory_space<hbm>>) target(%arg11 : memref<80x128xf32, #tpu.memory_space<vmem>>) target_semaphore(%run_scoped3A : memref<!tpu.dma_semaphore, #tpu.memory_space<semaphore_mem>>)
      %dma_wait3A_44 = arith.constant 0 : i32
      %dma_wait3A_45 = tpu.memref_slice %arg2[%add3A_26, %dma_wait3A_44] : memref<160000x128xf32, #tpu.memory_space<hbm>> -> memref<80x128xf32, #tpu.memory_space<hbm>>
      %dma_wait3A_46 = arith.constant 0 : i32
      %dma_wait3A_47 = tpu.memref_slice %arg2[%add3A_26, %dma_wait3A_46] : memref<160000x128xf32, #tpu.memory_space<hbm>> -> memref<80x128xf32, #tpu.memory_space<hbm>>
      tpu.wait_dma2 semaphore(%run_scoped3A : memref<!tpu.dma_semaphore, #tpu.memory_space<semaphore_mem>>) src(%dma_wait3A_47 : memref<80x128xf32, #tpu.memory_space<hbm>>) dst(%arg11 : memref<80x128xf32, #tpu.memory_space<vmem>>)
      tpu.yield
    }) : () -> ()
    "tpu.region"() ({
      %run_scoped3A = tpu.sem_alloc : memref<!tpu.dma_semaphore, #tpu.memory_space<semaphore_mem>>
      %dma_start3A = arith.constant 0 : i32
      %dma_start3A_41 = arith.constant 0 : i32
      %dma_start3A_42 = tpu.memref_slice %arg15[%dma_start3A, %dma_start3A_41] : memref<10000x128xf32, #tpu.memory_space<vmem_shared>> -> memref<10000x128xf32, #tpu.memory_space<vmem_shared>>
      tpu.enqueue_indirect_dma source(%arg11 : memref<80x128xf32, #tpu.memory_space<vmem>>) target(%dma_start3A_42 : memref<10000x128xf32, #tpu.memory_space<vmem_shared>>) offsets(%arg6 : memref<80xi32, #tpu.memory_space<vmem>>) semaphore(%run_scoped3A : memref<!tpu.dma_semaphore, #tpu.memory_space<semaphore_mem>>) {add = true}
      %dma_wait3A_43 = arith.constant 0 : i32
      %dma_wait3A_44 = arith.constant 0 : i32
      %dma_wait3A_45 = tpu.memref_slice %arg15[%dma_wait3A_43, %dma_wait3A_44] : memref<10000x128xf32, #tpu.memory_space<vmem_shared>> -> memref<10000x128xf32, #tpu.memory_space<vmem_shared>>
      tpu.wait_indirect_dma semaphore(%run_scoped3A : memref<!tpu.dma_semaphore, #tpu.memory_space<semaphore_mem>>) src(%arg11 : memref<80x128xf32, #tpu.memory_space<vmem>>) dst(%dma_wait3A_45 : memref<10000x128xf32, #tpu.memory_space<vmem_shared>>)
      tpu.yield
    }) : () -> ()
    %add3A_27 = arith.constant 4880 : i32
    %add3A_28 = arith.addi %mul3A_8, %add3A_27 : i32
    "tpu.region"() ({
      %run_scoped3A = tpu.sem_alloc : memref<!tpu.dma_semaphore, #tpu.memory_space<semaphore_mem>>
      %dma_start3A = tpu.memref_slice %arg3[%add3A_28] : memref<160000xi32, #tpu.memory_space<hbm>> -> memref<80xi32, #tpu.memory_space<hbm>>
      %dma_start3A_41 = tpu.memref_slice %arg3[%add3A_28] : memref<160000xi32, #tpu.memory_space<hbm>> -> memref<80xi32, #tpu.memory_space<hbm>>
      tpu.enqueue_dma source(%dma_start3A_41 : memref<80xi32, #tpu.memory_space<hbm>>) target(%arg6 : memref<80xi32, #tpu.memory_space<vmem>>) target_semaphore(%run_scoped3A : memref<!tpu.dma_semaphore, #tpu.memory_space<semaphore_mem>>)
      %dma_wait3A_42 = tpu.memref_slice %arg3[%add3A_28] : memref<160000xi32, #tpu.memory_space<hbm>> -> memref<80xi32, #tpu.memory_space<hbm>>
      %dma_wait3A_43 = tpu.memref_slice %arg3[%add3A_28] : memref<160000xi32, #tpu.memory_space<hbm>> -> memref<80xi32, #tpu.memory_space<hbm>>
      tpu.wait_dma2 semaphore(%run_scoped3A : memref<!tpu.dma_semaphore, #tpu.memory_space<semaphore_mem>>) src(%dma_wait3A_43 : memref<80xi32, #tpu.memory_space<hbm>>) dst(%arg6 : memref<80xi32, #tpu.memory_space<vmem>>)
      tpu.yield
    }) : () -> ()
    "tpu.region"() ({
      %run_scoped3A = tpu.sem_alloc : memref<!tpu.dma_semaphore, #tpu.memory_space<semaphore_mem>>
      %dma_start3A = arith.constant 0 : i32
      %dma_start3A_41 = tpu.memref_slice %arg2[%add3A_28, %dma_start3A] : memref<160000x128xf32, #tpu.memory_space<hbm>> -> memref<80x128xf32, #tpu.memory_space<hbm>>
      %dma_start3A_42 = arith.constant 0 : i32
      %dma_start3A_43 = tpu.memref_slice %arg2[%add3A_28, %dma_start3A_42] : memref<160000x128xf32, #tpu.memory_space<hbm>> -> memref<80x128xf32, #tpu.memory_space<hbm>>
      tpu.enqueue_dma source(%dma_start3A_43 : memref<80x128xf32, #tpu.memory_space<hbm>>) target(%arg11 : memref<80x128xf32, #tpu.memory_space<vmem>>) target_semaphore(%run_scoped3A : memref<!tpu.dma_semaphore, #tpu.memory_space<semaphore_mem>>)
      %dma_wait3A_44 = arith.constant 0 : i32
      %dma_wait3A_45 = tpu.memref_slice %arg2[%add3A_28, %dma_wait3A_44] : memref<160000x128xf32, #tpu.memory_space<hbm>> -> memref<80x128xf32, #tpu.memory_space<hbm>>
      %dma_wait3A_46 = arith.constant 0 : i32
      %dma_wait3A_47 = tpu.memref_slice %arg2[%add3A_28, %dma_wait3A_46] : memref<160000x128xf32, #tpu.memory_space<hbm>> -> memref<80x128xf32, #tpu.memory_space<hbm>>
      tpu.wait_dma2 semaphore(%run_scoped3A : memref<!tpu.dma_semaphore, #tpu.memory_space<semaphore_mem>>) src(%dma_wait3A_47 : memref<80x128xf32, #tpu.memory_space<hbm>>) dst(%arg11 : memref<80x128xf32, #tpu.memory_space<vmem>>)
      tpu.yield
    }) : () -> ()
    "tpu.region"() ({
      %run_scoped3A = tpu.sem_alloc : memref<!tpu.dma_semaphore, #tpu.memory_space<semaphore_mem>>
      %dma_start3A = arith.constant 0 : i32
      %dma_start3A_41 = arith.constant 0 : i32
      %dma_start3A_42 = tpu.memref_slice %arg15[%dma_start3A, %dma_start3A_41] : memref<10000x128xf32, #tpu.memory_space<vmem_shared>> -> memref<10000x128xf32, #tpu.memory_space<vmem_shared>>
      tpu.enqueue_indirect_dma source(%arg11 : memref<80x128xf32, #tpu.memory_space<vmem>>) target(%dma_start3A_42 : memref<10000x128xf32, #tpu.memory_space<vmem_shared>>) offsets(%arg6 : memref<80xi32, #tpu.memory_space<vmem>>) semaphore(%run_scoped3A : memref<!tpu.dma_semaphore, #tpu.memory_space<semaphore_mem>>) {add = true}
      %dma_wait3A_43 = arith.constant 0 : i32
      %dma_wait3A_44 = arith.constant 0 : i32
      %dma_wait3A_45 = tpu.memref_slice %arg15[%dma_wait3A_43, %dma_wait3A_44] : memref<10000x128xf32, #tpu.memory_space<vmem_shared>> -> memref<10000x128xf32, #tpu.memory_space<vmem_shared>>
      tpu.wait_indirect_dma semaphore(%run_scoped3A : memref<!tpu.dma_semaphore, #tpu.memory_space<semaphore_mem>>) src(%arg11 : memref<80x128xf32, #tpu.memory_space<vmem>>) dst(%dma_wait3A_45 : memref<10000x128xf32, #tpu.memory_space<vmem_shared>>)
      tpu.yield
    }) : () -> ()
    %add3A_29 = arith.constant 4960 : i32
    %add3A_30 = arith.addi %mul3A_8, %add3A_29 : i32
    "tpu.region"() ({
      %run_scoped3A = tpu.sem_alloc : memref<!tpu.dma_semaphore, #tpu.memory_space<semaphore_mem>>
      %dma_start3A = tpu.memref_slice %arg3[%add3A_30] : memref<160000xi32, #tpu.memory_space<hbm>> -> memref<40xi32, #tpu.memory_space<hbm>>
      %dma_start3A_41 = tpu.memref_slice %arg3[%add3A_30] : memref<160000xi32, #tpu.memory_space<hbm>> -> memref<40xi32, #tpu.memory_space<hbm>>
      tpu.enqueue_dma source(%dma_start3A_41 : memref<40xi32, #tpu.memory_space<hbm>>) target(%arg10 : memref<40xi32, #tpu.memory_space<vmem>>) target_semaphore(%run_scoped3A : memref<!tpu.dma_semaphore, #tpu.memory_space<semaphore_mem>>)
      %dma_wait3A_42 = tpu.memref_slice %arg3[%add3A_30] : memref<160000xi32, #tpu.memory_space<hbm>> -> memref<40xi32, #tpu.memory_space<hbm>>
      %dma_wait3A_43 = tpu.memref_slice %arg3[%add3A_30] : memref<160000xi32, #tpu.memory_space<hbm>> -> memref<40xi32, #tpu.memory_space<hbm>>
      tpu.wait_dma2 semaphore(%run_scoped3A : memref<!tpu.dma_semaphore, #tpu.memory_space<semaphore_mem>>) src(%dma_wait3A_43 : memref<40xi32, #tpu.memory_space<hbm>>) dst(%arg10 : memref<40xi32, #tpu.memory_space<vmem>>)
      tpu.yield
    }) : () -> ()
    "tpu.region"() ({
      %run_scoped3A = tpu.sem_alloc : memref<!tpu.dma_semaphore, #tpu.memory_space<semaphore_mem>>
      %dma_start3A = arith.constant 0 : i32
      %dma_start3A_41 = arith.constant 0 : i32
      %dma_start3A_42 = tpu.memref_slice %arg11[%dma_start3A, %dma_start3A_41] : memref<80x128xf32, #tpu.memory_space<vmem>> -> memref<40x128xf32, #tpu.memory_space<vmem>>
      %dma_start3A_43 = arith.constant 0 : i32
      %dma_start3A_44 = tpu.memref_slice %arg2[%add3A_30, %dma_start3A_43] : memref<160000x128xf32, #tpu.memory_space<hbm>> -> memref<40x128xf32, #tpu.memory_space<hbm>>
      %dma_start3A_45 = arith.constant 0 : i32
      %dma_start3A_46 = arith.constant 0 : i32
      %dma_start3A_47 = tpu.memref_slice %arg11[%dma_start3A_45, %dma_start3A_46] : memref<80x128xf32, #tpu.memory_space<vmem>> -> memref<40x128xf32, #tpu.memory_space<vmem>>
      %dma_start3A_48 = arith.constant 0 : i32
      %dma_start3A_49 = tpu.memref_slice %arg2[%add3A_30, %dma_start3A_48] : memref<160000x128xf32, #tpu.memory_space<hbm>> -> memref<40x128xf32, #tpu.memory_space<hbm>>
      tpu.enqueue_dma source(%dma_start3A_49 : memref<40x128xf32, #tpu.memory_space<hbm>>) target(%dma_start3A_47 : memref<40x128xf32, #tpu.memory_space<vmem>>) target_semaphore(%run_scoped3A : memref<!tpu.dma_semaphore, #tpu.memory_space<semaphore_mem>>)
      %dma_wait3A_50 = arith.constant 0 : i32
      %dma_wait3A_51 = arith.constant 0 : i32
      %dma_wait3A_52 = tpu.memref_slice %arg11[%dma_wait3A_50, %dma_wait3A_51] : memref<80x128xf32, #tpu.memory_space<vmem>> -> memref<40x128xf32, #tpu.memory_space<vmem>>
      %dma_wait3A_53 = arith.constant 0 : i32
      %dma_wait3A_54 = tpu.memref_slice %arg2[%add3A_30, %dma_wait3A_53] : memref<160000x128xf32, #tpu.memory_space<hbm>> -> memref<40x128xf32, #tpu.memory_space<hbm>>
      %dma_wait3A_55 = arith.constant 0 : i32
      %dma_wait3A_56 = arith.constant 0 : i32
      %dma_wait3A_57 = tpu.memref_slice %arg11[%dma_wait3A_55, %dma_wait3A_56] : memref<80x128xf32, #tpu.memory_space<vmem>> -> memref<40x128xf32, #tpu.memory_space<vmem>>
      %dma_wait3A_58 = arith.constant 0 : i32
      %dma_wait3A_59 = tpu.memref_slice %arg2[%add3A_30, %dma_wait3A_58] : memref<160000x128xf32, #tpu.memory_space<hbm>> -> memref<40x128xf32, #tpu.memory_space<hbm>>
      tpu.wait_dma2 semaphore(%run_scoped3A : memref<!tpu.dma_semaphore, #tpu.memory_space<semaphore_mem>>) src(%dma_wait3A_59 : memref<40x128xf32, #tpu.memory_space<hbm>>) dst(%dma_wait3A_57 : memref<40x128xf32, #tpu.memory_space<vmem>>)
      tpu.yield
    }) : () -> ()
    "tpu.region"() ({
      %run_scoped3A = tpu.sem_alloc : memref<!tpu.dma_semaphore, #tpu.memory_space<semaphore_mem>>
      %dma_start3A = arith.constant 0 : i32
      %dma_start3A_41 = arith.constant 0 : i32
      %dma_start3A_42 = tpu.memref_slice %arg11[%dma_start3A, %dma_start3A_41] : memref<80x128xf32, #tpu.memory_space<vmem>> -> memref<40x128xf32, #tpu.memory_space<vmem>>
      %dma_start3A_43 = arith.constant 0 : i32
      %dma_start3A_44 = arith.constant 0 : i32
      %dma_start3A_45 = tpu.memref_slice %arg15[%dma_start3A_43, %dma_start3A_44] : memref<10000x128xf32, #tpu.memory_space<vmem_shared>> -> memref<10000x128xf32, #tpu.memory_space<vmem_shared>>
      tpu.enqueue_indirect_dma source(%dma_start3A_42 : memref<40x128xf32, #tpu.memory_space<vmem>>) target(%dma_start3A_45 : memref<10000x128xf32, #tpu.memory_space<vmem_shared>>) offsets(%arg10 : memref<40xi32, #tpu.memory_space<vmem>>) semaphore(%run_scoped3A : memref<!tpu.dma_semaphore, #tpu.memory_space<semaphore_mem>>) {add = true}
      %dma_wait3A_46 = arith.constant 0 : i32
      %dma_wait3A_47 = arith.constant 0 : i32
      %dma_wait3A_48 = tpu.memref_slice %arg11[%dma_wait3A_46, %dma_wait3A_47] : memref<80x128xf32, #tpu.memory_space<vmem>> -> memref<40x128xf32, #tpu.memory_space<vmem>>
      %dma_wait3A_49 = arith.constant 0 : i32
      %dma_wait3A_50 = arith.constant 0 : i32
      %dma_wait3A_51 = tpu.memref_slice %arg15[%dma_wait3A_49, %dma_wait3A_50] : memref<10000x128xf32, #tpu.memory_space<vmem_shared>> -> memref<10000x128xf32, #tpu.memory_space<vmem_shared>>
      tpu.wait_indirect_dma semaphore(%run_scoped3A : memref<!tpu.dma_semaphore, #tpu.memory_space<semaphore_mem>>) src(%dma_wait3A_48 : memref<40x128xf32, #tpu.memory_space<vmem>>) dst(%dma_wait3A_51 : memref<10000x128xf32, #tpu.memory_space<vmem_shared>>)
      tpu.yield
    }) : () -> ()
    %barrier3A_31 = arith.constant 0 : index
    tpu.barrier barrier_id(%barrier3A_31)
    %mul3A_32 = arith.constant 624 : i32
    %mul3A_33 = arith.muli %arg1, %mul3A_32 : i32
    %mul3A_34 = arith.constant 624 : i32
    %mul3A_35 = arith.muli %arg1, %mul3A_34 : i32
    "tpu.region"() ({
      %run_scoped3A = tpu.sem_alloc : memref<!tpu.dma_semaphore, #tpu.memory_space<semaphore_mem>>
      %dma_start3A = arith.constant 0 : i32
      %dma_start3A_41 = tpu.memref_slice %arg5[%arg0, %mul3A_35, %dma_start3A] : memref<2x10000x128xf32, #tpu.memory_space<hbm>> -> memref<1x624x128xf32, #tpu.memory_space<hbm>>
      %dma_start3A_42 = tpu.memref_squeeze %dma_start3A_41 : memref<1x624x128xf32, #tpu.memory_space<hbm>> -> memref<624x128xf32, #tpu.memory_space<hbm>>
      %dma_start3A_43 = arith.constant 0 : i32
      %dma_start3A_44 = tpu.memref_slice %arg15[%mul3A_33, %dma_start3A_43] : memref<10000x128xf32, #tpu.memory_space<vmem_shared>> -> memref<624x128xf32, #tpu.memory_space<vmem_shared>>
      tpu.enqueue_dma source(%dma_start3A_44 : memref<624x128xf32, #tpu.memory_space<vmem_shared>>) target(%dma_start3A_42 : memref<624x128xf32, #tpu.memory_space<hbm>>) target_semaphore(%run_scoped3A : memref<!tpu.dma_semaphore, #tpu.memory_space<semaphore_mem>>)
      %dma_wait3A_45 = arith.constant 0 : i32
      %dma_wait3A_46 = tpu.memref_slice %arg5[%arg0, %mul3A_35, %dma_wait3A_45] : memref<2x10000x128xf32, #tpu.memory_space<hbm>> -> memref<1x624x128xf32, #tpu.memory_space<hbm>>
      %dma_wait3A_47 = tpu.memref_squeeze %dma_wait3A_46 : memref<1x624x128xf32, #tpu.memory_space<hbm>> -> memref<624x128xf32, #tpu.memory_space<hbm>>
      %dma_wait3A_48 = arith.constant 0 : i32
      %dma_wait3A_49 = tpu.memref_slice %arg15[%mul3A_33, %dma_wait3A_48] : memref<10000x128xf32, #tpu.memory_space<vmem_shared>> -> memref<624x128xf32, #tpu.memory_space<vmem_shared>>
      tpu.wait_dma2 semaphore(%run_scoped3A : memref<!tpu.dma_semaphore, #tpu.memory_space<semaphore_mem>>) src(%dma_wait3A_49 : memref<624x128xf32, #tpu.memory_space<vmem_shared>>) dst(%dma_wait3A_47 : memref<624x128xf32, #tpu.memory_space<hbm>>)
      tpu.yield
    }) : () -> ()
    %eq3A_36 = arith.constant 15 : i32
    %eq3A_37 = arith.cmpi eq, %arg1, %eq3A_36 : i32
    %convert_element_type3A_38 = arith.extui %eq3A_37 : i1 to i32
    %cond3A_39 = arith.constant 0 : i32
    %cond3A_40 = arith.cmpi ne, %convert_element_type3A_38, %cond3A_39 : i32
    scf.if %cond3A_40 {
      "tpu.region"() ({
        %run_scoped3A = tpu.sem_alloc : memref<!tpu.dma_semaphore, #tpu.memory_space<semaphore_mem>>
        %dma_start3A = arith.constant 9984 : i32
        %dma_start3A_41 = arith.constant 0 : i32
        %dma_start3A_42 = tpu.memref_slice %arg5[%arg0, %dma_start3A, %dma_start3A_41] : memref<2x10000x128xf32, #tpu.memory_space<hbm>> -> memref<1x16x128xf32, #tpu.memory_space<hbm>>
        %dma_start3A_43 = tpu.memref_squeeze %dma_start3A_42 : memref<1x16x128xf32, #tpu.memory_space<hbm>> -> memref<16x128xf32, #tpu.memory_space<hbm>>
        %dma_start3A_44 = arith.constant 9984 : i32
        %dma_start3A_45 = arith.constant 0 : i32
        %dma_start3A_46 = tpu.memref_slice %arg15[%dma_start3A_44, %dma_start3A_45] : memref<10000x128xf32, #tpu.memory_space<vmem_shared>> -> memref<16x128xf32, #tpu.memory_space<vmem_shared>>
        tpu.enqueue_dma source(%dma_start3A_46 : memref<16x128xf32, #tpu.memory_space<vmem_shared>>) target(%dma_start3A_43 : memref<16x128xf32, #tpu.memory_space<hbm>>) target_semaphore(%run_scoped3A : memref<!tpu.dma_semaphore, #tpu.memory_space<semaphore_mem>>)
        %dma_wait3A_47 = arith.constant 9984 : i32
        %dma_wait3A_48 = arith.constant 0 : i32
        %dma_wait3A_49 = tpu.memref_slice %arg5[%arg0, %dma_wait3A_47, %dma_wait3A_48] : memref<2x10000x128xf32, #tpu.memory_space<hbm>> -> memref<1x16x128xf32, #tpu.memory_space<hbm>>
        %dma_wait3A_50 = tpu.memref_squeeze %dma_wait3A_49 : memref<1x16x128xf32, #tpu.memory_space<hbm>> -> memref<16x128xf32, #tpu.memory_space<hbm>>
        %dma_wait3A_51 = arith.constant 9984 : i32
        %dma_wait3A_52 = arith.constant 0 : i32
        %dma_wait3A_53 = tpu.memref_slice %arg15[%dma_wait3A_51, %dma_wait3A_52] : memref<10000x128xf32, #tpu.memory_space<vmem_shared>> -> memref<16x128xf32, #tpu.memory_space<vmem_shared>>
        tpu.wait_dma2 semaphore(%run_scoped3A : memref<!tpu.dma_semaphore, #tpu.memory_space<semaphore_mem>>) src(%dma_wait3A_53 : memref<16x128xf32, #tpu.memory_space<vmem_shared>>) dst(%dma_wait3A_50 : memref<16x128xf32, #tpu.memory_space<hbm>>)
        tpu.yield
      }) : () -> ()
    } else {
    }
    return
  }
}

#map = affine_map<(d0, d1) -> (0, 0)>
#map1 = affine_map<(d0, d1) -> (0)>
module attributes {stable_mosaic.version = 14 : i64} {
  func.func @_gather_body(%arg0: i32, %arg1: i32, %arg2: memref<10000x128xf32, #tpu.memory_space<hbm>>, %arg3: memref<10000x128xf32, #tpu.memory_space<hbm>>, %arg4: memref<160000xi32, #tpu.memory_space<hbm>>, %arg5: memref<160000xi32, #tpu.memory_space<hbm>>, %arg6: memref<160000x128xf32, #tpu.memory_space<hbm>>, %arg7: memref<5000xi32, #tpu.memory_space<vmem>>, %arg8: memref<5000xi32, #tpu.memory_space<vmem>>, %arg9: memref<128x128xf32, #tpu.memory_space<vmem>>, %arg10: memref<128x128xf32, #tpu.memory_space<vmem>>, %arg11: memref<128x128xf32, #tpu.memory_space<vmem>>, %arg12: memref<128x128xf32, #tpu.memory_space<vmem>>, %arg13: memref<128x128xf32, #tpu.memory_space<vmem>>, %arg14: memref<128x128xf32, #tpu.memory_space<vmem>>, %arg15: memref<!tpu.dma_semaphore, #tpu.memory_space<semaphore_mem>>, %arg16: memref<!tpu.dma_semaphore, #tpu.memory_space<semaphore_mem>>, %arg17: memref<!tpu.dma_semaphore, #tpu.memory_space<semaphore_mem>>, %arg18: memref<!tpu.dma_semaphore, #tpu.memory_space<semaphore_mem>>) attributes {dimension_semantics = [#tpu.dimension_semantics<core_parallel>, #tpu.dimension_semantics<subcore_parallel>], iteration_bounds = array<i64: 2, 16>, scalar_prefetch = 0 : i64, scratch_operands = 12 : i64, tpu.core_type = #tpu.core_type<sc_vector_subcore>, window_params = [{transform_indices = #map}, {transform_indices = #map}, {transform_indices = #map1}, {transform_indices = #map1}, {transform_indices = #map}]} {
    %mul3A = arith.constant 2 : i32
    %mul3A_0 = arith.muli %arg1, %mul3A : i32
    %add3A = arith.addi %mul3A_0, %arg0 : i32
    %mul3A_1 = arith.constant 5000 : i32
    %mul3A_2 = arith.muli %add3A, %mul3A_1 : i32
    "tpu.region"() ({
      %run_scoped3A = tpu.sem_alloc : memref<!tpu.dma_semaphore, #tpu.memory_space<semaphore_mem>>
      %dma_start3A_82 = tpu.memref_slice %arg4[%mul3A_2] : memref<160000xi32, #tpu.memory_space<hbm>> -> memref<5000xi32, #tpu.memory_space<hbm>>
      %dma_start3A_83 = tpu.memref_slice %arg4[%mul3A_2] : memref<160000xi32, #tpu.memory_space<hbm>> -> memref<5000xi32, #tpu.memory_space<hbm>>
      tpu.enqueue_dma source(%dma_start3A_83 : memref<5000xi32, #tpu.memory_space<hbm>>) target(%arg7 : memref<5000xi32, #tpu.memory_space<vmem>>) target_semaphore(%run_scoped3A : memref<!tpu.dma_semaphore, #tpu.memory_space<semaphore_mem>>)
      %dma_wait3A_84 = tpu.memref_slice %arg4[%mul3A_2] : memref<160000xi32, #tpu.memory_space<hbm>> -> memref<5000xi32, #tpu.memory_space<hbm>>
      %dma_wait3A_85 = tpu.memref_slice %arg4[%mul3A_2] : memref<160000xi32, #tpu.memory_space<hbm>> -> memref<5000xi32, #tpu.memory_space<hbm>>
      tpu.wait_dma2 semaphore(%run_scoped3A : memref<!tpu.dma_semaphore, #tpu.memory_space<semaphore_mem>>) src(%dma_wait3A_85 : memref<5000xi32, #tpu.memory_space<hbm>>) dst(%arg7 : memref<5000xi32, #tpu.memory_space<vmem>>)
      tpu.yield
    }) : () -> ()
    "tpu.region"() ({
      %run_scoped3A = tpu.sem_alloc : memref<!tpu.dma_semaphore, #tpu.memory_space<semaphore_mem>>
      %dma_start3A_82 = tpu.memref_slice %arg5[%mul3A_2] : memref<160000xi32, #tpu.memory_space<hbm>> -> memref<5000xi32, #tpu.memory_space<hbm>>
      %dma_start3A_83 = tpu.memref_slice %arg5[%mul3A_2] : memref<160000xi32, #tpu.memory_space<hbm>> -> memref<5000xi32, #tpu.memory_space<hbm>>
      tpu.enqueue_dma source(%dma_start3A_83 : memref<5000xi32, #tpu.memory_space<hbm>>) target(%arg8 : memref<5000xi32, #tpu.memory_space<vmem>>) target_semaphore(%run_scoped3A : memref<!tpu.dma_semaphore, #tpu.memory_space<semaphore_mem>>)
      %dma_wait3A_84 = tpu.memref_slice %arg5[%mul3A_2] : memref<160000xi32, #tpu.memory_space<hbm>> -> memref<5000xi32, #tpu.memory_space<hbm>>
      %dma_wait3A_85 = tpu.memref_slice %arg5[%mul3A_2] : memref<160000xi32, #tpu.memory_space<hbm>> -> memref<5000xi32, #tpu.memory_space<hbm>>
      tpu.wait_dma2 semaphore(%run_scoped3A : memref<!tpu.dma_semaphore, #tpu.memory_space<semaphore_mem>>) src(%dma_wait3A_85 : memref<5000xi32, #tpu.memory_space<hbm>>) dst(%arg8 : memref<5000xi32, #tpu.memory_space<vmem>>)
      tpu.yield
    }) : () -> ()
    %scan3A = arith.constant 0 : i32
    %scan3A_3 = arith.constant 0 : i32
    %scan3A_4 = arith.constant 19 : i32
    %scan3A_5 = arith.addi %scan3A_3, %scan3A_4 : i32
    %scan3A_6 = arith.constant 1 : i32
    scf.for %scan3A_82 = %scan3A_3 to %scan3A_5 step %scan3A_6  : i32 {
      %mul3A_83 = arith.constant 2 : i32
      %mul3A_84 = arith.muli %mul3A_83, %scan3A_82 : i32
      %mul3A_85 = arith.constant 128 : i32
      %mul3A_86 = arith.muli %mul3A_84, %mul3A_85 : i32
      %add3A_87 = arith.constant 128 : i32
      %add3A_88 = arith.addi %mul3A_86, %add3A_87 : i32
      %dma_start3A_89 = tpu.memref_slice %arg7[%mul3A_86] : memref<5000xi32, #tpu.memory_space<vmem>> -> memref<128xi32, #tpu.memory_space<vmem>>
      %dma_start3A_90 = arith.constant 0 : i32
      %dma_start3A_91 = arith.constant 0 : i32
      %dma_start3A_92 = tpu.memref_slice %arg2[%dma_start3A_90, %dma_start3A_91] : memref<10000x128xf32, #tpu.memory_space<hbm>> -> memref<10000x128xf32, #tpu.memory_space<hbm>>
      tpu.enqueue_indirect_dma source(%dma_start3A_92 : memref<10000x128xf32, #tpu.memory_space<hbm>>) target(%arg9 : memref<128x128xf32, #tpu.memory_space<vmem>>) offsets(%dma_start3A_89 : memref<128xi32, #tpu.memory_space<vmem>>) semaphore(%arg15 : memref<!tpu.dma_semaphore, #tpu.memory_space<semaphore_mem>>)
      %dma_start3A_93 = tpu.memref_slice %arg8[%mul3A_86] : memref<5000xi32, #tpu.memory_space<vmem>> -> memref<128xi32, #tpu.memory_space<vmem>>
      %dma_start3A_94 = arith.constant 0 : i32
      %dma_start3A_95 = arith.constant 0 : i32
      %dma_start3A_96 = tpu.memref_slice %arg3[%dma_start3A_94, %dma_start3A_95] : memref<10000x128xf32, #tpu.memory_space<hbm>> -> memref<10000x128xf32, #tpu.memory_space<hbm>>
      tpu.enqueue_indirect_dma source(%dma_start3A_96 : memref<10000x128xf32, #tpu.memory_space<hbm>>) target(%arg10 : memref<128x128xf32, #tpu.memory_space<vmem>>) offsets(%dma_start3A_93 : memref<128xi32, #tpu.memory_space<vmem>>) semaphore(%arg15 : memref<!tpu.dma_semaphore, #tpu.memory_space<semaphore_mem>>)
      %dma_start3A_97 = tpu.memref_slice %arg7[%add3A_88] : memref<5000xi32, #tpu.memory_space<vmem>> -> memref<128xi32, #tpu.memory_space<vmem>>
      %dma_start3A_98 = arith.constant 0 : i32
      %dma_start3A_99 = arith.constant 0 : i32
      %dma_start3A_100 = tpu.memref_slice %arg2[%dma_start3A_98, %dma_start3A_99] : memref<10000x128xf32, #tpu.memory_space<hbm>> -> memref<10000x128xf32, #tpu.memory_space<hbm>>
      tpu.enqueue_indirect_dma source(%dma_start3A_100 : memref<10000x128xf32, #tpu.memory_space<hbm>>) target(%arg12 : memref<128x128xf32, #tpu.memory_space<vmem>>) offsets(%dma_start3A_97 : memref<128xi32, #tpu.memory_space<vmem>>) semaphore(%arg16 : memref<!tpu.dma_semaphore, #tpu.memory_space<semaphore_mem>>)
      %dma_start3A_101 = tpu.memref_slice %arg8[%add3A_88] : memref<5000xi32, #tpu.memory_space<vmem>> -> memref<128xi32, #tpu.memory_space<vmem>>
      %dma_start3A_102 = arith.constant 0 : i32
      %dma_start3A_103 = arith.constant 0 : i32
      %dma_start3A_104 = tpu.memref_slice %arg3[%dma_start3A_102, %dma_start3A_103] : memref<10000x128xf32, #tpu.memory_space<hbm>> -> memref<10000x128xf32, #tpu.memory_space<hbm>>
      tpu.enqueue_indirect_dma source(%dma_start3A_104 : memref<10000x128xf32, #tpu.memory_space<hbm>>) target(%arg13 : memref<128x128xf32, #tpu.memory_space<vmem>>) offsets(%dma_start3A_101 : memref<128xi32, #tpu.memory_space<vmem>>) semaphore(%arg16 : memref<!tpu.dma_semaphore, #tpu.memory_space<semaphore_mem>>)
      %dma_wait3A_105 = tpu.memref_slice %arg7[%mul3A_86] : memref<5000xi32, #tpu.memory_space<vmem>> -> memref<128xi32, #tpu.memory_space<vmem>>
      %dma_wait3A_106 = arith.constant 0 : i32
      %dma_wait3A_107 = arith.constant 0 : i32
      %dma_wait3A_108 = tpu.memref_slice %arg2[%dma_wait3A_106, %dma_wait3A_107] : memref<10000x128xf32, #tpu.memory_space<hbm>> -> memref<10000x128xf32, #tpu.memory_space<hbm>>
      tpu.wait_indirect_dma semaphore(%arg15 : memref<!tpu.dma_semaphore, #tpu.memory_space<semaphore_mem>>) src(%dma_wait3A_108 : memref<10000x128xf32, #tpu.memory_space<hbm>>) dst(%arg9 : memref<128x128xf32, #tpu.memory_space<vmem>>)
      %dma_wait3A_109 = tpu.memref_slice %arg8[%mul3A_86] : memref<5000xi32, #tpu.memory_space<vmem>> -> memref<128xi32, #tpu.memory_space<vmem>>
      %dma_wait3A_110 = arith.constant 0 : i32
      %dma_wait3A_111 = arith.constant 0 : i32
      %dma_wait3A_112 = tpu.memref_slice %arg3[%dma_wait3A_110, %dma_wait3A_111] : memref<10000x128xf32, #tpu.memory_space<hbm>> -> memref<10000x128xf32, #tpu.memory_space<hbm>>
      tpu.wait_indirect_dma semaphore(%arg15 : memref<!tpu.dma_semaphore, #tpu.memory_space<semaphore_mem>>) src(%dma_wait3A_112 : memref<10000x128xf32, #tpu.memory_space<hbm>>) dst(%arg10 : memref<128x128xf32, #tpu.memory_space<vmem>>)
      %gt3A = arith.constant 0 : i32
      %gt3A_113 = arith.cmpi sgt, %scan3A_82, %gt3A : i32
      %convert_element_type3A = arith.extui %gt3A_113 : i1 to i32
      %cond3A = arith.constant 0 : i32
      %cond3A_114 = arith.cmpi ne, %convert_element_type3A, %cond3A : i32
      scf.if %cond3A_114 {
        %dma_wait3A_150 = arith.constant 0 : i32
        %dma_wait3A_151 = tpu.memref_slice %arg6[%mul3A_2, %dma_wait3A_150] : memref<160000x128xf32, #tpu.memory_space<hbm>> -> memref<128x128xf32, #tpu.memory_space<hbm>>
        %dma_wait3A_152 = arith.constant 0 : i32
        %dma_wait3A_153 = tpu.memref_slice %arg6[%mul3A_2, %dma_wait3A_152] : memref<160000x128xf32, #tpu.memory_space<hbm>> -> memref<128x128xf32, #tpu.memory_space<hbm>>
        tpu.wait_dma2 semaphore(%arg17 : memref<!tpu.dma_semaphore, #tpu.memory_space<semaphore_mem>>) src(%arg11 : memref<128x128xf32, #tpu.memory_space<vmem>>) dst(%dma_wait3A_153 : memref<128x128xf32, #tpu.memory_space<hbm>>)
      } else {
      }
      %scan3A_115 = arith.constant 0 : i32
      %scan3A_116 = arith.constant 0 : i32
      %scan3A_117 = arith.constant 128 : i32
      %scan3A_118 = arith.addi %scan3A_116, %scan3A_117 : i32
      %scan3A_119 = arith.constant 1 : i32
      scf.for %scan3A_150 = %scan3A_116 to %scan3A_118 step %scan3A_119  : i32 {
        %get3A = arith.index_cast %scan3A_150 : i32 to index
        %get3A_151 = arith.constant 0 : index
        %get3A_152 = tpu.vector_load %arg9[%get3A, %get3A_151] {strides = array<i32>} : memref<128x128xf32, #tpu.memory_space<vmem>>, vector<1x16xf32>,
        %get3A_153 = vector.shape_cast %get3A_152 : vector<1x16xf32> to vector<16xf32>
        %get3A_154 = arith.index_cast %scan3A_150 : i32 to index
        %get3A_155 = arith.constant 0 : index
        %get3A_156 = tpu.vector_load %arg10[%get3A_154, %get3A_155] {strides = array<i32>} : memref<128x128xf32, #tpu.memory_space<vmem>>, vector<1x16xf32>,
        %get3A_157 = vector.shape_cast %get3A_156 : vector<1x16xf32> to vector<16xf32>
        %add3A_158 = arith.addf %get3A_153, %get3A_157 : vector<16xf32>
        %swap3A = arith.index_cast %scan3A_150 : i32 to index
        %swap3A_159 = arith.constant 0 : index
        %swap3A_160 = tpu.vector_load %arg11[%swap3A, %swap3A_159] {strides = array<i32>} : memref<128x128xf32, #tpu.memory_space<vmem>>, vector<1x16xf32>,
        %swap3A_161 = vector.shape_cast %swap3A_160 : vector<1x16xf32> to vector<16xf32>
        %swap3A_162 = vector.shape_cast %add3A_158 : vector<16xf32> to vector<1x16xf32>
        tpu.vector_store %arg11[%swap3A, %swap3A_159], %swap3A_162 {strides = array<i32>} : memref<128x128xf32, #tpu.memory_space<vmem>>, vector<1x16xf32>,
        %get3A_163 = arith.index_cast %scan3A_150 : i32 to index
        %get3A_164 = arith.constant 16 : index
        %get3A_165 = tpu.vector_load %arg9[%get3A_163, %get3A_164] {strides = array<i32>} : memref<128x128xf32, #tpu.memory_space<vmem>>, vector<1x16xf32>,
        %get3A_166 = vector.shape_cast %get3A_165 : vector<1x16xf32> to vector<16xf32>
        %get3A_167 = arith.index_cast %scan3A_150 : i32 to index
        %get3A_168 = arith.constant 16 : index
        %get3A_169 = tpu.vector_load %arg10[%get3A_167, %get3A_168] {strides = array<i32>} : memref<128x128xf32, #tpu.memory_space<vmem>>, vector<1x16xf32>,
        %get3A_170 = vector.shape_cast %get3A_169 : vector<1x16xf32> to vector<16xf32>
        %add3A_171 = arith.addf %get3A_166, %get3A_170 : vector<16xf32>
        %swap3A_172 = arith.index_cast %scan3A_150 : i32 to index
        %swap3A_173 = arith.constant 16 : index
        %swap3A_174 = tpu.vector_load %arg11[%swap3A_172, %swap3A_173] {strides = array<i32>} : memref<128x128xf32, #tpu.memory_space<vmem>>, vector<1x16xf32>,
        %swap3A_175 = vector.shape_cast %swap3A_174 : vector<1x16xf32> to vector<16xf32>
        %swap3A_176 = vector.shape_cast %add3A_171 : vector<16xf32> to vector<1x16xf32>
        tpu.vector_store %arg11[%swap3A_172, %swap3A_173], %swap3A_176 {strides = array<i32>} : memref<128x128xf32, #tpu.memory_space<vmem>>, vector<1x16xf32>,
        %get3A_177 = arith.index_cast %scan3A_150 : i32 to index
        %get3A_178 = arith.constant 32 : index
        %get3A_179 = tpu.vector_load %arg9[%get3A_177, %get3A_178] {strides = array<i32>} : memref<128x128xf32, #tpu.memory_space<vmem>>, vector<1x16xf32>,
        %get3A_180 = vector.shape_cast %get3A_179 : vector<1x16xf32> to vector<16xf32>
        %get3A_181 = arith.index_cast %scan3A_150 : i32 to index
        %get3A_182 = arith.constant 32 : index
        %get3A_183 = tpu.vector_load %arg10[%get3A_181, %get3A_182] {strides = array<i32>} : memref<128x128xf32, #tpu.memory_space<vmem>>, vector<1x16xf32>,
        %get3A_184 = vector.shape_cast %get3A_183 : vector<1x16xf32> to vector<16xf32>
        %add3A_185 = arith.addf %get3A_180, %get3A_184 : vector<16xf32>
        %swap3A_186 = arith.index_cast %scan3A_150 : i32 to index
        %swap3A_187 = arith.constant 32 : index
        %swap3A_188 = tpu.vector_load %arg11[%swap3A_186, %swap3A_187] {strides = array<i32>} : memref<128x128xf32, #tpu.memory_space<vmem>>, vector<1x16xf32>,
        %swap3A_189 = vector.shape_cast %swap3A_188 : vector<1x16xf32> to vector<16xf32>
        %swap3A_190 = vector.shape_cast %add3A_185 : vector<16xf32> to vector<1x16xf32>
        tpu.vector_store %arg11[%swap3A_186, %swap3A_187], %swap3A_190 {strides = array<i32>} : memref<128x128xf32, #tpu.memory_space<vmem>>, vector<1x16xf32>,
        %get3A_191 = arith.index_cast %scan3A_150 : i32 to index
        %get3A_192 = arith.constant 48 : index
        %get3A_193 = tpu.vector_load %arg9[%get3A_191, %get3A_192] {strides = array<i32>} : memref<128x128xf32, #tpu.memory_space<vmem>>, vector<1x16xf32>,
        %get3A_194 = vector.shape_cast %get3A_193 : vector<1x16xf32> to vector<16xf32>
        %get3A_195 = arith.index_cast %scan3A_150 : i32 to index
        %get3A_196 = arith.constant 48 : index
        %get3A_197 = tpu.vector_load %arg10[%get3A_195, %get3A_196] {strides = array<i32>} : memref<128x128xf32, #tpu.memory_space<vmem>>, vector<1x16xf32>,
        %get3A_198 = vector.shape_cast %get3A_197 : vector<1x16xf32> to vector<16xf32>
        %add3A_199 = arith.addf %get3A_194, %get3A_198 : vector<16xf32>
        %swap3A_200 = arith.index_cast %scan3A_150 : i32 to index
        %swap3A_201 = arith.constant 48 : index
        %swap3A_202 = tpu.vector_load %arg11[%swap3A_200, %swap3A_201] {strides = array<i32>} : memref<128x128xf32, #tpu.memory_space<vmem>>, vector<1x16xf32>,
        %swap3A_203 = vector.shape_cast %swap3A_202 : vector<1x16xf32> to vector<16xf32>
        %swap3A_204 = vector.shape_cast %add3A_199 : vector<16xf32> to vector<1x16xf32>
        tpu.vector_store %arg11[%swap3A_200, %swap3A_201], %swap3A_204 {strides = array<i32>} : memref<128x128xf32, #tpu.memory_space<vmem>>, vector<1x16xf32>,
        %get3A_205 = arith.index_cast %scan3A_150 : i32 to index
        %get3A_206 = arith.constant 64 : index
        %get3A_207 = tpu.vector_load %arg9[%get3A_205, %get3A_206] {strides = array<i32>} : memref<128x128xf32, #tpu.memory_space<vmem>>, vector<1x16xf32>,
        %get3A_208 = vector.shape_cast %get3A_207 : vector<1x16xf32> to vector<16xf32>
        %get3A_209 = arith.index_cast %scan3A_150 : i32 to index
        %get3A_210 = arith.constant 64 : index
        %get3A_211 = tpu.vector_load %arg10[%get3A_209, %get3A_210] {strides = array<i32>} : memref<128x128xf32, #tpu.memory_space<vmem>>, vector<1x16xf32>,
        %get3A_212 = vector.shape_cast %get3A_211 : vector<1x16xf32> to vector<16xf32>
        %add3A_213 = arith.addf %get3A_208, %get3A_212 : vector<16xf32>
        %swap3A_214 = arith.index_cast %scan3A_150 : i32 to index
        %swap3A_215 = arith.constant 64 : index
        %swap3A_216 = tpu.vector_load %arg11[%swap3A_214, %swap3A_215] {strides = array<i32>} : memref<128x128xf32, #tpu.memory_space<vmem>>, vector<1x16xf32>,
        %swap3A_217 = vector.shape_cast %swap3A_216 : vector<1x16xf32> to vector<16xf32>
        %swap3A_218 = vector.shape_cast %add3A_213 : vector<16xf32> to vector<1x16xf32>
        tpu.vector_store %arg11[%swap3A_214, %swap3A_215], %swap3A_218 {strides = array<i32>} : memref<128x128xf32, #tpu.memory_space<vmem>>, vector<1x16xf32>,
        %get3A_219 = arith.index_cast %scan3A_150 : i32 to index
        %get3A_220 = arith.constant 80 : index
        %get3A_221 = tpu.vector_load %arg9[%get3A_219, %get3A_220] {strides = array<i32>} : memref<128x128xf32, #tpu.memory_space<vmem>>, vector<1x16xf32>,
        %get3A_222 = vector.shape_cast %get3A_221 : vector<1x16xf32> to vector<16xf32>
        %get3A_223 = arith.index_cast %scan3A_150 : i32 to index
        %get3A_224 = arith.constant 80 : index
        %get3A_225 = tpu.vector_load %arg10[%get3A_223, %get3A_224] {strides = array<i32>} : memref<128x128xf32, #tpu.memory_space<vmem>>, vector<1x16xf32>,
        %get3A_226 = vector.shape_cast %get3A_225 : vector<1x16xf32> to vector<16xf32>
        %add3A_227 = arith.addf %get3A_222, %get3A_226 : vector<16xf32>
        %swap3A_228 = arith.index_cast %scan3A_150 : i32 to index
        %swap3A_229 = arith.constant 80 : index
        %swap3A_230 = tpu.vector_load %arg11[%swap3A_228, %swap3A_229] {strides = array<i32>} : memref<128x128xf32, #tpu.memory_space<vmem>>, vector<1x16xf32>,
        %swap3A_231 = vector.shape_cast %swap3A_230 : vector<1x16xf32> to vector<16xf32>
        %swap3A_232 = vector.shape_cast %add3A_227 : vector<16xf32> to vector<1x16xf32>
        tpu.vector_store %arg11[%swap3A_228, %swap3A_229], %swap3A_232 {strides = array<i32>} : memref<128x128xf32, #tpu.memory_space<vmem>>, vector<1x16xf32>,
        %get3A_233 = arith.index_cast %scan3A_150 : i32 to index
        %get3A_234 = arith.constant 96 : index
        %get3A_235 = tpu.vector_load %arg9[%get3A_233, %get3A_234] {strides = array<i32>} : memref<128x128xf32, #tpu.memory_space<vmem>>, vector<1x16xf32>,
        %get3A_236 = vector.shape_cast %get3A_235 : vector<1x16xf32> to vector<16xf32>
        %get3A_237 = arith.index_cast %scan3A_150 : i32 to index
        %get3A_238 = arith.constant 96 : index
        %get3A_239 = tpu.vector_load %arg10[%get3A_237, %get3A_238] {strides = array<i32>} : memref<128x128xf32, #tpu.memory_space<vmem>>, vector<1x16xf32>,
        %get3A_240 = vector.shape_cast %get3A_239 : vector<1x16xf32> to vector<16xf32>
        %add3A_241 = arith.addf %get3A_236, %get3A_240 : vector<16xf32>
        %swap3A_242 = arith.index_cast %scan3A_150 : i32 to index
        %swap3A_243 = arith.constant 96 : index
        %swap3A_244 = tpu.vector_load %arg11[%swap3A_242, %swap3A_243] {strides = array<i32>} : memref<128x128xf32, #tpu.memory_space<vmem>>, vector<1x16xf32>,
        %swap3A_245 = vector.shape_cast %swap3A_244 : vector<1x16xf32> to vector<16xf32>
        %swap3A_246 = vector.shape_cast %add3A_241 : vector<16xf32> to vector<1x16xf32>
        tpu.vector_store %arg11[%swap3A_242, %swap3A_243], %swap3A_246 {strides = array<i32>} : memref<128x128xf32, #tpu.memory_space<vmem>>, vector<1x16xf32>,
        %get3A_247 = arith.index_cast %scan3A_150 : i32 to index
        %get3A_248 = arith.constant 112 : index
        %get3A_249 = tpu.vector_load %arg9[%get3A_247, %get3A_248] {strides = array<i32>} : memref<128x128xf32, #tpu.memory_space<vmem>>, vector<1x16xf32>,
        %get3A_250 = vector.shape_cast %get3A_249 : vector<1x16xf32> to vector<16xf32>
        %get3A_251 = arith.index_cast %scan3A_150 : i32 to index
        %get3A_252 = arith.constant 112 : index
        %get3A_253 = tpu.vector_load %arg10[%get3A_251, %get3A_252] {strides = array<i32>} : memref<128x128xf32, #tpu.memory_space<vmem>>, vector<1x16xf32>,
        %get3A_254 = vector.shape_cast %get3A_253 : vector<1x16xf32> to vector<16xf32>
        %add3A_255 = arith.addf %get3A_250, %get3A_254 : vector<16xf32>
        %swap3A_256 = arith.index_cast %scan3A_150 : i32 to index
        %swap3A_257 = arith.constant 112 : index
        %swap3A_258 = tpu.vector_load %arg11[%swap3A_256, %swap3A_257] {strides = array<i32>} : memref<128x128xf32, #tpu.memory_space<vmem>>, vector<1x16xf32>,
        %swap3A_259 = vector.shape_cast %swap3A_258 : vector<1x16xf32> to vector<16xf32>
        %swap3A_260 = vector.shape_cast %add3A_255 : vector<16xf32> to vector<1x16xf32>
        tpu.vector_store %arg11[%swap3A_256, %swap3A_257], %swap3A_260 {strides = array<i32>} : memref<128x128xf32, #tpu.memory_space<vmem>>, vector<1x16xf32>,
      }
      %scan3A_120 = arith.constant 128 : i32
      %add3A_121 = arith.addi %mul3A_2, %mul3A_86 : i32
      %dma_start3A_122 = arith.constant 0 : i32
      %dma_start3A_123 = tpu.memref_slice %arg6[%add3A_121, %dma_start3A_122] : memref<160000x128xf32, #tpu.memory_space<hbm>> -> memref<128x128xf32, #tpu.memory_space<hbm>>
      %dma_start3A_124 = arith.constant 0 : i32
      %dma_start3A_125 = tpu.memref_slice %arg6[%add3A_121, %dma_start3A_124] : memref<160000x128xf32, #tpu.memory_space<hbm>> -> memref<128x128xf32, #tpu.memory_space<hbm>>
      tpu.enqueue_dma source(%arg11 : memref<128x128xf32, #tpu.memory_space<vmem>>) target(%dma_start3A_125 : memref<128x128xf32, #tpu.memory_space<hbm>>) target_semaphore(%arg17 : memref<!tpu.dma_semaphore, #tpu.memory_space<semaphore_mem>>)
      %dma_wait3A_126 = tpu.memref_slice %arg7[%add3A_88] : memref<5000xi32, #tpu.memory_space<vmem>> -> memref<128xi32, #tpu.memory_space<vmem>>
      %dma_wait3A_127 = arith.constant 0 : i32
      %dma_wait3A_128 = arith.constant 0 : i32
      %dma_wait3A_129 = tpu.memref_slice %arg2[%dma_wait3A_127, %dma_wait3A_128] : memref<10000x128xf32, #tpu.memory_space<hbm>> -> memref<10000x128xf32, #tpu.memory_space<hbm>>
      tpu.wait_indirect_dma semaphore(%arg16 : memref<!tpu.dma_semaphore, #tpu.memory_space<semaphore_mem>>) src(%dma_wait3A_129 : memref<10000x128xf32, #tpu.memory_space<hbm>>) dst(%arg12 : memref<128x128xf32, #tpu.memory_space<vmem>>)
      %dma_wait3A_130 = tpu.memref_slice %arg8[%add3A_88] : memref<5000xi32, #tpu.memory_space<vmem>> -> memref<128xi32, #tpu.memory_space<vmem>>
      %dma_wait3A_131 = arith.constant 0 : i32
      %dma_wait3A_132 = arith.constant 0 : i32
      %dma_wait3A_133 = tpu.memref_slice %arg3[%dma_wait3A_131, %dma_wait3A_132] : memref<10000x128xf32, #tpu.memory_space<hbm>> -> memref<10000x128xf32, #tpu.memory_space<hbm>>
      tpu.wait_indirect_dma semaphore(%arg16 : memref<!tpu.dma_semaphore, #tpu.memory_space<semaphore_mem>>) src(%dma_wait3A_133 : memref<10000x128xf32, #tpu.memory_space<hbm>>) dst(%arg13 : memref<128x128xf32, #tpu.memory_space<vmem>>)
      %gt3A_134 = arith.constant 0 : i32
      %gt3A_135 = arith.cmpi sgt, %scan3A_82, %gt3A_134 : i32
      %convert_element_type3A_136 = arith.extui %gt3A_135 : i1 to i32
      %cond3A_137 = arith.constant 0 : i32
      %cond3A_138 = arith.cmpi ne, %convert_element_type3A_136, %cond3A_137 : i32
      scf.if %cond3A_138 {
        %dma_wait3A_150 = arith.constant 0 : i32
        %dma_wait3A_151 = tpu.memref_slice %arg6[%mul3A_2, %dma_wait3A_150] : memref<160000x128xf32, #tpu.memory_space<hbm>> -> memref<128x128xf32, #tpu.memory_space<hbm>>
        %dma_wait3A_152 = arith.constant 0 : i32
        %dma_wait3A_153 = tpu.memref_slice %arg6[%mul3A_2, %dma_wait3A_152] : memref<160000x128xf32, #tpu.memory_space<hbm>> -> memref<128x128xf32, #tpu.memory_space<hbm>>
        tpu.wait_dma2 semaphore(%arg18 : memref<!tpu.dma_semaphore, #tpu.memory_space<semaphore_mem>>) src(%arg14 : memref<128x128xf32, #tpu.memory_space<vmem>>) dst(%dma_wait3A_153 : memref<128x128xf32, #tpu.memory_space<hbm>>)
      } else {
      }
      %scan3A_139 = arith.constant 0 : i32
      %scan3A_140 = arith.constant 0 : i32
      %scan3A_141 = arith.constant 128 : i32
      %scan3A_142 = arith.addi %scan3A_140, %scan3A_141 : i32
      %scan3A_143 = arith.constant 1 : i32
      scf.for %scan3A_150 = %scan3A_140 to %scan3A_142 step %scan3A_143  : i32 {
        %get3A = arith.index_cast %scan3A_150 : i32 to index
        %get3A_151 = arith.constant 0 : index
        %get3A_152 = tpu.vector_load %arg12[%get3A, %get3A_151] {strides = array<i32>} : memref<128x128xf32, #tpu.memory_space<vmem>>, vector<1x16xf32>,
        %get3A_153 = vector.shape_cast %get3A_152 : vector<1x16xf32> to vector<16xf32>
        %get3A_154 = arith.index_cast %scan3A_150 : i32 to index
        %get3A_155 = arith.constant 0 : index
        %get3A_156 = tpu.vector_load %arg13[%get3A_154, %get3A_155] {strides = array<i32>} : memref<128x128xf32, #tpu.memory_space<vmem>>, vector<1x16xf32>,
        %get3A_157 = vector.shape_cast %get3A_156 : vector<1x16xf32> to vector<16xf32>
        %add3A_158 = arith.addf %get3A_153, %get3A_157 : vector<16xf32>
        %swap3A = arith.index_cast %scan3A_150 : i32 to index
        %swap3A_159 = arith.constant 0 : index
        %swap3A_160 = tpu.vector_load %arg14[%swap3A, %swap3A_159] {strides = array<i32>} : memref<128x128xf32, #tpu.memory_space<vmem>>, vector<1x16xf32>,
        %swap3A_161 = vector.shape_cast %swap3A_160 : vector<1x16xf32> to vector<16xf32>
        %swap3A_162 = vector.shape_cast %add3A_158 : vector<16xf32> to vector<1x16xf32>
        tpu.vector_store %arg14[%swap3A, %swap3A_159], %swap3A_162 {strides = array<i32>} : memref<128x128xf32, #tpu.memory_space<vmem>>, vector<1x16xf32>,
        %get3A_163 = arith.index_cast %scan3A_150 : i32 to index
        %get3A_164 = arith.constant 16 : index
        %get3A_165 = tpu.vector_load %arg12[%get3A_163, %get3A_164] {strides = array<i32>} : memref<128x128xf32, #tpu.memory_space<vmem>>, vector<1x16xf32>,
        %get3A_166 = vector.shape_cast %get3A_165 : vector<1x16xf32> to vector<16xf32>
        %get3A_167 = arith.index_cast %scan3A_150 : i32 to index
        %get3A_168 = arith.constant 16 : index
        %get3A_169 = tpu.vector_load %arg13[%get3A_167, %get3A_168] {strides = array<i32>} : memref<128x128xf32, #tpu.memory_space<vmem>>, vector<1x16xf32>,
        %get3A_170 = vector.shape_cast %get3A_169 : vector<1x16xf32> to vector<16xf32>
        %add3A_171 = arith.addf %get3A_166, %get3A_170 : vector<16xf32>
        %swap3A_172 = arith.index_cast %scan3A_150 : i32 to index
        %swap3A_173 = arith.constant 16 : index
        %swap3A_174 = tpu.vector_load %arg14[%swap3A_172, %swap3A_173] {strides = array<i32>} : memref<128x128xf32, #tpu.memory_space<vmem>>, vector<1x16xf32>,
        %swap3A_175 = vector.shape_cast %swap3A_174 : vector<1x16xf32> to vector<16xf32>
        %swap3A_176 = vector.shape_cast %add3A_171 : vector<16xf32> to vector<1x16xf32>
        tpu.vector_store %arg14[%swap3A_172, %swap3A_173], %swap3A_176 {strides = array<i32>} : memref<128x128xf32, #tpu.memory_space<vmem>>, vector<1x16xf32>,
        %get3A_177 = arith.index_cast %scan3A_150 : i32 to index
        %get3A_178 = arith.constant 32 : index
        %get3A_179 = tpu.vector_load %arg12[%get3A_177, %get3A_178] {strides = array<i32>} : memref<128x128xf32, #tpu.memory_space<vmem>>, vector<1x16xf32>,
        %get3A_180 = vector.shape_cast %get3A_179 : vector<1x16xf32> to vector<16xf32>
        %get3A_181 = arith.index_cast %scan3A_150 : i32 to index
        %get3A_182 = arith.constant 32 : index
        %get3A_183 = tpu.vector_load %arg13[%get3A_181, %get3A_182] {strides = array<i32>} : memref<128x128xf32, #tpu.memory_space<vmem>>, vector<1x16xf32>,
        %get3A_184 = vector.shape_cast %get3A_183 : vector<1x16xf32> to vector<16xf32>
        %add3A_185 = arith.addf %get3A_180, %get3A_184 : vector<16xf32>
        %swap3A_186 = arith.index_cast %scan3A_150 : i32 to index
        %swap3A_187 = arith.constant 32 : index
        %swap3A_188 = tpu.vector_load %arg14[%swap3A_186, %swap3A_187] {strides = array<i32>} : memref<128x128xf32, #tpu.memory_space<vmem>>, vector<1x16xf32>,
        %swap3A_189 = vector.shape_cast %swap3A_188 : vector<1x16xf32> to vector<16xf32>
        %swap3A_190 = vector.shape_cast %add3A_185 : vector<16xf32> to vector<1x16xf32>
        tpu.vector_store %arg14[%swap3A_186, %swap3A_187], %swap3A_190 {strides = array<i32>} : memref<128x128xf32, #tpu.memory_space<vmem>>, vector<1x16xf32>,
        %get3A_191 = arith.index_cast %scan3A_150 : i32 to index
        %get3A_192 = arith.constant 48 : index
        %get3A_193 = tpu.vector_load %arg12[%get3A_191, %get3A_192] {strides = array<i32>} : memref<128x128xf32, #tpu.memory_space<vmem>>, vector<1x16xf32>,
        %get3A_194 = vector.shape_cast %get3A_193 : vector<1x16xf32> to vector<16xf32>
        %get3A_195 = arith.index_cast %scan3A_150 : i32 to index
        %get3A_196 = arith.constant 48 : index
        %get3A_197 = tpu.vector_load %arg13[%get3A_195, %get3A_196] {strides = array<i32>} : memref<128x128xf32, #tpu.memory_space<vmem>>, vector<1x16xf32>,
        %get3A_198 = vector.shape_cast %get3A_197 : vector<1x16xf32> to vector<16xf32>
        %add3A_199 = arith.addf %get3A_194, %get3A_198 : vector<16xf32>
        %swap3A_200 = arith.index_cast %scan3A_150 : i32 to index
        %swap3A_201 = arith.constant 48 : index
        %swap3A_202 = tpu.vector_load %arg14[%swap3A_200, %swap3A_201] {strides = array<i32>} : memref<128x128xf32, #tpu.memory_space<vmem>>, vector<1x16xf32>,
        %swap3A_203 = vector.shape_cast %swap3A_202 : vector<1x16xf32> to vector<16xf32>
        %swap3A_204 = vector.shape_cast %add3A_199 : vector<16xf32> to vector<1x16xf32>
        tpu.vector_store %arg14[%swap3A_200, %swap3A_201], %swap3A_204 {strides = array<i32>} : memref<128x128xf32, #tpu.memory_space<vmem>>, vector<1x16xf32>,
        %get3A_205 = arith.index_cast %scan3A_150 : i32 to index
        %get3A_206 = arith.constant 64 : index
        %get3A_207 = tpu.vector_load %arg12[%get3A_205, %get3A_206] {strides = array<i32>} : memref<128x128xf32, #tpu.memory_space<vmem>>, vector<1x16xf32>,
        %get3A_208 = vector.shape_cast %get3A_207 : vector<1x16xf32> to vector<16xf32>
        %get3A_209 = arith.index_cast %scan3A_150 : i32 to index
        %get3A_210 = arith.constant 64 : index
        %get3A_211 = tpu.vector_load %arg13[%get3A_209, %get3A_210] {strides = array<i32>} : memref<128x128xf32, #tpu.memory_space<vmem>>, vector<1x16xf32>,
        %get3A_212 = vector.shape_cast %get3A_211 : vector<1x16xf32> to vector<16xf32>
        %add3A_213 = arith.addf %get3A_208, %get3A_212 : vector<16xf32>
        %swap3A_214 = arith.index_cast %scan3A_150 : i32 to index
        %swap3A_215 = arith.constant 64 : index
        %swap3A_216 = tpu.vector_load %arg14[%swap3A_214, %swap3A_215] {strides = array<i32>} : memref<128x128xf32, #tpu.memory_space<vmem>>, vector<1x16xf32>,
        %swap3A_217 = vector.shape_cast %swap3A_216 : vector<1x16xf32> to vector<16xf32>
        %swap3A_218 = vector.shape_cast %add3A_213 : vector<16xf32> to vector<1x16xf32>
        tpu.vector_store %arg14[%swap3A_214, %swap3A_215], %swap3A_218 {strides = array<i32>} : memref<128x128xf32, #tpu.memory_space<vmem>>, vector<1x16xf32>,
        %get3A_219 = arith.index_cast %scan3A_150 : i32 to index
        %get3A_220 = arith.constant 80 : index
        %get3A_221 = tpu.vector_load %arg12[%get3A_219, %get3A_220] {strides = array<i32>} : memref<128x128xf32, #tpu.memory_space<vmem>>, vector<1x16xf32>,
        %get3A_222 = vector.shape_cast %get3A_221 : vector<1x16xf32> to vector<16xf32>
        %get3A_223 = arith.index_cast %scan3A_150 : i32 to index
        %get3A_224 = arith.constant 80 : index
        %get3A_225 = tpu.vector_load %arg13[%get3A_223, %get3A_224] {strides = array<i32>} : memref<128x128xf32, #tpu.memory_space<vmem>>, vector<1x16xf32>,
        %get3A_226 = vector.shape_cast %get3A_225 : vector<1x16xf32> to vector<16xf32>
        %add3A_227 = arith.addf %get3A_222, %get3A_226 : vector<16xf32>
        %swap3A_228 = arith.index_cast %scan3A_150 : i32 to index
        %swap3A_229 = arith.constant 80 : index
        %swap3A_230 = tpu.vector_load %arg14[%swap3A_228, %swap3A_229] {strides = array<i32>} : memref<128x128xf32, #tpu.memory_space<vmem>>, vector<1x16xf32>,
        %swap3A_231 = vector.shape_cast %swap3A_230 : vector<1x16xf32> to vector<16xf32>
        %swap3A_232 = vector.shape_cast %add3A_227 : vector<16xf32> to vector<1x16xf32>
        tpu.vector_store %arg14[%swap3A_228, %swap3A_229], %swap3A_232 {strides = array<i32>} : memref<128x128xf32, #tpu.memory_space<vmem>>, vector<1x16xf32>,
        %get3A_233 = arith.index_cast %scan3A_150 : i32 to index
        %get3A_234 = arith.constant 96 : index
        %get3A_235 = tpu.vector_load %arg12[%get3A_233, %get3A_234] {strides = array<i32>} : memref<128x128xf32, #tpu.memory_space<vmem>>, vector<1x16xf32>,
        %get3A_236 = vector.shape_cast %get3A_235 : vector<1x16xf32> to vector<16xf32>
        %get3A_237 = arith.index_cast %scan3A_150 : i32 to index
        %get3A_238 = arith.constant 96 : index
        %get3A_239 = tpu.vector_load %arg13[%get3A_237, %get3A_238] {strides = array<i32>} : memref<128x128xf32, #tpu.memory_space<vmem>>, vector<1x16xf32>,
        %get3A_240 = vector.shape_cast %get3A_239 : vector<1x16xf32> to vector<16xf32>
        %add3A_241 = arith.addf %get3A_236, %get3A_240 : vector<16xf32>
        %swap3A_242 = arith.index_cast %scan3A_150 : i32 to index
        %swap3A_243 = arith.constant 96 : index
        %swap3A_244 = tpu.vector_load %arg14[%swap3A_242, %swap3A_243] {strides = array<i32>} : memref<128x128xf32, #tpu.memory_space<vmem>>, vector<1x16xf32>,
        %swap3A_245 = vector.shape_cast %swap3A_244 : vector<1x16xf32> to vector<16xf32>
        %swap3A_246 = vector.shape_cast %add3A_241 : vector<16xf32> to vector<1x16xf32>
        tpu.vector_store %arg14[%swap3A_242, %swap3A_243], %swap3A_246 {strides = array<i32>} : memref<128x128xf32, #tpu.memory_space<vmem>>, vector<1x16xf32>,
        %get3A_247 = arith.index_cast %scan3A_150 : i32 to index
        %get3A_248 = arith.constant 112 : index
        %get3A_249 = tpu.vector_load %arg12[%get3A_247, %get3A_248] {strides = array<i32>} : memref<128x128xf32, #tpu.memory_space<vmem>>, vector<1x16xf32>,
        %get3A_250 = vector.shape_cast %get3A_249 : vector<1x16xf32> to vector<16xf32>
        %get3A_251 = arith.index_cast %scan3A_150 : i32 to index
        %get3A_252 = arith.constant 112 : index
        %get3A_253 = tpu.vector_load %arg13[%get3A_251, %get3A_252] {strides = array<i32>} : memref<128x128xf32, #tpu.memory_space<vmem>>, vector<1x16xf32>,
        %get3A_254 = vector.shape_cast %get3A_253 : vector<1x16xf32> to vector<16xf32>
        %add3A_255 = arith.addf %get3A_250, %get3A_254 : vector<16xf32>
        %swap3A_256 = arith.index_cast %scan3A_150 : i32 to index
        %swap3A_257 = arith.constant 112 : index
        %swap3A_258 = tpu.vector_load %arg14[%swap3A_256, %swap3A_257] {strides = array<i32>} : memref<128x128xf32, #tpu.memory_space<vmem>>, vector<1x16xf32>,
        %swap3A_259 = vector.shape_cast %swap3A_258 : vector<1x16xf32> to vector<16xf32>
        %swap3A_260 = vector.shape_cast %add3A_255 : vector<16xf32> to vector<1x16xf32>
        tpu.vector_store %arg14[%swap3A_256, %swap3A_257], %swap3A_260 {strides = array<i32>} : memref<128x128xf32, #tpu.memory_space<vmem>>, vector<1x16xf32>,
      }
      %scan3A_144 = arith.constant 128 : i32
      %add3A_145 = arith.addi %mul3A_2, %add3A_88 : i32
      %dma_start3A_146 = arith.constant 0 : i32
      %dma_start3A_147 = tpu.memref_slice %arg6[%add3A_145, %dma_start3A_146] : memref<160000x128xf32, #tpu.memory_space<hbm>> -> memref<128x128xf32, #tpu.memory_space<hbm>>
      %dma_start3A_148 = arith.constant 0 : i32
      %dma_start3A_149 = tpu.memref_slice %arg6[%add3A_145, %dma_start3A_148] : memref<160000x128xf32, #tpu.memory_space<hbm>> -> memref<128x128xf32, #tpu.memory_space<hbm>>
      tpu.enqueue_dma source(%arg14 : memref<128x128xf32, #tpu.memory_space<vmem>>) target(%dma_start3A_149 : memref<128x128xf32, #tpu.memory_space<hbm>>) target_semaphore(%arg18 : memref<!tpu.dma_semaphore, #tpu.memory_space<semaphore_mem>>)
    }
    %scan3A_7 = arith.constant 19 : i32
    %dma_wait3A = arith.constant 0 : i32
    %dma_wait3A_8 = tpu.memref_slice %arg6[%mul3A_2, %dma_wait3A] : memref<160000x128xf32, #tpu.memory_space<hbm>> -> memref<128x128xf32, #tpu.memory_space<hbm>>
    %dma_wait3A_9 = arith.constant 0 : i32
    %dma_wait3A_10 = tpu.memref_slice %arg6[%mul3A_2, %dma_wait3A_9] : memref<160000x128xf32, #tpu.memory_space<hbm>> -> memref<128x128xf32, #tpu.memory_space<hbm>>
    tpu.wait_dma2 semaphore(%arg17 : memref<!tpu.dma_semaphore, #tpu.memory_space<semaphore_mem>>) src(%arg11 : memref<128x128xf32, #tpu.memory_space<vmem>>) dst(%dma_wait3A_10 : memref<128x128xf32, #tpu.memory_space<hbm>>)
    %dma_wait3A_11 = arith.constant 0 : i32
    %dma_wait3A_12 = tpu.memref_slice %arg6[%mul3A_2, %dma_wait3A_11] : memref<160000x128xf32, #tpu.memory_space<hbm>> -> memref<128x128xf32, #tpu.memory_space<hbm>>
    %dma_wait3A_13 = arith.constant 0 : i32
    %dma_wait3A_14 = tpu.memref_slice %arg6[%mul3A_2, %dma_wait3A_13] : memref<160000x128xf32, #tpu.memory_space<hbm>> -> memref<128x128xf32, #tpu.memory_space<hbm>>
    tpu.wait_dma2 semaphore(%arg18 : memref<!tpu.dma_semaphore, #tpu.memory_space<semaphore_mem>>) src(%arg14 : memref<128x128xf32, #tpu.memory_space<vmem>>) dst(%dma_wait3A_14 : memref<128x128xf32, #tpu.memory_space<hbm>>)
    %dma_start3A = arith.constant 4864 : i32
    %dma_start3A_15 = tpu.memref_slice %arg7[%dma_start3A] : memref<5000xi32, #tpu.memory_space<vmem>> -> memref<128xi32, #tpu.memory_space<vmem>>
    %dma_start3A_16 = arith.constant 0 : i32
    %dma_start3A_17 = arith.constant 0 : i32
    %dma_start3A_18 = tpu.memref_slice %arg2[%dma_start3A_16, %dma_start3A_17] : memref<10000x128xf32, #tpu.memory_space<hbm>> -> memref<10000x128xf32, #tpu.memory_space<hbm>>
    tpu.enqueue_indirect_dma source(%dma_start3A_18 : memref<10000x128xf32, #tpu.memory_space<hbm>>) target(%arg9 : memref<128x128xf32, #tpu.memory_space<vmem>>) offsets(%dma_start3A_15 : memref<128xi32, #tpu.memory_space<vmem>>) semaphore(%arg15 : memref<!tpu.dma_semaphore, #tpu.memory_space<semaphore_mem>>)
    %dma_start3A_19 = arith.constant 4864 : i32
    %dma_start3A_20 = tpu.memref_slice %arg8[%dma_start3A_19] : memref<5000xi32, #tpu.memory_space<vmem>> -> memref<128xi32, #tpu.memory_space<vmem>>
    %dma_start3A_21 = arith.constant 0 : i32
    %dma_start3A_22 = arith.constant 0 : i32
    %dma_start3A_23 = tpu.memref_slice %arg3[%dma_start3A_21, %dma_start3A_22] : memref<10000x128xf32, #tpu.memory_space<hbm>> -> memref<10000x128xf32, #tpu.memory_space<hbm>>
    tpu.enqueue_indirect_dma source(%dma_start3A_23 : memref<10000x128xf32, #tpu.memory_space<hbm>>) target(%arg10 : memref<128x128xf32, #tpu.memory_space<vmem>>) offsets(%dma_start3A_20 : memref<128xi32, #tpu.memory_space<vmem>>) semaphore(%arg15 : memref<!tpu.dma_semaphore, #tpu.memory_space<semaphore_mem>>)
    %dma_start3A_24 = arith.constant 0 : i32
    %dma_start3A_25 = arith.constant 0 : i32
    %dma_start3A_26 = tpu.memref_slice %arg12[%dma_start3A_24, %dma_start3A_25] : memref<128x128xf32, #tpu.memory_space<vmem>> -> memref<8x128xf32, #tpu.memory_space<vmem>>
    %dma_start3A_27 = arith.constant 4992 : i32
    %dma_start3A_28 = tpu.memref_slice %arg7[%dma_start3A_27] : memref<5000xi32, #tpu.memory_space<vmem>> -> memref<8xi32, #tpu.memory_space<vmem>>
    %dma_start3A_29 = arith.constant 0 : i32
    %dma_start3A_30 = arith.constant 0 : i32
    %dma_start3A_31 = tpu.memref_slice %arg2[%dma_start3A_29, %dma_start3A_30] : memref<10000x128xf32, #tpu.memory_space<hbm>> -> memref<10000x128xf32, #tpu.memory_space<hbm>>
    tpu.enqueue_indirect_dma source(%dma_start3A_31 : memref<10000x128xf32, #tpu.memory_space<hbm>>) target(%dma_start3A_26 : memref<8x128xf32, #tpu.memory_space<vmem>>) offsets(%dma_start3A_28 : memref<8xi32, #tpu.memory_space<vmem>>) semaphore(%arg16 : memref<!tpu.dma_semaphore, #tpu.memory_space<semaphore_mem>>)
    %dma_start3A_32 = arith.constant 0 : i32
    %dma_start3A_33 = arith.constant 0 : i32
    %dma_start3A_34 = tpu.memref_slice %arg13[%dma_start3A_32, %dma_start3A_33] : memref<128x128xf32, #tpu.memory_space<vmem>> -> memref<8x128xf32, #tpu.memory_space<vmem>>
    %dma_start3A_35 = arith.constant 4992 : i32
    %dma_start3A_36 = tpu.memref_slice %arg8[%dma_start3A_35] : memref<5000xi32, #tpu.memory_space<vmem>> -> memref<8xi32, #tpu.memory_space<vmem>>
    %dma_start3A_37 = arith.constant 0 : i32
    %dma_start3A_38 = arith.constant 0 : i32
    %dma_start3A_39 = tpu.memref_slice %arg3[%dma_start3A_37, %dma_start3A_38] : memref<10000x128xf32, #tpu.memory_space<hbm>> -> memref<10000x128xf32, #tpu.memory_space<hbm>>
    tpu.enqueue_indirect_dma source(%dma_start3A_39 : memref<10000x128xf32, #tpu.memory_space<hbm>>) target(%dma_start3A_34 : memref<8x128xf32, #tpu.memory_space<vmem>>) offsets(%dma_start3A_36 : memref<8xi32, #tpu.memory_space<vmem>>) semaphore(%arg16 : memref<!tpu.dma_semaphore, #tpu.memory_space<semaphore_mem>>)
    %dma_wait3A_40 = arith.constant 4864 : i32
    %dma_wait3A_41 = tpu.memref_slice %arg7[%dma_wait3A_40] : memref<5000xi32, #tpu.memory_space<vmem>> -> memref<128xi32, #tpu.memory_space<vmem>>
    %dma_wait3A_42 = arith.constant 0 : i32
    %dma_wait3A_43 = arith.constant 0 : i32
    %dma_wait3A_44 = tpu.memref_slice %arg2[%dma_wait3A_42, %dma_wait3A_43] : memref<10000x128xf32, #tpu.memory_space<hbm>> -> memref<10000x128xf32, #tpu.memory_space<hbm>>
    tpu.wait_indirect_dma semaphore(%arg15 : memref<!tpu.dma_semaphore, #tpu.memory_space<semaphore_mem>>) src(%dma_wait3A_44 : memref<10000x128xf32, #tpu.memory_space<hbm>>) dst(%arg9 : memref<128x128xf32, #tpu.memory_space<vmem>>)
    %dma_wait3A_45 = arith.constant 4864 : i32
    %dma_wait3A_46 = tpu.memref_slice %arg8[%dma_wait3A_45] : memref<5000xi32, #tpu.memory_space<vmem>> -> memref<128xi32, #tpu.memory_space<vmem>>
    %dma_wait3A_47 = arith.constant 0 : i32
    %dma_wait3A_48 = arith.constant 0 : i32
    %dma_wait3A_49 = tpu.memref_slice %arg3[%dma_wait3A_47, %dma_wait3A_48] : memref<10000x128xf32, #tpu.memory_space<hbm>> -> memref<10000x128xf32, #tpu.memory_space<hbm>>
    tpu.wait_indirect_dma semaphore(%arg15 : memref<!tpu.dma_semaphore, #tpu.memory_space<semaphore_mem>>) src(%dma_wait3A_49 : memref<10000x128xf32, #tpu.memory_space<hbm>>) dst(%arg10 : memref<128x128xf32, #tpu.memory_space<vmem>>)
    %scan3A_50 = arith.constant 0 : i32
    %scan3A_51 = arith.constant 0 : i32
    %scan3A_52 = arith.constant 128 : i32
    %scan3A_53 = arith.addi %scan3A_51, %scan3A_52 : i32
    %scan3A_54 = arith.constant 1 : i32
    scf.for %scan3A_82 = %scan3A_51 to %scan3A_53 step %scan3A_54  : i32 {
      %get3A = arith.index_cast %scan3A_82 : i32 to index
      %get3A_83 = arith.constant 0 : index
      %get3A_84 = tpu.vector_load %arg9[%get3A, %get3A_83] {strides = array<i32>} : memref<128x128xf32, #tpu.memory_space<vmem>>, vector<1x16xf32>,
      %get3A_85 = vector.shape_cast %get3A_84 : vector<1x16xf32> to vector<16xf32>
      %get3A_86 = arith.index_cast %scan3A_82 : i32 to index
      %get3A_87 = arith.constant 0 : index
      %get3A_88 = tpu.vector_load %arg10[%get3A_86, %get3A_87] {strides = array<i32>} : memref<128x128xf32, #tpu.memory_space<vmem>>, vector<1x16xf32>,
      %get3A_89 = vector.shape_cast %get3A_88 : vector<1x16xf32> to vector<16xf32>
      %add3A_90 = arith.addf %get3A_85, %get3A_89 : vector<16xf32>
      %swap3A = arith.index_cast %scan3A_82 : i32 to index
      %swap3A_91 = arith.constant 0 : index
      %swap3A_92 = tpu.vector_load %arg11[%swap3A, %swap3A_91] {strides = array<i32>} : memref<128x128xf32, #tpu.memory_space<vmem>>, vector<1x16xf32>,
      %swap3A_93 = vector.shape_cast %swap3A_92 : vector<1x16xf32> to vector<16xf32>
      %swap3A_94 = vector.shape_cast %add3A_90 : vector<16xf32> to vector<1x16xf32>
      tpu.vector_store %arg11[%swap3A, %swap3A_91], %swap3A_94 {strides = array<i32>} : memref<128x128xf32, #tpu.memory_space<vmem>>, vector<1x16xf32>,
      %get3A_95 = arith.index_cast %scan3A_82 : i32 to index
      %get3A_96 = arith.constant 16 : index
      %get3A_97 = tpu.vector_load %arg9[%get3A_95, %get3A_96] {strides = array<i32>} : memref<128x128xf32, #tpu.memory_space<vmem>>, vector<1x16xf32>,
      %get3A_98 = vector.shape_cast %get3A_97 : vector<1x16xf32> to vector<16xf32>
      %get3A_99 = arith.index_cast %scan3A_82 : i32 to index
      %get3A_100 = arith.constant 16 : index
      %get3A_101 = tpu.vector_load %arg10[%get3A_99, %get3A_100] {strides = array<i32>} : memref<128x128xf32, #tpu.memory_space<vmem>>, vector<1x16xf32>,
      %get3A_102 = vector.shape_cast %get3A_101 : vector<1x16xf32> to vector<16xf32>
      %add3A_103 = arith.addf %get3A_98, %get3A_102 : vector<16xf32>
      %swap3A_104 = arith.index_cast %scan3A_82 : i32 to index
      %swap3A_105 = arith.constant 16 : index
      %swap3A_106 = tpu.vector_load %arg11[%swap3A_104, %swap3A_105] {strides = array<i32>} : memref<128x128xf32, #tpu.memory_space<vmem>>, vector<1x16xf32>,
      %swap3A_107 = vector.shape_cast %swap3A_106 : vector<1x16xf32> to vector<16xf32>
      %swap3A_108 = vector.shape_cast %add3A_103 : vector<16xf32> to vector<1x16xf32>
      tpu.vector_store %arg11[%swap3A_104, %swap3A_105], %swap3A_108 {strides = array<i32>} : memref<128x128xf32, #tpu.memory_space<vmem>>, vector<1x16xf32>,
      %get3A_109 = arith.index_cast %scan3A_82 : i32 to index
      %get3A_110 = arith.constant 32 : index
      %get3A_111 = tpu.vector_load %arg9[%get3A_109, %get3A_110] {strides = array<i32>} : memref<128x128xf32, #tpu.memory_space<vmem>>, vector<1x16xf32>,
      %get3A_112 = vector.shape_cast %get3A_111 : vector<1x16xf32> to vector<16xf32>
      %get3A_113 = arith.index_cast %scan3A_82 : i32 to index
      %get3A_114 = arith.constant 32 : index
      %get3A_115 = tpu.vector_load %arg10[%get3A_113, %get3A_114] {strides = array<i32>} : memref<128x128xf32, #tpu.memory_space<vmem>>, vector<1x16xf32>,
      %get3A_116 = vector.shape_cast %get3A_115 : vector<1x16xf32> to vector<16xf32>
      %add3A_117 = arith.addf %get3A_112, %get3A_116 : vector<16xf32>
      %swap3A_118 = arith.index_cast %scan3A_82 : i32 to index
      %swap3A_119 = arith.constant 32 : index
      %swap3A_120 = tpu.vector_load %arg11[%swap3A_118, %swap3A_119] {strides = array<i32>} : memref<128x128xf32, #tpu.memory_space<vmem>>, vector<1x16xf32>,
      %swap3A_121 = vector.shape_cast %swap3A_120 : vector<1x16xf32> to vector<16xf32>
      %swap3A_122 = vector.shape_cast %add3A_117 : vector<16xf32> to vector<1x16xf32>
      tpu.vector_store %arg11[%swap3A_118, %swap3A_119], %swap3A_122 {strides = array<i32>} : memref<128x128xf32, #tpu.memory_space<vmem>>, vector<1x16xf32>,
      %get3A_123 = arith.index_cast %scan3A_82 : i32 to index
      %get3A_124 = arith.constant 48 : index
      %get3A_125 = tpu.vector_load %arg9[%get3A_123, %get3A_124] {strides = array<i32>} : memref<128x128xf32, #tpu.memory_space<vmem>>, vector<1x16xf32>,
      %get3A_126 = vector.shape_cast %get3A_125 : vector<1x16xf32> to vector<16xf32>
      %get3A_127 = arith.index_cast %scan3A_82 : i32 to index
      %get3A_128 = arith.constant 48 : index
      %get3A_129 = tpu.vector_load %arg10[%get3A_127, %get3A_128] {strides = array<i32>} : memref<128x128xf32, #tpu.memory_space<vmem>>, vector<1x16xf32>,
      %get3A_130 = vector.shape_cast %get3A_129 : vector<1x16xf32> to vector<16xf32>
      %add3A_131 = arith.addf %get3A_126, %get3A_130 : vector<16xf32>
      %swap3A_132 = arith.index_cast %scan3A_82 : i32 to index
      %swap3A_133 = arith.constant 48 : index
      %swap3A_134 = tpu.vector_load %arg11[%swap3A_132, %swap3A_133] {strides = array<i32>} : memref<128x128xf32, #tpu.memory_space<vmem>>, vector<1x16xf32>,
      %swap3A_135 = vector.shape_cast %swap3A_134 : vector<1x16xf32> to vector<16xf32>
      %swap3A_136 = vector.shape_cast %add3A_131 : vector<16xf32> to vector<1x16xf32>
      tpu.vector_store %arg11[%swap3A_132, %swap3A_133], %swap3A_136 {strides = array<i32>} : memref<128x128xf32, #tpu.memory_space<vmem>>, vector<1x16xf32>,
      %get3A_137 = arith.index_cast %scan3A_82 : i32 to index
      %get3A_138 = arith.constant 64 : index
      %get3A_139 = tpu.vector_load %arg9[%get3A_137, %get3A_138] {strides = array<i32>} : memref<128x128xf32, #tpu.memory_space<vmem>>, vector<1x16xf32>,
      %get3A_140 = vector.shape_cast %get3A_139 : vector<1x16xf32> to vector<16xf32>
      %get3A_141 = arith.index_cast %scan3A_82 : i32 to index
      %get3A_142 = arith.constant 64 : index
      %get3A_143 = tpu.vector_load %arg10[%get3A_141, %get3A_142] {strides = array<i32>} : memref<128x128xf32, #tpu.memory_space<vmem>>, vector<1x16xf32>,
      %get3A_144 = vector.shape_cast %get3A_143 : vector<1x16xf32> to vector<16xf32>
      %add3A_145 = arith.addf %get3A_140, %get3A_144 : vector<16xf32>
      %swap3A_146 = arith.index_cast %scan3A_82 : i32 to index
      %swap3A_147 = arith.constant 64 : index
      %swap3A_148 = tpu.vector_load %arg11[%swap3A_146, %swap3A_147] {strides = array<i32>} : memref<128x128xf32, #tpu.memory_space<vmem>>, vector<1x16xf32>,
      %swap3A_149 = vector.shape_cast %swap3A_148 : vector<1x16xf32> to vector<16xf32>
      %swap3A_150 = vector.shape_cast %add3A_145 : vector<16xf32> to vector<1x16xf32>
      tpu.vector_store %arg11[%swap3A_146, %swap3A_147], %swap3A_150 {strides = array<i32>} : memref<128x128xf32, #tpu.memory_space<vmem>>, vector<1x16xf32>,
      %get3A_151 = arith.index_cast %scan3A_82 : i32 to index
      %get3A_152 = arith.constant 80 : index
      %get3A_153 = tpu.vector_load %arg9[%get3A_151, %get3A_152] {strides = array<i32>} : memref<128x128xf32, #tpu.memory_space<vmem>>, vector<1x16xf32>,
      %get3A_154 = vector.shape_cast %get3A_153 : vector<1x16xf32> to vector<16xf32>
      %get3A_155 = arith.index_cast %scan3A_82 : i32 to index
      %get3A_156 = arith.constant 80 : index
      %get3A_157 = tpu.vector_load %arg10[%get3A_155, %get3A_156] {strides = array<i32>} : memref<128x128xf32, #tpu.memory_space<vmem>>, vector<1x16xf32>,
      %get3A_158 = vector.shape_cast %get3A_157 : vector<1x16xf32> to vector<16xf32>
      %add3A_159 = arith.addf %get3A_154, %get3A_158 : vector<16xf32>
      %swap3A_160 = arith.index_cast %scan3A_82 : i32 to index
      %swap3A_161 = arith.constant 80 : index
      %swap3A_162 = tpu.vector_load %arg11[%swap3A_160, %swap3A_161] {strides = array<i32>} : memref<128x128xf32, #tpu.memory_space<vmem>>, vector<1x16xf32>,
      %swap3A_163 = vector.shape_cast %swap3A_162 : vector<1x16xf32> to vector<16xf32>
      %swap3A_164 = vector.shape_cast %add3A_159 : vector<16xf32> to vector<1x16xf32>
      tpu.vector_store %arg11[%swap3A_160, %swap3A_161], %swap3A_164 {strides = array<i32>} : memref<128x128xf32, #tpu.memory_space<vmem>>, vector<1x16xf32>,
      %get3A_165 = arith.index_cast %scan3A_82 : i32 to index
      %get3A_166 = arith.constant 96 : index
      %get3A_167 = tpu.vector_load %arg9[%get3A_165, %get3A_166] {strides = array<i32>} : memref<128x128xf32, #tpu.memory_space<vmem>>, vector<1x16xf32>,
      %get3A_168 = vector.shape_cast %get3A_167 : vector<1x16xf32> to vector<16xf32>
      %get3A_169 = arith.index_cast %scan3A_82 : i32 to index
      %get3A_170 = arith.constant 96 : index
      %get3A_171 = tpu.vector_load %arg10[%get3A_169, %get3A_170] {strides = array<i32>} : memref<128x128xf32, #tpu.memory_space<vmem>>, vector<1x16xf32>,
      %get3A_172 = vector.shape_cast %get3A_171 : vector<1x16xf32> to vector<16xf32>
      %add3A_173 = arith.addf %get3A_168, %get3A_172 : vector<16xf32>
      %swap3A_174 = arith.index_cast %scan3A_82 : i32 to index
      %swap3A_175 = arith.constant 96 : index
      %swap3A_176 = tpu.vector_load %arg11[%swap3A_174, %swap3A_175] {strides = array<i32>} : memref<128x128xf32, #tpu.memory_space<vmem>>, vector<1x16xf32>,
      %swap3A_177 = vector.shape_cast %swap3A_176 : vector<1x16xf32> to vector<16xf32>
      %swap3A_178 = vector.shape_cast %add3A_173 : vector<16xf32> to vector<1x16xf32>
      tpu.vector_store %arg11[%swap3A_174, %swap3A_175], %swap3A_178 {strides = array<i32>} : memref<128x128xf32, #tpu.memory_space<vmem>>, vector<1x16xf32>,
      %get3A_179 = arith.index_cast %scan3A_82 : i32 to index
      %get3A_180 = arith.constant 112 : index
      %get3A_181 = tpu.vector_load %arg9[%get3A_179, %get3A_180] {strides = array<i32>} : memref<128x128xf32, #tpu.memory_space<vmem>>, vector<1x16xf32>,
      %get3A_182 = vector.shape_cast %get3A_181 : vector<1x16xf32> to vector<16xf32>
      %get3A_183 = arith.index_cast %scan3A_82 : i32 to index
      %get3A_184 = arith.constant 112 : index
      %get3A_185 = tpu.vector_load %arg10[%get3A_183, %get3A_184] {strides = array<i32>} : memref<128x128xf32, #tpu.memory_space<vmem>>, vector<1x16xf32>,
      %get3A_186 = vector.shape_cast %get3A_185 : vector<1x16xf32> to vector<16xf32>
      %add3A_187 = arith.addf %get3A_182, %get3A_186 : vector<16xf32>
      %swap3A_188 = arith.index_cast %scan3A_82 : i32 to index
      %swap3A_189 = arith.constant 112 : index
      %swap3A_190 = tpu.vector_load %arg11[%swap3A_188, %swap3A_189] {strides = array<i32>} : memref<128x128xf32, #tpu.memory_space<vmem>>, vector<1x16xf32>,
      %swap3A_191 = vector.shape_cast %swap3A_190 : vector<1x16xf32> to vector<16xf32>
      %swap3A_192 = vector.shape_cast %add3A_187 : vector<16xf32> to vector<1x16xf32>
      tpu.vector_store %arg11[%swap3A_188, %swap3A_189], %swap3A_192 {strides = array<i32>} : memref<128x128xf32, #tpu.memory_space<vmem>>, vector<1x16xf32>,
    }
    %scan3A_55 = arith.constant 128 : i32
    %add3A_56 = arith.constant 4864 : i32
    %add3A_57 = arith.addi %mul3A_2, %add3A_56 : i32
    "tpu.region"() ({
      %run_scoped3A = tpu.sem_alloc : memref<!tpu.dma_semaphore, #tpu.memory_space<semaphore_mem>>
      %dma_start3A_82 = arith.constant 0 : i32
      %dma_start3A_83 = tpu.memref_slice %arg6[%add3A_57, %dma_start3A_82] : memref<160000x128xf32, #tpu.memory_space<hbm>> -> memref<128x128xf32, #tpu.memory_space<hbm>>
      %dma_start3A_84 = arith.constant 0 : i32
      %dma_start3A_85 = tpu.memref_slice %arg6[%add3A_57, %dma_start3A_84] : memref<160000x128xf32, #tpu.memory_space<hbm>> -> memref<128x128xf32, #tpu.memory_space<hbm>>
      tpu.enqueue_dma source(%arg11 : memref<128x128xf32, #tpu.memory_space<vmem>>) target(%dma_start3A_85 : memref<128x128xf32, #tpu.memory_space<hbm>>) target_semaphore(%run_scoped3A : memref<!tpu.dma_semaphore, #tpu.memory_space<semaphore_mem>>)
      %dma_wait3A_86 = arith.constant 0 : i32
      %dma_wait3A_87 = tpu.memref_slice %arg6[%add3A_57, %dma_wait3A_86] : memref<160000x128xf32, #tpu.memory_space<hbm>> -> memref<128x128xf32, #tpu.memory_space<hbm>>
      %dma_wait3A_88 = arith.constant 0 : i32
      %dma_wait3A_89 = tpu.memref_slice %arg6[%add3A_57, %dma_wait3A_88] : memref<160000x128xf32, #tpu.memory_space<hbm>> -> memref<128x128xf32, #tpu.memory_space<hbm>>
      tpu.wait_dma2 semaphore(%run_scoped3A : memref<!tpu.dma_semaphore, #tpu.memory_space<semaphore_mem>>) src(%arg11 : memref<128x128xf32, #tpu.memory_space<vmem>>) dst(%dma_wait3A_89 : memref<128x128xf32, #tpu.memory_space<hbm>>)
      tpu.yield
    }) : () -> ()
    %dma_wait3A_58 = arith.constant 0 : i32
    %dma_wait3A_59 = arith.constant 0 : i32
    %dma_wait3A_60 = tpu.memref_slice %arg12[%dma_wait3A_58, %dma_wait3A_59] : memref<128x128xf32, #tpu.memory_space<vmem>> -> memref<8x128xf32, #tpu.memory_space<vmem>>
    %dma_wait3A_61 = arith.constant 4992 : i32
    %dma_wait3A_62 = tpu.memref_slice %arg7[%dma_wait3A_61] : memref<5000xi32, #tpu.memory_space<vmem>> -> memref<8xi32, #tpu.memory_space<vmem>>
    %dma_wait3A_63 = arith.constant 0 : i32
    %dma_wait3A_64 = arith.constant 0 : i32
    %dma_wait3A_65 = tpu.memref_slice %arg2[%dma_wait3A_63, %dma_wait3A_64] : memref<10000x128xf32, #tpu.memory_space<hbm>> -> memref<10000x128xf32, #tpu.memory_space<hbm>>
    tpu.wait_indirect_dma semaphore(%arg16 : memref<!tpu.dma_semaphore, #tpu.memory_space<semaphore_mem>>) src(%dma_wait3A_65 : memref<10000x128xf32, #tpu.memory_space<hbm>>) dst(%dma_wait3A_60 : memref<8x128xf32, #tpu.memory_space<vmem>>)
    %dma_wait3A_66 = arith.constant 0 : i32
    %dma_wait3A_67 = arith.constant 0 : i32
    %dma_wait3A_68 = tpu.memref_slice %arg13[%dma_wait3A_66, %dma_wait3A_67] : memref<128x128xf32, #tpu.memory_space<vmem>> -> memref<8x128xf32, #tpu.memory_space<vmem>>
    %dma_wait3A_69 = arith.constant 4992 : i32
    %dma_wait3A_70 = tpu.memref_slice %arg8[%dma_wait3A_69] : memref<5000xi32, #tpu.memory_space<vmem>> -> memref<8xi32, #tpu.memory_space<vmem>>
    %dma_wait3A_71 = arith.constant 0 : i32
    %dma_wait3A_72 = arith.constant 0 : i32
    %dma_wait3A_73 = tpu.memref_slice %arg3[%dma_wait3A_71, %dma_wait3A_72] : memref<10000x128xf32, #tpu.memory_space<hbm>> -> memref<10000x128xf32, #tpu.memory_space<hbm>>
    tpu.wait_indirect_dma semaphore(%arg16 : memref<!tpu.dma_semaphore, #tpu.memory_space<semaphore_mem>>) src(%dma_wait3A_73 : memref<10000x128xf32, #tpu.memory_space<hbm>>) dst(%dma_wait3A_68 : memref<8x128xf32, #tpu.memory_space<vmem>>)
    %scan3A_74 = arith.constant 0 : i32
    %scan3A_75 = arith.constant 0 : i32
    %scan3A_76 = arith.constant 8 : i32
    %scan3A_77 = arith.addi %scan3A_75, %scan3A_76 : i32
    %scan3A_78 = arith.constant 1 : i32
    scf.for %scan3A_82 = %scan3A_75 to %scan3A_77 step %scan3A_78  : i32 {
      %get3A = arith.index_cast %scan3A_82 : i32 to index
      %get3A_83 = arith.constant 0 : index
      %get3A_84 = tpu.vector_load %arg12[%get3A, %get3A_83] {strides = array<i32>} : memref<128x128xf32, #tpu.memory_space<vmem>>, vector<1x16xf32>,
      %get3A_85 = vector.shape_cast %get3A_84 : vector<1x16xf32> to vector<16xf32>
      %get3A_86 = arith.index_cast %scan3A_82 : i32 to index
      %get3A_87 = arith.constant 0 : index
      %get3A_88 = tpu.vector_load %arg13[%get3A_86, %get3A_87] {strides = array<i32>} : memref<128x128xf32, #tpu.memory_space<vmem>>, vector<1x16xf32>,
      %get3A_89 = vector.shape_cast %get3A_88 : vector<1x16xf32> to vector<16xf32>
      %add3A_90 = arith.addf %get3A_85, %get3A_89 : vector<16xf32>
      %swap3A = arith.index_cast %scan3A_82 : i32 to index
      %swap3A_91 = arith.constant 0 : index
      %swap3A_92 = tpu.vector_load %arg14[%swap3A, %swap3A_91] {strides = array<i32>} : memref<128x128xf32, #tpu.memory_space<vmem>>, vector<1x16xf32>,
      %swap3A_93 = vector.shape_cast %swap3A_92 : vector<1x16xf32> to vector<16xf32>
      %swap3A_94 = vector.shape_cast %add3A_90 : vector<16xf32> to vector<1x16xf32>
      tpu.vector_store %arg14[%swap3A, %swap3A_91], %swap3A_94 {strides = array<i32>} : memref<128x128xf32, #tpu.memory_space<vmem>>, vector<1x16xf32>,
      %get3A_95 = arith.index_cast %scan3A_82 : i32 to index
      %get3A_96 = arith.constant 16 : index
      %get3A_97 = tpu.vector_load %arg12[%get3A_95, %get3A_96] {strides = array<i32>} : memref<128x128xf32, #tpu.memory_space<vmem>>, vector<1x16xf32>,
      %get3A_98 = vector.shape_cast %get3A_97 : vector<1x16xf32> to vector<16xf32>
      %get3A_99 = arith.index_cast %scan3A_82 : i32 to index
      %get3A_100 = arith.constant 16 : index
      %get3A_101 = tpu.vector_load %arg13[%get3A_99, %get3A_100] {strides = array<i32>} : memref<128x128xf32, #tpu.memory_space<vmem>>, vector<1x16xf32>,
      %get3A_102 = vector.shape_cast %get3A_101 : vector<1x16xf32> to vector<16xf32>
      %add3A_103 = arith.addf %get3A_98, %get3A_102 : vector<16xf32>
      %swap3A_104 = arith.index_cast %scan3A_82 : i32 to index
      %swap3A_105 = arith.constant 16 : index
      %swap3A_106 = tpu.vector_load %arg14[%swap3A_104, %swap3A_105] {strides = array<i32>} : memref<128x128xf32, #tpu.memory_space<vmem>>, vector<1x16xf32>,
      %swap3A_107 = vector.shape_cast %swap3A_106 : vector<1x16xf32> to vector<16xf32>
      %swap3A_108 = vector.shape_cast %add3A_103 : vector<16xf32> to vector<1x16xf32>
      tpu.vector_store %arg14[%swap3A_104, %swap3A_105], %swap3A_108 {strides = array<i32>} : memref<128x128xf32, #tpu.memory_space<vmem>>, vector<1x16xf32>,
      %get3A_109 = arith.index_cast %scan3A_82 : i32 to index
      %get3A_110 = arith.constant 32 : index
      %get3A_111 = tpu.vector_load %arg12[%get3A_109, %get3A_110] {strides = array<i32>} : memref<128x128xf32, #tpu.memory_space<vmem>>, vector<1x16xf32>,
      %get3A_112 = vector.shape_cast %get3A_111 : vector<1x16xf32> to vector<16xf32>
      %get3A_113 = arith.index_cast %scan3A_82 : i32 to index
      %get3A_114 = arith.constant 32 : index
      %get3A_115 = tpu.vector_load %arg13[%get3A_113, %get3A_114] {strides = array<i32>} : memref<128x128xf32, #tpu.memory_space<vmem>>, vector<1x16xf32>,
      %get3A_116 = vector.shape_cast %get3A_115 : vector<1x16xf32> to vector<16xf32>
      %add3A_117 = arith.addf %get3A_112, %get3A_116 : vector<16xf32>
      %swap3A_118 = arith.index_cast %scan3A_82 : i32 to index
      %swap3A_119 = arith.constant 32 : index
      %swap3A_120 = tpu.vector_load %arg14[%swap3A_118, %swap3A_119] {strides = array<i32>} : memref<128x128xf32, #tpu.memory_space<vmem>>, vector<1x16xf32>,
      %swap3A_121 = vector.shape_cast %swap3A_120 : vector<1x16xf32> to vector<16xf32>
      %swap3A_122 = vector.shape_cast %add3A_117 : vector<16xf32> to vector<1x16xf32>
      tpu.vector_store %arg14[%swap3A_118, %swap3A_119], %swap3A_122 {strides = array<i32>} : memref<128x128xf32, #tpu.memory_space<vmem>>, vector<1x16xf32>,
      %get3A_123 = arith.index_cast %scan3A_82 : i32 to index
      %get3A_124 = arith.constant 48 : index
      %get3A_125 = tpu.vector_load %arg12[%get3A_123, %get3A_124] {strides = array<i32>} : memref<128x128xf32, #tpu.memory_space<vmem>>, vector<1x16xf32>,
      %get3A_126 = vector.shape_cast %get3A_125 : vector<1x16xf32> to vector<16xf32>
      %get3A_127 = arith.index_cast %scan3A_82 : i32 to index
      %get3A_128 = arith.constant 48 : index
      %get3A_129 = tpu.vector_load %arg13[%get3A_127, %get3A_128] {strides = array<i32>} : memref<128x128xf32, #tpu.memory_space<vmem>>, vector<1x16xf32>,
      %get3A_130 = vector.shape_cast %get3A_129 : vector<1x16xf32> to vector<16xf32>
      %add3A_131 = arith.addf %get3A_126, %get3A_130 : vector<16xf32>
      %swap3A_132 = arith.index_cast %scan3A_82 : i32 to index
      %swap3A_133 = arith.constant 48 : index
      %swap3A_134 = tpu.vector_load %arg14[%swap3A_132, %swap3A_133] {strides = array<i32>} : memref<128x128xf32, #tpu.memory_space<vmem>>, vector<1x16xf32>,
      %swap3A_135 = vector.shape_cast %swap3A_134 : vector<1x16xf32> to vector<16xf32>
      %swap3A_136 = vector.shape_cast %add3A_131 : vector<16xf32> to vector<1x16xf32>
      tpu.vector_store %arg14[%swap3A_132, %swap3A_133], %swap3A_136 {strides = array<i32>} : memref<128x128xf32, #tpu.memory_space<vmem>>, vector<1x16xf32>,
      %get3A_137 = arith.index_cast %scan3A_82 : i32 to index
      %get3A_138 = arith.constant 64 : index
      %get3A_139 = tpu.vector_load %arg12[%get3A_137, %get3A_138] {strides = array<i32>} : memref<128x128xf32, #tpu.memory_space<vmem>>, vector<1x16xf32>,
      %get3A_140 = vector.shape_cast %get3A_139 : vector<1x16xf32> to vector<16xf32>
      %get3A_141 = arith.index_cast %scan3A_82 : i32 to index
      %get3A_142 = arith.constant 64 : index
      %get3A_143 = tpu.vector_load %arg13[%get3A_141, %get3A_142] {strides = array<i32>} : memref<128x128xf32, #tpu.memory_space<vmem>>, vector<1x16xf32>,
      %get3A_144 = vector.shape_cast %get3A_143 : vector<1x16xf32> to vector<16xf32>
      %add3A_145 = arith.addf %get3A_140, %get3A_144 : vector<16xf32>
      %swap3A_146 = arith.index_cast %scan3A_82 : i32 to index
      %swap3A_147 = arith.constant 64 : index
      %swap3A_148 = tpu.vector_load %arg14[%swap3A_146, %swap3A_147] {strides = array<i32>} : memref<128x128xf32, #tpu.memory_space<vmem>>, vector<1x16xf32>,
      %swap3A_149 = vector.shape_cast %swap3A_148 : vector<1x16xf32> to vector<16xf32>
      %swap3A_150 = vector.shape_cast %add3A_145 : vector<16xf32> to vector<1x16xf32>
      tpu.vector_store %arg14[%swap3A_146, %swap3A_147], %swap3A_150 {strides = array<i32>} : memref<128x128xf32, #tpu.memory_space<vmem>>, vector<1x16xf32>,
      %get3A_151 = arith.index_cast %scan3A_82 : i32 to index
      %get3A_152 = arith.constant 80 : index
      %get3A_153 = tpu.vector_load %arg12[%get3A_151, %get3A_152] {strides = array<i32>} : memref<128x128xf32, #tpu.memory_space<vmem>>, vector<1x16xf32>,
      %get3A_154 = vector.shape_cast %get3A_153 : vector<1x16xf32> to vector<16xf32>
      %get3A_155 = arith.index_cast %scan3A_82 : i32 to index
      %get3A_156 = arith.constant 80 : index
      %get3A_157 = tpu.vector_load %arg13[%get3A_155, %get3A_156] {strides = array<i32>} : memref<128x128xf32, #tpu.memory_space<vmem>>, vector<1x16xf32>,
      %get3A_158 = vector.shape_cast %get3A_157 : vector<1x16xf32> to vector<16xf32>
      %add3A_159 = arith.addf %get3A_154, %get3A_158 : vector<16xf32>
      %swap3A_160 = arith.index_cast %scan3A_82 : i32 to index
      %swap3A_161 = arith.constant 80 : index
      %swap3A_162 = tpu.vector_load %arg14[%swap3A_160, %swap3A_161] {strides = array<i32>} : memref<128x128xf32, #tpu.memory_space<vmem>>, vector<1x16xf32>,
      %swap3A_163 = vector.shape_cast %swap3A_162 : vector<1x16xf32> to vector<16xf32>
      %swap3A_164 = vector.shape_cast %add3A_159 : vector<16xf32> to vector<1x16xf32>
      tpu.vector_store %arg14[%swap3A_160, %swap3A_161], %swap3A_164 {strides = array<i32>} : memref<128x128xf32, #tpu.memory_space<vmem>>, vector<1x16xf32>,
      %get3A_165 = arith.index_cast %scan3A_82 : i32 to index
      %get3A_166 = arith.constant 96 : index
      %get3A_167 = tpu.vector_load %arg12[%get3A_165, %get3A_166] {strides = array<i32>} : memref<128x128xf32, #tpu.memory_space<vmem>>, vector<1x16xf32>,
      %get3A_168 = vector.shape_cast %get3A_167 : vector<1x16xf32> to vector<16xf32>
      %get3A_169 = arith.index_cast %scan3A_82 : i32 to index
      %get3A_170 = arith.constant 96 : index
      %get3A_171 = tpu.vector_load %arg13[%get3A_169, %get3A_170] {strides = array<i32>} : memref<128x128xf32, #tpu.memory_space<vmem>>, vector<1x16xf32>,
      %get3A_172 = vector.shape_cast %get3A_171 : vector<1x16xf32> to vector<16xf32>
      %add3A_173 = arith.addf %get3A_168, %get3A_172 : vector<16xf32>
      %swap3A_174 = arith.index_cast %scan3A_82 : i32 to index
      %swap3A_175 = arith.constant 96 : index
      %swap3A_176 = tpu.vector_load %arg14[%swap3A_174, %swap3A_175] {strides = array<i32>} : memref<128x128xf32, #tpu.memory_space<vmem>>, vector<1x16xf32>,
      %swap3A_177 = vector.shape_cast %swap3A_176 : vector<1x16xf32> to vector<16xf32>
      %swap3A_178 = vector.shape_cast %add3A_173 : vector<16xf32> to vector<1x16xf32>
      tpu.vector_store %arg14[%swap3A_174, %swap3A_175], %swap3A_178 {strides = array<i32>} : memref<128x128xf32, #tpu.memory_space<vmem>>, vector<1x16xf32>,
      %get3A_179 = arith.index_cast %scan3A_82 : i32 to index
      %get3A_180 = arith.constant 112 : index
      %get3A_181 = tpu.vector_load %arg12[%get3A_179, %get3A_180] {strides = array<i32>} : memref<128x128xf32, #tpu.memory_space<vmem>>, vector<1x16xf32>,
      %get3A_182 = vector.shape_cast %get3A_181 : vector<1x16xf32> to vector<16xf32>
      %get3A_183 = arith.index_cast %scan3A_82 : i32 to index
      %get3A_184 = arith.constant 112 : index
      %get3A_185 = tpu.vector_load %arg13[%get3A_183, %get3A_184] {strides = array<i32>} : memref<128x128xf32, #tpu.memory_space<vmem>>, vector<1x16xf32>,
      %get3A_186 = vector.shape_cast %get3A_185 : vector<1x16xf32> to vector<16xf32>
      %add3A_187 = arith.addf %get3A_182, %get3A_186 : vector<16xf32>
      %swap3A_188 = arith.index_cast %scan3A_82 : i32 to index
      %swap3A_189 = arith.constant 112 : index
      %swap3A_190 = tpu.vector_load %arg14[%swap3A_188, %swap3A_189] {strides = array<i32>} : memref<128x128xf32, #tpu.memory_space<vmem>>, vector<1x16xf32>,
      %swap3A_191 = vector.shape_cast %swap3A_190 : vector<1x16xf32> to vector<16xf32>
      %swap3A_192 = vector.shape_cast %add3A_187 : vector<16xf32> to vector<1x16xf32>
      tpu.vector_store %arg14[%swap3A_188, %swap3A_189], %swap3A_192 {strides = array<i32>} : memref<128x128xf32, #tpu.memory_space<vmem>>, vector<1x16xf32>,
    }
    %scan3A_79 = arith.constant 8 : i32
    %add3A_80 = arith.constant 4992 : i32
    %add3A_81 = arith.addi %mul3A_2, %add3A_80 : i32
    "tpu.region"() ({
      %run_scoped3A = tpu.sem_alloc : memref<!tpu.dma_semaphore, #tpu.memory_space<semaphore_mem>>
      %dma_start3A_82 = arith.constant 0 : i32
      %dma_start3A_83 = arith.constant 0 : i32
      %dma_start3A_84 = tpu.memref_slice %arg14[%dma_start3A_82, %dma_start3A_83] : memref<128x128xf32, #tpu.memory_space<vmem>> -> memref<8x128xf32, #tpu.memory_space<vmem>>
      %dma_start3A_85 = arith.constant 0 : i32
      %dma_start3A_86 = tpu.memref_slice %arg6[%add3A_81, %dma_start3A_85] : memref<160000x128xf32, #tpu.memory_space<hbm>> -> memref<8x128xf32, #tpu.memory_space<hbm>>
      %dma_start3A_87 = arith.constant 0 : i32
      %dma_start3A_88 = tpu.memref_slice %arg6[%add3A_81, %dma_start3A_87] : memref<160000x128xf32, #tpu.memory_space<hbm>> -> memref<8x128xf32, #tpu.memory_space<hbm>>
      %dma_start3A_89 = arith.constant 0 : i32
      %dma_start3A_90 = arith.constant 0 : i32
      %dma_start3A_91 = tpu.memref_slice %arg14[%dma_start3A_89, %dma_start3A_90] : memref<128x128xf32, #tpu.memory_space<vmem>> -> memref<8x128xf32, #tpu.memory_space<vmem>>
      tpu.enqueue_dma source(%dma_start3A_91 : memref<8x128xf32, #tpu.memory_space<vmem>>) target(%dma_start3A_88 : memref<8x128xf32, #tpu.memory_space<hbm>>) target_semaphore(%run_scoped3A : memref<!tpu.dma_semaphore, #tpu.memory_space<semaphore_mem>>)
      %dma_wait3A_92 = arith.constant 0 : i32
      %dma_wait3A_93 = arith.constant 0 : i32
      %dma_wait3A_94 = tpu.memref_slice %arg14[%dma_wait3A_92, %dma_wait3A_93] : memref<128x128xf32, #tpu.memory_space<vmem>> -> memref<8x128xf32, #tpu.memory_space<vmem>>
      %dma_wait3A_95 = arith.constant 0 : i32
      %dma_wait3A_96 = tpu.memref_slice %arg6[%add3A_81, %dma_wait3A_95] : memref<160000x128xf32, #tpu.memory_space<hbm>> -> memref<8x128xf32, #tpu.memory_space<hbm>>
      %dma_wait3A_97 = arith.constant 0 : i32
      %dma_wait3A_98 = tpu.memref_slice %arg6[%add3A_81, %dma_wait3A_97] : memref<160000x128xf32, #tpu.memory_space<hbm>> -> memref<8x128xf32, #tpu.memory_space<hbm>>
      %dma_wait3A_99 = arith.constant 0 : i32
      %dma_wait3A_100 = arith.constant 0 : i32
      %dma_wait3A_101 = tpu.memref_slice %arg14[%dma_wait3A_99, %dma_wait3A_100] : memref<128x128xf32, #tpu.memory_space<vmem>> -> memref<8x128xf32, #tpu.memory_space<vmem>>
      tpu.wait_dma2 semaphore(%run_scoped3A : memref<!tpu.dma_semaphore, #tpu.memory_space<semaphore_mem>>) src(%dma_wait3A_101 : memref<8x128xf32, #tpu.memory_space<vmem>>) dst(%dma_wait3A_98 : memref<8x128xf32, #tpu.memory_space<hbm>>)
      tpu.yield
    }) : () -> ()
    return
  }
}

#map = affine_map<(d0, d1) -> (0, 0)>
#map1 = affine_map<(d0, d1) -> (0)>
#map2 = affine_map<(d0, d1) -> (0, 0, 0)>
module attributes {stable_mosaic.version = 14 : i64} {
  func.func @_scatter_body(%arg0: i32, %arg1: i32, %arg2: memref<160000x128xf32, #tpu.memory_space<hbm>>, %arg3: memref<160000xi32, #tpu.memory_space<hbm>>, %arg4: memref<10000x128xf32, #tpu.memory_space<hbm>>, %arg5: memref<2x10000x128xf32, #tpu.memory_space<hbm>>, %arg6: memref<80xi32, #tpu.memory_space<vmem>>, %arg7: memref<80xi32, #tpu.memory_space<vmem>>, %arg8: memref<80xi32, #tpu.memory_space<vmem>>, %arg9: memref<80xi32, #tpu.memory_space<vmem>>, %arg10: memref<40xi32, #tpu.memory_space<vmem>>, %arg11: memref<80x128xf32, #tpu.memory_space<vmem>>, %arg12: memref<80x128xf32, #tpu.memory_space<vmem>>, %arg13: memref<80x128xf32, #tpu.memory_space<vmem>>, %arg14: memref<80x128xf32, #tpu.memory_space<vmem>>, %arg15: memref<10000x128xf32, #tpu.memory_space<vmem_shared>>, %arg16: memref<!tpu.dma_semaphore, #tpu.memory_space<semaphore_mem>>, %arg17: memref<!tpu.dma_semaphore, #tpu.memory_space<semaphore_mem>>, %arg18: memref<!tpu.dma_semaphore, #tpu.memory_space<semaphore_mem>>, %arg19: memref<!tpu.dma_semaphore, #tpu.memory_space<semaphore_mem>>, %arg20: memref<!tpu.dma_semaphore, #tpu.memory_space<semaphore_mem>>, %arg21: memref<!tpu.dma_semaphore, #tpu.memory_space<semaphore_mem>>, %arg22: memref<!tpu.dma_semaphore, #tpu.memory_space<semaphore_mem>>, %arg23: memref<!tpu.dma_semaphore, #tpu.memory_space<semaphore_mem>>) attributes {dimension_semantics = [#tpu.dimension_semantics<core_parallel>, #tpu.dimension_semantics<subcore_parallel>], iteration_bounds = array<i64: 2, 16>, scalar_prefetch = 0 : i64, scratch_operands = 18 : i64, tpu.core_type = #tpu.core_type<sc_vector_subcore>, window_params = [{transform_indices = #map}, {transform_indices = #map1}, {transform_indices = #map}, {transform_indices = #map2}]} {
    %mul3A = arith.constant 2 : i32
    %mul3A_0 = arith.muli %arg1, %mul3A : i32
    %add3A = arith.addi %mul3A_0, %arg0 : i32
    %mul3A_1 = arith.constant 624 : i32
    %mul3A_2 = arith.muli %arg1, %mul3A_1 : i32
    %mul3A_3 = arith.constant 624 : i32
    %mul3A_4 = arith.muli %arg1, %mul3A_3 : i32
    "tpu.region"() ({
      %run_scoped3A = tpu.sem_alloc : memref<!tpu.dma_semaphore, #tpu.memory_space<semaphore_mem>>
      %dma_start3A = arith.constant 0 : i32
      %dma_start3A_41 = tpu.memref_slice %arg15[%mul3A_4, %dma_start3A] : memref<10000x128xf32, #tpu.memory_space<vmem_shared>> -> memref<624x128xf32, #tpu.memory_space<vmem_shared>>
      %dma_start3A_42 = arith.constant 0 : i32
      %dma_start3A_43 = tpu.memref_slice %arg4[%mul3A_2, %dma_start3A_42] : memref<10000x128xf32, #tpu.memory_space<hbm>> -> memref<624x128xf32, #tpu.memory_space<hbm>>
      tpu.enqueue_dma source(%dma_start3A_43 : memref<624x128xf32, #tpu.memory_space<hbm>>) target(%dma_start3A_41 : memref<624x128xf32, #tpu.memory_space<vmem_shared>>) target_semaphore(%run_scoped3A : memref<!tpu.dma_semaphore, #tpu.memory_space<semaphore_mem>>)
      %dma_wait3A_44 = arith.constant 0 : i32
      %dma_wait3A_45 = tpu.memref_slice %arg15[%mul3A_4, %dma_wait3A_44] : memref<10000x128xf32, #tpu.memory_space<vmem_shared>> -> memref<624x128xf32, #tpu.memory_space<vmem_shared>>
      %dma_wait3A_46 = arith.constant 0 : i32
      %dma_wait3A_47 = tpu.memref_slice %arg4[%mul3A_2, %dma_wait3A_46] : memref<10000x128xf32, #tpu.memory_space<hbm>> -> memref<624x128xf32, #tpu.memory_space<hbm>>
      tpu.wait_dma2 semaphore(%run_scoped3A : memref<!tpu.dma_semaphore, #tpu.memory_space<semaphore_mem>>) src(%dma_wait3A_47 : memref<624x128xf32, #tpu.memory_space<hbm>>) dst(%dma_wait3A_45 : memref<624x128xf32, #tpu.memory_space<vmem_shared>>)
      tpu.yield
    }) : () -> ()
    %eq3A = arith.constant 15 : i32
    %eq3A_5 = arith.cmpi eq, %arg1, %eq3A : i32
    %convert_element_type3A = arith.extui %eq3A_5 : i1 to i32
    %cond3A = arith.constant 0 : i32
    %cond3A_6 = arith.cmpi ne, %convert_element_type3A, %cond3A : i32
    scf.if %cond3A_6 {
      "tpu.region"() ({
        %run_scoped3A = tpu.sem_alloc : memref<!tpu.dma_semaphore, #tpu.memory_space<semaphore_mem>>
        %dma_start3A = arith.constant 9984 : i32
        %dma_start3A_41 = arith.constant 0 : i32
        %dma_start3A_42 = tpu.memref_slice %arg15[%dma_start3A, %dma_start3A_41] : memref<10000x128xf32, #tpu.memory_space<vmem_shared>> -> memref<16x128xf32, #tpu.memory_space<vmem_shared>>
        %dma_start3A_43 = arith.constant 9984 : i32
        %dma_start3A_44 = arith.constant 0 : i32
        %dma_start3A_45 = tpu.memref_slice %arg4[%dma_start3A_43, %dma_start3A_44] : memref<10000x128xf32, #tpu.memory_space<hbm>> -> memref<16x128xf32, #tpu.memory_space<hbm>>
        tpu.enqueue_dma source(%dma_start3A_45 : memref<16x128xf32, #tpu.memory_space<hbm>>) target(%dma_start3A_42 : memref<16x128xf32, #tpu.memory_space<vmem_shared>>) target_semaphore(%run_scoped3A : memref<!tpu.dma_semaphore, #tpu.memory_space<semaphore_mem>>)
        %dma_wait3A_46 = arith.constant 9984 : i32
        %dma_wait3A_47 = arith.constant 0 : i32
        %dma_wait3A_48 = tpu.memref_slice %arg15[%dma_wait3A_46, %dma_wait3A_47] : memref<10000x128xf32, #tpu.memory_space<vmem_shared>> -> memref<16x128xf32, #tpu.memory_space<vmem_shared>>
        %dma_wait3A_49 = arith.constant 9984 : i32
        %dma_wait3A_50 = arith.constant 0 : i32
        %dma_wait3A_51 = tpu.memref_slice %arg4[%dma_wait3A_49, %dma_wait3A_50] : memref<10000x128xf32, #tpu.memory_space<hbm>> -> memref<16x128xf32, #tpu.memory_space<hbm>>
        tpu.wait_dma2 semaphore(%run_scoped3A : memref<!tpu.dma_semaphore, #tpu.memory_space<semaphore_mem>>) src(%dma_wait3A_51 : memref<16x128xf32, #tpu.memory_space<hbm>>) dst(%dma_wait3A_48 : memref<16x128xf32, #tpu.memory_space<vmem_shared>>)
        tpu.yield
      }) : () -> ()
    } else {
    }
    %barrier3A = arith.constant 0 : index
    tpu.barrier barrier_id(%barrier3A)
    %mul3A_7 = arith.constant 5000 : i32
    %mul3A_8 = arith.muli %add3A, %mul3A_7 : i32
    %scan3A = arith.constant 0 : i32
    %scan3A_9 = arith.constant 0 : i32
    %scan3A_10 = arith.constant 15 : i32
    %scan3A_11 = arith.addi %scan3A_9, %scan3A_10 : i32
    %scan3A_12 = arith.constant 1 : i32
    scf.for %scan3A_41 = %scan3A_9 to %scan3A_11 step %scan3A_12  : i32 {
      %mul3A_42 = arith.constant 4 : i32
      %mul3A_43 = arith.muli %mul3A_42, %scan3A_41 : i32
      %mul3A_44 = arith.constant 80 : i32
      %mul3A_45 = arith.muli %mul3A_43, %mul3A_44 : i32
      %add3A_46 = arith.addi %mul3A_8, %mul3A_45 : i32
      %add3A_47 = arith.constant 80 : i32
      %add3A_48 = arith.addi %add3A_46, %add3A_47 : i32
      %add3A_49 = arith.constant 80 : i32
      %add3A_50 = arith.addi %add3A_48, %add3A_49 : i32
      %add3A_51 = arith.constant 80 : i32
      %add3A_52 = arith.addi %add3A_50, %add3A_51 : i32
      %gt3A = arith.constant 0 : i32
      %gt3A_53 = arith.cmpi sgt, %scan3A_41, %gt3A : i32
      %convert_element_type3A_54 = arith.extui %gt3A_53 : i1 to i32
      %cond3A_55 = arith.constant 0 : i32
      %cond3A_56 = arith.cmpi ne, %convert_element_type3A_54, %cond3A_55 : i32
      scf.if %cond3A_56 {
        %dma_wait3A_105 = arith.constant 0 : i32
        %dma_wait3A_106 = arith.constant 0 : i32
        %dma_wait3A_107 = tpu.memref_slice %arg15[%dma_wait3A_105, %dma_wait3A_106] : memref<10000x128xf32, #tpu.memory_space<vmem_shared>> -> memref<10000x128xf32, #tpu.memory_space<vmem_shared>>
        tpu.wait_indirect_dma semaphore(%arg20 : memref<!tpu.dma_semaphore, #tpu.memory_space<semaphore_mem>>) src(%arg11 : memref<80x128xf32, #tpu.memory_space<vmem>>) dst(%dma_wait3A_107 : memref<10000x128xf32, #tpu.memory_space<vmem_shared>>)
        %dma_wait3A_108 = arith.constant 0 : i32
        %dma_wait3A_109 = arith.constant 0 : i32
        %dma_wait3A_110 = tpu.memref_slice %arg15[%dma_wait3A_108, %dma_wait3A_109] : memref<10000x128xf32, #tpu.memory_space<vmem_shared>> -> memref<10000x128xf32, #tpu.memory_space<vmem_shared>>
        tpu.wait_indirect_dma semaphore(%arg21 : memref<!tpu.dma_semaphore, #tpu.memory_space<semaphore_mem>>) src(%arg12 : memref<80x128xf32, #tpu.memory_space<vmem>>) dst(%dma_wait3A_110 : memref<10000x128xf32, #tpu.memory_space<vmem_shared>>)
      } else {
      }
      "tpu.region"() ({
        %run_scoped3A = tpu.sem_alloc : memref<!tpu.dma_semaphore, #tpu.memory_space<semaphore_mem>>
        %dma_start3A_105 = tpu.memref_slice %arg3[%add3A_46] : memref<160000xi32, #tpu.memory_space<hbm>> -> memref<80xi32, #tpu.memory_space<hbm>>
        %dma_start3A_106 = tpu.memref_slice %arg3[%add3A_46] : memref<160000xi32, #tpu.memory_space<hbm>> -> memref<80xi32, #tpu.memory_space<hbm>>
        tpu.enqueue_dma source(%dma_start3A_106 : memref<80xi32, #tpu.memory_space<hbm>>) target(%arg6 : memref<80xi32, #tpu.memory_space<vmem>>) target_semaphore(%run_scoped3A : memref<!tpu.dma_semaphore, #tpu.memory_space<semaphore_mem>>)
        %dma_wait3A_107 = tpu.memref_slice %arg3[%add3A_46] : memref<160000xi32, #tpu.memory_space<hbm>> -> memref<80xi32, #tpu.memory_space<hbm>>
        %dma_wait3A_108 = tpu.memref_slice %arg3[%add3A_46] : memref<160000xi32, #tpu.memory_space<hbm>> -> memref<80xi32, #tpu.memory_space<hbm>>
        tpu.wait_dma2 semaphore(%run_scoped3A : memref<!tpu.dma_semaphore, #tpu.memory_space<semaphore_mem>>) src(%dma_wait3A_108 : memref<80xi32, #tpu.memory_space<hbm>>) dst(%arg6 : memref<80xi32, #tpu.memory_space<vmem>>)
        tpu.yield
      }) : () -> ()
      %dma_start3A = arith.constant 0 : i32
      %dma_start3A_57 = tpu.memref_slice %arg2[%add3A_46, %dma_start3A] : memref<160000x128xf32, #tpu.memory_space<hbm>> -> memref<80x128xf32, #tpu.memory_space<hbm>>
      %dma_start3A_58 = arith.constant 0 : i32
      %dma_start3A_59 = tpu.memref_slice %arg2[%add3A_46, %dma_start3A_58] : memref<160000x128xf32, #tpu.memory_space<hbm>> -> memref<80x128xf32, #tpu.memory_space<hbm>>
      tpu.enqueue_dma source(%dma_start3A_59 : memref<80x128xf32, #tpu.memory_space<hbm>>) target(%arg11 : memref<80x128xf32, #tpu.memory_space<vmem>>) target_semaphore(%arg16 : memref<!tpu.dma_semaphore, #tpu.memory_space<semaphore_mem>>)
      "tpu.region"() ({
        %run_scoped3A = tpu.sem_alloc : memref<!tpu.dma_semaphore, #tpu.memory_space<semaphore_mem>>
        %dma_start3A_105 = tpu.memref_slice %arg3[%add3A_48] : memref<160000xi32, #tpu.memory_space<hbm>> -> memref<80xi32, #tpu.memory_space<hbm>>
        %dma_start3A_106 = tpu.memref_slice %arg3[%add3A_48] : memref<160000xi32, #tpu.memory_space<hbm>> -> memref<80xi32, #tpu.memory_space<hbm>>
        tpu.enqueue_dma source(%dma_start3A_106 : memref<80xi32, #tpu.memory_space<hbm>>) target(%arg7 : memref<80xi32, #tpu.memory_space<vmem>>) target_semaphore(%run_scoped3A : memref<!tpu.dma_semaphore, #tpu.memory_space<semaphore_mem>>)
        %dma_wait3A_107 = tpu.memref_slice %arg3[%add3A_48] : memref<160000xi32, #tpu.memory_space<hbm>> -> memref<80xi32, #tpu.memory_space<hbm>>
        %dma_wait3A_108 = tpu.memref_slice %arg3[%add3A_48] : memref<160000xi32, #tpu.memory_space<hbm>> -> memref<80xi32, #tpu.memory_space<hbm>>
        tpu.wait_dma2 semaphore(%run_scoped3A : memref<!tpu.dma_semaphore, #tpu.memory_space<semaphore_mem>>) src(%dma_wait3A_108 : memref<80xi32, #tpu.memory_space<hbm>>) dst(%arg7 : memref<80xi32, #tpu.memory_space<vmem>>)
        tpu.yield
      }) : () -> ()
      %dma_start3A_60 = arith.constant 0 : i32
      %dma_start3A_61 = tpu.memref_slice %arg2[%add3A_48, %dma_start3A_60] : memref<160000x128xf32, #tpu.memory_space<hbm>> -> memref<80x128xf32, #tpu.memory_space<hbm>>
      %dma_start3A_62 = arith.constant 0 : i32
      %dma_start3A_63 = tpu.memref_slice %arg2[%add3A_48, %dma_start3A_62] : memref<160000x128xf32, #tpu.memory_space<hbm>> -> memref<80x128xf32, #tpu.memory_space<hbm>>
      tpu.enqueue_dma source(%dma_start3A_63 : memref<80x128xf32, #tpu.memory_space<hbm>>) target(%arg12 : memref<80x128xf32, #tpu.memory_space<vmem>>) target_semaphore(%arg17 : memref<!tpu.dma_semaphore, #tpu.memory_space<semaphore_mem>>)
      %gt3A_64 = arith.constant 0 : i32
      %gt3A_65 = arith.cmpi sgt, %scan3A_41, %gt3A_64 : i32
      %convert_element_type3A_66 = arith.extui %gt3A_65 : i1 to i32
      %cond3A_67 = arith.constant 0 : i32
      %cond3A_68 = arith.cmpi ne, %convert_element_type3A_66, %cond3A_67 : i32
      scf.if %cond3A_68 {
        %dma_wait3A_105 = arith.constant 0 : i32
        %dma_wait3A_106 = arith.constant 0 : i32
        %dma_wait3A_107 = tpu.memref_slice %arg15[%dma_wait3A_105, %dma_wait3A_106] : memref<10000x128xf32, #tpu.memory_space<vmem_shared>> -> memref<10000x128xf32, #tpu.memory_space<vmem_shared>>
        tpu.wait_indirect_dma semaphore(%arg22 : memref<!tpu.dma_semaphore, #tpu.memory_space<semaphore_mem>>) src(%arg13 : memref<80x128xf32, #tpu.memory_space<vmem>>) dst(%dma_wait3A_107 : memref<10000x128xf32, #tpu.memory_space<vmem_shared>>)
        %dma_wait3A_108 = arith.constant 0 : i32
        %dma_wait3A_109 = arith.constant 0 : i32
        %dma_wait3A_110 = tpu.memref_slice %arg15[%dma_wait3A_108, %dma_wait3A_109] : memref<10000x128xf32, #tpu.memory_space<vmem_shared>> -> memref<10000x128xf32, #tpu.memory_space<vmem_shared>>
        tpu.wait_indirect_dma semaphore(%arg23 : memref<!tpu.dma_semaphore, #tpu.memory_space<semaphore_mem>>) src(%arg14 : memref<80x128xf32, #tpu.memory_space<vmem>>) dst(%dma_wait3A_110 : memref<10000x128xf32, #tpu.memory_space<vmem_shared>>)
      } else {
      }
      "tpu.region"() ({
        %run_scoped3A = tpu.sem_alloc : memref<!tpu.dma_semaphore, #tpu.memory_space<semaphore_mem>>
        %dma_start3A_105 = tpu.memref_slice %arg3[%add3A_50] : memref<160000xi32, #tpu.memory_space<hbm>> -> memref<80xi32, #tpu.memory_space<hbm>>
        %dma_start3A_106 = tpu.memref_slice %arg3[%add3A_50] : memref<160000xi32, #tpu.memory_space<hbm>> -> memref<80xi32, #tpu.memory_space<hbm>>
        tpu.enqueue_dma source(%dma_start3A_106 : memref<80xi32, #tpu.memory_space<hbm>>) target(%arg8 : memref<80xi32, #tpu.memory_space<vmem>>) target_semaphore(%run_scoped3A : memref<!tpu.dma_semaphore, #tpu.memory_space<semaphore_mem>>)
        %dma_wait3A_107 = tpu.memref_slice %arg3[%add3A_50] : memref<160000xi32, #tpu.memory_space<hbm>> -> memref<80xi32, #tpu.memory_space<hbm>>
        %dma_wait3A_108 = tpu.memref_slice %arg3[%add3A_50] : memref<160000xi32, #tpu.memory_space<hbm>> -> memref<80xi32, #tpu.memory_space<hbm>>
        tpu.wait_dma2 semaphore(%run_scoped3A : memref<!tpu.dma_semaphore, #tpu.memory_space<semaphore_mem>>) src(%dma_wait3A_108 : memref<80xi32, #tpu.memory_space<hbm>>) dst(%arg8 : memref<80xi32, #tpu.memory_space<vmem>>)
        tpu.yield
      }) : () -> ()
      %dma_start3A_69 = arith.constant 0 : i32
      %dma_start3A_70 = tpu.memref_slice %arg2[%add3A_50, %dma_start3A_69] : memref<160000x128xf32, #tpu.memory_space<hbm>> -> memref<80x128xf32, #tpu.memory_space<hbm>>
      %dma_start3A_71 = arith.constant 0 : i32
      %dma_start3A_72 = tpu.memref_slice %arg2[%add3A_50, %dma_start3A_71] : memref<160000x128xf32, #tpu.memory_space<hbm>> -> memref<80x128xf32, #tpu.memory_space<hbm>>
      tpu.enqueue_dma source(%dma_start3A_72 : memref<80x128xf32, #tpu.memory_space<hbm>>) target(%arg13 : memref<80x128xf32, #tpu.memory_space<vmem>>) target_semaphore(%arg18 : memref<!tpu.dma_semaphore, #tpu.memory_space<semaphore_mem>>)
      "tpu.region"() ({
        %run_scoped3A = tpu.sem_alloc : memref<!tpu.dma_semaphore, #tpu.memory_space<semaphore_mem>>
        %dma_start3A_105 = tpu.memref_slice %arg3[%add3A_52] : memref<160000xi32, #tpu.memory_space<hbm>> -> memref<80xi32, #tpu.memory_space<hbm>>
        %dma_start3A_106 = tpu.memref_slice %arg3[%add3A_52] : memref<160000xi32, #tpu.memory_space<hbm>> -> memref<80xi32, #tpu.memory_space<hbm>>
        tpu.enqueue_dma source(%dma_start3A_106 : memref<80xi32, #tpu.memory_space<hbm>>) target(%arg9 : memref<80xi32, #tpu.memory_space<vmem>>) target_semaphore(%run_scoped3A : memref<!tpu.dma_semaphore, #tpu.memory_space<semaphore_mem>>)
        %dma_wait3A_107 = tpu.memref_slice %arg3[%add3A_52] : memref<160000xi32, #tpu.memory_space<hbm>> -> memref<80xi32, #tpu.memory_space<hbm>>
        %dma_wait3A_108 = tpu.memref_slice %arg3[%add3A_52] : memref<160000xi32, #tpu.memory_space<hbm>> -> memref<80xi32, #tpu.memory_space<hbm>>
        tpu.wait_dma2 semaphore(%run_scoped3A : memref<!tpu.dma_semaphore, #tpu.memory_space<semaphore_mem>>) src(%dma_wait3A_108 : memref<80xi32, #tpu.memory_space<hbm>>) dst(%arg9 : memref<80xi32, #tpu.memory_space<vmem>>)
        tpu.yield
      }) : () -> ()
      %dma_start3A_73 = arith.constant 0 : i32
      %dma_start3A_74 = tpu.memref_slice %arg2[%add3A_52, %dma_start3A_73] : memref<160000x128xf32, #tpu.memory_space<hbm>> -> memref<80x128xf32, #tpu.memory_space<hbm>>
      %dma_start3A_75 = arith.constant 0 : i32
      %dma_start3A_76 = tpu.memref_slice %arg2[%add3A_52, %dma_start3A_75] : memref<160000x128xf32, #tpu.memory_space<hbm>> -> memref<80x128xf32, #tpu.memory_space<hbm>>
      tpu.enqueue_dma source(%dma_start3A_76 : memref<80x128xf32, #tpu.memory_space<hbm>>) target(%arg14 : memref<80x128xf32, #tpu.memory_space<vmem>>) target_semaphore(%arg19 : memref<!tpu.dma_semaphore, #tpu.memory_space<semaphore_mem>>)
      %dma_wait3A_77 = arith.constant 0 : i32
      %dma_wait3A_78 = tpu.memref_slice %arg2[%add3A_46, %dma_wait3A_77] : memref<160000x128xf32, #tpu.memory_space<hbm>> -> memref<80x128xf32, #tpu.memory_space<hbm>>
      %dma_wait3A_79 = arith.constant 0 : i32
      %dma_wait3A_80 = tpu.memref_slice %arg2[%add3A_46, %dma_wait3A_79] : memref<160000x128xf32, #tpu.memory_space<hbm>> -> memref<80x128xf32, #tpu.memory_space<hbm>>
      tpu.wait_dma2 semaphore(%arg16 : memref<!tpu.dma_semaphore, #tpu.memory_space<semaphore_mem>>) src(%dma_wait3A_80 : memref<80x128xf32, #tpu.memory_space<hbm>>) dst(%arg11 : memref<80x128xf32, #tpu.memory_space<vmem>>)
      %dma_start3A_81 = arith.constant 0 : i32
      %dma_start3A_82 = arith.constant 0 : i32
      %dma_start3A_83 = tpu.memref_slice %arg15[%dma_start3A_81, %dma_start3A_82] : memref<10000x128xf32, #tpu.memory_space<vmem_shared>> -> memref<10000x128xf32, #tpu.memory_space<vmem_shared>>
      tpu.enqueue_indirect_dma source(%arg11 : memref<80x128xf32, #tpu.memory_space<vmem>>) target(%dma_start3A_83 : memref<10000x128xf32, #tpu.memory_space<vmem_shared>>) offsets(%arg6 : memref<80xi32, #tpu.memory_space<vmem>>) semaphore(%arg20 : memref<!tpu.dma_semaphore, #tpu.memory_space<semaphore_mem>>) {add = true}
      %dma_wait3A_84 = arith.constant 0 : i32
      %dma_wait3A_85 = tpu.memref_slice %arg2[%add3A_48, %dma_wait3A_84] : memref<160000x128xf32, #tpu.memory_space<hbm>> -> memref<80x128xf32, #tpu.memory_space<hbm>>
      %dma_wait3A_86 = arith.constant 0 : i32
      %dma_wait3A_87 = tpu.memref_slice %arg2[%add3A_48, %dma_wait3A_86] : memref<160000x128xf32, #tpu.memory_space<hbm>> -> memref<80x128xf32, #tpu.memory_space<hbm>>
      tpu.wait_dma2 semaphore(%arg17 : memref<!tpu.dma_semaphore, #tpu.memory_space<semaphore_mem>>) src(%dma_wait3A_87 : memref<80x128xf32, #tpu.memory_space<hbm>>) dst(%arg12 : memref<80x128xf32, #tpu.memory_space<vmem>>)
      %dma_start3A_88 = arith.constant 0 : i32
      %dma_start3A_89 = arith.constant 0 : i32
      %dma_start3A_90 = tpu.memref_slice %arg15[%dma_start3A_88, %dma_start3A_89] : memref<10000x128xf32, #tpu.memory_space<vmem_shared>> -> memref<10000x128xf32, #tpu.memory_space<vmem_shared>>
      tpu.enqueue_indirect_dma source(%arg12 : memref<80x128xf32, #tpu.memory_space<vmem>>) target(%dma_start3A_90 : memref<10000x128xf32, #tpu.memory_space<vmem_shared>>) offsets(%arg7 : memref<80xi32, #tpu.memory_space<vmem>>) semaphore(%arg21 : memref<!tpu.dma_semaphore, #tpu.memory_space<semaphore_mem>>) {add = true}
      %dma_wait3A_91 = arith.constant 0 : i32
      %dma_wait3A_92 = tpu.memref_slice %arg2[%add3A_50, %dma_wait3A_91] : memref<160000x128xf32, #tpu.memory_space<hbm>> -> memref<80x128xf32, #tpu.memory_space<hbm>>
      %dma_wait3A_93 = arith.constant 0 : i32
      %dma_wait3A_94 = tpu.memref_slice %arg2[%add3A_50, %dma_wait3A_93] : memref<160000x128xf32, #tpu.memory_space<hbm>> -> memref<80x128xf32, #tpu.memory_space<hbm>>
      tpu.wait_dma2 semaphore(%arg18 : memref<!tpu.dma_semaphore, #tpu.memory_space<semaphore_mem>>) src(%dma_wait3A_94 : memref<80x128xf32, #tpu.memory_space<hbm>>) dst(%arg13 : memref<80x128xf32, #tpu.memory_space<vmem>>)
      %dma_start3A_95 = arith.constant 0 : i32
      %dma_start3A_96 = arith.constant 0 : i32
      %dma_start3A_97 = tpu.memref_slice %arg15[%dma_start3A_95, %dma_start3A_96] : memref<10000x128xf32, #tpu.memory_space<vmem_shared>> -> memref<10000x128xf32, #tpu.memory_space<vmem_shared>>
      tpu.enqueue_indirect_dma source(%arg13 : memref<80x128xf32, #tpu.memory_space<vmem>>) target(%dma_start3A_97 : memref<10000x128xf32, #tpu.memory_space<vmem_shared>>) offsets(%arg8 : memref<80xi32, #tpu.memory_space<vmem>>) semaphore(%arg22 : memref<!tpu.dma_semaphore, #tpu.memory_space<semaphore_mem>>) {add = true}
      %dma_wait3A_98 = arith.constant 0 : i32
      %dma_wait3A_99 = tpu.memref_slice %arg2[%add3A_52, %dma_wait3A_98] : memref<160000x128xf32, #tpu.memory_space<hbm>> -> memref<80x128xf32, #tpu.memory_space<hbm>>
      %dma_wait3A_100 = arith.constant 0 : i32
      %dma_wait3A_101 = tpu.memref_slice %arg2[%add3A_52, %dma_wait3A_100] : memref<160000x128xf32, #tpu.memory_space<hbm>> -> memref<80x128xf32, #tpu.memory_space<hbm>>
      tpu.wait_dma2 semaphore(%arg19 : memref<!tpu.dma_semaphore, #tpu.memory_space<semaphore_mem>>) src(%dma_wait3A_101 : memref<80x128xf32, #tpu.memory_space<hbm>>) dst(%arg14 : memref<80x128xf32, #tpu.memory_space<vmem>>)
      %dma_start3A_102 = arith.constant 0 : i32
      %dma_start3A_103 = arith.constant 0 : i32
      %dma_start3A_104 = tpu.memref_slice %arg15[%dma_start3A_102, %dma_start3A_103] : memref<10000x128xf32, #tpu.memory_space<vmem_shared>> -> memref<10000x128xf32, #tpu.memory_space<vmem_shared>>
      tpu.enqueue_indirect_dma source(%arg14 : memref<80x128xf32, #tpu.memory_space<vmem>>) target(%dma_start3A_104 : memref<10000x128xf32, #tpu.memory_space<vmem_shared>>) offsets(%arg9 : memref<80xi32, #tpu.memory_space<vmem>>) semaphore(%arg23 : memref<!tpu.dma_semaphore, #tpu.memory_space<semaphore_mem>>) {add = true}
    }
    %scan3A_13 = arith.constant 15 : i32
    %dma_wait3A = arith.constant 0 : i32
    %dma_wait3A_14 = arith.constant 0 : i32
    %dma_wait3A_15 = tpu.memref_slice %arg15[%dma_wait3A, %dma_wait3A_14] : memref<10000x128xf32, #tpu.memory_space<vmem_shared>> -> memref<10000x128xf32, #tpu.memory_space<vmem_shared>>
    tpu.wait_indirect_dma semaphore(%arg20 : memref<!tpu.dma_semaphore, #tpu.memory_space<semaphore_mem>>) src(%arg11 : memref<80x128xf32, #tpu.memory_space<vmem>>) dst(%dma_wait3A_15 : memref<10000x128xf32, #tpu.memory_space<vmem_shared>>)
    %dma_wait3A_16 = arith.constant 0 : i32
    %dma_wait3A_17 = arith.constant 0 : i32
    %dma_wait3A_18 = tpu.memref_slice %arg15[%dma_wait3A_16, %dma_wait3A_17] : memref<10000x128xf32, #tpu.memory_space<vmem_shared>> -> memref<10000x128xf32, #tpu.memory_space<vmem_shared>>
    tpu.wait_indirect_dma semaphore(%arg21 : memref<!tpu.dma_semaphore, #tpu.memory_space<semaphore_mem>>) src(%arg12 : memref<80x128xf32, #tpu.memory_space<vmem>>) dst(%dma_wait3A_18 : memref<10000x128xf32, #tpu.memory_space<vmem_shared>>)
    %dma_wait3A_19 = arith.constant 0 : i32
    %dma_wait3A_20 = arith.constant 0 : i32
    %dma_wait3A_21 = tpu.memref_slice %arg15[%dma_wait3A_19, %dma_wait3A_20] : memref<10000x128xf32, #tpu.memory_space<vmem_shared>> -> memref<10000x128xf32, #tpu.memory_space<vmem_shared>>
    tpu.wait_indirect_dma semaphore(%arg22 : memref<!tpu.dma_semaphore, #tpu.memory_space<semaphore_mem>>) src(%arg13 : memref<80x128xf32, #tpu.memory_space<vmem>>) dst(%dma_wait3A_21 : memref<10000x128xf32, #tpu.memory_space<vmem_shared>>)
    %dma_wait3A_22 = arith.constant 0 : i32
    %dma_wait3A_23 = arith.constant 0 : i32
    %dma_wait3A_24 = tpu.memref_slice %arg15[%dma_wait3A_22, %dma_wait3A_23] : memref<10000x128xf32, #tpu.memory_space<vmem_shared>> -> memref<10000x128xf32, #tpu.memory_space<vmem_shared>>
    tpu.wait_indirect_dma semaphore(%arg23 : memref<!tpu.dma_semaphore, #tpu.memory_space<semaphore_mem>>) src(%arg14 : memref<80x128xf32, #tpu.memory_space<vmem>>) dst(%dma_wait3A_24 : memref<10000x128xf32, #tpu.memory_space<vmem_shared>>)
    %add3A_25 = arith.constant 4800 : i32
    %add3A_26 = arith.addi %mul3A_8, %add3A_25 : i32
    "tpu.region"() ({
      %run_scoped3A = tpu.sem_alloc : memref<!tpu.dma_semaphore, #tpu.memory_space<semaphore_mem>>
      %dma_start3A = tpu.memref_slice %arg3[%add3A_26] : memref<160000xi32, #tpu.memory_space<hbm>> -> memref<80xi32, #tpu.memory_space<hbm>>
      %dma_start3A_41 = tpu.memref_slice %arg3[%add3A_26] : memref<160000xi32, #tpu.memory_space<hbm>> -> memref<80xi32, #tpu.memory_space<hbm>>
      tpu.enqueue_dma source(%dma_start3A_41 : memref<80xi32, #tpu.memory_space<hbm>>) target(%arg6 : memref<80xi32, #tpu.memory_space<vmem>>) target_semaphore(%run_scoped3A : memref<!tpu.dma_semaphore, #tpu.memory_space<semaphore_mem>>)
      %dma_wait3A_42 = tpu.memref_slice %arg3[%add3A_26] : memref<160000xi32, #tpu.memory_space<hbm>> -> memref<80xi32, #tpu.memory_space<hbm>>
      %dma_wait3A_43 = tpu.memref_slice %arg3[%add3A_26] : memref<160000xi32, #tpu.memory_space<hbm>> -> memref<80xi32, #tpu.memory_space<hbm>>
      tpu.wait_dma2 semaphore(%run_scoped3A : memref<!tpu.dma_semaphore, #tpu.memory_space<semaphore_mem>>) src(%dma_wait3A_43 : memref<80xi32, #tpu.memory_space<hbm>>) dst(%arg6 : memref<80xi32, #tpu.memory_space<vmem>>)
      tpu.yield
    }) : () -> ()
    "tpu.region"() ({
      %run_scoped3A = tpu.sem_alloc : memref<!tpu.dma_semaphore, #tpu.memory_space<semaphore_mem>>
      %dma_start3A = arith.constant 0 : i32
      %dma_start3A_41 = tpu.memref_slice %arg2[%add3A_26, %dma_start3A] : memref<160000x128xf32, #tpu.memory_space<hbm>> -> memref<80x128xf32, #tpu.memory_space<hbm>>
      %dma_start3A_42 = arith.constant 0 : i32
      %dma_start3A_43 = tpu.memref_slice %arg2[%add3A_26, %dma_start3A_42] : memref<160000x128xf32, #tpu.memory_space<hbm>> -> memref<80x128xf32, #tpu.memory_space<hbm>>
      tpu.enqueue_dma source(%dma_start3A_43 : memref<80x128xf32, #tpu.memory_space<hbm>>) target(%arg11 : memref<80x128xf32, #tpu.memory_space<vmem>>) target_semaphore(%run_scoped3A : memref<!tpu.dma_semaphore, #tpu.memory_space<semaphore_mem>>)
      %dma_wait3A_44 = arith.constant 0 : i32
      %dma_wait3A_45 = tpu.memref_slice %arg2[%add3A_26, %dma_wait3A_44] : memref<160000x128xf32, #tpu.memory_space<hbm>> -> memref<80x128xf32, #tpu.memory_space<hbm>>
      %dma_wait3A_46 = arith.constant 0 : i32
      %dma_wait3A_47 = tpu.memref_slice %arg2[%add3A_26, %dma_wait3A_46] : memref<160000x128xf32, #tpu.memory_space<hbm>> -> memref<80x128xf32, #tpu.memory_space<hbm>>
      tpu.wait_dma2 semaphore(%run_scoped3A : memref<!tpu.dma_semaphore, #tpu.memory_space<semaphore_mem>>) src(%dma_wait3A_47 : memref<80x128xf32, #tpu.memory_space<hbm>>) dst(%arg11 : memref<80x128xf32, #tpu.memory_space<vmem>>)
      tpu.yield
    }) : () -> ()
    "tpu.region"() ({
      %run_scoped3A = tpu.sem_alloc : memref<!tpu.dma_semaphore, #tpu.memory_space<semaphore_mem>>
      %dma_start3A = arith.constant 0 : i32
      %dma_start3A_41 = arith.constant 0 : i32
      %dma_start3A_42 = tpu.memref_slice %arg15[%dma_start3A, %dma_start3A_41] : memref<10000x128xf32, #tpu.memory_space<vmem_shared>> -> memref<10000x128xf32, #tpu.memory_space<vmem_shared>>
      tpu.enqueue_indirect_dma source(%arg11 : memref<80x128xf32, #tpu.memory_space<vmem>>) target(%dma_start3A_42 : memref<10000x128xf32, #tpu.memory_space<vmem_shared>>) offsets(%arg6 : memref<80xi32, #tpu.memory_space<vmem>>) semaphore(%run_scoped3A : memref<!tpu.dma_semaphore, #tpu.memory_space<semaphore_mem>>) {add = true}
      %dma_wait3A_43 = arith.constant 0 : i32
      %dma_wait3A_44 = arith.constant 0 : i32
      %dma_wait3A_45 = tpu.memref_slice %arg15[%dma_wait3A_43, %dma_wait3A_44] : memref<10000x128xf32, #tpu.memory_space<vmem_shared>> -> memref<10000x128xf32, #tpu.memory_space<vmem_shared>>
      tpu.wait_indirect_dma semaphore(%run_scoped3A : memref<!tpu.dma_semaphore, #tpu.memory_space<semaphore_mem>>) src(%arg11 : memref<80x128xf32, #tpu.memory_space<vmem>>) dst(%dma_wait3A_45 : memref<10000x128xf32, #tpu.memory_space<vmem_shared>>)
      tpu.yield
    }) : () -> ()
    %add3A_27 = arith.constant 4880 : i32
    %add3A_28 = arith.addi %mul3A_8, %add3A_27 : i32
    "tpu.region"() ({
      %run_scoped3A = tpu.sem_alloc : memref<!tpu.dma_semaphore, #tpu.memory_space<semaphore_mem>>
      %dma_start3A = tpu.memref_slice %arg3[%add3A_28] : memref<160000xi32, #tpu.memory_space<hbm>> -> memref<80xi32, #tpu.memory_space<hbm>>
      %dma_start3A_41 = tpu.memref_slice %arg3[%add3A_28] : memref<160000xi32, #tpu.memory_space<hbm>> -> memref<80xi32, #tpu.memory_space<hbm>>
      tpu.enqueue_dma source(%dma_start3A_41 : memref<80xi32, #tpu.memory_space<hbm>>) target(%arg6 : memref<80xi32, #tpu.memory_space<vmem>>) target_semaphore(%run_scoped3A : memref<!tpu.dma_semaphore, #tpu.memory_space<semaphore_mem>>)
      %dma_wait3A_42 = tpu.memref_slice %arg3[%add3A_28] : memref<160000xi32, #tpu.memory_space<hbm>> -> memref<80xi32, #tpu.memory_space<hbm>>
      %dma_wait3A_43 = tpu.memref_slice %arg3[%add3A_28] : memref<160000xi32, #tpu.memory_space<hbm>> -> memref<80xi32, #tpu.memory_space<hbm>>
      tpu.wait_dma2 semaphore(%run_scoped3A : memref<!tpu.dma_semaphore, #tpu.memory_space<semaphore_mem>>) src(%dma_wait3A_43 : memref<80xi32, #tpu.memory_space<hbm>>) dst(%arg6 : memref<80xi32, #tpu.memory_space<vmem>>)
      tpu.yield
    }) : () -> ()
    "tpu.region"() ({
      %run_scoped3A = tpu.sem_alloc : memref<!tpu.dma_semaphore, #tpu.memory_space<semaphore_mem>>
      %dma_start3A = arith.constant 0 : i32
      %dma_start3A_41 = tpu.memref_slice %arg2[%add3A_28, %dma_start3A] : memref<160000x128xf32, #tpu.memory_space<hbm>> -> memref<80x128xf32, #tpu.memory_space<hbm>>
      %dma_start3A_42 = arith.constant 0 : i32
      %dma_start3A_43 = tpu.memref_slice %arg2[%add3A_28, %dma_start3A_42] : memref<160000x128xf32, #tpu.memory_space<hbm>> -> memref<80x128xf32, #tpu.memory_space<hbm>>
      tpu.enqueue_dma source(%dma_start3A_43 : memref<80x128xf32, #tpu.memory_space<hbm>>) target(%arg11 : memref<80x128xf32, #tpu.memory_space<vmem>>) target_semaphore(%run_scoped3A : memref<!tpu.dma_semaphore, #tpu.memory_space<semaphore_mem>>)
      %dma_wait3A_44 = arith.constant 0 : i32
      %dma_wait3A_45 = tpu.memref_slice %arg2[%add3A_28, %dma_wait3A_44] : memref<160000x128xf32, #tpu.memory_space<hbm>> -> memref<80x128xf32, #tpu.memory_space<hbm>>
      %dma_wait3A_46 = arith.constant 0 : i32
      %dma_wait3A_47 = tpu.memref_slice %arg2[%add3A_28, %dma_wait3A_46] : memref<160000x128xf32, #tpu.memory_space<hbm>> -> memref<80x128xf32, #tpu.memory_space<hbm>>
      tpu.wait_dma2 semaphore(%run_scoped3A : memref<!tpu.dma_semaphore, #tpu.memory_space<semaphore_mem>>) src(%dma_wait3A_47 : memref<80x128xf32, #tpu.memory_space<hbm>>) dst(%arg11 : memref<80x128xf32, #tpu.memory_space<vmem>>)
      tpu.yield
    }) : () -> ()
    "tpu.region"() ({
      %run_scoped3A = tpu.sem_alloc : memref<!tpu.dma_semaphore, #tpu.memory_space<semaphore_mem>>
      %dma_start3A = arith.constant 0 : i32
      %dma_start3A_41 = arith.constant 0 : i32
      %dma_start3A_42 = tpu.memref_slice %arg15[%dma_start3A, %dma_start3A_41] : memref<10000x128xf32, #tpu.memory_space<vmem_shared>> -> memref<10000x128xf32, #tpu.memory_space<vmem_shared>>
      tpu.enqueue_indirect_dma source(%arg11 : memref<80x128xf32, #tpu.memory_space<vmem>>) target(%dma_start3A_42 : memref<10000x128xf32, #tpu.memory_space<vmem_shared>>) offsets(%arg6 : memref<80xi32, #tpu.memory_space<vmem>>) semaphore(%run_scoped3A : memref<!tpu.dma_semaphore, #tpu.memory_space<semaphore_mem>>) {add = true}
      %dma_wait3A_43 = arith.constant 0 : i32
      %dma_wait3A_44 = arith.constant 0 : i32
      %dma_wait3A_45 = tpu.memref_slice %arg15[%dma_wait3A_43, %dma_wait3A_44] : memref<10000x128xf32, #tpu.memory_space<vmem_shared>> -> memref<10000x128xf32, #tpu.memory_space<vmem_shared>>
      tpu.wait_indirect_dma semaphore(%run_scoped3A : memref<!tpu.dma_semaphore, #tpu.memory_space<semaphore_mem>>) src(%arg11 : memref<80x128xf32, #tpu.memory_space<vmem>>) dst(%dma_wait3A_45 : memref<10000x128xf32, #tpu.memory_space<vmem_shared>>)
      tpu.yield
    }) : () -> ()
    %add3A_29 = arith.constant 4960 : i32
    %add3A_30 = arith.addi %mul3A_8, %add3A_29 : i32
    "tpu.region"() ({
      %run_scoped3A = tpu.sem_alloc : memref<!tpu.dma_semaphore, #tpu.memory_space<semaphore_mem>>
      %dma_start3A = tpu.memref_slice %arg3[%add3A_30] : memref<160000xi32, #tpu.memory_space<hbm>> -> memref<40xi32, #tpu.memory_space<hbm>>
      %dma_start3A_41 = tpu.memref_slice %arg3[%add3A_30] : memref<160000xi32, #tpu.memory_space<hbm>> -> memref<40xi32, #tpu.memory_space<hbm>>
      tpu.enqueue_dma source(%dma_start3A_41 : memref<40xi32, #tpu.memory_space<hbm>>) target(%arg10 : memref<40xi32, #tpu.memory_space<vmem>>) target_semaphore(%run_scoped3A : memref<!tpu.dma_semaphore, #tpu.memory_space<semaphore_mem>>)
      %dma_wait3A_42 = tpu.memref_slice %arg3[%add3A_30] : memref<160000xi32, #tpu.memory_space<hbm>> -> memref<40xi32, #tpu.memory_space<hbm>>
      %dma_wait3A_43 = tpu.memref_slice %arg3[%add3A_30] : memref<160000xi32, #tpu.memory_space<hbm>> -> memref<40xi32, #tpu.memory_space<hbm>>
      tpu.wait_dma2 semaphore(%run_scoped3A : memref<!tpu.dma_semaphore, #tpu.memory_space<semaphore_mem>>) src(%dma_wait3A_43 : memref<40xi32, #tpu.memory_space<hbm>>) dst(%arg10 : memref<40xi32, #tpu.memory_space<vmem>>)
      tpu.yield
    }) : () -> ()
    "tpu.region"() ({
      %run_scoped3A = tpu.sem_alloc : memref<!tpu.dma_semaphore, #tpu.memory_space<semaphore_mem>>
      %dma_start3A = arith.constant 0 : i32
      %dma_start3A_41 = arith.constant 0 : i32
      %dma_start3A_42 = tpu.memref_slice %arg11[%dma_start3A, %dma_start3A_41] : memref<80x128xf32, #tpu.memory_space<vmem>> -> memref<40x128xf32, #tpu.memory_space<vmem>>
      %dma_start3A_43 = arith.constant 0 : i32
      %dma_start3A_44 = tpu.memref_slice %arg2[%add3A_30, %dma_start3A_43] : memref<160000x128xf32, #tpu.memory_space<hbm>> -> memref<40x128xf32, #tpu.memory_space<hbm>>
      %dma_start3A_45 = arith.constant 0 : i32
      %dma_start3A_46 = arith.constant 0 : i32
      %dma_start3A_47 = tpu.memref_slice %arg11[%dma_start3A_45, %dma_start3A_46] : memref<80x128xf32, #tpu.memory_space<vmem>> -> memref<40x128xf32, #tpu.memory_space<vmem>>
      %dma_start3A_48 = arith.constant 0 : i32
      %dma_start3A_49 = tpu.memref_slice %arg2[%add3A_30, %dma_start3A_48] : memref<160000x128xf32, #tpu.memory_space<hbm>> -> memref<40x128xf32, #tpu.memory_space<hbm>>
      tpu.enqueue_dma source(%dma_start3A_49 : memref<40x128xf32, #tpu.memory_space<hbm>>) target(%dma_start3A_47 : memref<40x128xf32, #tpu.memory_space<vmem>>) target_semaphore(%run_scoped3A : memref<!tpu.dma_semaphore, #tpu.memory_space<semaphore_mem>>)
      %dma_wait3A_50 = arith.constant 0 : i32
      %dma_wait3A_51 = arith.constant 0 : i32
      %dma_wait3A_52 = tpu.memref_slice %arg11[%dma_wait3A_50, %dma_wait3A_51] : memref<80x128xf32, #tpu.memory_space<vmem>> -> memref<40x128xf32, #tpu.memory_space<vmem>>
      %dma_wait3A_53 = arith.constant 0 : i32
      %dma_wait3A_54 = tpu.memref_slice %arg2[%add3A_30, %dma_wait3A_53] : memref<160000x128xf32, #tpu.memory_space<hbm>> -> memref<40x128xf32, #tpu.memory_space<hbm>>
      %dma_wait3A_55 = arith.constant 0 : i32
      %dma_wait3A_56 = arith.constant 0 : i32
      %dma_wait3A_57 = tpu.memref_slice %arg11[%dma_wait3A_55, %dma_wait3A_56] : memref<80x128xf32, #tpu.memory_space<vmem>> -> memref<40x128xf32, #tpu.memory_space<vmem>>
      %dma_wait3A_58 = arith.constant 0 : i32
      %dma_wait3A_59 = tpu.memref_slice %arg2[%add3A_30, %dma_wait3A_58] : memref<160000x128xf32, #tpu.memory_space<hbm>> -> memref<40x128xf32, #tpu.memory_space<hbm>>
      tpu.wait_dma2 semaphore(%run_scoped3A : memref<!tpu.dma_semaphore, #tpu.memory_space<semaphore_mem>>) src(%dma_wait3A_59 : memref<40x128xf32, #tpu.memory_space<hbm>>) dst(%dma_wait3A_57 : memref<40x128xf32, #tpu.memory_space<vmem>>)
      tpu.yield
    }) : () -> ()
    "tpu.region"() ({
      %run_scoped3A = tpu.sem_alloc : memref<!tpu.dma_semaphore, #tpu.memory_space<semaphore_mem>>
      %dma_start3A = arith.constant 0 : i32
      %dma_start3A_41 = arith.constant 0 : i32
      %dma_start3A_42 = tpu.memref_slice %arg11[%dma_start3A, %dma_start3A_41] : memref<80x128xf32, #tpu.memory_space<vmem>> -> memref<40x128xf32, #tpu.memory_space<vmem>>
      %dma_start3A_43 = arith.constant 0 : i32
      %dma_start3A_44 = arith.constant 0 : i32
      %dma_start3A_45 = tpu.memref_slice %arg15[%dma_start3A_43, %dma_start3A_44] : memref<10000x128xf32, #tpu.memory_space<vmem_shared>> -> memref<10000x128xf32, #tpu.memory_space<vmem_shared>>
      tpu.enqueue_indirect_dma source(%dma_start3A_42 : memref<40x128xf32, #tpu.memory_space<vmem>>) target(%dma_start3A_45 : memref<10000x128xf32, #tpu.memory_space<vmem_shared>>) offsets(%arg10 : memref<40xi32, #tpu.memory_space<vmem>>) semaphore(%run_scoped3A : memref<!tpu.dma_semaphore, #tpu.memory_space<semaphore_mem>>) {add = true}
      %dma_wait3A_46 = arith.constant 0 : i32
      %dma_wait3A_47 = arith.constant 0 : i32
      %dma_wait3A_48 = tpu.memref_slice %arg11[%dma_wait3A_46, %dma_wait3A_47] : memref<80x128xf32, #tpu.memory_space<vmem>> -> memref<40x128xf32, #tpu.memory_space<vmem>>
      %dma_wait3A_49 = arith.constant 0 : i32
      %dma_wait3A_50 = arith.constant 0 : i32
      %dma_wait3A_51 = tpu.memref_slice %arg15[%dma_wait3A_49, %dma_wait3A_50] : memref<10000x128xf32, #tpu.memory_space<vmem_shared>> -> memref<10000x128xf32, #tpu.memory_space<vmem_shared>>
      tpu.wait_indirect_dma semaphore(%run_scoped3A : memref<!tpu.dma_semaphore, #tpu.memory_space<semaphore_mem>>) src(%dma_wait3A_48 : memref<40x128xf32, #tpu.memory_space<vmem>>) dst(%dma_wait3A_51 : memref<10000x128xf32, #tpu.memory_space<vmem_shared>>)
      tpu.yield
    }) : () -> ()
    %barrier3A_31 = arith.constant 0 : index
    tpu.barrier barrier_id(%barrier3A_31)
    %mul3A_32 = arith.constant 624 : i32
    %mul3A_33 = arith.muli %arg1, %mul3A_32 : i32
    %mul3A_34 = arith.constant 624 : i32
    %mul3A_35 = arith.muli %arg1, %mul3A_34 : i32
    "tpu.region"() ({
      %run_scoped3A = tpu.sem_alloc : memref<!tpu.dma_semaphore, #tpu.memory_space<semaphore_mem>>
      %dma_start3A = arith.constant 0 : i32
      %dma_start3A_41 = tpu.memref_slice %arg5[%arg0, %mul3A_35, %dma_start3A] : memref<2x10000x128xf32, #tpu.memory_space<hbm>> -> memref<1x624x128xf32, #tpu.memory_space<hbm>>
      %dma_start3A_42 = tpu.memref_squeeze %dma_start3A_41 : memref<1x624x128xf32, #tpu.memory_space<hbm>> -> memref<624x128xf32, #tpu.memory_space<hbm>>
      %dma_start3A_43 = arith.constant 0 : i32
      %dma_start3A_44 = tpu.memref_slice %arg15[%mul3A_33, %dma_start3A_43] : memref<10000x128xf32, #tpu.memory_space<vmem_shared>> -> memref<624x128xf32, #tpu.memory_space<vmem_shared>>
      tpu.enqueue_dma source(%dma_start3A_44 : memref<624x128xf32, #tpu.memory_space<vmem_shared>>) target(%dma_start3A_42 : memref<624x128xf32, #tpu.memory_space<hbm>>) target_semaphore(%run_scoped3A : memref<!tpu.dma_semaphore, #tpu.memory_space<semaphore_mem>>)
      %dma_wait3A_45 = arith.constant 0 : i32
      %dma_wait3A_46 = tpu.memref_slice %arg5[%arg0, %mul3A_35, %dma_wait3A_45] : memref<2x10000x128xf32, #tpu.memory_space<hbm>> -> memref<1x624x128xf32, #tpu.memory_space<hbm>>
      %dma_wait3A_47 = tpu.memref_squeeze %dma_wait3A_46 : memref<1x624x128xf32, #tpu.memory_space<hbm>> -> memref<624x128xf32, #tpu.memory_space<hbm>>
      %dma_wait3A_48 = arith.constant 0 : i32
      %dma_wait3A_49 = tpu.memref_slice %arg15[%mul3A_33, %dma_wait3A_48] : memref<10000x128xf32, #tpu.memory_space<vmem_shared>> -> memref<624x128xf32, #tpu.memory_space<vmem_shared>>
      tpu.wait_dma2 semaphore(%run_scoped3A : memref<!tpu.dma_semaphore, #tpu.memory_space<semaphore_mem>>) src(%dma_wait3A_49 : memref<624x128xf32, #tpu.memory_space<vmem_shared>>) dst(%dma_wait3A_47 : memref<624x128xf32, #tpu.memory_space<hbm>>)
      tpu.yield
    }) : () -> ()
    %eq3A_36 = arith.constant 15 : i32
    %eq3A_37 = arith.cmpi eq, %arg1, %eq3A_36 : i32
    %convert_element_type3A_38 = arith.extui %eq3A_37 : i1 to i32
    %cond3A_39 = arith.constant 0 : i32
    %cond3A_40 = arith.cmpi ne, %convert_element_type3A_38, %cond3A_39 : i32
    scf.if %cond3A_40 {
      "tpu.region"() ({
        %run_scoped3A = tpu.sem_alloc : memref<!tpu.dma_semaphore, #tpu.memory_space<semaphore_mem>>
        %dma_start3A = arith.constant 9984 : i32
        %dma_start3A_41 = arith.constant 0 : i32
        %dma_start3A_42 = tpu.memref_slice %arg5[%arg0, %dma_start3A, %dma_start3A_41] : memref<2x10000x128xf32, #tpu.memory_space<hbm>> -> memref<1x16x128xf32, #tpu.memory_space<hbm>>
        %dma_start3A_43 = tpu.memref_squeeze %dma_start3A_42 : memref<1x16x128xf32, #tpu.memory_space<hbm>> -> memref<16x128xf32, #tpu.memory_space<hbm>>
        %dma_start3A_44 = arith.constant 9984 : i32
        %dma_start3A_45 = arith.constant 0 : i32
        %dma_start3A_46 = tpu.memref_slice %arg15[%dma_start3A_44, %dma_start3A_45] : memref<10000x128xf32, #tpu.memory_space<vmem_shared>> -> memref<16x128xf32, #tpu.memory_space<vmem_shared>>
        tpu.enqueue_dma source(%dma_start3A_46 : memref<16x128xf32, #tpu.memory_space<vmem_shared>>) target(%dma_start3A_43 : memref<16x128xf32, #tpu.memory_space<hbm>>) target_semaphore(%run_scoped3A : memref<!tpu.dma_semaphore, #tpu.memory_space<semaphore_mem>>)
        %dma_wait3A_47 = arith.constant 9984 : i32
        %dma_wait3A_48 = arith.constant 0 : i32
        %dma_wait3A_49 = tpu.memref_slice %arg5[%arg0, %dma_wait3A_47, %dma_wait3A_48] : memref<2x10000x128xf32, #tpu.memory_space<hbm>> -> memref<1x16x128xf32, #tpu.memory_space<hbm>>
        %dma_wait3A_50 = tpu.memref_squeeze %dma_wait3A_49 : memref<1x16x128xf32, #tpu.memory_space<hbm>> -> memref<16x128xf32, #tpu.memory_space<hbm>>
        %dma_wait3A_51 = arith.constant 9984 : i32
        %dma_wait3A_52 = arith.constant 0 : i32
        %dma_wait3A_53 = tpu.memref_slice %arg15[%dma_wait3A_51, %dma_wait3A_52] : memref<10000x128xf32, #tpu.memory_space<vmem_shared>> -> memref<16x128xf32, #tpu.memory_space<vmem_shared>>
        tpu.wait_dma2 semaphore(%run_scoped3A : memref<!tpu.dma_semaphore, #tpu.memory_space<semaphore_mem>>) src(%dma_wait3A_53 : memref<16x128xf32, #tpu.memory_space<vmem_shared>>) dst(%dma_wait3A_50 : memref<16x128xf32, #tpu.memory_space<hbm>>)
        tpu.yield
      }) : () -> ()
    } else {
    }
    return
  }
}

module attributes {stable_mosaic.version = 14 : i64} {
  func.func @_pre_body(%arg0: i32, %arg1: memref<2000x128xf32, #tpu.memory_space<vmem>>, %arg2: memref<128x128xf32, #tpu.memory_space<vmem>>, %arg3: memref<128x128xf32, #tpu.memory_space<vmem>>, %arg4: memref<1x128xf32, #tpu.memory_space<vmem>>, %arg5: memref<128x128xf32, #tpu.memory_space<vmem>>, %arg6: memref<1x128xf32, #tpu.memory_space<vmem>>, %arg7: memref<2000x128xf32, #tpu.memory_space<vmem>>, %arg8: memref<2000x128xf32, #tpu.memory_space<vmem>>, %arg9: memref<2000x128xf32, #tpu.memory_space<vmem>>) attributes {dimension_semantics = [#tpu.dimension_semantics<arbitrary>], iteration_bounds = array<i64: 5>, scalar_prefetch = 0 : i64, scratch_operands = 0 : i64, tpu.core_type = #tpu.core_type<tc>, window_params = [{transform_indices = @transform_0, window_bounds = array<i64: 2000, 128>}, {pipeline_mode = #tpu.pipeline_mode<synchronous>, transform_indices = @transform_1, window_bounds = array<i64: 128, 128>}, {pipeline_mode = #tpu.pipeline_mode<synchronous>, transform_indices = @transform_2, window_bounds = array<i64: 128, 128>}, {pipeline_mode = #tpu.pipeline_mode<synchronous>, transform_indices = @transform_3, window_bounds = array<i64: 1, 128>}, {pipeline_mode = #tpu.pipeline_mode<synchronous>, transform_indices = @transform_4, window_bounds = array<i64: 128, 128>}, {pipeline_mode = #tpu.pipeline_mode<synchronous>, transform_indices = @transform_5, window_bounds = array<i64: 1, 128>}, {transform_indices = @transform_6, window_bounds = array<i64: 2000, 128>}, {transform_indices = @transform_7, window_bounds = array<i64: 2000, 128>}, {transform_indices = @transform_8, window_bounds = array<i64: 2000, 128>}]} {
    %get3A = arith.constant 0 : index
    %get3A_0 = arith.constant 0 : index
    %get3A_1 = vector.load %arg1[%get3A, %get3A_0] : memref<2000x128xf32, #tpu.memory_space<vmem>>, vector<2000x128xf32>
    %get3A_2 = arith.constant 0 : index
    %get3A_3 = arith.constant 0 : index
    %get3A_4 = vector.load %arg2[%get3A_2, %get3A_3] : memref<128x128xf32, #tpu.memory_space<vmem>>, vector<128x128xf32>
    %dot_general3A = arith.constant dense<0.000000e+00> : vector<2000x128xf32>
    %dot_general3A_5 = tpu.matmul %get3A_1, %get3A_4, %dot_general3A {dimension_numbers = #tpu.dot_dimension_numbers<[1], [0], [0], [1], [0, 0, 1, 1], [], []>, transpose_lhs_hint = false} : vector<2000x128xf32>, vector<128x128xf32>, vector<2000x128xf32> -> vector<2000x128xf32>
    %swap3A = arith.constant 0 : index
    %swap3A_6 = arith.constant 0 : index
    %swap3A_7 = vector.load %arg7[%swap3A, %swap3A_6] : memref<2000x128xf32, #tpu.memory_space<vmem>>, vector<2000x128xf32>
    tpu.vector_store %arg7[%swap3A, %swap3A_6], %dot_general3A_5 {strides = array<i32>} : memref<2000x128xf32, #tpu.memory_space<vmem>>, vector<2000x128xf32>,
    %get3A_8 = arith.constant 0 : index
    %get3A_9 = arith.constant 0 : index
    %get3A_10 = vector.load %arg3[%get3A_8, %get3A_9] : memref<128x128xf32, #tpu.memory_space<vmem>>, vector<128x128xf32>
    %dot_general3A_11 = arith.constant dense<0.000000e+00> : vector<2000x128xf32>
    %dot_general3A_12 = tpu.matmul %get3A_1, %get3A_10, %dot_general3A_11 {dimension_numbers = #tpu.dot_dimension_numbers<[1], [0], [0], [1], [0, 0, 1, 1], [], []>, transpose_lhs_hint = false} : vector<2000x128xf32>, vector<128x128xf32>, vector<2000x128xf32> -> vector<2000x128xf32>
    %get3A_13 = arith.constant 0 : index
    %get3A_14 = arith.constant 0 : index
    %get3A_15 = vector.load %arg4[%get3A_13, %get3A_14] : memref<1x128xf32, #tpu.memory_space<vmem>>, vector<1x128xf32>
    %add3A = vector.broadcast %get3A_15 : vector<1x128xf32> to vector<2000x128xf32>
    %add3A_16 = arith.addf %dot_general3A_12, %add3A : vector<2000x128xf32>
    %swap3A_17 = arith.constant 0 : index
    %swap3A_18 = arith.constant 0 : index
    %swap3A_19 = vector.load %arg8[%swap3A_17, %swap3A_18] : memref<2000x128xf32, #tpu.memory_space<vmem>>, vector<2000x128xf32>
    tpu.vector_store %arg8[%swap3A_17, %swap3A_18], %add3A_16 {strides = array<i32>} : memref<2000x128xf32, #tpu.memory_space<vmem>>, vector<2000x128xf32>,
    %get3A_20 = arith.constant 0 : index
    %get3A_21 = arith.constant 0 : index
    %get3A_22 = vector.load %arg5[%get3A_20, %get3A_21] : memref<128x128xf32, #tpu.memory_space<vmem>>, vector<128x128xf32>
    %dot_general3A_23 = arith.constant dense<0.000000e+00> : vector<2000x128xf32>
    %dot_general3A_24 = tpu.matmul %get3A_1, %get3A_22, %dot_general3A_23 {dimension_numbers = #tpu.dot_dimension_numbers<[1], [0], [0], [1], [0, 0, 1, 1], [], []>, transpose_lhs_hint = false} : vector<2000x128xf32>, vector<128x128xf32>, vector<2000x128xf32> -> vector<2000x128xf32>
    %get3A_25 = arith.constant 0 : index
    %get3A_26 = arith.constant 0 : index
    %get3A_27 = vector.load %arg6[%get3A_25, %get3A_26] : memref<1x128xf32, #tpu.memory_space<vmem>>, vector<1x128xf32>
    %add3A_28 = vector.broadcast %get3A_27 : vector<1x128xf32> to vector<2000x128xf32>
    %add3A_29 = arith.addf %dot_general3A_24, %add3A_28 : vector<2000x128xf32>
    %swap3A_30 = arith.constant 0 : index
    %swap3A_31 = arith.constant 0 : index
    %swap3A_32 = vector.load %arg9[%swap3A_30, %swap3A_31] : memref<2000x128xf32, #tpu.memory_space<vmem>>, vector<2000x128xf32>
    tpu.vector_store %arg9[%swap3A_30, %swap3A_31], %add3A_29 {strides = array<i32>} : memref<2000x128xf32, #tpu.memory_space<vmem>>, vector<2000x128xf32>,
    return
  }
  func.func @transform_0(%arg0: i32) -> (i32, i32) {
    %c0_i32 = arith.constant 0 : i32
    %c0_i32_0 = arith.constant 0 : i32
    return %arg0, %c0_i32 : i32, i32
  }
  func.func @transform_1(%arg0: i32) -> (i32, i32) {
    %c0_i32 = arith.constant 0 : i32
    %c0_i32_0 = arith.constant 0 : i32
    %c0_i32_1 = arith.constant 0 : i32
    return %c0_i32, %c0_i32_0 : i32, i32
  }
  func.func @transform_2(%arg0: i32) -> (i32, i32) {
    %c0_i32 = arith.constant 0 : i32
    %c0_i32_0 = arith.constant 0 : i32
    %c0_i32_1 = arith.constant 0 : i32
    return %c0_i32, %c0_i32_0 : i32, i32
  }
  func.func @transform_3(%arg0: i32) -> (i32, i32) {
    %c0_i32 = arith.constant 0 : i32
    %c0_i32_0 = arith.constant 0 : i32
    %c0_i32_1 = arith.constant 0 : i32
    return %c0_i32, %c0_i32_0 : i32, i32
  }
  func.func @transform_4(%arg0: i32) -> (i32, i32) {
    %c0_i32 = arith.constant 0 : i32
    %c0_i32_0 = arith.constant 0 : i32
    %c0_i32_1 = arith.constant 0 : i32
    return %c0_i32, %c0_i32_0 : i32, i32
  }
  func.func @transform_5(%arg0: i32) -> (i32, i32) {
    %c0_i32 = arith.constant 0 : i32
    %c0_i32_0 = arith.constant 0 : i32
    %c0_i32_1 = arith.constant 0 : i32
    return %c0_i32, %c0_i32_0 : i32, i32
  }
  func.func @transform_6(%arg0: i32) -> (i32, i32) {
    %c0_i32 = arith.constant 0 : i32
    %c0_i32_0 = arith.constant 0 : i32
    return %arg0, %c0_i32 : i32, i32
  }
  func.func @transform_7(%arg0: i32) -> (i32, i32) {
    %c0_i32 = arith.constant 0 : i32
    %c0_i32_0 = arith.constant 0 : i32
    return %arg0, %c0_i32 : i32, i32
  }
  func.func @transform_8(%arg0: i32) -> (i32, i32) {
    %c0_i32 = arith.constant 0 : i32
    %c0_i32_0 = arith.constant 0 : i32
    return %arg0, %c0_i32 : i32, i32
  }
}

module attributes {stable_mosaic.version = 14 : i64} {
  func.func @_edge_body(%arg0: i32, %arg1: memref<2000x128xf32, #tpu.memory_space<vmem>>, %arg2: memref<2000x16xf32, #tpu.memory_space<vmem>>, %arg3: memref<16x128xf32, #tpu.memory_space<vmem>>, %arg4: memref<128x128xf32, #tpu.memory_space<vmem>>, %arg5: memref<1x128xf32, #tpu.memory_space<vmem>>, %arg6: memref<2000x128xf32, #tpu.memory_space<vmem>>) attributes {dimension_semantics = [#tpu.dimension_semantics<arbitrary>], iteration_bounds = array<i64: 80>, scalar_prefetch = 0 : i64, scratch_operands = 0 : i64, tpu.core_type = #tpu.core_type<tc>, window_params = [{transform_indices = @transform_0, window_bounds = array<i64: 2000, 128>}, {transform_indices = @transform_1, window_bounds = array<i64: 2000, 16>}, {pipeline_mode = #tpu.pipeline_mode<synchronous>, transform_indices = @transform_2, window_bounds = array<i64: 16, 128>}, {pipeline_mode = #tpu.pipeline_mode<synchronous>, transform_indices = @transform_3, window_bounds = array<i64: 128, 128>}, {pipeline_mode = #tpu.pipeline_mode<synchronous>, transform_indices = @transform_4, window_bounds = array<i64: 1, 128>}, {transform_indices = @transform_5, window_bounds = array<i64: 2000, 128>}]} {
    %get3A = arith.constant 0 : index
    %get3A_0 = arith.constant 0 : index
    %get3A_1 = vector.load %arg1[%get3A, %get3A_0] : memref<2000x128xf32, #tpu.memory_space<vmem>>, vector<2000x128xf32>
    %get3A_2 = arith.constant 0 : index
    %get3A_3 = arith.constant 0 : index
    %get3A_4 = vector.load %arg2[%get3A_2, %get3A_3] : memref<2000x16xf32, #tpu.memory_space<vmem>>, vector<2000x16xf32>
    %get3A_5 = arith.constant 0 : index
    %get3A_6 = arith.constant 0 : index
    %get3A_7 = vector.load %arg3[%get3A_5, %get3A_6] : memref<16x128xf32, #tpu.memory_space<vmem>>, vector<16x128xf32>
    %dot_general3A = arith.constant dense<0.000000e+00> : vector<2000x128xf32>
    %dot_general3A_8 = tpu.matmul %get3A_4, %get3A_7, %dot_general3A {dimension_numbers = #tpu.dot_dimension_numbers<[1], [0], [0], [1], [0, 0, 1, 1], [], []>, transpose_lhs_hint = false} : vector<2000x16xf32>, vector<16x128xf32>, vector<2000x128xf32> -> vector<2000x128xf32>
    %add3A = arith.addf %get3A_1, %dot_general3A_8 : vector<2000x128xf32>
    %max3A = arith.constant 0.000000e+00 : f32
    %max3A_9 = vector.broadcast %max3A : f32 to vector<2000x128xf32>
    %max3A_10 = arith.maximumf %add3A, %max3A_9 : vector<2000x128xf32>
    %get3A_11 = arith.constant 0 : index
    %get3A_12 = arith.constant 0 : index
    %get3A_13 = vector.load %arg4[%get3A_11, %get3A_12] : memref<128x128xf32, #tpu.memory_space<vmem>>, vector<128x128xf32>
    %dot_general3A_14 = arith.constant dense<0.000000e+00> : vector<2000x128xf32>
    %dot_general3A_15 = tpu.matmul %max3A_10, %get3A_13, %dot_general3A_14 {dimension_numbers = #tpu.dot_dimension_numbers<[1], [0], [0], [1], [0, 0, 1, 1], [], []>, transpose_lhs_hint = false} : vector<2000x128xf32>, vector<128x128xf32>, vector<2000x128xf32> -> vector<2000x128xf32>
    %get3A_16 = arith.constant 0 : index
    %get3A_17 = arith.constant 0 : index
    %get3A_18 = vector.load %arg5[%get3A_16, %get3A_17] : memref<1x128xf32, #tpu.memory_space<vmem>>, vector<1x128xf32>
    %add3A_19 = vector.broadcast %get3A_18 : vector<1x128xf32> to vector<2000x128xf32>
    %add3A_20 = arith.addf %dot_general3A_15, %add3A_19 : vector<2000x128xf32>
    %swap3A = arith.constant 0 : index
    %swap3A_21 = arith.constant 0 : index
    %swap3A_22 = vector.load %arg6[%swap3A, %swap3A_21] : memref<2000x128xf32, #tpu.memory_space<vmem>>, vector<2000x128xf32>
    tpu.vector_store %arg6[%swap3A, %swap3A_21], %add3A_20 {strides = array<i32>} : memref<2000x128xf32, #tpu.memory_space<vmem>>, vector<2000x128xf32>,
    return
  }
  func.func @transform_0(%arg0: i32) -> (i32, i32) {
    %c0_i32 = arith.constant 0 : i32
    %c0_i32_0 = arith.constant 0 : i32
    return %arg0, %c0_i32 : i32, i32
  }
  func.func @transform_1(%arg0: i32) -> (i32, i32) {
    %c0_i32 = arith.constant 0 : i32
    %c0_i32_0 = arith.constant 0 : i32
    return %arg0, %c0_i32 : i32, i32
  }
  func.func @transform_2(%arg0: i32) -> (i32, i32) {
    %c0_i32 = arith.constant 0 : i32
    %c0_i32_0 = arith.constant 0 : i32
    %c0_i32_1 = arith.constant 0 : i32
    return %c0_i32, %c0_i32_0 : i32, i32
  }
  func.func @transform_3(%arg0: i32) -> (i32, i32) {
    %c0_i32 = arith.constant 0 : i32
    %c0_i32_0 = arith.constant 0 : i32
    %c0_i32_1 = arith.constant 0 : i32
    return %c0_i32, %c0_i32_0 : i32, i32
  }
  func.func @transform_4(%arg0: i32) -> (i32, i32) {
    %c0_i32 = arith.constant 0 : i32
    %c0_i32_0 = arith.constant 0 : i32
    %c0_i32_1 = arith.constant 0 : i32
    return %c0_i32, %c0_i32_0 : i32, i32
  }
  func.func @transform_5(%arg0: i32) -> (i32, i32) {
    %c0_i32 = arith.constant 0 : i32
    %c0_i32_0 = arith.constant 0 : i32
    return %arg0, %c0_i32 : i32, i32
  }
}

module attributes {stable_mosaic.version = 14 : i64} {
  func.func @_node_body(%arg0: i32, %arg1: memref<2000x128xf32, #tpu.memory_space<vmem>>, %arg2: memref<2x2000x128xf32, #tpu.memory_space<vmem>>, %arg3: memref<2x2000x128xf32, #tpu.memory_space<vmem>>, %arg4: memref<128x128xf32, #tpu.memory_space<vmem>>, %arg5: memref<128x128xf32, #tpu.memory_space<vmem>>, %arg6: memref<1x128xf32, #tpu.memory_space<vmem>>, %arg7: memref<2000x128xf32, #tpu.memory_space<vmem>>) attributes {dimension_semantics = [#tpu.dimension_semantics<arbitrary>], iteration_bounds = array<i64: 5>, scalar_prefetch = 0 : i64, scratch_operands = 0 : i64, tpu.core_type = #tpu.core_type<tc>, window_params = [{transform_indices = @transform_0, window_bounds = array<i64: 2000, 128>}, {transform_indices = @transform_1, window_bounds = array<i64: 2, 2000, 128>}, {transform_indices = @transform_2, window_bounds = array<i64: 2, 2000, 128>}, {pipeline_mode = #tpu.pipeline_mode<synchronous>, transform_indices = @transform_3, window_bounds = array<i64: 128, 128>}, {pipeline_mode = #tpu.pipeline_mode<synchronous>, transform_indices = @transform_4, window_bounds = array<i64: 128, 128>}, {pipeline_mode = #tpu.pipeline_mode<synchronous>, transform_indices = @transform_5, window_bounds = array<i64: 1, 128>}, {transform_indices = @transform_6, window_bounds = array<i64: 2000, 128>}]} {
    %get3A = arith.constant 0 : index
    %get3A_0 = arith.constant 0 : index
    %get3A_1 = arith.constant 0 : index
    %get3A_2 = vector.load %arg2[%get3A, %get3A_0, %get3A_1] : memref<2x2000x128xf32, #tpu.memory_space<vmem>>, vector<1x2000x128xf32>
    %get3A_3 = vector.shape_cast %get3A_2 : vector<1x2000x128xf32> to vector<2000x128xf32>
    %get3A_4 = arith.constant 1 : index
    %get3A_5 = arith.constant 0 : index
    %get3A_6 = arith.constant 0 : index
    %get3A_7 = vector.load %arg2[%get3A_4, %get3A_5, %get3A_6] : memref<2x2000x128xf32, #tpu.memory_space<vmem>>, vector<1x2000x128xf32>
    %get3A_8 = vector.shape_cast %get3A_7 : vector<1x2000x128xf32> to vector<2000x128xf32>
    %add3A = arith.addf %get3A_3, %get3A_8 : vector<2000x128xf32>
    %get3A_9 = arith.constant 0 : index
    %get3A_10 = arith.constant 0 : index
    %get3A_11 = arith.constant 0 : index
    %get3A_12 = vector.load %arg3[%get3A_9, %get3A_10, %get3A_11] : memref<2x2000x128xf32, #tpu.memory_space<vmem>>, vector<1x2000x128xf32>
    %get3A_13 = vector.shape_cast %get3A_12 : vector<1x2000x128xf32> to vector<2000x128xf32>
    %add3A_14 = arith.addf %add3A, %get3A_13 : vector<2000x128xf32>
    %get3A_15 = arith.constant 1 : index
    %get3A_16 = arith.constant 0 : index
    %get3A_17 = arith.constant 0 : index
    %get3A_18 = vector.load %arg3[%get3A_15, %get3A_16, %get3A_17] : memref<2x2000x128xf32, #tpu.memory_space<vmem>>, vector<1x2000x128xf32>
    %get3A_19 = vector.shape_cast %get3A_18 : vector<1x2000x128xf32> to vector<2000x128xf32>
    %add3A_20 = arith.addf %add3A_14, %get3A_19 : vector<2000x128xf32>
    %get3A_21 = arith.constant 0 : index
    %get3A_22 = arith.constant 0 : index
    %get3A_23 = vector.load %arg1[%get3A_21, %get3A_22] : memref<2000x128xf32, #tpu.memory_space<vmem>>, vector<2000x128xf32>
    %get3A_24 = arith.constant 0 : index
    %get3A_25 = arith.constant 0 : index
    %get3A_26 = vector.load %arg4[%get3A_24, %get3A_25] : memref<128x128xf32, #tpu.memory_space<vmem>>, vector<128x128xf32>
    %dot_general3A = arith.constant dense<0.000000e+00> : vector<2000x128xf32>
    %dot_general3A_27 = tpu.matmul %add3A_20, %get3A_26, %dot_general3A {dimension_numbers = #tpu.dot_dimension_numbers<[1], [0], [0], [1], [0, 0, 1, 1], [], []>, transpose_lhs_hint = false} : vector<2000x128xf32>, vector<128x128xf32>, vector<2000x128xf32> -> vector<2000x128xf32>
    %add3A_28 = arith.addf %get3A_23, %dot_general3A_27 : vector<2000x128xf32>
    %max3A = arith.constant 0.000000e+00 : f32
    %max3A_29 = vector.broadcast %max3A : f32 to vector<2000x128xf32>
    %max3A_30 = arith.maximumf %add3A_28, %max3A_29 : vector<2000x128xf32>
    %get3A_31 = arith.constant 0 : index
    %get3A_32 = arith.constant 0 : index
    %get3A_33 = vector.load %arg5[%get3A_31, %get3A_32] : memref<128x128xf32, #tpu.memory_space<vmem>>, vector<128x128xf32>
    %dot_general3A_34 = arith.constant dense<0.000000e+00> : vector<2000x128xf32>
    %dot_general3A_35 = tpu.matmul %max3A_30, %get3A_33, %dot_general3A_34 {dimension_numbers = #tpu.dot_dimension_numbers<[1], [0], [0], [1], [0, 0, 1, 1], [], []>, transpose_lhs_hint = false} : vector<2000x128xf32>, vector<128x128xf32>, vector<2000x128xf32> -> vector<2000x128xf32>
    %get3A_36 = arith.constant 0 : index
    %get3A_37 = arith.constant 0 : index
    %get3A_38 = vector.load %arg6[%get3A_36, %get3A_37] : memref<1x128xf32, #tpu.memory_space<vmem>>, vector<1x128xf32>
    %add3A_39 = vector.broadcast %get3A_38 : vector<1x128xf32> to vector<2000x128xf32>
    %add3A_40 = arith.addf %dot_general3A_35, %add3A_39 : vector<2000x128xf32>
    %swap3A = arith.constant 0 : index
    %swap3A_41 = arith.constant 0 : index
    %swap3A_42 = vector.load %arg7[%swap3A, %swap3A_41] : memref<2000x128xf32, #tpu.memory_space<vmem>>, vector<2000x128xf32>
    tpu.vector_store %arg7[%swap3A, %swap3A_41], %add3A_40 {strides = array<i32>} : memref<2000x128xf32, #tpu.memory_space<vmem>>, vector<2000x128xf32>,
    return
  }
  func.func @transform_0(%arg0: i32) -> (i32, i32) {
    %c0_i32 = arith.constant 0 : i32
    %c0_i32_0 = arith.constant 0 : i32
    return %arg0, %c0_i32 : i32, i32
  }
  func.func @transform_1(%arg0: i32) -> (i32, i32, i32) {
    %c0_i32 = arith.constant 0 : i32
    %c0_i32_0 = arith.constant 0 : i32
    %c0_i32_1 = arith.constant 0 : i32
    return %c0_i32, %arg0, %c0_i32_0 : i32, i32, i32
  }
  func.func @transform_2(%arg0: i32) -> (i32, i32, i32) {
    %c0_i32 = arith.constant 0 : i32
    %c0_i32_0 = arith.constant 0 : i32
    %c0_i32_1 = arith.constant 0 : i32
    return %c0_i32, %arg0, %c0_i32_0 : i32, i32, i32
  }
  func.func @transform_3(%arg0: i32) -> (i32, i32) {
    %c0_i32 = arith.constant 0 : i32
    %c0_i32_0 = arith.constant 0 : i32
    %c0_i32_1 = arith.constant 0 : i32
    return %c0_i32, %c0_i32_0 : i32, i32
  }
  func.func @transform_4(%arg0: i32) -> (i32, i32) {
    %c0_i32 = arith.constant 0 : i32
    %c0_i32_0 = arith.constant 0 : i32
    %c0_i32_1 = arith.constant 0 : i32
    return %c0_i32, %c0_i32_0 : i32, i32
  }
  func.func @transform_5(%arg0: i32) -> (i32, i32) {
    %c0_i32 = arith.constant 0 : i32
    %c0_i32_0 = arith.constant 0 : i32
    %c0_i32_1 = arith.constant 0 : i32
    return %c0_i32, %c0_i32_0 : i32, i32
  }
  func.func @transform_6(%arg0: i32) -> (i32, i32) {
    %c0_i32 = arith.constant 0 : i32
    %c0_i32_0 = arith.constant 0 : i32
    return %arg0, %c0_i32 : i32, i32
  }
}

</mosaic_0001>

<sc_bundles>
// kernel: kernel.10.cloned.1.call-start
scs
__scs_entry_jumppad:
0x0: {  	(pc) =	sbr.rel $0x88, $3  }
0x1: {  	(tag) =	ssettag $0x0;
	lr =	simm.s32 $0x1  }
0x2: {  	[smem:$0x3F95] =	sst lr;
	_ =	strace $0xD0000000  }
0x3: {  	_ = 	snop  }
0x4: {  	_ = 	snop  }
0x5: {  	_ = 	snop  }
0x6: {  	_ = 	snop  }
0x7: {  	_ = 	snop  }
__scs_overlays_trampoline_lowered:
0x8: {  	[smem:$0x3FA4] =	sst s0  }
0x9: {  	[smem:$0x3FA5] =	sst s1  }
0xa: {  	[smem:$0x3FA6] =	sst s2  }
0xb: {  	[smem:$0x3FA7] =	sst s3  }
0xc: {  	[smem:$0x3FA8] =	sst s4  }
0xd: {  	[smem:$0x3FA9] =	sst s5  }
0xe: {  	[smem:$0x3FAA] =	sst s6  }
0xf: {  	[smem:$0x3FAB] =	sst s7  }
0x10: {  	[smem:$0x3FAC] =	sst s8  }
0x11: {  	[smem:$0x3FAD] =	sst s9;
	s0 =	simm.s32 @!p0 $0x0  }
0x12: {  	s1 =	sld [smem:$0x3F93];
	s0 =	simm.s32 @p0 $0x1  }
0x13: {  	[smem:$0x3FAE] =	sst s0;
	s0 =	simm.s32 @!p1 $0x0  }
0x14: {  	s2 =	sld [smem:$0x3F92];
	s0 =	simm.s32 @p1 $0x1  }
0x15: {  	[smem:$0x3FAF] =	sst s0;
	s0 =	simm.s32 @!p2 $0x0  }
0x16: {  	s3 =	sld [smem:$0x3FDB];
	s0 =	simm.s32 @p2 $0x1  }
0x17: {  	s4 =	simm.s32 $0x1BF5;
	[smem:$0x3FB1] =	sst s0  }
0x18: {  	s0 =	sld [smem:$0x3F94];
	_ =	swait.ge [sflag:s4], $0x0  }
0x19: {  	s7 =	sld [smem:$0x3F95]  }
0x1a: {  	s8 =	sadd.s32 $0xFFFFE003, lr  }
0x1b: {  	s9 =	sadd.s32 $0xFFFFFEF7, lr;
	s5 =	simm.s32 $0xFFFFFFFF;
	p2 =	slt.u32 s8, $0xFFFFF086  }
0x1c: {  	p1 =	slt.u32 s9, $0xF7A;
	s5 =	simm.s32 @!p2 $0x0  }
0x1d: {  	s5 =	simm.s32 @p1 $0x1;
	p0 =	seq.s32 s7, s2  }
0x1e: {  	s7 =	smul.u32 @!p0 $0xF7A, s2;
	p2 =	seq.s32 @!p0 s5, $0x0  }
0x1f: {  	s9 =	smul.u32 $0xF7A, s1;
	s8 =	simm.s32 @!p0 $0x1BF5;
	p2 =	por !p2, p0  }
0x20: {  	[sflag:s8] =	ssyncset.s32 @!p0 $0xFFFFF086;
	s6 =	sadd.s32 @!p0 s3, s7;
	s7 =	simm.s32 @!p0 $0x108  }
0x21: {  	s3 =	sadd.s32 s3, s9;
	s6 =	sadd.s32 @!p0 $0x88, s6;
	s7 =	simm.s32 @p2 $0x1082  }
0x22: {  	[simem:s7], [sflag:s8] =	dma.local @!p0 [hbm:s6], $0xF7A  }
0x23: {  	s9 =	sor.u32 $0xD0000000, s2;
	s6 =	simm.s32 $0x108;
	_ =	swait.ge @!p0 [sflag:s8], $0x0  }
0x24: {  	s3 =	sadd.s32 $0x88, s3;
	s6 =	simm.s32 @!p1 $0x1082;
	[sflag:s4] =	ssyncset.s32 $0xFFFFF086  }
0x25: {  	[simem:s6], [sflag:s4] =	dma.local [hbm:s3], $0xF7A  }
0x26: {  	[smem:$0x3F95] =	sst s1;
	(tag) =	ssettag s2;
	_ =	strace s9  }
0x27: {  	s1 =	sld [smem:$0x3FA5]  }
0x28: {  	s2 =	sld [smem:$0x3FA6]  }
0x29: {  	s4 =	sld [smem:$0x3FA8]  }
0x2a: {  	p0 =	seq.s32 s5, $0x0;
	s5 =	sld [smem:$0x3FA9]  }
0x2b: {  	s6 =	sld [smem:$0x3FAA]  }
0x2c: {  	s7 =	sld [smem:$0x3FAB]  }
0x2d: {  	s3 =	simm.s32 $0x108;
	s8 =	sld [smem:$0x3FAC]  }
0x2e: {  	s3 =	simm.s32 @!p0 $0x1082;
	s9 =	sld [smem:$0x3FAD]  }
0x2f: {  	lr =	sadd.s32 s0, s3;
	s0 =	sld [smem:$0x3FA4]  }
0x30: {  	s3 =	sld [smem:$0x3FA7]  }
0x31: {  	[smem:$0x3FB0] =	sst s10  }
0x32: {  	s10 =	sld [smem:$0x3FAE];
	_ =	sdelay $0x3  }
0x33: {  	p0 =	seq.s32 s10, $0x1;
	s10 =	sld [smem:$0x3FB0];
	_ =	sdelay $0x3  }
0x34: {  	[smem:$0x3FB0] =	sst s10  }
0x35: {  	s10 =	sld [smem:$0x3FAF];
	_ =	sdelay $0x3  }
0x36: {  	p1 =	seq.s32 s10, $0x1;
	s10 =	sld [smem:$0x3FB0];
	_ =	sdelay $0x3  }
0x37: {  	[smem:$0x3FB0] =	sst s10  }
0x38: {  	s10 =	sld [smem:$0x3FB1]  }
0x39: {  	_ = 	snop;
	(pc) =	sbr.ind lr, $3  }
0x3a: {  	_ = 	snop  }
0x3b: {  	_ = 	snop  }
0x3c: {  	p2 =	seq.s32 s10, $0x1;
	s10 =	sld [smem:$0x3FB0]  }
0x3d: {  	_ =	shalt  }
0x3e: {  	_ =	shalt  }
0x3f: {  	_ =	shalt  }
0x40: {  	_ =	shalt  }
0x41: {  	_ =	shalt  }
0x42: {  	_ =	shalt  }
0x43: {  	_ =	shalt  }
0x44: {  	_ =	shalt  }
0x45: {  	_ =	shalt  }
0x46: {  	_ =	shalt  }
0x47: {  	_ =	shalt  }
0x48: {  	_ =	shalt  }
0x49: {  	_ =	shalt  }
0x4a: {  	_ =	shalt  }
0x4b: {  	_ =	shalt  }
0x4c: {  	_ =	shalt  }
0x4d: {  	_ =	shalt  }
0x4e: {  	_ =	shalt  }
0x4f: {  	_ =	shalt  }
0x50: {  	_ =	shalt  }
0x51: {  	_ =	shalt  }
0x52: {  	_ =	shalt  }
0x53: {  	_ =	shalt  }
0x54: {  	_ =	shalt  }
0x55: {  	_ =	shalt  }
0x56: {  	_ =	shalt  }
0x57: {  	_ =	shalt  }
0x58: {  	_ =	shalt  }
0x59: {  	_ =	shalt  }
0x5a: {  	_ =	shalt  }
0x5b: {  	_ =	shalt  }
0x5c: {  	_ =	shalt  }
0x5d: {  	_ =	shalt  }
0x5e: {  	_ =	shalt  }
0x5f: {  	_ =	shalt  }
0x60: {  	_ =	shalt  }
0x61: {  	_ =	shalt  }
0x62: {  	_ =	shalt  }
0x63: {  	_ =	shalt  }
0x64: {  	_ =	shalt  }
0x65: {  	_ =	shalt  }
0x66: {  	_ =	shalt  }
0x67: {  	_ =	shalt  }
0x68: {  	_ =	shalt  }
0x69: {  	_ =	shalt  }
0x6a: {  	_ =	shalt  }
0x6b: {  	_ =	shalt  }
0x6c: {  	_ =	shalt  }
0x6d: {  	_ =	shalt  }
0x6e: {  	_ =	shalt  }
0x6f: {  	_ =	shalt  }
0x70: {  	_ =	shalt  }
0x71: {  	_ =	shalt  }
0x72: {  	_ =	shalt  }
0x73: {  	_ =	shalt  }
0x74: {  	_ =	shalt  }
0x75: {  	_ =	shalt  }
0x76: {  	_ =	shalt  }
0x77: {  	_ =	shalt  }
0x78: {  	_ =	shalt  }
0x79: {  	_ =	shalt  }
0x7a: {  	_ =	shalt  }
0x7b: {  	_ =	shalt  }
0x7c: {  	_ =	shalt  }
0x7d: {  	_ =	shalt  }
0x7e: {  	_ =	shalt  }
0x7f: {  	_ =	shalt  }
0x80: {  	_ =	shalt  }
0x81: {  	_ =	shalt  }
0x82: {  	_ =	shalt  }
0x83: {  	_ =	shalt  }
0x84: {  	_ =	shalt  }
0x85: {  	_ =	shalt  }
0x86: {  	_ =	shalt  }
0x87: {  	_ =	shalt  }
.Lfunc_end0:
.L_simem_size_0:
called_computation_lowered:
.L_overlay_start_0:
0x88: {  	s2 =	sld [smem:$0x3FD9]  }
0x89: {  	s3 =	sld [smem:$0x3FFE];
	_ =	sdelay $0x1  }
0x8a: {  	s1 =	srdreg.scid  }
0x8b: {  	s0 =	sand.u32 $0x1, s1  }
0x8c: {  	s16 =	sshll.u32 s0, $0xA;
	s2 =	sadd.s32 s3, s2  }
0x8d: {  	s2 =	sadd.s32 s2, s16  }
0x8e: {  	[smem:$0x3FBC] =	sst s2  }
0x8f: {  	_ = 	snop  }
0x90: {  	(tm) =	ssettm $0x1  }
0x91: {  	s17 =	sld [smem:$0x3FFB];
	_ =	sdelay $0x3  }
0x92: {  	_ =	strace s17  }
0x93: {  	s2 =	sld [smem:$0x3FFC];
	_ =	sdelay $0x3  }
0x94: {  	_ =	strace s2  }
0x95: {  	s2 =	sld [smem:$0x3FFD];
	_ =	sdelay $0x3  }
0x96: {  	_ =	strace s2  }
0x97: {  	_ =	strace $0x8FFFFFFF  }
0x98: {  	s18 =	sld [smem:$0x3FDB];
	_ =	sdelay $0x1  }
0x99: {  	s19 =	simm.s32 $_scs_section_size  }
0x9a: {  	s4 =	simm.s32 $_size__tile_overlayer_lowered;
	s5 =	simm.s32 $_tile_overlayer_lowered  }
0x9b: {  	s22 =	simm.s32 $0x1BFF;
	s21 =	sshll.u32 s5, $0x1;
	s2 =	sadd.s32 s19, s18  }
0x9c: {  	s6 =	simm.s32 $0x0;
	s20 =	sshll.u32 s4, $0x1;
	s4 =	sadd.s32 s21, s2  }
0x9d: {  	[timem:s6], [sflag:s22] =	dma.local [hbm:s4], s20  }
0x9e: {  	_ =	swait.ge [sflag:s22], s20  }
0x9f: {  	s3 =	ssub.s32 $0x0, s20;
	[sflag:s22] =	ssyncset.done $0x0  }
0xa0: {  	[sflag:s22] =	ssyncadd.s32 s3;
	_ =	sdelay $0x1  }
0xa1: {  	s23 =	simm.s32 $0x1B8B  }
0xa2: {  	_ =	swait.ge [sflag:s23], $0x1  }
0xa3: {  	[sflag:s23] =	ssyncset.done $0x0  }
0xa4: {  	s25 =	simm.s32 $0x1B8E;
	s24 =	sld [smem:$0x3FFE];
	[sflag:s23] =	ssyncadd.s32 $0xFFFFFFFF  }
0xa5: {  	s26 =	simm.s32 $execute0_lowered;
	[smem:$0x3FD2] =	sst s25  }
0xa6: {  	s4 =	sshll.u32 s26, $0x1;
	_ =	strace $0x80000046;
	[dreg:$0x1] =	wrdreg $0xFFFFFFFF  }
0xa7: {  	s28 =	simm.s32 $_size_execute0_lowered;
	s2 =	sadd.s32 s2, s4;
	[dreg:$0x0] =	wrdreg $0x0  }
0xa8: {  	s4 =	sshll.u32 s28, $0x1;
	[dreg:$0x2] =	wrdreg s2  }
0xa9: {  	[dreg:$0x3] =	wrdreg s4  }
0xaa: {  	[dreg:$0x4] =	wrdreg $0xC0  }
0xab: {  	_ =	task [dreg:s6], $0x5FFFF  }
0xac: {  	[dreg:$0x1] =	wrdreg $0xFFFFFFFF  }
0xad: {  	[dreg:$0x0] =	wrdreg $0x60  }
0xae: {  	[dreg:$0x2] =	wrdreg s24  }
0xaf: {  	[dreg:$0x3] =	wrdreg $0x9  }
0xb0: {  	_ =	task.clear_ibuf [dreg:s6], $0x4FFFF;
	_ =	strace $0x90000046  }
0xb1: {  	s29 =	simm.s32 $0x9;
	_ =	strace $0x80000048  }
0xb2: {  	_ =	swait.ge [sflag:s29], $0x1  }
0xb3: {  	[sflag:s29] =	ssyncadd.s32 $0xFFFFFFFF  }
0xb4: {  	_ =	strace $0x90000048  }
0xb5: {  	_ =	sfence  }
0xb6: {  	s30 =	sld [smem:$0x0];
	_ =	sdelay $0x2  }
0xb7: {  	s31 =	sshll.u32 s1, $0xD;
	s1 =	sshrl.u32 s1, $0x2  }
0xb8: {  	s3 =	sand.u32 $0x4000, s31;
	s1 =	sadd.s32 s1, s30  }
0xb9: {  	s0 =	sor.u32 s3, s0;
	s1 =	sshll.u32 s1, $0x11  }
0xba: {  	s0 =	sor.u32 s1, s0  }
0xbb: {  	s0 =	sadd.s32 $0x8F2B, s0  }
0xbc: {  	[sflag:s0] =	ssyncadd.remote.s32 $0x1  }
0xbd: {  	_ =	sfence.sel $0xFFFF  }
0xbe: {  	[dreg:$0x0] =	wrdreg $0xFFFFFFFF;
	(pc) =	sbr.abs _section_cstart, $3  }
0xbf: {  	[dreg:$0x1] =	wrdreg $0xFFFFFFFF  }
0xc0: {  	_ =	task.clear_ibuf [dreg:s6], $0x2FFFF;
	_ =	strace $0x9FFFFFFF  }
0xc1: {  	(tm) =	ssettm $0x7FFFFFFF  }
tec
execute0_lowered:
.L_overlay_start_1:
0x0: {  	(tag) =	ssettag $0x1  }
0x1: {  	s0 =	srdreg.scid;
	s2 =	stileid.u32  }
0x2: {  	s1 =	rddreg [dreg:$0x0];
	s12 =	simm.s32 $0x5;
	s14 =	simm.s32 $0x80  }
0x3: {  	s15 =	simm.s32 $0x2800;
	s16 =	simm.s32 $0x6800;
	s17 =	simm.s32 $0xE800  }
0x4: {  	s18 =	simm.s32 $0x12800;
	s19 =	simm.s32 $0x1;
	s20 =	simm.s32 $0xA800  }
0x5: {  	s21 =	simm.s32 $0x2;
	s22 =	simm.s32 $0x16800;
	s23 =	simm.s32 $0x3  }
0x6: {  	s24 =	simm.s32 $0x4;
	s28 =	simm.s32 $0x8;
	s30 =	simm.s32 $0x2780  }
0x7: {  	s31 =	simm.s32 $0x0;
	s0 =	sand.u32 $0x1, s0;
	s3 =	sshll.u32 s2, $0x1  }
0x8: {  	s2 =	simm.s32 $0x0;
	s4 =	sadd.s32 $0x19A00, s1;
	s5 =	sor.u32 s0, s3  }
0x9: {  	s6 =	sadd.s32 $0x67E00, s1;
	[smem:$0x7FF] =	sst s2;
	s3 =	smul.u32 $0x1388, s5  }
0xa: {  	s0 =	ssub.s32 $0x2, s0;
	_ =	strace $0x80000047;
	s7 =	smul.u32 $0x9C400, s5  }
0xb: {  	s5 =	sadd.s32 $0x40C00, s1;
	s9 =	sshrl.u32 s0, $0x1;
	s8 =	sshrl.u32 s3, $0x3  }
0xc: {  	s0 =	ssub.s32 s0, s9;
	s7 =	sshrl.u32 s7, $0x3;
	s1 =	sadd.s32 s8, s1  }
0xd: {  	s11 =	smax.u32 s0, $0x1;
	s10 =	sadd.s32 s6, s7;
	s7 =	sadd.s32 $0x5A00, s1  }
0xe: {  	s8 =	sadd.s32 $0xFA00, s1;
	s9 =	sadd.s32 $0x13000, s10;
	s10 =	sadd.s32 $0x13800, s10  }
.LBB2_1:
0xf: {  	[tilespmem:s2], [sflag:$0x5] =	stream.linear.gather [hbm4b:s7+s2], $0x1388, $0x38;
	[tilespmem:$0x1A800] =	vst v63  }
0x10: {  	_ =	swait.ge [sflag:s12], $0x1388  }
0x11: {  	[sflag:s12] =	ssyncset.done $0x0  }
0x12: {  	s0 =	simm.s32 $0x1400;
	[sflag:s12] =	ssyncadd.s32 $0xFFFFEC78  }
0x13: {  	[tilespmem:s0], [sflag:$0x5] =	stream.linear.gather [hbm4b:s8+s2], $0x1388, $0x38;
	[tilespmem:$0x1A800] =	vst v63  }
0x14: {  	_ =	swait.ge [sflag:s12], $0x1388  }
0x15: {  	[sflag:s12] =	ssyncset.done $0x0  }
0x16: {  	s1 =	simm.s32 $0x0;
	[sflag:s12] =	ssyncadd.s32 $0xFFFFEC78  }
.LBB2_2:
0x17: {  	s13 =	sshll.u32 s1, $0x8  }
0x18: {  	[tilespmem:s15], [sflag:$0x1] =	stream.indirect.gather [hbm4b:s4+s14], $0x80, s13, s14, $0xb8;
	[tilespmem:$0x1A800] =	vst v63  }
0x19: {  	s0 =	sadd.s32 $0x1400, s13  }
0x1a: {  	[tilespmem:s16], [sflag:$0x1] =	stream.indirect.gather [hbm4b:s5+s14], $0x80, s0, s14, $0xb8;
	[tilespmem:$0x1A800] =	vst v63  }
0x1b: {  	s0 =	sor.u32 $0x80, s13  }
0x1c: {  	[tilespmem:s17], [sflag:$0x2] =	stream.indirect.gather [hbm4b:s4+s14], $0x80, s0, s14, $0xb8;
	[tilespmem:$0x1A800] =	vst v63  }
0x1d: {  	s25 =	sadd.s32 $0x1480, s13  }
0x1e: {  	[tilespmem:s18], [sflag:$0x2] =	stream.indirect.gather [hbm4b:s5+s14], $0x80, s25, s14, $0xb8;
	[tilespmem:$0x1A800] =	vst v63  }
0x1f: {  	_ =	swait.ge [sflag:s19], $0x4000  }
0x20: {  	[sflag:s19] =	ssyncset.done $0x0  }
0x21: {  	[sflag:s19] =	ssyncadd.s32 $0xFFFFC000  }
0x22: {  	_ =	swait.ge [sflag:s19], $0x4000  }
0x23: {  	p0 =	seq.s32 s1, $0x0;
	[sflag:s19] =	ssyncset.done $0x0  }
0x24: {  	s25 =	simm.s32 @!p0 $0x3;
	[sflag:s19] =	ssyncadd.s32 $0xFFFFC000  }
0x25: {  	_ =	swait.ge @!p0 [sflag:s25], $0x4000  }
0x26: {  	[sflag:s25] =	ssyncset.done @!p0 $0x0  }
0x27: {  	[sflag:s25] =	ssyncadd.s32 @!p0 $0xFFFFC000;
	s25 =	simm.s32 $0x0  }
0x28: {  	v0 =	vld [tilespmem:s25+$0x2870]  }
0x29: {  	v1 =	vld [tilespmem:s25+$0x6870]  }
0x2a: {  	v2 =	vld [tilespmem:s25+$0x2800]  }
0x2b: {  	v3 =	vld [tilespmem:s25+$0x6800]  }
0x2c: {  	v4 =	vld [tilespmem:s25+$0x2810]  }
0x2d: {  	v5 =	vld [tilespmem:s25+$0x6810]  }
0x2e: {  	v6 =	vld [tilespmem:s25+$0x2820]  }
0x2f: {  	v7 =	vld [tilespmem:s25+$0x2830]  }
0x30: {  	v0 =	vadd.f32 v1, v0;
	v1 =	vld [tilespmem:s25+$0x6820]  }
0x31: {  	v8 =	vld [tilespmem:s25+$0x6830]  }
0x32: {  	v9 =	vld [tilespmem:s25+$0x6840];
	v2 =	vadd.f32 v3, v2  }
0x33: {  	[tilespmem:s25+$0xA870] =	vst v0;
	v0 =	vadd.f32 v5, v4;
	v5 =	vld [tilespmem:s25+$0x2840]  }
0x34: {  	v3 =	vld [tilespmem:s25+$0x6850];
	[tilespmem:s25+$0xA800] =	vst v2  }
0x35: {  	v2 =	vld [tilespmem:s25+$0x2850];
	[tilespmem:s25+$0xA810] =	vst v0;
	v0 =	vadd.f32 v1, v6  }
0x36: {  	v4 =	vld [tilespmem:s25+$0x6860];
	v6 =	vadd.f32 v8, v7  }
0x37: {  	s26 =	simm.s32 $0x80;
	[tilespmem:s25+$0xA820] =	vst v0;
	v0 =	vld [tilespmem:s25+$0x2860]  }
0x38: {  	s29 =	simm.s32 $0x400;
	v5 =	vadd.f32 v9, v5;
	v1 =	vld [tilespmem:s26+$0x2870];
	[tilespmem:s25+$0xA830] =	vst v6  }
.LBB2_3:
0x39: {  	p1 =	sne.s32 s29, $0xFE00;
	v6 =	vld [tilespmem:s26+$0x6870]  }
0x3a: {  	v7 =	vld [tilespmem:s26+$0x2800];
	[tilespmem:s25+$0xA840] =	vst v5;
	v2 =	vadd.f32 v3, v2  }
0x3b: {  	v3 =	vld [tilespmem:s26+$0x6800]  }
0x3c: {  	v5 =	vld [tilespmem:s26+$0x2810];
	[tilespmem:s25+$0xA850] =	vst v2;
	v0 =	vadd.f32 v4, v0  }
0x3d: {  	v2 =	vld [tilespmem:s26+$0x6810]  }
0x3e: {  	v4 =	vld [tilespmem:s26+$0x2820];
	v1 =	vadd.f32 v6, v1;
	[tilespmem:s25+$0xA860] =	vst v0;
	s25 =	smov.u32 s26  }
0x3f: {  	v0 =	vld [tilespmem:s25+$0x6820]  }
0x40: {  	v3 =	vadd.f32 v3, v7;
	v6 =	vld [tilespmem:s25+$0x2830];
	[tilespmem:s25+$0xA870] =	vst v1  }
0x41: {  	v1 =	vld [tilespmem:s25+$0x6830]  }
0x42: {  	[tilespmem:s25+$0xA800] =	vst v3;
	v2 =	vadd.f32 v2, v5;
	v5 =	vld [tilespmem:s25+$0x2840]  }
0x43: {  	v7 =	vld [tilespmem:s25+$0x6840]  }
.Ltmp0:
0x44: {  	[tilespmem:s25+$0xA810] =	vst v2;
	v0 =	vadd.f32 v0, v4;
	v2 =	vld [tilespmem:s25+$0x2850];
	(pc) =	sbr.rel @p1 .LBB2_3-.Ltmp0, $4  }
0x45: {  	v3 =	vld [tilespmem:s25+$0x6850]  }
0x46: {  	[tilespmem:s25+$0xA820] =	vst v0;
	v6 =	vadd.f32 v1, v6;
	v0 =	vld [tilespmem:s25+$0x2860]  }
0x47: {  	s26 =	sshra.s32 s29, $0x2;
	v4 =	vld [tilespmem:s25+$0x6860]  }
0x48: {  	s29 =	sadd.s32 $0x200, s29;
	v1 =	vld [tilespmem:s26+$0x2870];
	[tilespmem:s25+$0xA830] =	vst v6;
	v5 =	vadd.f32 v7, v5  }
0x49: {  	v6 =	vld [tilespmem:s26+$0x6870]  }
0x4a: {  	v7 =	vld [tilespmem:s26+$0x2800];
	[tilespmem:s25+$0xA840] =	vst v5;
	v2 =	vadd.f32 v3, v2  }
0x4b: {  	v3 =	vld [tilespmem:s26+$0x6800]  }
0x4c: {  	v5 =	vld [tilespmem:s26+$0x2810];
	[tilespmem:s25+$0xA850] =	vst v2;
	v0 =	vadd.f32 v4, v0  }
0x4d: {  	v2 =	vld [tilespmem:s26+$0x6810]  }
0x4e: {  	v4 =	vld [tilespmem:s26+$0x2820];
	[tilespmem:s25+$0xA860] =	vst v0  }
0x4f: {  	v0 =	vadd.f32 v6, v1;
	v1 =	vld [tilespmem:s26+$0x6820]  }
0x50: {  	v6 =	vld [tilespmem:s26+$0x2830]  }
0x51: {  	v3 =	vadd.f32 v3, v7;
	[tilespmem:s26+$0xA870] =	vst v0;
	v0 =	vld [tilespmem:s26+$0x6830]  }
0x52: {  	v7 =	vld [tilespmem:s26+$0x6860]  }
0x53: {  	[tilespmem:s26+$0xA800] =	vst v3;
	v2 =	vadd.f32 v2, v5;
	v3 =	vld [tilespmem:s26+$0x2840]  }
0x54: {  	v5 =	vld [tilespmem:s26+$0x6840]  }
0x55: {  	[tilespmem:s26+$0xA810] =	vst v2;
	v1 =	vadd.f32 v1, v4;
	v2 =	vld [tilespmem:s26+$0x2850]  }
0x56: {  	v4 =	vld [tilespmem:s26+$0x6850]  }
0x57: {  	[tilespmem:s26+$0xA820] =	vst v1;
	v1 =	vld [tilespmem:s26+$0x2860];
	_ =	sdelay $0x1  }
0x58: {  	v0 =	vadd.f32 v0, v6  }
0x59: {  	v3 =	vadd.f32 v5, v3  }
0x5a: {  	[tilespmem:s26+$0xA830] =	vst v0;
	v0 =	vadd.f32 v4, v2  }
0x5b: {  	s13 =	sadd.s32 s3, s13;
	[tilespmem:s26+$0xA840] =	vst v3;
	v1 =	vadd.f32 v7, v1  }
0x5c: {  	s13 =	sshll.u32 s13, $0x4;
	[tilespmem:s26+$0xA850] =	vst v0  }
0x5d: {  	s13 =	sadd.s32 s6, s13;
	[tilespmem:s26+$0xA860] =	vst v1  }
0x5e: {  	[hbm4b:s13+s2] =	stream.linear.scatter [tilespmem:s20], [sflag:$0x3], $0x4000, $0x38;
	[tilespmem:$0x1A800] =	vst v63  }
0x5f: {  	_ =	swait.ge [sflag:s21], $0x4000  }
0x60: {  	[sflag:s21] =	ssyncset.done $0x0  }
0x61: {  	[sflag:s21] =	ssyncadd.s32 $0xFFFFC000  }
0x62: {  	_ =	swait.ge [sflag:s21], $0x4000  }
0x63: {  	[sflag:s21] =	ssyncset.done $0x0  }
0x64: {  	s13 =	simm.s32 @!p0 $0x4;
	[sflag:s21] =	ssyncadd.s32 $0xFFFFC000  }
0x65: {  	_ =	swait.ge @!p0 [sflag:s13], $0x4000  }
0x66: {  	[sflag:s13] =	ssyncset.done @!p0 $0x0  }
0x67: {  	[sflag:s13] =	ssyncadd.s32 @!p0 $0xFFFFC000;
	s13 =	simm.s32 $0x0  }
0x68: {  	v0 =	vld [tilespmem:s13+$0xE870]  }
0x69: {  	v1 =	vld [tilespmem:s13+$0x12870]  }
0x6a: {  	v2 =	vld [tilespmem:s13+$0xE800]  }
0x6b: {  	v3 =	vld [tilespmem:s13+$0x12800]  }
0x6c: {  	v4 =	vld [tilespmem:s13+$0xE810]  }
0x6d: {  	v5 =	vld [tilespmem:s13+$0x12810]  }
0x6e: {  	v6 =	vld [tilespmem:s13+$0xE820]  }
0x6f: {  	v7 =	vld [tilespmem:s13+$0xE830]  }
0x70: {  	v0 =	vadd.f32 v1, v0;
	v1 =	vld [tilespmem:s13+$0x12820]  }
0x71: {  	v8 =	vld [tilespmem:s13+$0x12830]  }
0x72: {  	v9 =	vld [tilespmem:s13+$0x12840];
	v2 =	vadd.f32 v3, v2  }
0x73: {  	[tilespmem:s13+$0x16870] =	vst v0;
	v0 =	vadd.f32 v5, v4;
	v5 =	vld [tilespmem:s13+$0xE840]  }
0x74: {  	v3 =	vld [tilespmem:s13+$0x12850];
	[tilespmem:s13+$0x16800] =	vst v2  }
0x75: {  	v2 =	vld [tilespmem:s13+$0xE850];
	[tilespmem:s13+$0x16810] =	vst v0;
	v0 =	vadd.f32 v1, v6  }
0x76: {  	v4 =	vld [tilespmem:s13+$0x12860];
	v6 =	vadd.f32 v8, v7  }
0x77: {  	s25 =	simm.s32 $0x80;
	[tilespmem:s13+$0x16820] =	vst v0;
	v0 =	vld [tilespmem:s13+$0xE860]  }
0x78: {  	s26 =	simm.s32 $0x400;
	v5 =	vadd.f32 v9, v5;
	v1 =	vld [tilespmem:s25+$0xE870];
	[tilespmem:s13+$0x16830] =	vst v6  }
.LBB2_5:
0x79: {  	p0 =	sne.s32 s26, $0xFE00;
	v6 =	vld [tilespmem:s25+$0x12870]  }
0x7a: {  	v7 =	vld [tilespmem:s25+$0xE800];
	[tilespmem:s13+$0x16840] =	vst v5;
	v2 =	vadd.f32 v3, v2  }
0x7b: {  	v3 =	vld [tilespmem:s25+$0x12800]  }
0x7c: {  	v5 =	vld [tilespmem:s25+$0xE810];
	[tilespmem:s13+$0x16850] =	vst v2;
	v0 =	vadd.f32 v4, v0  }
0x7d: {  	v2 =	vld [tilespmem:s25+$0x12810]  }
0x7e: {  	v4 =	vld [tilespmem:s25+$0xE820];
	v1 =	vadd.f32 v6, v1;
	[tilespmem:s13+$0x16860] =	vst v0;
	s13 =	smov.u32 s25  }
0x7f: {  	v0 =	vld [tilespmem:s13+$0x12820]  }
0x80: {  	v3 =	vadd.f32 v3, v7;
	v6 =	vld [tilespmem:s13+$0xE830];
	[tilespmem:s13+$0x16870] =	vst v1  }
0x81: {  	v1 =	vld [tilespmem:s13+$0x12830]  }
0x82: {  	[tilespmem:s13+$0x16800] =	vst v3;
	v2 =	vadd.f32 v2, v5;
	v5 =	vld [tilespmem:s13+$0xE840]  }
0x83: {  	v7 =	vld [tilespmem:s13+$0x12840]  }
.Ltmp1:
0x84: {  	[tilespmem:s13+$0x16810] =	vst v2;
	v0 =	vadd.f32 v0, v4;
	v2 =	vld [tilespmem:s13+$0xE850];
	(pc) =	sbr.rel @p0 .LBB2_5-.Ltmp1, $4  }
0x85: {  	v3 =	vld [tilespmem:s13+$0x12850]  }
0x86: {  	[tilespmem:s13+$0x16820] =	vst v0;
	v6 =	vadd.f32 v1, v6;
	v0 =	vld [tilespmem:s13+$0xE860]  }
0x87: {  	s25 =	sshra.s32 s26, $0x2;
	v4 =	vld [tilespmem:s13+$0x12860]  }
0x88: {  	s26 =	sadd.s32 $0x200, s26;
	v1 =	vld [tilespmem:s25+$0xE870];
	[tilespmem:s13+$0x16830] =	vst v6;
	v5 =	vadd.f32 v7, v5  }
0x89: {  	v6 =	vld [tilespmem:s25+$0x12870]  }
0x8a: {  	v7 =	vld [tilespmem:s25+$0xE800];
	[tilespmem:s13+$0x16840] =	vst v5;
	v2 =	vadd.f32 v3, v2  }
0x8b: {  	v51 =	vld [tilespmem:s25+$0x12800]  }
0x8c: {  	v5 =	vld [tilespmem:s25+$0xE810];
	[tilespmem:s13+$0x16850] =	vst v2;
	v0 =	vadd.f32 v4, v0  }
0x8d: {  	v2 =	vld [tilespmem:s25+$0x12810]  }
0x8e: {  	v52 =	vld [tilespmem:s25+$0xE820];
	[tilespmem:s13+$0x16860] =	vst v0  }
0x8f: {  	v54 =	vld [tilespmem:s25+$0x12820]  }
0x90: {  	v55 =	vld [tilespmem:s25+$0xE830]  }
0x91: {  	v56 =	vld [tilespmem:s25+$0x12830]  }
0x92: {  	v57 =	vld [tilespmem:s25+$0xE840]  }
0x93: {  	v58 =	vld [tilespmem:s25+$0x12840]  }
0x94: {  	v59 =	vld [tilespmem:s25+$0xE850]  }
0x95: {  	v53 =	vadd.f32 v6, v1;
	v60 =	vld [tilespmem:s25+$0x12850]  }
0x96: {  	v61 =	vld [tilespmem:s25+$0xE860];
	v3 =	vadd.f32 v51, v7  }
0x97: {  	v62 =	vld [tilespmem:s25+$0x12860];
	[tilespmem:s25+$0x16870] =	vst v53;
	v2 =	vadd.f32 v2, v5  }
0x98: {  	[tilespmem:s25+$0x16800] =	vst v3;
	v1 =	vadd.f32 v54, v52  }
0x99: {  	s1 =	sadd.s32 $0x1, s1;
	[tilespmem:s25+$0x16810] =	vst v2;
	v0 =	vadd.f32 v56, v55  }
0x9a: {  	p0 =	sne.s32 s1, $0x13;
	v3 =	vadd.f32 v58, v57;
	[tilespmem:s25+$0x16820] =	vst v1  }
.Ltmp2:
0x9b: {  	v63 =	vadd.f32 v60, v59;
	[tilespmem:s25+$0x16830] =	vst v0;
	(pc) =	sbr.rel @p0 .LBB2_2-.Ltmp2, $4  }
0x9c: {  	s0 =	sadd.s32 s3, s0;
	[tilespmem:s25+$0x16840] =	vst v3;
	v1 =	vadd.f32 v62, v61  }
0x9d: {  	s0 =	sshll.u32 s0, $0x4;
	[tilespmem:s25+$0x16850] =	vst v63  }
0x9e: {  	s0 =	sadd.s32 s6, s0;
	[tilespmem:s25+$0x16860] =	vst v1  }
0x9f: {  	[hbm4b:s0+s2] =	stream.linear.scatter [tilespmem:s22], [sflag:$0x4], $0x4000, $0x38;
	[tilespmem:$0x1A800] =	vst v63  }
0xa0: {  	_ =	swait.ge [sflag:s23], $0x4000  }
0xa1: {  	[sflag:s23] =	ssyncset.done $0x0  }
0xa2: {  	[sflag:s23] =	ssyncadd.s32 $0xFFFFC000  }
0xa3: {  	_ =	swait.ge [sflag:s24], $0x4000  }
0xa4: {  	[sflag:s24] =	ssyncset.done $0x0  }
0xa5: {  	s0 =	simm.s32 $0x1300;
	[sflag:s24] =	ssyncadd.s32 $0xFFFFC000  }
0xa6: {  	[tilespmem:s15], [sflag:$0x1] =	stream.indirect.gather [hbm4b:s4+s14], $0x80, s0, s14, $0xb8;
	[tilespmem:$0x1A800] =	vst v63  }
0xa7: {  	s26 =	simm.s32 $0x2700  }
0xa8: {  	[tilespmem:s16], [sflag:$0x1] =	stream.indirect.gather [hbm4b:s5+s14], $0x80, s26, s14, $0xb8;
	[tilespmem:$0x1A800] =	vst v63  }
0xa9: {  	s29 =	simm.s32 $0x1380  }
0xaa: {  	[tilespmem:s17], [sflag:$0x2] =	stream.indirect.gather [hbm4b:s4+s28], $0x80, s29, s28, $0xb8;
	[tilespmem:$0x1A800] =	vst v63  }
0xab: {  	_ = 	snop  }
0xac: {  	[tilespmem:s18], [sflag:$0x2] =	stream.indirect.gather [hbm4b:s5+s28], $0x80, s30, s28, $0xb8;
	[tilespmem:$0x1A800] =	vst v63  }
0xad: {  	_ =	swait.ge [sflag:s19], $0x4000  }
0xae: {  	[sflag:s19] =	ssyncset.done $0x0  }
0xaf: {  	[sflag:s19] =	ssyncadd.s32 $0xFFFFC000  }
0xb0: {  	_ =	swait.ge [sflag:s19], $0x4000  }
0xb1: {  	[sflag:s19] =	ssyncset.done $0x0  }
0xb2: {  	s0 =	simm.s32 $0x0;
	[sflag:s19] =	ssyncadd.s32 $0xFFFFC000  }
0xb3: {  	v0 =	vld [tilespmem:s0+$0x2870]  }
0xb4: {  	v1 =	vld [tilespmem:s0+$0x6870]  }
0xb5: {  	v2 =	vld [tilespmem:s0+$0x2800]  }
0xb6: {  	v3 =	vld [tilespmem:s0+$0x6800]  }
0xb7: {  	v4 =	vld [tilespmem:s0+$0x2810]  }
0xb8: {  	v5 =	vld [tilespmem:s0+$0x6810]  }
0xb9: {  	v6 =	vld [tilespmem:s0+$0x2820]  }
0xba: {  	v7 =	vld [tilespmem:s0+$0x2830]  }
0xbb: {  	v0 =	vadd.f32 v1, v0;
	v1 =	vld [tilespmem:s0+$0x6820]  }
0xbc: {  	v8 =	vld [tilespmem:s0+$0x6830]  }
0xbd: {  	v9 =	vld [tilespmem:s0+$0x6840];
	v2 =	vadd.f32 v3, v2  }
0xbe: {  	[tilespmem:s0+$0xA870] =	vst v0;
	v0 =	vadd.f32 v5, v4;
	v5 =	vld [tilespmem:s0+$0x2840]  }
0xbf: {  	v3 =	vld [tilespmem:s0+$0x6850];
	[tilespmem:s0+$0xA800] =	vst v2  }
0xc0: {  	v2 =	vld [tilespmem:s0+$0x2850];
	[tilespmem:s0+$0xA810] =	vst v0;
	v0 =	vadd.f32 v1, v6  }
0xc1: {  	v4 =	vld [tilespmem:s0+$0x6860];
	v6 =	vadd.f32 v8, v7  }
0xc2: {  	s1 =	simm.s32 $0x80;
	[tilespmem:s0+$0xA820] =	vst v0;
	v0 =	vld [tilespmem:s0+$0x2860]  }
0xc3: {  	s13 =	simm.s32 $0x400;
	v5 =	vadd.f32 v9, v5;
	v1 =	vld [tilespmem:s1+$0x2870];
	[tilespmem:s0+$0xA830] =	vst v6  }
.LBB2_8:
0xc4: {  	p0 =	sne.s32 s13, $0xFE00;
	v6 =	vld [tilespmem:s1+$0x6870]  }
0xc5: {  	v7 =	vld [tilespmem:s1+$0x2800];
	[tilespmem:s0+$0xA840] =	vst v5;
	v2 =	vadd.f32 v3, v2  }
0xc6: {  	v3 =	vld [tilespmem:s1+$0x6800]  }
0xc7: {  	v5 =	vld [tilespmem:s1+$0x2810];
	[tilespmem:s0+$0xA850] =	vst v2;
	v0 =	vadd.f32 v4, v0  }
0xc8: {  	v2 =	vld [tilespmem:s1+$0x6810]  }
0xc9: {  	v4 =	vld [tilespmem:s1+$0x2820];
	v1 =	vadd.f32 v6, v1;
	[tilespmem:s0+$0xA860] =	vst v0;
	s0 =	smov.u32 s1  }
0xca: {  	v0 =	vld [tilespmem:s0+$0x6820]  }
0xcb: {  	v3 =	vadd.f32 v3, v7;
	v6 =	vld [tilespmem:s0+$0x2830];
	[tilespmem:s0+$0xA870] =	vst v1  }
0xcc: {  	v1 =	vld [tilespmem:s0+$0x6830]  }
0xcd: {  	[tilespmem:s0+$0xA800] =	vst v3;
	v2 =	vadd.f32 v2, v5;
	v5 =	vld [tilespmem:s0+$0x2840]  }
0xce: {  	v7 =	vld [tilespmem:s0+$0x6840]  }
.Ltmp3:
0xcf: {  	[tilespmem:s0+$0xA810] =	vst v2;
	v0 =	vadd.f32 v0, v4;
	v2 =	vld [tilespmem:s0+$0x2850];
	(pc) =	sbr.rel @p0 .LBB2_8-.Ltmp3, $4  }
0xd0: {  	v3 =	vld [tilespmem:s0+$0x6850]  }
0xd1: {  	[tilespmem:s0+$0xA820] =	vst v0;
	v6 =	vadd.f32 v1, v6;
	v0 =	vld [tilespmem:s0+$0x2860]  }
0xd2: {  	s1 =	sshra.s32 s13, $0x2;
	v4 =	vld [tilespmem:s0+$0x6860]  }
0xd3: {  	s13 =	sadd.s32 $0x200, s13;
	v1 =	vld [tilespmem:s1+$0x2870];
	[tilespmem:s0+$0xA830] =	vst v6;
	v5 =	vadd.f32 v7, v5  }
0xd4: {  	v6 =	vld [tilespmem:s1+$0x6870]  }
0xd5: {  	v7 =	vld [tilespmem:s1+$0x2800];
	[tilespmem:s0+$0xA840] =	vst v5;
	v2 =	vadd.f32 v3, v2  }
0xd6: {  	v49 =	vld [tilespmem:s1+$0x6800]  }
0xd7: {  	v5 =	vld [tilespmem:s1+$0x2810];
	[tilespmem:s0+$0xA850] =	vst v2;
	v0 =	vadd.f32 v4, v0  }
0xd8: {  	v2 =	vld [tilespmem:s1+$0x6810]  }
0xd9: {  	v50 =	vld [tilespmem:s1+$0x2820];
	[tilespmem:s0+$0xA860] =	vst v0  }
0xda: {  	v52 =	vld [tilespmem:s1+$0x6820]  }
0xdb: {  	v53 =	vld [tilespmem:s1+$0x2830]  }
0xdc: {  	v54 =	vld [tilespmem:s1+$0x6830]  }
0xdd: {  	v55 =	vld [tilespmem:s1+$0x2840]  }
0xde: {  	v56 =	vld [tilespmem:s1+$0x6840]  }
0xdf: {  	v57 =	vld [tilespmem:s1+$0x2850]  }
0xe0: {  	v51 =	vadd.f32 v6, v1;
	v58 =	vld [tilespmem:s1+$0x6850]  }
0xe1: {  	v59 =	vld [tilespmem:s1+$0x2860];
	v3 =	vadd.f32 v49, v7  }
0xe2: {  	v60 =	vld [tilespmem:s1+$0x6860];
	[tilespmem:s1+$0xA870] =	vst v51;
	v2 =	vadd.f32 v2, v5  }
0xe3: {  	[tilespmem:s1+$0xA800] =	vst v3;
	v1 =	vadd.f32 v52, v50  }
0xe4: {  	[tilespmem:s1+$0xA810] =	vst v2;
	v0 =	vadd.f32 v54, v53  }
0xe5: {  	v3 =	vadd.f32 v56, v55;
	[tilespmem:s1+$0xA820] =	vst v1  }
0xe6: {  	v61 =	vadd.f32 v58, v57;
	[tilespmem:s1+$0xA830] =	vst v0  }
0xe7: {  	[tilespmem:s1+$0xA840] =	vst v3;
	v1 =	vadd.f32 v60, v59  }
0xe8: {  	[tilespmem:s1+$0xA850] =	vst v61  }
0xe9: {  	[tilespmem:s1+$0xA860] =	vst v1  }
0xea: {  	[hbm4b:s9+s2] =	stream.linear.scatter [tilespmem:s20], [sflag:$0x5], $0x4000, $0x38;
	[tilespmem:$0x1A800] =	vst v63  }
0xeb: {  	_ =	swait.ge [sflag:s12], $0x4000  }
0xec: {  	[sflag:s12] =	ssyncset.done $0x0  }
0xed: {  	[sflag:s12] =	ssyncadd.s32 $0xFFFFC000  }
0xee: {  	_ =	swait.ge [sflag:s21], $0x400  }
0xef: {  	[sflag:s21] =	ssyncset.done $0x0  }
0xf0: {  	[sflag:s21] =	ssyncadd.s32 $0xFFFFFC00  }
0xf1: {  	_ =	swait.ge [sflag:s21], $0x400  }
0xf2: {  	[sflag:s21] =	ssyncset.done $0x0  }
0xf3: {  	[sflag:s21] =	ssyncadd.s32 $0xFFFFFC00  }
0xf4: {  	v0 =	vld [tilespmem:$0xE800]  }
0xf5: {  	v1 =	vld [tilespmem:$0x12800]  }
0xf6: {  	v2 =	vld [tilespmem:$0xE810]  }
0xf7: {  	v3 =	vld [tilespmem:$0x12810]  }
0xf8: {  	v4 =	vld [tilespmem:$0xE820]  }
0xf9: {  	v5 =	vld [tilespmem:$0x12820]  }
0xfa: {  	v6 =	vld [tilespmem:$0xE830]  }
0xfb: {  	v7 =	vld [tilespmem:$0x12830]  }
0xfc: {  	v8 =	vld [tilespmem:$0xE840]  }
0xfd: {  	v9 =	vld [tilespmem:$0x12840]  }
0xfe: {  	v10 =	vld [tilespmem:$0xE850]  }
0xff: {  	v11 =	vld [tilespmem:$0x12850]  }
0x100: {  	v12 =	vld [tilespmem:$0xE860]  }
0x101: {  	v13 =	vld [tilespmem:$0x12860]  }
0x102: {  	v14 =	vld [tilespmem:$0xE870]  }
0x103: {  	v15 =	vld [tilespmem:$0x12870]  }
0x104: {  	v16 =	vld [tilespmem:$0xE880]  }
0x105: {  	v17 =	vld [tilespmem:$0x12880]  }
0x106: {  	v18 =	vld [tilespmem:$0xE890]  }
0x107: {  	v19 =	vld [tilespmem:$0x12890]  }
0x108: {  	v20 =	vld [tilespmem:$0xE8A0]  }
0x109: {  	v21 =	vld [tilespmem:$0x128A0]  }
0x10a: {  	v22 =	vld [tilespmem:$0xE8B0]  }
0x10b: {  	v23 =	vld [tilespmem:$0x128B0]  }
0x10c: {  	v24 =	vld [tilespmem:$0xE8C0]  }
0x10d: {  	v25 =	vld [tilespmem:$0x128C0]  }
0x10e: {  	v26 =	vld [tilespmem:$0xE8D0]  }
0x10f: {  	v27 =	vld [tilespmem:$0x128D0]  }
0x110: {  	v28 =	vld [tilespmem:$0xE8E0]  }
0x111: {  	v29 =	vld [tilespmem:$0x128E0]  }
0x112: {  	v30 =	vld [tilespmem:$0xE8F0]  }
0x113: {  	v31 =	vld [tilespmem:$0x128F0]  }
0x114: {  	v32 =	vld [tilespmem:$0xE900]  }
0x115: {  	v33 =	vld [tilespmem:$0x12900]  }
0x116: {  	v34 =	vld [tilespmem:$0xE910]  }
0x117: {  	v35 =	vld [tilespmem:$0x12910]  }
0x118: {  	v36 =	vld [tilespmem:$0xE920]  }
0x119: {  	v37 =	vld [tilespmem:$0x12920]  }
0x11a: {  	v38 =	vld [tilespmem:$0xE930]  }
0x11b: {  	v39 =	vld [tilespmem:$0x12930]  }
0x11c: {  	v40 =	vld [tilespmem:$0xE940]  }
0x11d: {  	v41 =	vld [tilespmem:$0x12940]  }
0x11e: {  	v42 =	vld [tilespmem:$0xE950]  }
0x11f: {  	v43 =	vld [tilespmem:$0x12950]  }
0x120: {  	v44 =	vld [tilespmem:$0xE960]  }
0x121: {  	v45 =	vld [tilespmem:$0x12960]  }
0x122: {  	v46 =	vld [tilespmem:$0xE970]  }
0x123: {  	v47 =	vld [tilespmem:$0x12970]  }
0x124: {  	v48 =	vld [tilespmem:$0xE980]  }
0x125: {  	v49 =	vld [tilespmem:$0x12980]  }
0x126: {  	v50 =	vld [tilespmem:$0xE990]  }
0x127: {  	v51 =	vld [tilespmem:$0x12990]  }
0x128: {  	v52 =	vld [tilespmem:$0xE9A0]  }
0x129: {  	v53 =	vld [tilespmem:$0x129A0]  }
0x12a: {  	v54 =	vld [tilespmem:$0xE9B0]  }
0x12b: {  	v55 =	vld [tilespmem:$0x129B0]  }
0x12c: {  	v56 =	vld [tilespmem:$0xE9C0]  }
0x12d: {  	v57 =	vld [tilespmem:$0x129C0]  }
0x12e: {  	v58 =	vld [tilespmem:$0xE9D0]  }
0x12f: {  	v62 =	vld [tilespmem:$0xE9F0]  }
0x130: {  	v59 =	vld [tilespmem:$0x129D0]  }
0x131: {  	v60 =	vld [tilespmem:$0xE9E0]  }
0x132: {  	v61 =	vld [tilespmem:$0x129E0]  }
0x133: {  	v63 =	vld [tilespmem:$0x129F0]  }
0x134: {  	[tilespmem:$0x1FFA0] =	vst v62;
	v62 =	vld [tilespmem:$0xEA00]  }
0x135: {  	v0 =	vadd.f32 v1, v0;
	v1 =	vld [tilespmem:$0x12A20]  }
0x136: {  	v2 =	vadd.f32 v3, v2;
	v3 =	vld [tilespmem:$0xEA30]  }
0x137: {  	v9 =	vadd.f32 v9, v8;
	v8 =	vld [tilespmem:$0x12A50]  }
0x138: {  	v13 =	vadd.f32 v13, v12;
	v12 =	vld [tilespmem:$0x12A70]  }
0x139: {  	v15 =	vadd.f32 v15, v14;
	v14 =	vld [tilespmem:$0x12A80]  }
0x13a: {  	v17 =	vadd.f32 v17, v16;
	v16 =	vld [tilespmem:$0x12A90]  }
0x13b: {  	v19 =	vadd.f32 v19, v18;
	v18 =	vld [tilespmem:$0x12AA0]  }
0x13c: {  	v23 =	vadd.f32 v23, v22;
	v22 =	vld [tilespmem:$0x12AC0];
	[tilespmem:$0x16800] =	vst v0  }
0x13d: {  	v25 =	vadd.f32 v25, v24;
	v24 =	vld [tilespmem:$0x12AD0];
	[tilespmem:$0x16810] =	vst v2  }
0x13e: {  	v21 =	vadd.f32 v21, v20;
	v27 =	vadd.f32 v27, v26;
	v26 =	vld [tilespmem:$0x12AE0];
	[tilespmem:$0x16840] =	vst v9  }
0x13f: {  	v31 =	vadd.f32 v31, v30;
	v30 =	vadd.f32 v45, v44;
	v45 =	vld [tilespmem:$0x12B30];
	[tilespmem:$0x16860] =	vst v13  }
0x140: {  	v33 =	vadd.f32 v33, v32;
	v32 =	vadd.f32 v49, v48;
	v49 =	vld [tilespmem:$0x12B40];
	[tilespmem:$0x16870] =	vst v15  }
0x141: {  	v35 =	vadd.f32 v35, v34;
	v34 =	vadd.f32 v53, v52;
	v53 =	vld [tilespmem:$0x12B50];
	[tilespmem:$0x16880] =	vst v17  }
0x142: {  	v37 =	vadd.f32 v37, v36;
	v36 =	vadd.f32 v57, v56;
	v57 =	vld [tilespmem:$0x12B60];
	[tilespmem:$0x16890] =	vst v19  }
0x143: {  	v0 =	vadd.f32 v5, v4;
	v4 =	vld [tilespmem:$0x12A30];
	[tilespmem:$0x168A0] =	vst v21  }
0x144: {  	v5 =	vld [tilespmem:$0xEA40];
	[tilespmem:$0x168B0] =	vst v23  }
0x145: {  	v29 =	vadd.f32 v29, v28;
	v9 =	vld [tilespmem:$0xEA60];
	[tilespmem:$0x168C0] =	vst v25  }
0x146: {  	v13 =	vld [tilespmem:$0xEA80];
	[tilespmem:$0x168D0] =	vst v27  }
0x147: {  	v15 =	vld [tilespmem:$0xEA90];
	[tilespmem:$0x168E0] =	vst v29  }
0x148: {  	v17 =	vld [tilespmem:$0xEAA0];
	[tilespmem:$0x168F0] =	vst v31  }
0x149: {  	v19 =	vld [tilespmem:$0xEAB0];
	[tilespmem:$0x16900] =	vst v33  }
0x14a: {  	v28 =	vadd.f32 v41, v40;
	[tilespmem:$0x16910] =	vst v35;
	v21 =	vld [tilespmem:$0xEAC0]  }
0x14b: {  	[tilespmem:$0x16920] =	vst v37;
	v23 =	vld [tilespmem:$0xEAD0]  }
0x14c: {  	[tilespmem:$0x16940] =	vst v28;
	v25 =	vld [tilespmem:$0xEAE0]  }
0x14d: {  	[tilespmem:$0x16960] =	vst v30;
	v28 =	vld [tilespmem:$0x12AF0]  }
0x14e: {  	[tilespmem:$0x16980] =	vst v32;
	v30 =	vld [tilespmem:$0x12B00]  }
0x14f: {  	[tilespmem:$0x169A0] =	vst v34;
	v32 =	vld [tilespmem:$0x12B10]  }
0x150: {  	v27 =	vadd.f32 v39, v38;
	[tilespmem:$0x169C0] =	vst v36;
	v39 =	vld [tilespmem:$0x1FFA0]  }
0x151: {  	v34 =	vld [tilespmem:$0x12B20];
	[tilespmem:$0x16820] =	vst v0  }
0x152: {  	v29 =	vadd.f32 v43, v42;
	v31 =	vadd.f32 v47, v46;
	v47 =	vld [tilespmem:$0xEB40];
	[tilespmem:$0x16930] =	vst v27  }
0x153: {  	[tilespmem:$0x1FFB0] =	vst v62;
	v62 =	vld [tilespmem:$0x12A00]  }
0x154: {  	v33 =	vadd.f32 v51, v50;
	v51 =	vld [tilespmem:$0xEB50];
	[tilespmem:$0x16950] =	vst v29  }
0x155: {  	v35 =	vadd.f32 v55, v54;
	v55 =	vld [tilespmem:$0xEB60];
	[tilespmem:$0x16970] =	vst v31  }
0x156: {  	v37 =	vadd.f32 v59, v58;
	v59 =	vld [tilespmem:$0xEB70];
	[tilespmem:$0x16990] =	vst v33  }
0x157: {  	v38 =	vadd.f32 v61, v60;
	v61 =	vld [tilespmem:$0x12B70];
	[tilespmem:$0x169B0] =	vst v35  }
0x158: {  	[tilespmem:$0x1FFC0] =	vst v62;
	v62 =	vld [tilespmem:$0xEA10]  }
0x159: {  	v27 =	vld [tilespmem:$0xEAF0];
	[tilespmem:$0x169D0] =	vst v37;
	v2 =	vadd.f32 v63, v39  }
0x15a: {  	v29 =	vld [tilespmem:$0xEB00];
	[tilespmem:$0x169E0] =	vst v38;
	v46 =	vadd.f32 v4, v3  }
0x15b: {  	v31 =	vld [tilespmem:$0xEB10];
	[tilespmem:$0x169F0] =	vst v2  }
0x15c: {  	v33 =	vld [tilespmem:$0xEB20];
	v56 =	vadd.f32 v14, v13;
	[tilespmem:$0x16A30] =	vst v46  }
0x15d: {  	v58 =	vadd.f32 v16, v15;
	[tilespmem:$0x1FFD0] =	vst v62;
	v62 =	vld [tilespmem:$0x12A10]  }
0x15e: {  	v35 =	vld [tilespmem:$0xEB30];
	v60 =	vadd.f32 v18, v17;
	[tilespmem:$0x16A80] =	vst v56  }
0x15f: {  	v37 =	vld [tilespmem:$0xEBA0];
	v21 =	vadd.f32 v22, v21;
	[tilespmem:$0x16A90] =	vst v58  }
0x160: {  	v40 =	vld [tilespmem:$0x1FFB0];
	[tilespmem:$0x16AA0] =	vst v60  }
0x161: {  	v23 =	vadd.f32 v24, v23;
	[tilespmem:$0x16AC0] =	vst v21;
	v41 =	vld [tilespmem:$0x1FFC0]  }
0x162: {  	v25 =	vadd.f32 v26, v25;
	[tilespmem:$0x1FFE0] =	vst v62;
	v62 =	vld [tilespmem:$0xEA20]  }
0x163: {  	[tilespmem:$0x16AD0] =	vst v23;
	v36 =	vadd.f32 v28, v27;
	v42 =	vld [tilespmem:$0x1FFD0]  }
0x164: {  	[tilespmem:$0x16AE0] =	vst v25;
	v38 =	vadd.f32 v30, v29;
	v43 =	vld [tilespmem:$0x1FFE0]  }
0x165: {  	v63 =	vld [tilespmem:$0xEB80];
	[tilespmem:$0x16AF0] =	vst v36  }
0x166: {  	v22 =	vld [tilespmem:$0x12B80];
	[tilespmem:$0x16B00] =	vst v38;
	v0 =	vadd.f32 v41, v40  }
0x167: {  	v40 =	vadd.f32 v32, v31;
	[tilespmem:$0x1FFF0] =	vst v62;
	v62 =	vadd.f32 v7, v6;
	v6 =	vld [tilespmem:$0x12A40]  }
0x168: {  	[tilespmem:$0x16A00] =	vst v0;
	v7 =	vld [tilespmem:$0xEA50]  }
0x169: {  	[tilespmem:$0x16B10] =	vst v40;
	v2 =	vadd.f32 v43, v42;
	v44 =	vld [tilespmem:$0x1FFF0]  }
0x16a: {  	v24 =	vld [tilespmem:$0xEB90];
	v42 =	vadd.f32 v34, v33;
	[tilespmem:$0x16830] =	vst v62  }
0x16b: {  	v26 =	vld [tilespmem:$0x12B90];
	v62 =	vadd.f32 v11, v10;
	[tilespmem:$0x16A10] =	vst v2  }
0x16c: {  	v39 =	vld [tilespmem:$0x12BA0];
	[tilespmem:$0x16B20] =	vst v42;
	v48 =	vadd.f32 v6, v5  }
0x16d: {  	v46 =	vld [tilespmem:$0x12BC0];
	[tilespmem:$0x16850] =	vst v62;
	v50 =	vadd.f32 v8, v7  }
0x16e: {  	v56 =	vld [tilespmem:$0xEBF0];
	v0 =	vadd.f32 v1, v44;
	[tilespmem:$0x16A40] =	vst v48  }
0x16f: {  	v58 =	vld [tilespmem:$0x12BF0];
	v1 =	vadd.f32 v45, v35;
	[tilespmem:$0x16A50] =	vst v50  }
0x170: {  	v41 =	vld [tilespmem:$0xEBB0];
	v45 =	vadd.f32 v49, v47;
	[tilespmem:$0x16A20] =	vst v0  }
0x171: {  	v10 =	vld [tilespmem:$0x12A60];
	v47 =	vadd.f32 v53, v51;
	[tilespmem:$0x16B30] =	vst v1  }
0x172: {  	v11 =	vld [tilespmem:$0xEA70];
	v49 =	vadd.f32 v57, v55;
	[tilespmem:$0x16B40] =	vst v45  }
0x173: {  	v43 =	vld [tilespmem:$0x12BB0];
	v51 =	vadd.f32 v61, v59;
	[tilespmem:$0x16B50] =	vst v47  }
0x174: {  	v62 =	vld [tilespmem:$0x12AB0];
	v53 =	vadd.f32 v22, v63;
	[tilespmem:$0x16B60] =	vst v49  }
0x175: {  	v44 =	vld [tilespmem:$0xEBC0];
	v55 =	vadd.f32 v26, v24;
	[tilespmem:$0x16B70] =	vst v51  }
0x176: {  	v52 =	vadd.f32 v10, v9;
	v48 =	vld [tilespmem:$0xEBD0];
	[tilespmem:$0x16B80] =	vst v53  }
0x177: {  	v54 =	vadd.f32 v12, v11;
	v50 =	vld [tilespmem:$0x12BD0];
	[tilespmem:$0x16B90] =	vst v55  }
0x178: {  	v57 =	vadd.f32 v39, v37;
	[tilespmem:$0x16A60] =	vst v52;
	v52 =	vld [tilespmem:$0xEBE0]  }
0x179: {  	v59 =	vadd.f32 v43, v41;
	[tilespmem:$0x16A70] =	vst v54;
	v54 =	vld [tilespmem:$0x12BE0]  }
0x17a: {  	v63 =	vadd.f32 v58, v56;
	[tilespmem:$0x16BA0] =	vst v57  }
0x17b: {  	[tilespmem:$0x16BB0] =	vst v59;
	v62 =	vadd.f32 v62, v19  }
0x17c: {  	[tilespmem:$0x16BF0] =	vst v63;
	v60 =	vadd.f32 v46, v44  }
0x17d: {  	[tilespmem:$0x16AB0] =	vst v62;
	v61 =	vadd.f32 v50, v48  }
0x17e: {  	s31 =	sadd.s32 $0x1, s31;
	[tilespmem:$0x16BC0] =	vst v60;
	v62 =	vadd.f32 v54, v52  }
0x17f: {  	p0 =	sne.s32 s31, s11;
	[tilespmem:$0x16BD0] =	vst v61  }
.Ltmp4:
0x180: {  	[tilespmem:$0x16BE0] =	vst v62;
	(pc) =	sbr.rel @p0 .LBB2_1-.Ltmp4, $4  }
0x181: {  	[hbm4b:s10+s2] =	stream.linear.scatter [tilespmem:s22], [sflag:$0x5], $0x400, $0x38;
	[tilespmem:$0x1A800] =	vst v63  }
0x182: {  	_ =	swait.ge [sflag:s12], $0x400  }
0x183: {  	[sflag:s12] =	ssyncset.done $0x0  }
0x184: {  	[sflag:s12] =	ssyncadd.s32 $0xFFFFFC00  }
0x185: {  	_ =	sfence.sel $0x180000  }
0x186: {  	[bflag:$0x0] =	sbarrier.arrive $0xFFFF  }
0x187: {  	_ =	strace $0x90000047  }
0x188: {  	s0 =	stileid.u32;
	[bflag:$0x2] =	sbarrier.arrive $0xFFFF  }
0x189: {  	p0 =	sne.s32 s0, $0x0;
	s0 =	rddreg [dreg:$0x1]  }
0x18a: {  	s0 =	sadd.s32 @!p0 $0x100000, s0  }
0x18b: {  	[sflag:s0] =	ssyncadd.tile.s32 @!p0 $0x1;
	_ =	shalt  }
.Lfunc_end2:
_tile_overlayer_lowered:
.L_overlay_start_2:
0x18c: {  	(tag) =	ssettag $0x2  }
0x18d: {  	s0 =	rddreg [dreg:$0x0];
	s2 =	stileid.u32  }
0x18e: {  	s1 =	rddreg [dreg:$0x1];
	p0 =	sne.s32 s2, $0x0  }
0x18f: {  	s3 =	rddreg [dreg:$0x2];
	[bflag:$0x3] =	sbarrier.arrive $0xFFFF;
	s2 =	simm.s32 @!p0 $0x1C05  }
0x190: {  	[timem:s3], [sflag:s2] =	dma.local @!p0 [hbm:s0], s1  }
0x191: {  	s0 =	simm.s32 @!p0 $0x5  }
0x192: {  	_ =	swait.ge @!p0 [sflag:s0], s1  }
0x193: {  	s1 =	ssub.s32 @!p0 $0x0, s1;
	[sflag:s0] =	ssyncset.done @!p0 $0x0  }
0x194: {  	[sflag:s0] =	ssyncadd.s32 @!p0 s1  }
0x195: {  	[bflag:$0x3] =	sbarrier.arrive $0xFFFF  }
0x196: {  	_ =	shalt  }

// kernel: kernel.13.cloned.1.call-start
scs
__scs_entry_jumppad:
0x0: {  	(pc) =	sbr.rel $0x88, $3  }
0x1: {  	(tag) =	ssettag $0x0;
	lr =	simm.s32 $0x1  }
0x2: {  	[smem:$0x3F95] =	sst lr;
	_ =	strace $0xD0000000  }
0x3: {  	_ = 	snop  }
0x4: {  	_ = 	snop  }
0x5: {  	_ = 	snop  }
0x6: {  	_ = 	snop  }
0x7: {  	_ = 	snop  }
__scs_overlays_trampoline_lowered:
0x8: {  	[smem:$0x3FA4] =	sst s0  }
0x9: {  	[smem:$0x3FA5] =	sst s1  }
0xa: {  	[smem:$0x3FA6] =	sst s2  }
0xb: {  	[smem:$0x3FA7] =	sst s3  }
0xc: {  	[smem:$0x3FA8] =	sst s4  }
0xd: {  	[smem:$0x3FA9] =	sst s5  }
0xe: {  	[smem:$0x3FAA] =	sst s6  }
0xf: {  	[smem:$0x3FAB] =	sst s7  }
0x10: {  	[smem:$0x3FAC] =	sst s8  }
0x11: {  	[smem:$0x3FAD] =	sst s9;
	s0 =	simm.s32 @!p0 $0x0  }
0x12: {  	s1 =	sld [smem:$0x3F93];
	s0 =	simm.s32 @p0 $0x1  }
0x13: {  	[smem:$0x3FAE] =	sst s0;
	s0 =	simm.s32 @!p1 $0x0  }
0x14: {  	s2 =	sld [smem:$0x3F92];
	s0 =	simm.s32 @p1 $0x1  }
0x15: {  	[smem:$0x3FAF] =	sst s0;
	s0 =	simm.s32 @!p2 $0x0  }
0x16: {  	s3 =	sld [smem:$0x3FDB];
	s0 =	simm.s32 @p2 $0x1  }
0x17: {  	s4 =	simm.s32 $0x1BF5;
	[smem:$0x3FB1] =	sst s0  }
0x18: {  	s0 =	sld [smem:$0x3F94];
	_ =	swait.ge [sflag:s4], $0x0  }
0x19: {  	s7 =	sld [smem:$0x3F95]  }
0x1a: {  	s8 =	sadd.s32 $0xFFFFE003, lr  }
0x1b: {  	s9 =	sadd.s32 $0xFFFFFEF7, lr;
	s5 =	simm.s32 $0xFFFFFFFF;
	p2 =	slt.u32 s8, $0xFFFFF086  }
0x1c: {  	p1 =	slt.u32 s9, $0xF7A;
	s5 =	simm.s32 @!p2 $0x0  }
0x1d: {  	s5 =	simm.s32 @p1 $0x1;
	p0 =	seq.s32 s7, s2  }
0x1e: {  	s7 =	smul.u32 @!p0 $0xF7A, s2;
	p2 =	seq.s32 @!p0 s5, $0x0  }
0x1f: {  	s9 =	smul.u32 $0xF7A, s1;
	s8 =	simm.s32 @!p0 $0x1BF5;
	p2 =	por !p2, p0  }
0x20: {  	[sflag:s8] =	ssyncset.s32 @!p0 $0xFFFFF086;
	s6 =	sadd.s32 @!p0 s3, s7;
	s7 =	simm.s32 @!p0 $0x108  }
0x21: {  	s3 =	sadd.s32 s3, s9;
	s6 =	sadd.s32 @!p0 $0x88, s6;
	s7 =	simm.s32 @p2 $0x1082  }
0x22: {  	[simem:s7], [sflag:s8] =	dma.local @!p0 [hbm:s6], $0xF7A  }
0x23: {  	s9 =	sor.u32 $0xD0000000, s2;
	s6 =	simm.s32 $0x108;
	_ =	swait.ge @!p0 [sflag:s8], $0x0  }
0x24: {  	s3 =	sadd.s32 $0x88, s3;
	s6 =	simm.s32 @!p1 $0x1082;
	[sflag:s4] =	ssyncset.s32 $0xFFFFF086  }
0x25: {  	[simem:s6], [sflag:s4] =	dma.local [hbm:s3], $0xF7A  }
0x26: {  	[smem:$0x3F95] =	sst s1;
	(tag) =	ssettag s2;
	_ =	strace s9  }
0x27: {  	s1 =	sld [smem:$0x3FA5]  }
0x28: {  	s2 =	sld [smem:$0x3FA6]  }
0x29: {  	s4 =	sld [smem:$0x3FA8]  }
0x2a: {  	p0 =	seq.s32 s5, $0x0;
	s5 =	sld [smem:$0x3FA9]  }
0x2b: {  	s6 =	sld [smem:$0x3FAA]  }
0x2c: {  	s7 =	sld [smem:$0x3FAB]  }
0x2d: {  	s3 =	simm.s32 $0x108;
	s8 =	sld [smem:$0x3FAC]  }
0x2e: {  	s3 =	simm.s32 @!p0 $0x1082;
	s9 =	sld [smem:$0x3FAD]  }
0x2f: {  	lr =	sadd.s32 s0, s3;
	s0 =	sld [smem:$0x3FA4]  }
0x30: {  	s3 =	sld [smem:$0x3FA7]  }
0x31: {  	[smem:$0x3FB0] =	sst s10  }
0x32: {  	s10 =	sld [smem:$0x3FAE];
	_ =	sdelay $0x3  }
0x33: {  	p0 =	seq.s32 s10, $0x1;
	s10 =	sld [smem:$0x3FB0];
	_ =	sdelay $0x3  }
0x34: {  	[smem:$0x3FB0] =	sst s10  }
0x35: {  	s10 =	sld [smem:$0x3FAF];
	_ =	sdelay $0x3  }
0x36: {  	p1 =	seq.s32 s10, $0x1;
	s10 =	sld [smem:$0x3FB0];
	_ =	sdelay $0x3  }
0x37: {  	[smem:$0x3FB0] =	sst s10  }
0x38: {  	s10 =	sld [smem:$0x3FB1]  }
0x39: {  	_ = 	snop;
	(pc) =	sbr.ind lr, $3  }
0x3a: {  	_ = 	snop  }
0x3b: {  	_ = 	snop  }
0x3c: {  	p2 =	seq.s32 s10, $0x1;
	s10 =	sld [smem:$0x3FB0]  }
0x3d: {  	_ =	shalt  }
0x3e: {  	_ =	shalt  }
0x3f: {  	_ =	shalt  }
0x40: {  	_ =	shalt  }
0x41: {  	_ =	shalt  }
0x42: {  	_ =	shalt  }
0x43: {  	_ =	shalt  }
0x44: {  	_ =	shalt  }
0x45: {  	_ =	shalt  }
0x46: {  	_ =	shalt  }
0x47: {  	_ =	shalt  }
0x48: {  	_ =	shalt  }
0x49: {  	_ =	shalt  }
0x4a: {  	_ =	shalt  }
0x4b: {  	_ =	shalt  }
0x4c: {  	_ =	shalt  }
0x4d: {  	_ =	shalt  }
0x4e: {  	_ =	shalt  }
0x4f: {  	_ =	shalt  }
0x50: {  	_ =	shalt  }
0x51: {  	_ =	shalt  }
0x52: {  	_ =	shalt  }
0x53: {  	_ =	shalt  }
0x54: {  	_ =	shalt  }
0x55: {  	_ =	shalt  }
0x56: {  	_ =	shalt  }
0x57: {  	_ =	shalt  }
0x58: {  	_ =	shalt  }
0x59: {  	_ =	shalt  }
0x5a: {  	_ =	shalt  }
0x5b: {  	_ =	shalt  }
0x5c: {  	_ =	shalt  }
0x5d: {  	_ =	shalt  }
0x5e: {  	_ =	shalt  }
0x5f: {  	_ =	shalt  }
0x60: {  	_ =	shalt  }
0x61: {  	_ =	shalt  }
0x62: {  	_ =	shalt  }
0x63: {  	_ =	shalt  }
0x64: {  	_ =	shalt  }
0x65: {  	_ =	shalt  }
0x66: {  	_ =	shalt  }
0x67: {  	_ =	shalt  }
0x68: {  	_ =	shalt  }
0x69: {  	_ =	shalt  }
0x6a: {  	_ =	shalt  }
0x6b: {  	_ =	shalt  }
0x6c: {  	_ =	shalt  }
0x6d: {  	_ =	shalt  }
0x6e: {  	_ =	shalt  }
0x6f: {  	_ =	shalt  }
0x70: {  	_ =	shalt  }
0x71: {  	_ =	shalt  }
0x72: {  	_ =	shalt  }
0x73: {  	_ =	shalt  }
0x74: {  	_ =	shalt  }
0x75: {  	_ =	shalt  }
0x76: {  	_ =	shalt  }
0x77: {  	_ =	shalt  }
0x78: {  	_ =	shalt  }
0x79: {  	_ =	shalt  }
0x7a: {  	_ =	shalt  }
0x7b: {  	_ =	shalt  }
0x7c: {  	_ =	shalt  }
0x7d: {  	_ =	shalt  }
0x7e: {  	_ =	shalt  }
0x7f: {  	_ =	shalt  }
0x80: {  	_ =	shalt  }
0x81: {  	_ =	shalt  }
0x82: {  	_ =	shalt  }
0x83: {  	_ =	shalt  }
0x84: {  	_ =	shalt  }
0x85: {  	_ =	shalt  }
0x86: {  	_ =	shalt  }
0x87: {  	_ =	shalt  }
.Lfunc_end0:
.L_simem_size_0:
called_computation.1_lowered:
.L_overlay_start_0:
0x88: {  	s2 =	sld [smem:$0x3FD9]  }
0x89: {  	s3 =	sld [smem:$0x3FFE];
	_ =	sdelay $0x1  }
0x8a: {  	s1 =	srdreg.scid  }
0x8b: {  	s0 =	sand.u32 $0x1, s1  }
0x8c: {  	s17 =	sshll.u32 s0, $0xA;
	s2 =	sadd.s32 s3, s2  }
0x8d: {  	s2 =	sadd.s32 s2, s17  }
0x8e: {  	[smem:$0x3FBC] =	sst s2  }
0x8f: {  	_ = 	snop  }
0x90: {  	(tm) =	ssettm $0x1  }
0x91: {  	s18 =	sld [smem:$0x3FFB];
	_ =	sdelay $0x3  }
0x92: {  	_ =	strace s18  }
0x93: {  	s2 =	sld [smem:$0x3FFC];
	_ =	sdelay $0x3  }
0x94: {  	_ =	strace s2  }
0x95: {  	s2 =	sld [smem:$0x3FFD];
	_ =	sdelay $0x3  }
0x96: {  	_ =	strace s2  }
0x97: {  	_ =	strace $0x8FFFFFFF  }
0x98: {  	s19 =	sld [smem:$0x3FDB];
	_ =	sdelay $0x1  }
0x99: {  	s20 =	simm.s32 $_scs_section_size  }
0x9a: {  	s4 =	simm.s32 $_size__tile_overlayer_lowered;
	s5 =	simm.s32 $_tile_overlayer_lowered  }
0x9b: {  	s6 =	simm.s32 $0x1BFF;
	s21 =	sshll.u32 s5, $0x1;
	s3 =	sadd.s32 s20, s19  }
0x9c: {  	s22 =	simm.s32 $0x0;
	s4 =	sshll.u32 s4, $0x1;
	s5 =	sadd.s32 s21, s3  }
0x9d: {  	[timem:s22], [sflag:s6] =	dma.local [hbm:s5], s4  }
0x9e: {  	_ =	swait.ge [sflag:s6], s4  }
0x9f: {  	s4 =	ssub.s32 $0x0, s4;
	[sflag:s6] =	ssyncset.done $0x0  }
0xa0: {  	[sflag:s6] =	ssyncadd.s32 s4;
	_ =	sdelay $0x1  }
0xa1: {  	s23 =	simm.s32 $0x1B8B  }
0xa2: {  	_ =	swait.ge [sflag:s23], $0x1  }
0xa3: {  	[sflag:s23] =	ssyncset.done $0x0  }
0xa4: {  	[sflag:s23] =	ssyncadd.s32 $0xFFFFFFFF  }
0xa5: {  	s4 =	sld [smem:$0x0]  }
0xa6: {  	s5 =	sand.u32 $0xFFFFFFFE, s1  }
0xa7: {  	p0 =	sne.s32 s1, s5  }
0xa8: {  	s5 =	sshll.u32 @p0 s5, $0xE  }
0xa9: {  	s5 =	sadd.s32 @p0 $0x11B8D, s5;
	s6 =	sshll.u32 @p0 s4, $0x11  }
0xaa: {  	s5 =	sor.u32 @p0 s6, s5  }
0xab: {  	[sflag:s5] =	ssyncadd.remote.s32 @p0 $0x1;
	_ =	sdelay $0x1  }
0xac: {  	s5 =	simm.s32 @p0 $0x1B8D  }
0xad: {  	_ =	swait.eq @p0 [sflag:s5], $0x1  }
0xae: {  	[sflag:s5] =	ssyncadd.s32 @p0 $0xFFFFFFFF  }
0xaf: {  	s6 =	sshll.u32 @!p0 s1, $0xE  }
0xb0: {  	s6 =	sor.u32 @!p0 $0x4000, s6;
	s5 =	simm.s32 @!p0 $0x1B8D  }
0xb1: {  	s4 =	sshll.u32 @!p0 s4, $0x11;
	s6 =	sadd.s32 @!p0 $0x11B8D, s6;
	_ =	swait.eq @!p0 [sflag:s5], $0x1  }
0xb2: {  	s4 =	sor.u32 @!p0 s4, s6;
	[sflag:s5] =	ssyncadd.s32 @!p0 $0xFFFFFFFF  }
0xb3: {  	s25 =	simm.s32 $0x1B8E;
	s24 =	sld [smem:$0x3FFE];
	[sflag:s4] =	ssyncadd.remote.s32 @!p0 $0x1  }
0xb4: {  	s26 =	simm.s32 $execute0_lowered;
	[smem:$0x3FD2] =	sst s25  }
0xb5: {  	s5 =	sshll.u32 s26, $0x1;
	_ =	strace $0x8000004C;
	[dreg:$0x1] =	wrdreg $0xFFFFFFFF  }
0xb6: {  	s28 =	simm.s32 $_size_execute0_lowered;
	s3 =	sadd.s32 s3, s5;
	[dreg:$0x0] =	wrdreg $0x0  }
0xb7: {  	s5 =	sshll.u32 s28, $0x1;
	[dreg:$0x2] =	wrdreg s3  }
0xb8: {  	[dreg:$0x3] =	wrdreg s5  }
0xb9: {  	[dreg:$0x4] =	wrdreg $0xC0  }
0xba: {  	_ =	task [dreg:s22], $0x5FFFF  }
0xbb: {  	[dreg:$0x1] =	wrdreg $0xFFFFFFFF  }
0xbc: {  	[dreg:$0x0] =	wrdreg $0x60  }
0xbd: {  	[dreg:$0x2] =	wrdreg s24  }
0xbe: {  	[dreg:$0x3] =	wrdreg $0xA2800  }
0xbf: {  	[dreg:$0x4] =	wrdreg $0x9  }
0xc0: {  	_ =	task.clear_ibuf [dreg:s22], $0x5FFFF;
	_ =	strace $0x9000004C  }
0xc1: {  	s29 =	simm.s32 $0x9;
	_ =	strace $0x8000004E  }
0xc2: {  	_ =	swait.ge [sflag:s29], $0x1  }
0xc3: {  	[sflag:s29] =	ssyncadd.s32 $0xFFFFFFFF  }
0xc4: {  	_ =	strace $0x9000004E  }
0xc5: {  	_ =	sfence  }
0xc6: {  	s30 =	sld [smem:$0x0];
	_ =	sdelay $0x2  }
0xc7: {  	s31 =	sshll.u32 s1, $0xD;
	s1 =	sshrl.u32 s1, $0x2  }
0xc8: {  	s4 =	sand.u32 $0x4000, s31;
	s1 =	sadd.s32 s1, s30  }
0xc9: {  	s0 =	sor.u32 s4, s0;
	s1 =	sshll.u32 s1, $0x11  }
0xca: {  	s0 =	sor.u32 s1, s0  }
0xcb: {  	s0 =	sadd.s32 $0x8F2B, s0  }
0xcc: {  	[sflag:s0] =	ssyncadd.remote.s32 $0x1  }
0xcd: {  	_ =	sfence.sel $0xFFFF  }
0xce: {  	[dreg:$0x0] =	wrdreg $0xFFFFFFFF;
	(pc) =	sbr.abs _section_cstart, $3  }
0xcf: {  	[dreg:$0x1] =	wrdreg $0xFFFFFFFF  }
0xd0: {  	_ =	task.clear_ibuf [dreg:s22], $0x2FFFF;
	_ =	strace $0x9FFFFFFF  }
0xd1: {  	(tm) =	ssettm $0x7FFFFFFF  }
tec
execute0_lowered:
.L_overlay_start_1:
0x0: {  	(tag) =	ssettag $0x1  }
0x1: {  	s0 =	rddreg [dreg:$0x0]  }
0x2: {  	s2 =	rddreg [dreg:$0x1];
	s3 =	simm.s32 $0x0  }
0x3: {  	s13 =	stileid.u32;
	s6 =	srdreg.scid;
	s28 =	simm.s32 $0x5280  }
0x4: {  	s29 =	simm.s32 $0x180;
	s30 =	simm.s32 $0x7A80;
	s31 =	simm.s32 $0x1  }
0x5: {  	[smem:$0x7FF] =	sst s3;
	s1 =	smul.u32 $0x13800, s13;
	s4 =	sadd.s32 $0x809000, s0  }
0x6: {  	s7 =	sadd.s32 $0xFA00, s0;
	s8 =	sand.u32 $0x1, s6;
	s9 =	sshll.u32 s13, $0x1  }
0x7: {  	s10 =	smul.u32 $0x4E000, s13;
	s11 =	sadd.s32 $0x8F000, s0;
	s18 =	sshll.u32 s13, $0x6  }
0x8: {  	s19 =	sadd.s32 $0x138000, s2;
	s16 =	smul.u32 $0x27100, s13;
	p0 =	sne.s32 s13, $0xF  }
0x9: {  	_ =	strace $0x8000004D;
	s6 =	ssub.s32 $0x2, s8;
	s14 =	smul.u32 $0x138800, s8  }
0xa: {  	s9 =	sor.u32 s8, s9;
	[dreg:$0x6] =	wrdreg s19;
	s19 =	smul.u32 $0x1388, s8  }
0xb: {  	s8 =	smul.u32 $0x13880, s8;
	s5 =	sshrl.u32 s1, $0x3;
	s12 =	sshrl.u32 s6, $0x1  }
0xc: {  	s17 =	sshrl.u32 s10, $0x2;
	s9 =	smul.u32 $0x1388, s9;
	s5 =	sadd.s32 s5, s0  }
0xd: {  	s12 =	ssub.s32 s6, s12;
	s6 =	sadd.s32 s17, s2;
	s0 =	sadd.s32 $0x8EE00, s0  }
0xe: {  	s1 =	sadd.s32 s1, s14;
	s17 =	smul.u32 $0x2710, s13;
	[dreg:$0x4] =	wrdreg s6  }
0xf: {  	s5 =	sadd.s32 $0x67E00, s5;
	s6 =	sor.u32 $0x1C09, s18;
	s20 =	sadd.s32 $0x12C0, s9  }
0x10: {  	[dreg:$0x7] =	wrdreg s0;
	s22 =	sadd.s32 $0x1310, s9;
	s26 =	sadd.s32 $0x1360, s9  }
0x11: {  	s18 =	sshrl.u32 s1, $0x3;
	[dreg:$0x5] =	wrdreg s5;
	s21 =	sshrl.u32 s20, $0x3  }
0x12: {  	s23 =	sshll.u32 s20, $0x4;
	s24 =	sshrl.u32 s22, $0x3;
	s10 =	sshll.u32 s22, $0x4  }
0x13: {  	s9 =	sshrl.u32 s26, $0x3;
	s20 =	sshrl.u32 s14, $0x3;
	s0 =	sadd.s32 s7, s21  }
0x14: {  	s1 =	sadd.s32 s19, s17;
	s25 =	sadd.s32 s7, s24;
	[dreg:$0x8] =	wrdreg s0  }
0x15: {  	s5 =	sadd.s32 s4, s10;
	s15 =	sadd.s32 s7, s9;
	[dreg:$0xa] =	wrdreg s25  }
0x16: {  	s22 =	sshrl.u32 s1, $0x3;
	s0 =	sadd.s32 s4, s23;
	[dreg:$0xb] =	wrdreg s5  }
0x17: {  	[dreg:$0xc] =	wrdreg s15;
	s23 =	smax.u32 s12, $0x1;
	s24 =	sadd.s32 s22, s7  }
0x18: {  	s25 =	sadd.s32 $0xF0, s1;
	s22 =	simm.s32 $0x9;
	[dreg:$0x9] =	wrdreg s0  }
0x19: {  	s5 =	simm.s32 $0x4;
	s12 =	simm.s32 $0x0;
	[dreg:$0x10] =	wrdreg s23  }
0x1a: {  	s0 =	sshll.u32 s26, $0x4;
	[dreg:$0x11] =	wrdreg s24;
	s26 =	sadd.s32 $0xA0, s1  }
0x1b: {  	s1 =	sadd.s32 $0x50, s1;
	s23 =	simm.s32 $0x280;
	s24 =	simm.s32 $0x80  }
0x1c: {  	s0 =	sadd.s32 s4, s0;
	s4 =	sadd.s32 s16, s4;
	s1 =	sshrl.u32 s1, $0x3  }
0x1d: {  	[dreg:$0xd] =	wrdreg s0;
	s0 =	sadd.s32 s11, s18;
	s21 =	sadd.s32 s8, s4  }
0x1e: {  	s4 =	sshrl.u32 s26, $0x3;
	s26 =	simm.s32 $0x100;
	[dreg:$0xe] =	wrdreg s0  }
0x1f: {  	s0 =	sadd.s32 s11, s20;
	[dreg:$0x3] =	wrdreg s21;
	s20 =	sadd.s32 s4, s7  }
0x20: {  	s21 =	sadd.s32 s1, s7;
	s1 =	simm.s32 $0x2;
	s0 =	sadd.s32 $0x27000, s0  }
0x21: {  	s4 =	simm.s32 $0x3;
	[dreg:$0xf] =	wrdreg s0;
	s0 =	sshrl.u32 s25, $0x3  }
0x22: {  	s25 =	simm.s32 $0x2A80;
	s19 =	sadd.s32 s0, s7;
	s0 =	simm.s32 $0x50  }
.LBB2_1:
0x23: {  	s7 =	rddreg [dreg:$0x4]  }
0x24: {  	s16 =	rddreg [dreg:$0x5];
	s13 =	sshrl.u32 s7, $0x3  }
0x25: {  	[spmem:s13], [sflag:s6] =	dma.local [hbm:s16], $0x2700  }
0x26: {  	_ =	swait.ge [sflag:s22], $0x2700  }
0x27: {  	[sflag:s22] =	ssyncset.done $0x0;
	s7 =	rddreg [dreg:$0x6]  }
0x28: {  	[sflag:s22] =	ssyncadd.s32 $0xFFFFD900;
	s14 =	sshrl.u32 @!p0 s7, $0x3;
	s7 =	rddreg [dreg:$0x7]  }
0x29: {  	[spmem:s14], [sflag:s6] =	dma.local @!p0 [hbm:s7], $0x100  }
0x2a: {  	s7 =	simm.s32 @!p0 $0x9  }
0x2b: {  	_ =	swait.ge @!p0 [sflag:s7], $0x100  }
0x2c: {  	[sflag:s7] =	ssyncset.done @!p0 $0x0  }
0x2d: {  	p1 =	por $0x1, $0x1;
	[sflag:s7] =	ssyncadd.s32 @!p0 $0xFFFFFF00  }
0x2e: {  	s7 =	simm.s32 @!p1 $0x5;
	[bflag:$0x0] =	sbarrier.arrive $0xFFFF  }
0x2f: {  	_ =	swait.ge @!p1 [sflag:s7], $0x2800  }
0x30: {  	[sflag:s7] =	ssyncset.done @!p1 $0x0  }
0x31: {  	[sflag:s7] =	ssyncadd.s32 @!p1 $0xFFFFD800;
	s7 =	simm.s32 @!p1 $0x6  }
0x32: {  	_ =	swait.ge @!p1 [sflag:s7], $0x2800  }
0x33: {  	[sflag:s7] =	ssyncset.done @!p1 $0x0  }
0x34: {  	s9 =	rddreg [dreg:$0x11];
	[sflag:s7] =	ssyncadd.s32 @!p1 $0xFFFFD800  }
0x35: {  	[tilespmem:s3], [sflag:$0x9] =	stream.linear.gather [hbm4b:s9+s3], $0x50, $0x38;
	[tilespmem:$0x1DB00] =	vst v63  }
0x36: {  	_ =	swait.ge [sflag:s22], $0x50  }
0x37: {  	s17 =	rddreg [dreg:$0x3];
	[sflag:s22] =	ssyncset.done $0x0  }
0x38: {  	[sflag:s22] =	ssyncadd.s32 $0xFFFFFFB0;
	s7 =	sadd.s32 $0x0, s17  }
0x39: {  	[tilespmem:s23], [sflag:$0x1] =	stream.linear.gather [hbm4b:s7+s3], $0x2800, $0x38;
	[tilespmem:$0x1DB00] =	vst v63  }
0x3a: {  	_ = 	snop  }
0x3b: {  	[tilespmem:s24], [sflag:$0x9] =	stream.linear.gather [hbm4b:s21+s3], $0x50, $0x38;
	[tilespmem:$0x1DB00] =	vst v63  }
0x3c: {  	_ =	swait.ge [sflag:s22], $0x50  }
0x3d: {  	[sflag:s22] =	ssyncset.done $0x0  }
0x3e: {  	s11 =	simm.s32 @!p1 $0x7;
	s8 =	sadd.s32 $0x500, s7;
	[sflag:s22] =	ssyncadd.s32 $0xFFFFFFB0  }
0x3f: {  	[tilespmem:s25], [sflag:$0x2] =	stream.linear.gather [hbm4b:s8+s3], $0x2800, $0x38;
	[tilespmem:$0x1DB00] =	vst v63  }
0x40: {  	_ =	swait.ge @!p1 [sflag:s11], $0x2800  }
0x41: {  	[sflag:s11] =	ssyncset.done @!p1 $0x0  }
0x42: {  	s8 =	simm.s32 @!p1 $0x8;
	[sflag:s11] =	ssyncadd.s32 @!p1 $0xFFFFD800  }
0x43: {  	_ =	swait.ge @!p1 [sflag:s8], $0x2800  }
0x44: {  	[sflag:s8] =	ssyncset.done @!p1 $0x0  }
0x45: {  	[sflag:s8] =	ssyncadd.s32 @!p1 $0xFFFFD800  }
0x46: {  	[tilespmem:s26], [sflag:$0x9] =	stream.linear.gather [hbm4b:s20+s3], $0x50, $0x38;
	[tilespmem:$0x1DB00] =	vst v63  }
0x47: {  	_ =	swait.ge [sflag:s22], $0x50  }
0x48: {  	[sflag:s22] =	ssyncset.done $0x0  }
0x49: {  	s18 =	sadd.s32 $0xA00, s7;
	[sflag:s22] =	ssyncadd.s32 $0xFFFFFFB0  }
0x4a: {  	[tilespmem:s28], [sflag:$0x3] =	stream.linear.gather [hbm4b:s18+s3], $0x2800, $0x38;
	[tilespmem:$0x1DB00] =	vst v63  }
0x4b: {  	_ = 	snop  }
0x4c: {  	[tilespmem:s29], [sflag:$0x9] =	stream.linear.gather [hbm4b:s19+s3], $0x50, $0x38;
	[tilespmem:$0x1DB00] =	vst v63  }
0x4d: {  	_ =	swait.ge [sflag:s22], $0x50  }
0x4e: {  	[sflag:s22] =	ssyncset.done $0x0  }
0x4f: {  	s7 =	sadd.s32 $0xF00, s7;
	[sflag:s22] =	ssyncadd.s32 $0xFFFFFFB0  }
0x50: {  	[tilespmem:s30], [sflag:$0x4] =	stream.linear.gather [hbm4b:s7+s3], $0x2800, $0x38;
	[tilespmem:$0x1DB00] =	vst v63  }
0x51: {  	_ =	swait.ge [sflag:s31], $0x2800  }
0x52: {  	[sflag:s31] =	ssyncset.done $0x0  }
0x53: {  	[sflag:s31] =	ssyncadd.s32 $0xFFFFD800  }
0x54: {  	[spmem:s2] =	stream.indirect.scatter.add.f32 [tilespmem:s23], [sflag:$0x5], $0x80, s3, s0, $0xb8;
	[tilespmem:$0x1DB00] =	vst v63  }
0x55: {  	_ =	swait.ge [sflag:s1], $0x2800  }
0x56: {  	[sflag:s1] =	ssyncset.done $0x0  }
0x57: {  	[sflag:s1] =	ssyncadd.s32 $0xFFFFD800  }
0x58: {  	[spmem:s2] =	stream.indirect.scatter.add.f32 [tilespmem:s25], [sflag:$0x6], $0x80, s24, s0, $0xb8;
	[tilespmem:$0x1DB00] =	vst v63  }
0x59: {  	_ =	swait.ge [sflag:s4], $0x2800  }
0x5a: {  	s15 =	sadd.s32 $0x28, s19;
	[sflag:s4] =	ssyncset.done $0x0  }
0x5b: {  	p2 =	por $0x0, $0x0;
	s16 =	sadd.s32 $0x28, s20;
	[sflag:s4] =	ssyncadd.s32 $0xFFFFD800  }
0x5c: {  	[spmem:s2] =	stream.indirect.scatter.add.f32 [tilespmem:s28], [sflag:$0x7], $0x80, s26, s0, $0xb8;
	[tilespmem:$0x1DB00] =	vst v63  }
0x5d: {  	s17 =	simm.s32 $0x1400;
	s11 =	sadd.s32 $0x28, s21;
	_ =	swait.ge [sflag:s5], $0x2800  }
0x5e: {  	s8 =	simm.s32 $0x2800;
	s7 =	sadd.s32 $0x28, s9;
	[sflag:s5] =	ssyncset.done $0x0  }
.LBB2_2:
0x5f: {  	s9 =	simm.s32 @!p2 $0x5;
	[sflag:s5] =	ssyncadd.s32 $0xFFFFD800  }
0x60: {  	[spmem:s2] =	stream.indirect.scatter.add.f32 [tilespmem:s30], [sflag:$0x8], $0x80, s29, s0, $0xb8;
	[tilespmem:$0x1DB00] =	vst v63  }
0x61: {  	_ =	swait.ge @!p2 [sflag:s9], $0x2800  }
0x62: {  	[sflag:s9] =	ssyncset.done @!p2 $0x0  }
0x63: {  	[sflag:s9] =	ssyncadd.s32 @!p2 $0xFFFFD800;
	s9 =	simm.s32 @!p2 $0x6  }
0x64: {  	_ =	swait.ge @!p2 [sflag:s9], $0x2800  }
0x65: {  	[sflag:s9] =	ssyncset.done @!p2 $0x0  }
0x66: {  	[sflag:s9] =	ssyncadd.s32 @!p2 $0xFFFFD800  }
0x67: {  	[tilespmem:s3], [sflag:$0x9] =	stream.linear.gather [hbm4b:s7+s3], $0x50, $0x38;
	[tilespmem:$0x1DB00] =	vst v63  }
0x68: {  	_ =	swait.ge [sflag:s22], $0x50  }
0x69: {  	s18 =	rddreg [dreg:$0x3];
	[sflag:s22] =	ssyncset.done $0x0  }
0x6a: {  	[sflag:s22] =	ssyncadd.s32 $0xFFFFFFB0;
	s9 =	sadd.s32 s17, s18  }
0x6b: {  	[tilespmem:s23], [sflag:$0x1] =	stream.linear.gather [hbm4b:s9+s3], $0x2800, $0x38;
	[tilespmem:$0x1DB00] =	vst v63  }
0x6c: {  	_ = 	snop  }
0x6d: {  	[tilespmem:s24], [sflag:$0x9] =	stream.linear.gather [hbm4b:s11+s3], $0x50, $0x38;
	[tilespmem:$0x1DB00] =	vst v63  }
0x6e: {  	s10 =	smov.u32 s8;
	_ =	swait.ge [sflag:s22], $0x50  }
0x6f: {  	s17 =	smov.u32 s10;
	[sflag:s22] =	ssyncset.done $0x0  }
0x70: {  	s18 =	simm.s32 @!p2 $0x7;
	s10 =	sadd.s32 $0x500, s9;
	[sflag:s22] =	ssyncadd.s32 $0xFFFFFFB0  }
0x71: {  	[tilespmem:s25], [sflag:$0x2] =	stream.linear.gather [hbm4b:s10+s3], $0x2800, $0x38;
	[tilespmem:$0x1DB00] =	vst v63  }
0x72: {  	_ =	swait.ge @!p2 [sflag:s18], $0x2800  }
0x73: {  	[sflag:s18] =	ssyncset.done @!p2 $0x0  }
0x74: {  	s10 =	simm.s32 @!p2 $0x8;
	[sflag:s18] =	ssyncadd.s32 @!p2 $0xFFFFD800  }
0x75: {  	_ =	swait.ge @!p2 [sflag:s10], $0x2800  }
0x76: {  	[sflag:s10] =	ssyncset.done @!p2 $0x0  }
0x77: {  	[sflag:s10] =	ssyncadd.s32 @!p2 $0xFFFFD800  }
0x78: {  	[tilespmem:s26], [sflag:$0x9] =	stream.linear.gather [hbm4b:s16+s3], $0x50, $0x38;
	[tilespmem:$0x1DB00] =	vst v63  }
0x79: {  	_ =	swait.ge [sflag:s22], $0x50  }
0x7a: {  	[sflag:s22] =	ssyncset.done $0x0  }
0x7b: {  	s18 =	sadd.s32 $0xA00, s9;
	[sflag:s22] =	ssyncadd.s32 $0xFFFFFFB0  }
0x7c: {  	[tilespmem:s28], [sflag:$0x3] =	stream.linear.gather [hbm4b:s18+s3], $0x2800, $0x38;
	[tilespmem:$0x1DB00] =	vst v63  }
0x7d: {  	_ = 	snop  }
0x7e: {  	[tilespmem:s29], [sflag:$0x9] =	stream.linear.gather [hbm4b:s15+s3], $0x50, $0x38;
	[tilespmem:$0x1DB00] =	vst v63  }
0x7f: {  	_ =	swait.ge [sflag:s22], $0x50  }
0x80: {  	[sflag:s22] =	ssyncset.done $0x0  }
0x81: {  	s9 =	sadd.s32 $0xF00, s9;
	[sflag:s22] =	ssyncadd.s32 $0xFFFFFFB0  }
0x82: {  	[tilespmem:s30], [sflag:$0x4] =	stream.linear.gather [hbm4b:s9+s3], $0x2800, $0x38;
	[tilespmem:$0x1DB00] =	vst v63  }
0x83: {  	_ =	swait.ge [sflag:s31], $0x2800  }
0x84: {  	[sflag:s31] =	ssyncset.done $0x0  }
0x85: {  	[sflag:s31] =	ssyncadd.s32 $0xFFFFD800  }
0x86: {  	[spmem:s2] =	stream.indirect.scatter.add.f32 [tilespmem:s23], [sflag:$0x5], $0x80, s3, s0, $0xb8;
	[tilespmem:$0x1DB00] =	vst v63  }
0x87: {  	_ =	swait.ge [sflag:s1], $0x2800  }
0x88: {  	[sflag:s1] =	ssyncset.done $0x0  }
0x89: {  	s8 =	sadd.s32 $0x1400, s8;
	[sflag:s1] =	ssyncadd.s32 $0xFFFFD800  }
0x8a: {  	[spmem:s2] =	stream.indirect.scatter.add.f32 [tilespmem:s25], [sflag:$0x6], $0x80, s24, s0, $0xb8;
	[tilespmem:$0x1DB00] =	vst v63  }
0x8b: {  	p1 =	sne.s32 s8, $0x12C00;
	_ =	swait.ge [sflag:s4], $0x2800  }
.Ltmp0:
0x8c: {  	[sflag:s4] =	ssyncset.done $0x0;
	(pc) =	sbr.rel @p1 .LBB2_2-.Ltmp0, $4  }
0x8d: {  	s7 =	sadd.s32 $0x28, s7;
	[sflag:s4] =	ssyncadd.s32 $0xFFFFD800  }
0x8e: {  	[spmem:s2] =	stream.indirect.scatter.add.f32 [tilespmem:s28], [sflag:$0x7], $0x80, s26, s0, $0xb8;
	[tilespmem:$0x1DB00] =	vst v63  }
0x8f: {  	s11 =	sadd.s32 $0x28, s11;
	p2 =	seq.s32 s17, $0x0;
	_ =	swait.ge [sflag:s5], $0x2800  }
0x90: {  	s16 =	sadd.s32 $0x28, s16;
	s15 =	sadd.s32 $0x28, s15;
	[sflag:s5] =	ssyncset.done $0x0  }
0x91: {  	s8 =	simm.s32 @!p2 $0x5;
	[sflag:s5] =	ssyncadd.s32 $0xFFFFD800  }
0x92: {  	[spmem:s2] =	stream.indirect.scatter.add.f32 [tilespmem:s30], [sflag:$0x8], $0x80, s29, s0, $0xb8;
	[tilespmem:$0x1DB00] =	vst v63  }
0x93: {  	_ =	swait.ge @!p2 [sflag:s8], $0x2800  }
0x94: {  	[sflag:s8] =	ssyncset.done @!p2 $0x0  }
0x95: {  	[sflag:s8] =	ssyncadd.s32 @!p2 $0xFFFFD800;
	s8 =	simm.s32 @!p2 $0x6  }
0x96: {  	_ =	swait.ge @!p2 [sflag:s8], $0x2800  }
0x97: {  	[sflag:s8] =	ssyncset.done @!p2 $0x0  }
0x98: {  	[sflag:s8] =	ssyncadd.s32 @!p2 $0xFFFFD800  }
0x99: {  	[tilespmem:s3], [sflag:$0x9] =	stream.linear.gather [hbm4b:s7+s3], $0x50, $0x38;
	[tilespmem:$0x1DB00] =	vst v63  }
0x9a: {  	_ =	swait.ge [sflag:s22], $0x50  }
0x9b: {  	s10 =	rddreg [dreg:$0x3];
	[sflag:s22] =	ssyncset.done $0x0  }
0x9c: {  	s7 =	sadd.s32 s17, s10;
	[sflag:s22] =	ssyncadd.s32 $0xFFFFFFB0  }
0x9d: {  	[tilespmem:s23], [sflag:$0x1] =	stream.linear.gather [hbm4b:s7+s3], $0x2800, $0x38;
	[tilespmem:$0x1DB00] =	vst v63  }
0x9e: {  	_ = 	snop  }
0x9f: {  	[tilespmem:s24], [sflag:$0x9] =	stream.linear.gather [hbm4b:s11+s3], $0x50, $0x38;
	[tilespmem:$0x1DB00] =	vst v63  }
0xa0: {  	_ =	swait.ge [sflag:s22], $0x50  }
0xa1: {  	[sflag:s22] =	ssyncset.done $0x0  }
0xa2: {  	s8 =	simm.s32 @!p2 $0x7;
	s18 =	sadd.s32 $0x500, s7;
	[sflag:s22] =	ssyncadd.s32 $0xFFFFFFB0  }
0xa3: {  	[tilespmem:s25], [sflag:$0x2] =	stream.linear.gather [hbm4b:s18+s3], $0x2800, $0x38;
	[tilespmem:$0x1DB00] =	vst v63  }
0xa4: {  	_ =	swait.ge @!p2 [sflag:s8], $0x2800  }
0xa5: {  	[sflag:s8] =	ssyncset.done @!p2 $0x0  }
0xa6: {  	[sflag:s8] =	ssyncadd.s32 @!p2 $0xFFFFD800;
	s8 =	simm.s32 @!p2 $0x8  }
0xa7: {  	_ =	swait.ge @!p2 [sflag:s8], $0x2800  }
0xa8: {  	[sflag:s8] =	ssyncset.done @!p2 $0x0  }
0xa9: {  	[sflag:s8] =	ssyncadd.s32 @!p2 $0xFFFFD800  }
0xaa: {  	[tilespmem:s26], [sflag:$0x9] =	stream.linear.gather [hbm4b:s16+s3], $0x50, $0x38;
	[tilespmem:$0x1DB00] =	vst v63  }
0xab: {  	_ =	swait.ge [sflag:s22], $0x50  }
0xac: {  	[sflag:s22] =	ssyncset.done $0x0  }
0xad: {  	s9 =	sadd.s32 $0xA00, s7;
	[sflag:s22] =	ssyncadd.s32 $0xFFFFFFB0  }
0xae: {  	[tilespmem:s28], [sflag:$0x3] =	stream.linear.gather [hbm4b:s9+s3], $0x2800, $0x38;
	[tilespmem:$0x1DB00] =	vst v63  }
0xaf: {  	_ = 	snop  }
0xb0: {  	[tilespmem:s29], [sflag:$0x9] =	stream.linear.gather [hbm4b:s15+s3], $0x50, $0x38;
	[tilespmem:$0x1DB00] =	vst v63  }
0xb1: {  	_ =	swait.ge [sflag:s22], $0x50  }
0xb2: {  	[sflag:s22] =	ssyncset.done $0x0  }
0xb3: {  	s7 =	sadd.s32 $0xF00, s7;
	[sflag:s22] =	ssyncadd.s32 $0xFFFFFFB0  }
0xb4: {  	[tilespmem:s30], [sflag:$0x4] =	stream.linear.gather [hbm4b:s7+s3], $0x2800, $0x38;
	[tilespmem:$0x1DB00] =	vst v63  }
0xb5: {  	_ =	swait.ge [sflag:s31], $0x2800  }
0xb6: {  	[sflag:s31] =	ssyncset.done $0x0  }
0xb7: {  	[sflag:s31] =	ssyncadd.s32 $0xFFFFD800  }
0xb8: {  	[spmem:s2] =	stream.indirect.scatter.add.f32 [tilespmem:s23], [sflag:$0x5], $0x80, s3, s0, $0xb8;
	[tilespmem:$0x1DB00] =	vst v63  }
0xb9: {  	_ =	swait.ge [sflag:s1], $0x2800  }
0xba: {  	[sflag:s1] =	ssyncset.done $0x0  }
0xbb: {  	[sflag:s1] =	ssyncadd.s32 $0xFFFFD800  }
0xbc: {  	[spmem:s2] =	stream.indirect.scatter.add.f32 [tilespmem:s25], [sflag:$0x6], $0x80, s24, s0, $0xb8;
	[tilespmem:$0x1DB00] =	vst v63  }
0xbd: {  	_ =	swait.ge [sflag:s4], $0x2800  }
0xbe: {  	[sflag:s4] =	ssyncset.done $0x0  }
0xbf: {  	[sflag:s4] =	ssyncadd.s32 $0xFFFFD800  }
0xc0: {  	[spmem:s2] =	stream.indirect.scatter.add.f32 [tilespmem:s28], [sflag:$0x7], $0x80, s26, s0, $0xb8;
	[tilespmem:$0x1DB00] =	vst v63  }
0xc1: {  	_ =	swait.ge [sflag:s5], $0x2800  }
0xc2: {  	[sflag:s5] =	ssyncset.done $0x0  }
0xc3: {  	s10 =	simm.s32 $0x5;
	[sflag:s5] =	ssyncadd.s32 $0xFFFFD800  }
0xc4: {  	[spmem:s2] =	stream.indirect.scatter.add.f32 [tilespmem:s30], [sflag:$0x8], $0x80, s29, s0, $0xb8;
	[tilespmem:$0x1DB00] =	vst v63  }
0xc5: {  	_ =	swait.ge [sflag:s10], $0x2800  }
0xc6: {  	[sflag:s10] =	ssyncset.done $0x0  }
0xc7: {  	s11 =	simm.s32 $0x6;
	[sflag:s10] =	ssyncadd.s32 $0xFFFFD800  }
0xc8: {  	_ =	swait.ge [sflag:s11], $0x2800  }
0xc9: {  	[sflag:s11] =	ssyncset.done $0x0  }
0xca: {  	s15 =	simm.s32 $0x7;
	[sflag:s11] =	ssyncadd.s32 $0xFFFFD800  }
0xcb: {  	_ =	swait.ge [sflag:s15], $0x2800  }
0xcc: {  	[sflag:s15] =	ssyncset.done $0x0  }
0xcd: {  	s16 =	simm.s32 $0x8;
	[sflag:s15] =	ssyncadd.s32 $0xFFFFD800  }
0xce: {  	_ =	swait.ge [sflag:s16], $0x2800  }
0xcf: {  	[sflag:s16] =	ssyncset.done $0x0  }
0xd0: {  	s17 =	rddreg [dreg:$0x8];
	[sflag:s16] =	ssyncadd.s32 $0xFFFFD800  }
0xd1: {  	[tilespmem:s3], [sflag:$0x9] =	stream.linear.gather [hbm4b:s17+s3], $0x50, $0x38;
	[tilespmem:$0x1DB00] =	vst v63  }
0xd2: {  	_ =	swait.ge [sflag:s22], $0x50  }
0xd3: {  	[sflag:s22] =	ssyncset.done $0x0  }
0xd4: {  	s18 =	rddreg [dreg:$0x9];
	[sflag:s22] =	ssyncadd.s32 $0xFFFFFFB0  }
0xd5: {  	[tilespmem:s23], [sflag:$0x9] =	stream.linear.gather [hbm4b:s18+s3], $0x2800, $0x38;
	[tilespmem:$0x1DB00] =	vst v63  }
0xd6: {  	_ =	swait.ge [sflag:s22], $0x2800  }
0xd7: {  	[sflag:s22] =	ssyncset.done $0x0  }
0xd8: {  	[sflag:s22] =	ssyncadd.s32 $0xFFFFD800  }
0xd9: {  	[spmem:s2] =	stream.indirect.scatter.add.f32 [tilespmem:s23], [sflag:$0x9], $0x80, s3, s0, $0xb8;
	[tilespmem:$0x1DB00] =	vst v63  }
0xda: {  	_ =	swait.ge [sflag:s22], $0x2800  }
0xdb: {  	[sflag:s22] =	ssyncset.done $0x0  }
0xdc: {  	s8 =	rddreg [dreg:$0xa];
	[sflag:s22] =	ssyncadd.s32 $0xFFFFD800  }
0xdd: {  	[tilespmem:s3], [sflag:$0x9] =	stream.linear.gather [hbm4b:s8+s3], $0x50, $0x38;
	[tilespmem:$0x1DB00] =	vst v63  }
0xde: {  	_ =	swait.ge [sflag:s22], $0x50  }
0xdf: {  	[sflag:s22] =	ssyncset.done $0x0  }
0xe0: {  	s9 =	rddreg [dreg:$0xb];
	[sflag:s22] =	ssyncadd.s32 $0xFFFFFFB0  }
0xe1: {  	[tilespmem:s23], [sflag:$0x9] =	stream.linear.gather [hbm4b:s9+s3], $0x2800, $0x38;
	[tilespmem:$0x1DB00] =	vst v63  }
0xe2: {  	_ =	swait.ge [sflag:s22], $0x2800  }
0xe3: {  	[sflag:s22] =	ssyncset.done $0x0  }
0xe4: {  	[sflag:s22] =	ssyncadd.s32 $0xFFFFD800  }
0xe5: {  	[spmem:s2] =	stream.indirect.scatter.add.f32 [tilespmem:s23], [sflag:$0x9], $0x80, s3, s0, $0xb8;
	[tilespmem:$0x1DB00] =	vst v63  }
0xe6: {  	_ =	swait.ge [sflag:s22], $0x2800  }
0xe7: {  	[sflag:s22] =	ssyncset.done $0x0  }
0xe8: {  	s11 =	simm.s32 $0x200;
	s10 =	rddreg [dreg:$0xc];
	[sflag:s22] =	ssyncadd.s32 $0xFFFFD800  }
0xe9: {  	[tilespmem:s11], [sflag:$0x9] =	stream.linear.gather [hbm4b:s10+s3], $0x28, $0x38;
	[tilespmem:$0x1DB00] =	vst v63  }
0xea: {  	_ =	swait.ge [sflag:s22], $0x28  }
0xeb: {  	[sflag:s22] =	ssyncset.done $0x0  }
0xec: {  	s15 =	rddreg [dreg:$0xd];
	[sflag:s22] =	ssyncadd.s32 $0xFFFFFFD8  }
0xed: {  	[tilespmem:s23], [sflag:$0x9] =	stream.linear.gather [hbm4b:s15+s3], $0x1400, $0x38;
	[tilespmem:$0x1DB00] =	vst v63  }
0xee: {  	_ =	swait.ge [sflag:s22], $0x1400  }
0xef: {  	[sflag:s22] =	ssyncset.done $0x0  }
0xf0: {  	s16 =	simm.s32 $0x28;
	[sflag:s22] =	ssyncadd.s32 $0xFFFFEC00  }
0xf1: {  	[spmem:s2] =	stream.indirect.scatter.add.f32 [tilespmem:s23], [sflag:$0x9], $0x80, s11, s16, $0xb8;
	[tilespmem:$0x1DB00] =	vst v63  }
0xf2: {  	_ =	swait.ge [sflag:s22], $0x1400  }
0xf3: {  	[sflag:s22] =	ssyncset.done $0x0  }
0xf4: {  	[sflag:s22] =	ssyncadd.s32 $0xFFFFEC00  }
0xf5: {  	[bflag:$0x0] =	sbarrier.arrive $0xFFFF  }
0xf6: {  	s17 =	rddreg [dreg:$0xe]  }
0xf7: {  	[hbm:s17], [sflag:s6] =	dma.local [spmem:s13], $0x2700  }
0xf8: {  	_ =	swait.ge [sflag:s22], $0x2700  }
0xf9: {  	[sflag:s22] =	ssyncset.done $0x0  }
0xfa: {  	s7 =	rddreg [dreg:$0xf];
	[sflag:s22] =	ssyncadd.s32 $0xFFFFD900  }
0xfb: {  	[hbm:s7], [sflag:s6] =	dma.local @!p0 [spmem:s14], $0x100  }
0xfc: {  	s7 =	simm.s32 @!p0 $0x9  }
0xfd: {  	_ =	swait.ge @!p0 [sflag:s7], $0x100  }
0xfe: {  	s12 =	sadd.s32 $0x1, s12;
	s18 =	rddreg [dreg:$0x10]  }
0xff: {  	p1 =	sne.s32 s12, s18  }
.Ltmp1:
0x100: {  	_ = 	snop;
	(pc) =	sbr.rel @p1 .LBB2_1-.Ltmp1, $3  }
0x101: {  	_ =	sdelay $0x1  }
0x102: {  	[sflag:s7] =	ssyncset.done @!p0 $0x0  }
0x103: {  	[sflag:s7] =	ssyncadd.s32 @!p0 $0xFFFFFF00  }
0x104: {  	_ =	sfence.sel $0x180000  }
0x105: {  	[bflag:$0x0] =	sbarrier.arrive $0xFFFF  }
0x106: {  	_ =	strace $0x9000004D  }
0x107: {  	s0 =	stileid.u32;
	[bflag:$0x2] =	sbarrier.arrive $0xFFFF  }
0x108: {  	p0 =	sne.s32 s0, $0x0;
	s0 =	rddreg [dreg:$0x2]  }
0x109: {  	s0 =	sadd.s32 @!p0 $0x100000, s0  }
0x10a: {  	[sflag:s0] =	ssyncadd.tile.s32 @!p0 $0x1;
	_ =	shalt  }
.Lfunc_end2:
_tile_overlayer_lowered:
.L_overlay_start_2:
0x10b: {  	(tag) =	ssettag $0x2  }
0x10c: {  	s0 =	rddreg [dreg:$0x0];
	s2 =	stileid.u32  }
0x10d: {  	s1 =	rddreg [dreg:$0x1];
	p0 =	sne.s32 s2, $0x0  }
0x10e: {  	s3 =	rddreg [dreg:$0x2];
	[bflag:$0x3] =	sbarrier.arrive $0xFFFF;
	s2 =	simm.s32 @!p0 $0x1C09  }
0x10f: {  	[timem:s3], [sflag:s2] =	dma.local @!p0 [hbm:s0], s1  }
0x110: {  	s0 =	simm.s32 @!p0 $0x9  }
0x111: {  	_ =	swait.ge @!p0 [sflag:s0], s1  }
0x112: {  	s1 =	ssub.s32 @!p0 $0x0, s1;
	[sflag:s0] =	ssyncset.done @!p0 $0x0  }
0x113: {  	[sflag:s0] =	ssyncadd.s32 @!p0 s1  }
0x114: {  	[bflag:$0x3] =	sbarrier.arrive $0xFFFF  }
0x115: {  	_ =	shalt  }

// kernel: kernel.16.cloned.1.call-start
scs
__scs_entry_jumppad:
0x0: {  	(pc) =	sbr.rel $0x88, $3  }
0x1: {  	(tag) =	ssettag $0x0;
	lr =	simm.s32 $0x1  }
0x2: {  	[smem:$0x3F95] =	sst lr;
	_ =	strace $0xD0000000  }
0x3: {  	_ = 	snop  }
0x4: {  	_ = 	snop  }
0x5: {  	_ = 	snop  }
0x6: {  	_ = 	snop  }
0x7: {  	_ = 	snop  }
__scs_overlays_trampoline_lowered:
0x8: {  	[smem:$0x3FA4] =	sst s0  }
0x9: {  	[smem:$0x3FA5] =	sst s1  }
0xa: {  	[smem:$0x3FA6] =	sst s2  }
0xb: {  	[smem:$0x3FA7] =	sst s3  }
0xc: {  	[smem:$0x3FA8] =	sst s4  }
0xd: {  	[smem:$0x3FA9] =	sst s5  }
0xe: {  	[smem:$0x3FAA] =	sst s6  }
0xf: {  	[smem:$0x3FAB] =	sst s7  }
0x10: {  	[smem:$0x3FAC] =	sst s8  }
0x11: {  	[smem:$0x3FAD] =	sst s9;
	s0 =	simm.s32 @!p0 $0x0  }
0x12: {  	s1 =	sld [smem:$0x3F93];
	s0 =	simm.s32 @p0 $0x1  }
0x13: {  	[smem:$0x3FAE] =	sst s0;
	s0 =	simm.s32 @!p1 $0x0  }
0x14: {  	s2 =	sld [smem:$0x3F92];
	s0 =	simm.s32 @p1 $0x1  }
0x15: {  	[smem:$0x3FAF] =	sst s0;
	s0 =	simm.s32 @!p2 $0x0  }
0x16: {  	s3 =	sld [smem:$0x3FDB];
	s0 =	simm.s32 @p2 $0x1  }
0x17: {  	s4 =	simm.s32 $0x1BF5;
	[smem:$0x3FB1] =	sst s0  }
0x18: {  	s0 =	sld [smem:$0x3F94];
	_ =	swait.ge [sflag:s4], $0x0  }
0x19: {  	s7 =	sld [smem:$0x3F95]  }
0x1a: {  	s8 =	sadd.s32 $0xFFFFE003, lr  }
0x1b: {  	s9 =	sadd.s32 $0xFFFFFEF7, lr;
	s5 =	simm.s32 $0xFFFFFFFF;
	p2 =	slt.u32 s8, $0xFFFFF086  }
0x1c: {  	p1 =	slt.u32 s9, $0xF7A;
	s5 =	simm.s32 @!p2 $0x0  }
0x1d: {  	s5 =	simm.s32 @p1 $0x1;
	p0 =	seq.s32 s7, s2  }
0x1e: {  	s7 =	smul.u32 @!p0 $0xF7A, s2;
	p2 =	seq.s32 @!p0 s5, $0x0  }
0x1f: {  	s9 =	smul.u32 $0xF7A, s1;
	s8 =	simm.s32 @!p0 $0x1BF5;
	p2 =	por !p2, p0  }
0x20: {  	[sflag:s8] =	ssyncset.s32 @!p0 $0xFFFFF086;
	s6 =	sadd.s32 @!p0 s3, s7;
	s7 =	simm.s32 @!p0 $0x108  }
0x21: {  	s3 =	sadd.s32 s3, s9;
	s6 =	sadd.s32 @!p0 $0x88, s6;
	s7 =	simm.s32 @p2 $0x1082  }
0x22: {  	[simem:s7], [sflag:s8] =	dma.local @!p0 [hbm:s6], $0xF7A  }
0x23: {  	s9 =	sor.u32 $0xD0000000, s2;
	s6 =	simm.s32 $0x108;
	_ =	swait.ge @!p0 [sflag:s8], $0x0  }
0x24: {  	s3 =	sadd.s32 $0x88, s3;
	s6 =	simm.s32 @!p1 $0x1082;
	[sflag:s4] =	ssyncset.s32 $0xFFFFF086  }
0x25: {  	[simem:s6], [sflag:s4] =	dma.local [hbm:s3], $0xF7A  }
0x26: {  	[smem:$0x3F95] =	sst s1;
	(tag) =	ssettag s2;
	_ =	strace s9  }
0x27: {  	s1 =	sld [smem:$0x3FA5]  }
0x28: {  	s2 =	sld [smem:$0x3FA6]  }
0x29: {  	s4 =	sld [smem:$0x3FA8]  }
0x2a: {  	p0 =	seq.s32 s5, $0x0;
	s5 =	sld [smem:$0x3FA9]  }
0x2b: {  	s6 =	sld [smem:$0x3FAA]  }
0x2c: {  	s7 =	sld [smem:$0x3FAB]  }
0x2d: {  	s3 =	simm.s32 $0x108;
	s8 =	sld [smem:$0x3FAC]  }
0x2e: {  	s3 =	simm.s32 @!p0 $0x1082;
	s9 =	sld [smem:$0x3FAD]  }
0x2f: {  	lr =	sadd.s32 s0, s3;
	s0 =	sld [smem:$0x3FA4]  }
0x30: {  	s3 =	sld [smem:$0x3FA7]  }
0x31: {  	[smem:$0x3FB0] =	sst s10  }
0x32: {  	s10 =	sld [smem:$0x3FAE];
	_ =	sdelay $0x3  }
0x33: {  	p0 =	seq.s32 s10, $0x1;
	s10 =	sld [smem:$0x3FB0];
	_ =	sdelay $0x3  }
0x34: {  	[smem:$0x3FB0] =	sst s10  }
0x35: {  	s10 =	sld [smem:$0x3FAF];
	_ =	sdelay $0x3  }
0x36: {  	p1 =	seq.s32 s10, $0x1;
	s10 =	sld [smem:$0x3FB0];
	_ =	sdelay $0x3  }
0x37: {  	[smem:$0x3FB0] =	sst s10  }
0x38: {  	s10 =	sld [smem:$0x3FB1]  }
0x39: {  	_ = 	snop;
	(pc) =	sbr.ind lr, $3  }
0x3a: {  	_ = 	snop  }
0x3b: {  	_ = 	snop  }
0x3c: {  	p2 =	seq.s32 s10, $0x1;
	s10 =	sld [smem:$0x3FB0]  }
0x3d: {  	_ =	shalt  }
0x3e: {  	_ =	shalt  }
0x3f: {  	_ =	shalt  }
0x40: {  	_ =	shalt  }
0x41: {  	_ =	shalt  }
0x42: {  	_ =	shalt  }
0x43: {  	_ =	shalt  }
0x44: {  	_ =	shalt  }
0x45: {  	_ =	shalt  }
0x46: {  	_ =	shalt  }
0x47: {  	_ =	shalt  }
0x48: {  	_ =	shalt  }
0x49: {  	_ =	shalt  }
0x4a: {  	_ =	shalt  }
0x4b: {  	_ =	shalt  }
0x4c: {  	_ =	shalt  }
0x4d: {  	_ =	shalt  }
0x4e: {  	_ =	shalt  }
0x4f: {  	_ =	shalt  }
0x50: {  	_ =	shalt  }
0x51: {  	_ =	shalt  }
0x52: {  	_ =	shalt  }
0x53: {  	_ =	shalt  }
0x54: {  	_ =	shalt  }
0x55: {  	_ =	shalt  }
0x56: {  	_ =	shalt  }
0x57: {  	_ =	shalt  }
0x58: {  	_ =	shalt  }
0x59: {  	_ =	shalt  }
0x5a: {  	_ =	shalt  }
0x5b: {  	_ =	shalt  }
0x5c: {  	_ =	shalt  }
0x5d: {  	_ =	shalt  }
0x5e: {  	_ =	shalt  }
0x5f: {  	_ =	shalt  }
0x60: {  	_ =	shalt  }
0x61: {  	_ =	shalt  }
0x62: {  	_ =	shalt  }
0x63: {  	_ =	shalt  }
0x64: {  	_ =	shalt  }
0x65: {  	_ =	shalt  }
0x66: {  	_ =	shalt  }
0x67: {  	_ =	shalt  }
0x68: {  	_ =	shalt  }
0x69: {  	_ =	shalt  }
0x6a: {  	_ =	shalt  }
0x6b: {  	_ =	shalt  }
0x6c: {  	_ =	shalt  }
0x6d: {  	_ =	shalt  }
0x6e: {  	_ =	shalt  }
0x6f: {  	_ =	shalt  }
0x70: {  	_ =	shalt  }
0x71: {  	_ =	shalt  }
0x72: {  	_ =	shalt  }
0x73: {  	_ =	shalt  }
0x74: {  	_ =	shalt  }
0x75: {  	_ =	shalt  }
0x76: {  	_ =	shalt  }
0x77: {  	_ =	shalt  }
0x78: {  	_ =	shalt  }
0x79: {  	_ =	shalt  }
0x7a: {  	_ =	shalt  }
0x7b: {  	_ =	shalt  }
0x7c: {  	_ =	shalt  }
0x7d: {  	_ =	shalt  }
0x7e: {  	_ =	shalt  }
0x7f: {  	_ =	shalt  }
0x80: {  	_ =	shalt  }
0x81: {  	_ =	shalt  }
0x82: {  	_ =	shalt  }
0x83: {  	_ =	shalt  }
0x84: {  	_ =	shalt  }
0x85: {  	_ =	shalt  }
0x86: {  	_ =	shalt  }
0x87: {  	_ =	shalt  }
.Lfunc_end0:
.L_simem_size_0:
called_computation.2_lowered:
.L_overlay_start_0:
0x88: {  	s2 =	sld [smem:$0x3FD9]  }
0x89: {  	s3 =	sld [smem:$0x3FFE];
	_ =	sdelay $0x1  }
0x8a: {  	s1 =	srdreg.scid  }
0x8b: {  	s0 =	sand.u32 $0x1, s1  }
0x8c: {  	s17 =	sshll.u32 s0, $0xA;
	s2 =	sadd.s32 s3, s2  }
0x8d: {  	s2 =	sadd.s32 s2, s17  }
0x8e: {  	[smem:$0x3FBC] =	sst s2  }
0x8f: {  	_ = 	snop  }
0x90: {  	(tm) =	ssettm $0x1  }
0x91: {  	s18 =	sld [smem:$0x3FFB];
	_ =	sdelay $0x3  }
0x92: {  	_ =	strace s18  }
0x93: {  	s2 =	sld [smem:$0x3FFC];
	_ =	sdelay $0x3  }
0x94: {  	_ =	strace s2  }
0x95: {  	s2 =	sld [smem:$0x3FFD];
	_ =	sdelay $0x3  }
0x96: {  	_ =	strace s2  }
0x97: {  	_ =	strace $0x8FFFFFFF  }
0x98: {  	s19 =	sld [smem:$0x3FDB];
	_ =	sdelay $0x1  }
0x99: {  	s20 =	simm.s32 $_scs_section_size  }
0x9a: {  	s4 =	simm.s32 $_size__tile_overlayer_lowered;
	s5 =	simm.s32 $_tile_overlayer_lowered  }
0x9b: {  	s6 =	simm.s32 $0x1BFF;
	s21 =	sshll.u32 s5, $0x1;
	s3 =	sadd.s32 s20, s19  }
0x9c: {  	s22 =	simm.s32 $0x0;
	s4 =	sshll.u32 s4, $0x1;
	s5 =	sadd.s32 s21, s3  }
0x9d: {  	[timem:s22], [sflag:s6] =	dma.local [hbm:s5], s4  }
0x9e: {  	_ =	swait.ge [sflag:s6], s4  }
0x9f: {  	s4 =	ssub.s32 $0x0, s4;
	[sflag:s6] =	ssyncset.done $0x0  }
0xa0: {  	[sflag:s6] =	ssyncadd.s32 s4;
	_ =	sdelay $0x1  }
0xa1: {  	s23 =	simm.s32 $0x1B8B  }
0xa2: {  	_ =	swait.ge [sflag:s23], $0x1  }
0xa3: {  	[sflag:s23] =	ssyncset.done $0x0  }
0xa4: {  	[sflag:s23] =	ssyncadd.s32 $0xFFFFFFFF  }
0xa5: {  	s4 =	sld [smem:$0x0]  }
0xa6: {  	s5 =	sand.u32 $0xFFFFFFFE, s1  }
0xa7: {  	p0 =	sne.s32 s1, s5  }
0xa8: {  	s5 =	sshll.u32 @p0 s5, $0xE  }
0xa9: {  	s5 =	sadd.s32 @p0 $0x11B8D, s5;
	s6 =	sshll.u32 @p0 s4, $0x11  }
0xaa: {  	s5 =	sor.u32 @p0 s6, s5  }
0xab: {  	[sflag:s5] =	ssyncadd.remote.s32 @p0 $0x1;
	_ =	sdelay $0x1  }
0xac: {  	s5 =	simm.s32 @p0 $0x1B8D  }
0xad: {  	_ =	swait.eq @p0 [sflag:s5], $0x1  }
0xae: {  	[sflag:s5] =	ssyncadd.s32 @p0 $0xFFFFFFFF  }
0xaf: {  	s6 =	sshll.u32 @!p0 s1, $0xE  }
0xb0: {  	s6 =	sor.u32 @!p0 $0x4000, s6;
	s5 =	simm.s32 @!p0 $0x1B8D  }
0xb1: {  	s4 =	sshll.u32 @!p0 s4, $0x11;
	s6 =	sadd.s32 @!p0 $0x11B8D, s6;
	_ =	swait.eq @!p0 [sflag:s5], $0x1  }
0xb2: {  	s4 =	sor.u32 @!p0 s4, s6;
	[sflag:s5] =	ssyncadd.s32 @!p0 $0xFFFFFFFF  }
0xb3: {  	s25 =	simm.s32 $0x1B8E;
	s24 =	sld [smem:$0x3FFE];
	[sflag:s4] =	ssyncadd.remote.s32 @!p0 $0x1  }
0xb4: {  	s26 =	simm.s32 $execute0_lowered;
	[smem:$0x3FD2] =	sst s25  }
0xb5: {  	s5 =	sshll.u32 s26, $0x1;
	_ =	strace $0x80000049;
	[dreg:$0x1] =	wrdreg $0xFFFFFFFF  }
0xb6: {  	s28 =	simm.s32 $_size_execute0_lowered;
	s3 =	sadd.s32 s3, s5;
	[dreg:$0x0] =	wrdreg $0x0  }
0xb7: {  	s5 =	sshll.u32 s28, $0x1;
	[dreg:$0x2] =	wrdreg s3  }
0xb8: {  	[dreg:$0x3] =	wrdreg s5  }
0xb9: {  	[dreg:$0x4] =	wrdreg $0xC0  }
0xba: {  	_ =	task [dreg:s22], $0x5FFFF  }
0xbb: {  	[dreg:$0x1] =	wrdreg $0xFFFFFFFF  }
0xbc: {  	[dreg:$0x0] =	wrdreg $0x60  }
0xbd: {  	[dreg:$0x2] =	wrdreg s24  }
0xbe: {  	[dreg:$0x3] =	wrdreg $0xA  }
0xbf: {  	_ =	task.clear_ibuf [dreg:s22], $0x4FFFF;
	_ =	strace $0x90000049  }
0xc0: {  	s29 =	simm.s32 $0xA;
	_ =	strace $0x8000004B  }
0xc1: {  	_ =	swait.ge [sflag:s29], $0x1  }
0xc2: {  	[sflag:s29] =	ssyncadd.s32 $0xFFFFFFFF  }
0xc3: {  	_ =	strace $0x9000004B  }
0xc4: {  	_ =	sfence  }
0xc5: {  	s30 =	sld [smem:$0x0];
	_ =	sdelay $0x2  }
0xc6: {  	s31 =	sshll.u32 s1, $0xD;
	s1 =	sshrl.u32 s1, $0x2  }
0xc7: {  	s4 =	sand.u32 $0x4000, s31;
	s1 =	sadd.s32 s1, s30  }
0xc8: {  	s0 =	sor.u32 s4, s0;
	s1 =	sshll.u32 s1, $0x11  }
0xc9: {  	s0 =	sor.u32 s1, s0  }
0xca: {  	s0 =	sadd.s32 $0x8F2B, s0  }
0xcb: {  	[sflag:s0] =	ssyncadd.remote.s32 $0x1  }
0xcc: {  	_ =	sfence.sel $0xFFFF  }
0xcd: {  	[dreg:$0x0] =	wrdreg $0xFFFFFFFF;
	(pc) =	sbr.abs _section_cstart, $3  }
0xce: {  	[dreg:$0x1] =	wrdreg $0xFFFFFFFF  }
0xcf: {  	_ =	task.clear_ibuf [dreg:s22], $0x2FFFF;
	_ =	strace $0x9FFFFFFF  }
0xd0: {  	(tm) =	ssettm $0x7FFFFFFF  }
0xd1: {  	_ =	shalt  }
tec
execute0_lowered:
.L_overlay_start_1:
0x0: {  	(tag) =	ssettag $0x1  }
0x1: {  	s0 =	srdreg.scid;
	s2 =	stileid.u32  }
0x2: {  	s1 =	rddreg [dreg:$0x0];
	s12 =	simm.s32 $0x5;
	s14 =	simm.s32 $0x80  }
0x3: {  	s15 =	simm.s32 $0x2800;
	s16 =	simm.s32 $0x6800;
	s17 =	simm.s32 $0xE800  }
0x4: {  	s18 =	simm.s32 $0x12800;
	s19 =	simm.s32 $0x1;
	s20 =	simm.s32 $0xA800  }
0x5: {  	s21 =	simm.s32 $0x2;
	s22 =	simm.s32 $0x16800;
	s23 =	simm.s32 $0x3  }
0x6: {  	s24 =	simm.s32 $0x4;
	s28 =	simm.s32 $0x8;
	s30 =	simm.s32 $0x2780  }
0x7: {  	s31 =	simm.s32 $0x0;
	s0 =	sand.u32 $0x1, s0;
	s3 =	sshll.u32 s2, $0x1  }
0x8: {  	s2 =	simm.s32 $0x0;
	s4 =	sadd.s32 $0x19A00, s1;
	s5 =	sor.u32 s0, s3  }
0x9: {  	s6 =	sadd.s32 $0x2D8E00, s1;
	[smem:$0x7FF] =	sst s2;
	s3 =	smul.u32 $0x1388, s5  }
0xa: {  	s0 =	ssub.s32 $0x2, s0;
	_ =	strace $0x8000004A;
	s7 =	smul.u32 $0x9C400, s5  }
0xb: {  	s5 =	sadd.s32 $0x40C00, s1;
	s9 =	sshrl.u32 s0, $0x1;
	s8 =	sshrl.u32 s3, $0x3  }
0xc: {  	s0 =	ssub.s32 s0, s9;
	s7 =	sshrl.u32 s7, $0x3;
	s1 =	sadd.s32 s8, s1  }
0xd: {  	s11 =	smax.u32 s0, $0x1;
	s10 =	sadd.s32 s6, s7;
	s7 =	sadd.s32 $0xAA00, s1  }
0xe: {  	s8 =	sadd.s32 $0x14A00, s1;
	s9 =	sadd.s32 $0x13000, s10;
	s10 =	sadd.s32 $0x13800, s10  }
.LBB2_1:
0xf: {  	[tilespmem:s2], [sflag:$0x5] =	stream.linear.gather [hbm4b:s7+s2], $0x1388, $0x38;
	[tilespmem:$0x1A800] =	vst v63  }
0x10: {  	_ =	swait.ge [sflag:s12], $0x1388  }
0x11: {  	[sflag:s12] =	ssyncset.done $0x0  }
0x12: {  	s0 =	simm.s32 $0x1400;
	[sflag:s12] =	ssyncadd.s32 $0xFFFFEC78  }
0x13: {  	[tilespmem:s0], [sflag:$0x5] =	stream.linear.gather [hbm4b:s8+s2], $0x1388, $0x38;
	[tilespmem:$0x1A800] =	vst v63  }
0x14: {  	_ =	swait.ge [sflag:s12], $0x1388  }
0x15: {  	[sflag:s12] =	ssyncset.done $0x0  }
0x16: {  	s1 =	simm.s32 $0x0;
	[sflag:s12] =	ssyncadd.s32 $0xFFFFEC78  }
.LBB2_2:
0x17: {  	s13 =	sshll.u32 s1, $0x8  }
0x18: {  	[tilespmem:s15], [sflag:$0x1] =	stream.indirect.gather [hbm4b:s4+s14], $0x80, s13, s14, $0xb8;
	[tilespmem:$0x1A800] =	vst v63  }
0x19: {  	s0 =	sadd.s32 $0x1400, s13  }
0x1a: {  	[tilespmem:s16], [sflag:$0x1] =	stream.indirect.gather [hbm4b:s5+s14], $0x80, s0, s14, $0xb8;
	[tilespmem:$0x1A800] =	vst v63  }
0x1b: {  	s0 =	sor.u32 $0x80, s13  }
0x1c: {  	[tilespmem:s17], [sflag:$0x2] =	stream.indirect.gather [hbm4b:s4+s14], $0x80, s0, s14, $0xb8;
	[tilespmem:$0x1A800] =	vst v63  }
0x1d: {  	s25 =	sadd.s32 $0x1480, s13  }
0x1e: {  	[tilespmem:s18], [sflag:$0x2] =	stream.indirect.gather [hbm4b:s5+s14], $0x80, s25, s14, $0xb8;
	[tilespmem:$0x1A800] =	vst v63  }
0x1f: {  	_ =	swait.ge [sflag:s19], $0x4000  }
0x20: {  	[sflag:s19] =	ssyncset.done $0x0  }
0x21: {  	[sflag:s19] =	ssyncadd.s32 $0xFFFFC000  }
0x22: {  	_ =	swait.ge [sflag:s19], $0x4000  }
0x23: {  	p0 =	seq.s32 s1, $0x0;
	[sflag:s19] =	ssyncset.done $0x0  }
0x24: {  	s25 =	simm.s32 @!p0 $0x3;
	[sflag:s19] =	ssyncadd.s32 $0xFFFFC000  }
0x25: {  	_ =	swait.ge @!p0 [sflag:s25], $0x4000  }
0x26: {  	[sflag:s25] =	ssyncset.done @!p0 $0x0  }
0x27: {  	[sflag:s25] =	ssyncadd.s32 @!p0 $0xFFFFC000;
	s25 =	simm.s32 $0x0  }
0x28: {  	v0 =	vld [tilespmem:s25+$0x2870]  }
0x29: {  	v1 =	vld [tilespmem:s25+$0x6870]  }
0x2a: {  	v2 =	vld [tilespmem:s25+$0x2800]  }
0x2b: {  	v3 =	vld [tilespmem:s25+$0x6800]  }
0x2c: {  	v4 =	vld [tilespmem:s25+$0x2810]  }
0x2d: {  	v5 =	vld [tilespmem:s25+$0x6810]  }
0x2e: {  	v6 =	vld [tilespmem:s25+$0x2820]  }
0x2f: {  	v7 =	vld [tilespmem:s25+$0x2830]  }
0x30: {  	v0 =	vadd.f32 v1, v0;
	v1 =	vld [tilespmem:s25+$0x6820]  }
0x31: {  	v8 =	vld [tilespmem:s25+$0x6830]  }
0x32: {  	v9 =	vld [tilespmem:s25+$0x6840];
	v2 =	vadd.f32 v3, v2  }
0x33: {  	[tilespmem:s25+$0xA870] =	vst v0;
	v0 =	vadd.f32 v5, v4;
	v5 =	vld [tilespmem:s25+$0x2840]  }
0x34: {  	v3 =	vld [tilespmem:s25+$0x6850];
	[tilespmem:s25+$0xA800] =	vst v2  }
0x35: {  	v2 =	vld [tilespmem:s25+$0x2850];
	[tilespmem:s25+$0xA810] =	vst v0;
	v0 =	vadd.f32 v1, v6  }
0x36: {  	v4 =	vld [tilespmem:s25+$0x6860];
	v6 =	vadd.f32 v8, v7  }
0x37: {  	s26 =	simm.s32 $0x80;
	[tilespmem:s25+$0xA820] =	vst v0;
	v0 =	vld [tilespmem:s25+$0x2860]  }
0x38: {  	s29 =	simm.s32 $0x400;
	v5 =	vadd.f32 v9, v5;
	v1 =	vld [tilespmem:s26+$0x2870];
	[tilespmem:s25+$0xA830] =	vst v6  }
.LBB2_3:
0x39: {  	p1 =	sne.s32 s29, $0xFE00;
	v6 =	vld [tilespmem:s26+$0x6870]  }
0x3a: {  	v7 =	vld [tilespmem:s26+$0x2800];
	[tilespmem:s25+$0xA840] =	vst v5;
	v2 =	vadd.f32 v3, v2  }
0x3b: {  	v3 =	vld [tilespmem:s26+$0x6800]  }
0x3c: {  	v5 =	vld [tilespmem:s26+$0x2810];
	[tilespmem:s25+$0xA850] =	vst v2;
	v0 =	vadd.f32 v4, v0  }
0x3d: {  	v2 =	vld [tilespmem:s26+$0x6810]  }
0x3e: {  	v4 =	vld [tilespmem:s26+$0x2820];
	v1 =	vadd.f32 v6, v1;
	[tilespmem:s25+$0xA860] =	vst v0;
	s25 =	smov.u32 s26  }
0x3f: {  	v0 =	vld [tilespmem:s25+$0x6820]  }
0x40: {  	v3 =	vadd.f32 v3, v7;
	v6 =	vld [tilespmem:s25+$0x2830];
	[tilespmem:s25+$0xA870] =	vst v1  }
0x41: {  	v1 =	vld [tilespmem:s25+$0x6830]  }
0x42: {  	[tilespmem:s25+$0xA800] =	vst v3;
	v2 =	vadd.f32 v2, v5;
	v5 =	vld [tilespmem:s25+$0x2840]  }
0x43: {  	v7 =	vld [tilespmem:s25+$0x6840]  }
.Ltmp0:
0x44: {  	[tilespmem:s25+$0xA810] =	vst v2;
	v0 =	vadd.f32 v0, v4;
	v2 =	vld [tilespmem:s25+$0x2850];
	(pc) =	sbr.rel @p1 .LBB2_3-.Ltmp0, $4  }
0x45: {  	v3 =	vld [tilespmem:s25+$0x6850]  }
0x46: {  	[tilespmem:s25+$0xA820] =	vst v0;
	v6 =	vadd.f32 v1, v6;
	v0 =	vld [tilespmem:s25+$0x2860]  }
0x47: {  	s26 =	sshra.s32 s29, $0x2;
	v4 =	vld [tilespmem:s25+$0x6860]  }
0x48: {  	s29 =	sadd.s32 $0x200, s29;
	v1 =	vld [tilespmem:s26+$0x2870];
	[tilespmem:s25+$0xA830] =	vst v6;
	v5 =	vadd.f32 v7, v5  }
0x49: {  	v6 =	vld [tilespmem:s26+$0x6870]  }
0x4a: {  	v7 =	vld [tilespmem:s26+$0x2800];
	[tilespmem:s25+$0xA840] =	vst v5;
	v2 =	vadd.f32 v3, v2  }
0x4b: {  	v3 =	vld [tilespmem:s26+$0x6800]  }
0x4c: {  	v5 =	vld [tilespmem:s26+$0x2810];
	[tilespmem:s25+$0xA850] =	vst v2;
	v0 =	vadd.f32 v4, v0  }
0x4d: {  	v2 =	vld [tilespmem:s26+$0x6810]  }
0x4e: {  	v4 =	vld [tilespmem:s26+$0x2820];
	[tilespmem:s25+$0xA860] =	vst v0  }
0x4f: {  	v0 =	vadd.f32 v6, v1;
	v1 =	vld [tilespmem:s26+$0x6820]  }
0x50: {  	v6 =	vld [tilespmem:s26+$0x2830]  }
0x51: {  	v3 =	vadd.f32 v3, v7;
	[tilespmem:s26+$0xA870] =	vst v0;
	v0 =	vld [tilespmem:s26+$0x6830]  }
0x52: {  	v7 =	vld [tilespmem:s26+$0x6860]  }
0x53: {  	[tilespmem:s26+$0xA800] =	vst v3;
	v2 =	vadd.f32 v2, v5;
	v3 =	vld [tilespmem:s26+$0x2840]  }
0x54: {  	v5 =	vld [tilespmem:s26+$0x6840]  }
0x55: {  	[tilespmem:s26+$0xA810] =	vst v2;
	v1 =	vadd.f32 v1, v4;
	v2 =	vld [tilespmem:s26+$0x2850]  }
0x56: {  	v4 =	vld [tilespmem:s26+$0x6850]  }
0x57: {  	[tilespmem:s26+$0xA820] =	vst v1;
	v1 =	vld [tilespmem:s26+$0x2860];
	_ =	sdelay $0x1  }
0x58: {  	v0 =	vadd.f32 v0, v6  }
0x59: {  	v3 =	vadd.f32 v5, v3  }
0x5a: {  	[tilespmem:s26+$0xA830] =	vst v0;
	v0 =	vadd.f32 v4, v2  }
0x5b: {  	s13 =	sadd.s32 s3, s13;
	[tilespmem:s26+$0xA840] =	vst v3;
	v1 =	vadd.f32 v7, v1  }
0x5c: {  	s13 =	sshll.u32 s13, $0x4;
	[tilespmem:s26+$0xA850] =	vst v0  }
0x5d: {  	s13 =	sadd.s32 s6, s13;
	[tilespmem:s26+$0xA860] =	vst v1  }
0x5e: {  	[hbm4b:s13+s2] =	stream.linear.scatter [tilespmem:s20], [sflag:$0x3], $0x4000, $0x38;
	[tilespmem:$0x1A800] =	vst v63  }
0x5f: {  	_ =	swait.ge [sflag:s21], $0x4000  }
0x60: {  	[sflag:s21] =	ssyncset.done $0x0  }
0x61: {  	[sflag:s21] =	ssyncadd.s32 $0xFFFFC000  }
0x62: {  	_ =	swait.ge [sflag:s21], $0x4000  }
0x63: {  	[sflag:s21] =	ssyncset.done $0x0  }
0x64: {  	s13 =	simm.s32 @!p0 $0x4;
	[sflag:s21] =	ssyncadd.s32 $0xFFFFC000  }
0x65: {  	_ =	swait.ge @!p0 [sflag:s13], $0x4000  }
0x66: {  	[sflag:s13] =	ssyncset.done @!p0 $0x0  }
0x67: {  	[sflag:s13] =	ssyncadd.s32 @!p0 $0xFFFFC000;
	s13 =	simm.s32 $0x0  }
0x68: {  	v0 =	vld [tilespmem:s13+$0xE870]  }
0x69: {  	v1 =	vld [tilespmem:s13+$0x12870]  }
0x6a: {  	v2 =	vld [tilespmem:s13+$0xE800]  }
0x6b: {  	v3 =	vld [tilespmem:s13+$0x12800]  }
0x6c: {  	v4 =	vld [tilespmem:s13+$0xE810]  }
0x6d: {  	v5 =	vld [tilespmem:s13+$0x12810]  }
0x6e: {  	v6 =	vld [tilespmem:s13+$0xE820]  }
0x6f: {  	v7 =	vld [tilespmem:s13+$0xE830]  }
0x70: {  	v0 =	vadd.f32 v1, v0;
	v1 =	vld [tilespmem:s13+$0x12820]  }
0x71: {  	v8 =	vld [tilespmem:s13+$0x12830]  }
0x72: {  	v9 =	vld [tilespmem:s13+$0x12840];
	v2 =	vadd.f32 v3, v2  }
0x73: {  	[tilespmem:s13+$0x16870] =	vst v0;
	v0 =	vadd.f32 v5, v4;
	v5 =	vld [tilespmem:s13+$0xE840]  }
0x74: {  	v3 =	vld [tilespmem:s13+$0x12850];
	[tilespmem:s13+$0x16800] =	vst v2  }
0x75: {  	v2 =	vld [tilespmem:s13+$0xE850];
	[tilespmem:s13+$0x16810] =	vst v0;
	v0 =	vadd.f32 v1, v6  }
0x76: {  	v4 =	vld [tilespmem:s13+$0x12860];
	v6 =	vadd.f32 v8, v7  }
0x77: {  	s25 =	simm.s32 $0x80;
	[tilespmem:s13+$0x16820] =	vst v0;
	v0 =	vld [tilespmem:s13+$0xE860]  }
0x78: {  	s26 =	simm.s32 $0x400;
	v5 =	vadd.f32 v9, v5;
	v1 =	vld [tilespmem:s25+$0xE870];
	[tilespmem:s13+$0x16830] =	vst v6  }
.LBB2_5:
0x79: {  	p0 =	sne.s32 s26, $0xFE00;
	v6 =	vld [tilespmem:s25+$0x12870]  }
0x7a: {  	v7 =	vld [tilespmem:s25+$0xE800];
	[tilespmem:s13+$0x16840] =	vst v5;
	v2 =	vadd.f32 v3, v2  }
0x7b: {  	v3 =	vld [tilespmem:s25+$0x12800]  }
0x7c: {  	v5 =	vld [tilespmem:s25+$0xE810];
	[tilespmem:s13+$0x16850] =	vst v2;
	v0 =	vadd.f32 v4, v0  }
0x7d: {  	v2 =	vld [tilespmem:s25+$0x12810]  }
0x7e: {  	v4 =	vld [tilespmem:s25+$0xE820];
	v1 =	vadd.f32 v6, v1;
	[tilespmem:s13+$0x16860] =	vst v0;
	s13 =	smov.u32 s25  }
0x7f: {  	v0 =	vld [tilespmem:s13+$0x12820]  }
0x80: {  	v3 =	vadd.f32 v3, v7;
	v6 =	vld [tilespmem:s13+$0xE830];
	[tilespmem:s13+$0x16870] =	vst v1  }
0x81: {  	v1 =	vld [tilespmem:s13+$0x12830]  }
0x82: {  	[tilespmem:s13+$0x16800] =	vst v3;
	v2 =	vadd.f32 v2, v5;
	v5 =	vld [tilespmem:s13+$0xE840]  }
0x83: {  	v7 =	vld [tilespmem:s13+$0x12840]  }
.Ltmp1:
0x84: {  	[tilespmem:s13+$0x16810] =	vst v2;
	v0 =	vadd.f32 v0, v4;
	v2 =	vld [tilespmem:s13+$0xE850];
	(pc) =	sbr.rel @p0 .LBB2_5-.Ltmp1, $4  }
0x85: {  	v3 =	vld [tilespmem:s13+$0x12850]  }
0x86: {  	[tilespmem:s13+$0x16820] =	vst v0;
	v6 =	vadd.f32 v1, v6;
	v0 =	vld [tilespmem:s13+$0xE860]  }
0x87: {  	s25 =	sshra.s32 s26, $0x2;
	v4 =	vld [tilespmem:s13+$0x12860]  }
0x88: {  	s26 =	sadd.s32 $0x200, s26;
	v1 =	vld [tilespmem:s25+$0xE870];
	[tilespmem:s13+$0x16830] =	vst v6;
	v5 =	vadd.f32 v7, v5  }
0x89: {  	v6 =	vld [tilespmem:s25+$0x12870]  }
0x8a: {  	v7 =	vld [tilespmem:s25+$0xE800];
	[tilespmem:s13+$0x16840] =	vst v5;
	v2 =	vadd.f32 v3, v2  }
0x8b: {  	v51 =	vld [tilespmem:s25+$0x12800]  }
0x8c: {  	v5 =	vld [tilespmem:s25+$0xE810];
	[tilespmem:s13+$0x16850] =	vst v2;
	v0 =	vadd.f32 v4, v0  }
0x8d: {  	v2 =	vld [tilespmem:s25+$0x12810]  }
0x8e: {  	v52 =	vld [tilespmem:s25+$0xE820];
	[tilespmem:s13+$0x16860] =	vst v0  }
0x8f: {  	v54 =	vld [tilespmem:s25+$0x12820]  }
0x90: {  	v55 =	vld [tilespmem:s25+$0xE830]  }
0x91: {  	v56 =	vld [tilespmem:s25+$0x12830]  }
0x92: {  	v57 =	vld [tilespmem:s25+$0xE840]  }
0x93: {  	v58 =	vld [tilespmem:s25+$0x12840]  }
0x94: {  	v59 =	vld [tilespmem:s25+$0xE850]  }
0x95: {  	v53 =	vadd.f32 v6, v1;
	v60 =	vld [tilespmem:s25+$0x12850]  }
0x96: {  	v61 =	vld [tilespmem:s25+$0xE860];
	v3 =	vadd.f32 v51, v7  }
0x97: {  	v62 =	vld [tilespmem:s25+$0x12860];
	[tilespmem:s25+$0x16870] =	vst v53;
	v2 =	vadd.f32 v2, v5  }
0x98: {  	[tilespmem:s25+$0x16800] =	vst v3;
	v1 =	vadd.f32 v54, v52  }
0x99: {  	s1 =	sadd.s32 $0x1, s1;
	[tilespmem:s25+$0x16810] =	vst v2;
	v0 =	vadd.f32 v56, v55  }
0x9a: {  	p0 =	sne.s32 s1, $0x13;
	v3 =	vadd.f32 v58, v57;
	[tilespmem:s25+$0x16820] =	vst v1  }
.Ltmp2:
0x9b: {  	v63 =	vadd.f32 v60, v59;
	[tilespmem:s25+$0x16830] =	vst v0;
	(pc) =	sbr.rel @p0 .LBB2_2-.Ltmp2, $4  }
0x9c: {  	s0 =	sadd.s32 s3, s0;
	[tilespmem:s25+$0x16840] =	vst v3;
	v1 =	vadd.f32 v62, v61  }
0x9d: {  	s0 =	sshll.u32 s0, $0x4;
	[tilespmem:s25+$0x16850] =	vst v63  }
0x9e: {  	s0 =	sadd.s32 s6, s0;
	[tilespmem:s25+$0x16860] =	vst v1  }
0x9f: {  	[hbm4b:s0+s2] =	stream.linear.scatter [tilespmem:s22], [sflag:$0x4], $0x4000, $0x38;
	[tilespmem:$0x1A800] =	vst v63  }
0xa0: {  	_ =	swait.ge [sflag:s23], $0x4000  }
0xa1: {  	[sflag:s23] =	ssyncset.done $0x0  }
0xa2: {  	[sflag:s23] =	ssyncadd.s32 $0xFFFFC000  }
0xa3: {  	_ =	swait.ge [sflag:s24], $0x4000  }
0xa4: {  	[sflag:s24] =	ssyncset.done $0x0  }
0xa5: {  	s0 =	simm.s32 $0x1300;
	[sflag:s24] =	ssyncadd.s32 $0xFFFFC000  }
0xa6: {  	[tilespmem:s15], [sflag:$0x1] =	stream.indirect.gather [hbm4b:s4+s14], $0x80, s0, s14, $0xb8;
	[tilespmem:$0x1A800] =	vst v63  }
0xa7: {  	s26 =	simm.s32 $0x2700  }
0xa8: {  	[tilespmem:s16], [sflag:$0x1] =	stream.indirect.gather [hbm4b:s5+s14], $0x80, s26, s14, $0xb8;
	[tilespmem:$0x1A800] =	vst v63  }
0xa9: {  	s29 =	simm.s32 $0x1380  }
0xaa: {  	[tilespmem:s17], [sflag:$0x2] =	stream.indirect.gather [hbm4b:s4+s28], $0x80, s29, s28, $0xb8;
	[tilespmem:$0x1A800] =	vst v63  }
0xab: {  	_ = 	snop  }
0xac: {  	[tilespmem:s18], [sflag:$0x2] =	stream.indirect.gather [hbm4b:s5+s28], $0x80, s30, s28, $0xb8;
	[tilespmem:$0x1A800] =	vst v63  }
0xad: {  	_ =	swait.ge [sflag:s19], $0x4000  }
0xae: {  	[sflag:s19] =	ssyncset.done $0x0  }
0xaf: {  	[sflag:s19] =	ssyncadd.s32 $0xFFFFC000  }
0xb0: {  	_ =	swait.ge [sflag:s19], $0x4000  }
0xb1: {  	[sflag:s19] =	ssyncset.done $0x0  }
0xb2: {  	s0 =	simm.s32 $0x0;
	[sflag:s19] =	ssyncadd.s32 $0xFFFFC000  }
0xb3: {  	v0 =	vld [tilespmem:s0+$0x2870]  }
0xb4: {  	v1 =	vld [tilespmem:s0+$0x6870]  }
0xb5: {  	v2 =	vld [tilespmem:s0+$0x2800]  }
0xb6: {  	v3 =	vld [tilespmem:s0+$0x6800]  }
0xb7: {  	v4 =	vld [tilespmem:s0+$0x2810]  }
0xb8: {  	v5 =	vld [tilespmem:s0+$0x6810]  }
0xb9: {  	v6 =	vld [tilespmem:s0+$0x2820]  }
0xba: {  	v7 =	vld [tilespmem:s0+$0x2830]  }
0xbb: {  	v0 =	vadd.f32 v1, v0;
	v1 =	vld [tilespmem:s0+$0x6820]  }
0xbc: {  	v8 =	vld [tilespmem:s0+$0x6830]  }
0xbd: {  	v9 =	vld [tilespmem:s0+$0x6840];
	v2 =	vadd.f32 v3, v2  }
0xbe: {  	[tilespmem:s0+$0xA870] =	vst v0;
	v0 =	vadd.f32 v5, v4;
	v5 =	vld [tilespmem:s0+$0x2840]  }
0xbf: {  	v3 =	vld [tilespmem:s0+$0x6850];
	[tilespmem:s0+$0xA800] =	vst v2  }
0xc0: {  	v2 =	vld [tilespmem:s0+$0x2850];
	[tilespmem:s0+$0xA810] =	vst v0;
	v0 =	vadd.f32 v1, v6  }
0xc1: {  	v4 =	vld [tilespmem:s0+$0x6860];
	v6 =	vadd.f32 v8, v7  }
0xc2: {  	s1 =	simm.s32 $0x80;
	[tilespmem:s0+$0xA820] =	vst v0;
	v0 =	vld [tilespmem:s0+$0x2860]  }
0xc3: {  	s13 =	simm.s32 $0x400;
	v5 =	vadd.f32 v9, v5;
	v1 =	vld [tilespmem:s1+$0x2870];
	[tilespmem:s0+$0xA830] =	vst v6  }
.LBB2_8:
0xc4: {  	p0 =	sne.s32 s13, $0xFE00;
	v6 =	vld [tilespmem:s1+$0x6870]  }
0xc5: {  	v7 =	vld [tilespmem:s1+$0x2800];
	[tilespmem:s0+$0xA840] =	vst v5;
	v2 =	vadd.f32 v3, v2  }
0xc6: {  	v3 =	vld [tilespmem:s1+$0x6800]  }
0xc7: {  	v5 =	vld [tilespmem:s1+$0x2810];
	[tilespmem:s0+$0xA850] =	vst v2;
	v0 =	vadd.f32 v4, v0  }
0xc8: {  	v2 =	vld [tilespmem:s1+$0x6810]  }
0xc9: {  	v4 =	vld [tilespmem:s1+$0x2820];
	v1 =	vadd.f32 v6, v1;
	[tilespmem:s0+$0xA860] =	vst v0;
	s0 =	smov.u32 s1  }
0xca: {  	v0 =	vld [tilespmem:s0+$0x6820]  }
0xcb: {  	v3 =	vadd.f32 v3, v7;
	v6 =	vld [tilespmem:s0+$0x2830];
	[tilespmem:s0+$0xA870] =	vst v1  }
0xcc: {  	v1 =	vld [tilespmem:s0+$0x6830]  }
0xcd: {  	[tilespmem:s0+$0xA800] =	vst v3;
	v2 =	vadd.f32 v2, v5;
	v5 =	vld [tilespmem:s0+$0x2840]  }
0xce: {  	v7 =	vld [tilespmem:s0+$0x6840]  }
.Ltmp3:
0xcf: {  	[tilespmem:s0+$0xA810] =	vst v2;
	v0 =	vadd.f32 v0, v4;
	v2 =	vld [tilespmem:s0+$0x2850];
	(pc) =	sbr.rel @p0 .LBB2_8-.Ltmp3, $4  }
0xd0: {  	v3 =	vld [tilespmem:s0+$0x6850]  }
0xd1: {  	[tilespmem:s0+$0xA820] =	vst v0;
	v6 =	vadd.f32 v1, v6;
	v0 =	vld [tilespmem:s0+$0x2860]  }
0xd2: {  	s1 =	sshra.s32 s13, $0x2;
	v4 =	vld [tilespmem:s0+$0x6860]  }
0xd3: {  	s13 =	sadd.s32 $0x200, s13;
	v1 =	vld [tilespmem:s1+$0x2870];
	[tilespmem:s0+$0xA830] =	vst v6;
	v5 =	vadd.f32 v7, v5  }
0xd4: {  	v6 =	vld [tilespmem:s1+$0x6870]  }
0xd5: {  	v7 =	vld [tilespmem:s1+$0x2800];
	[tilespmem:s0+$0xA840] =	vst v5;
	v2 =	vadd.f32 v3, v2  }
0xd6: {  	v49 =	vld [tilespmem:s1+$0x6800]  }
0xd7: {  	v5 =	vld [tilespmem:s1+$0x2810];
	[tilespmem:s0+$0xA850] =	vst v2;
	v0 =	vadd.f32 v4, v0  }
0xd8: {  	v2 =	vld [tilespmem:s1+$0x6810]  }
0xd9: {  	v50 =	vld [tilespmem:s1+$0x2820];
	[tilespmem:s0+$0xA860] =	vst v0  }
0xda: {  	v52 =	vld [tilespmem:s1+$0x6820]  }
0xdb: {  	v53 =	vld [tilespmem:s1+$0x2830]  }
0xdc: {  	v54 =	vld [tilespmem:s1+$0x6830]  }
0xdd: {  	v55 =	vld [tilespmem:s1+$0x2840]  }
0xde: {  	v56 =	vld [tilespmem:s1+$0x6840]  }
0xdf: {  	v57 =	vld [tilespmem:s1+$0x2850]  }
0xe0: {  	v51 =	vadd.f32 v6, v1;
	v58 =	vld [tilespmem:s1+$0x6850]  }
0xe1: {  	v59 =	vld [tilespmem:s1+$0x2860];
	v3 =	vadd.f32 v49, v7  }
0xe2: {  	v60 =	vld [tilespmem:s1+$0x6860];
	[tilespmem:s1+$0xA870] =	vst v51;
	v2 =	vadd.f32 v2, v5  }
0xe3: {  	[tilespmem:s1+$0xA800] =	vst v3;
	v1 =	vadd.f32 v52, v50  }
0xe4: {  	[tilespmem:s1+$0xA810] =	vst v2;
	v0 =	vadd.f32 v54, v53  }
0xe5: {  	v3 =	vadd.f32 v56, v55;
	[tilespmem:s1+$0xA820] =	vst v1  }
0xe6: {  	v61 =	vadd.f32 v58, v57;
	[tilespmem:s1+$0xA830] =	vst v0  }
0xe7: {  	[tilespmem:s1+$0xA840] =	vst v3;
	v1 =	vadd.f32 v60, v59  }
0xe8: {  	[tilespmem:s1+$0xA850] =	vst v61  }
0xe9: {  	[tilespmem:s1+$0xA860] =	vst v1  }
0xea: {  	[hbm4b:s9+s2] =	stream.linear.scatter [tilespmem:s20], [sflag:$0x5], $0x4000, $0x38;
	[tilespmem:$0x1A800] =	vst v63  }
0xeb: {  	_ =	swait.ge [sflag:s12], $0x4000  }
0xec: {  	[sflag:s12] =	ssyncset.done $0x0  }
0xed: {  	[sflag:s12] =	ssyncadd.s32 $0xFFFFC000  }
0xee: {  	_ =	swait.ge [sflag:s21], $0x400  }
0xef: {  	[sflag:s21] =	ssyncset.done $0x0  }
0xf0: {  	[sflag:s21] =	ssyncadd.s32 $0xFFFFFC00  }
0xf1: {  	_ =	swait.ge [sflag:s21], $0x400  }
0xf2: {  	[sflag:s21] =	ssyncset.done $0x0  }
0xf3: {  	[sflag:s21] =	ssyncadd.s32 $0xFFFFFC00  }
0xf4: {  	v0 =	vld [tilespmem:$0xE800]  }
0xf5: {  	v1 =	vld [tilespmem:$0x12800]  }
0xf6: {  	v2 =	vld [tilespmem:$0xE810]  }
0xf7: {  	v3 =	vld [tilespmem:$0x12810]  }
0xf8: {  	v4 =	vld [tilespmem:$0xE820]  }
0xf9: {  	v5 =	vld [tilespmem:$0x12820]  }
0xfa: {  	v6 =	vld [tilespmem:$0xE830]  }
0xfb: {  	v7 =	vld [tilespmem:$0x12830]  }
0xfc: {  	v8 =	vld [tilespmem:$0xE840]  }
0xfd: {  	v9 =	vld [tilespmem:$0x12840]  }
0xfe: {  	v10 =	vld [tilespmem:$0xE850]  }
0xff: {  	v11 =	vld [tilespmem:$0x12850]  }
0x100: {  	v12 =	vld [tilespmem:$0xE860]  }
0x101: {  	v13 =	vld [tilespmem:$0x12860]  }
0x102: {  	v14 =	vld [tilespmem:$0xE870]  }
0x103: {  	v15 =	vld [tilespmem:$0x12870]  }
0x104: {  	v16 =	vld [tilespmem:$0xE880]  }
0x105: {  	v17 =	vld [tilespmem:$0x12880]  }
0x106: {  	v18 =	vld [tilespmem:$0xE890]  }
0x107: {  	v19 =	vld [tilespmem:$0x12890]  }
0x108: {  	v20 =	vld [tilespmem:$0xE8A0]  }
0x109: {  	v21 =	vld [tilespmem:$0x128A0]  }
0x10a: {  	v22 =	vld [tilespmem:$0xE8B0]  }
0x10b: {  	v23 =	vld [tilespmem:$0x128B0]  }
0x10c: {  	v24 =	vld [tilespmem:$0xE8C0]  }
0x10d: {  	v25 =	vld [tilespmem:$0x128C0]  }
0x10e: {  	v26 =	vld [tilespmem:$0xE8D0]  }
0x10f: {  	v27 =	vld [tilespmem:$0x128D0]  }
0x110: {  	v28 =	vld [tilespmem:$0xE8E0]  }
0x111: {  	v29 =	vld [tilespmem:$0x128E0]  }
0x112: {  	v30 =	vld [tilespmem:$0xE8F0]  }
0x113: {  	v31 =	vld [tilespmem:$0x128F0]  }
0x114: {  	v32 =	vld [tilespmem:$0xE900]  }
0x115: {  	v33 =	vld [tilespmem:$0x12900]  }
0x116: {  	v34 =	vld [tilespmem:$0xE910]  }
0x117: {  	v35 =	vld [tilespmem:$0x12910]  }
0x118: {  	v36 =	vld [tilespmem:$0xE920]  }
0x119: {  	v37 =	vld [tilespmem:$0x12920]  }
0x11a: {  	v38 =	vld [tilespmem:$0xE930]  }
0x11b: {  	v39 =	vld [tilespmem:$0x12930]  }
0x11c: {  	v40 =	vld [tilespmem:$0xE940]  }
0x11d: {  	v41 =	vld [tilespmem:$0x12940]  }
0x11e: {  	v42 =	vld [tilespmem:$0xE950]  }
0x11f: {  	v43 =	vld [tilespmem:$0x12950]  }
0x120: {  	v44 =	vld [tilespmem:$0xE960]  }
0x121: {  	v45 =	vld [tilespmem:$0x12960]  }
0x122: {  	v46 =	vld [tilespmem:$0xE970]  }
0x123: {  	v47 =	vld [tilespmem:$0x12970]  }
0x124: {  	v48 =	vld [tilespmem:$0xE980]  }
0x125: {  	v49 =	vld [tilespmem:$0x12980]  }
0x126: {  	v50 =	vld [tilespmem:$0xE990]  }
0x127: {  	v51 =	vld [tilespmem:$0x12990]  }
0x128: {  	v52 =	vld [tilespmem:$0xE9A0]  }
0x129: {  	v53 =	vld [tilespmem:$0x129A0]  }
0x12a: {  	v54 =	vld [tilespmem:$0xE9B0]  }
0x12b: {  	v55 =	vld [tilespmem:$0x129B0]  }
0x12c: {  	v56 =	vld [tilespmem:$0xE9C0]  }
0x12d: {  	v57 =	vld [tilespmem:$0x129C0]  }
0x12e: {  	v58 =	vld [tilespmem:$0xE9D0]  }
0x12f: {  	v62 =	vld [tilespmem:$0xE9F0]  }
0x130: {  	v59 =	vld [tilespmem:$0x129D0]  }
0x131: {  	v60 =	vld [tilespmem:$0xE9E0]  }
0x132: {  	v61 =	vld [tilespmem:$0x129E0]  }
0x133: {  	v63 =	vld [tilespmem:$0x129F0]  }
0x134: {  	[tilespmem:$0x1FFA0] =	vst v62;
	v62 =	vld [tilespmem:$0xEA00]  }
0x135: {  	v0 =	vadd.f32 v1, v0;
	v1 =	vld [tilespmem:$0x12A20]  }
0x136: {  	v2 =	vadd.f32 v3, v2;
	v3 =	vld [tilespmem:$0xEA30]  }
0x137: {  	v9 =	vadd.f32 v9, v8;
	v8 =	vld [tilespmem:$0x12A50]  }
0x138: {  	v13 =	vadd.f32 v13, v12;
	v12 =	vld [tilespmem:$0x12A70]  }
0x139: {  	v15 =	vadd.f32 v15, v14;
	v14 =	vld [tilespmem:$0x12A80]  }
0x13a: {  	v17 =	vadd.f32 v17, v16;
	v16 =	vld [tilespmem:$0x12A90]  }
0x13b: {  	v19 =	vadd.f32 v19, v18;
	v18 =	vld [tilespmem:$0x12AA0]  }
0x13c: {  	v23 =	vadd.f32 v23, v22;
	v22 =	vld [tilespmem:$0x12AC0];
	[tilespmem:$0x16800] =	vst v0  }
0x13d: {  	v25 =	vadd.f32 v25, v24;
	v24 =	vld [tilespmem:$0x12AD0];
	[tilespmem:$0x16810] =	vst v2  }
0x13e: {  	v21 =	vadd.f32 v21, v20;
	v27 =	vadd.f32 v27, v26;
	v26 =	vld [tilespmem:$0x12AE0];
	[tilespmem:$0x16840] =	vst v9  }
0x13f: {  	v31 =	vadd.f32 v31, v30;
	v30 =	vadd.f32 v45, v44;
	v45 =	vld [tilespmem:$0x12B30];
	[tilespmem:$0x16860] =	vst v13  }
0x140: {  	v33 =	vadd.f32 v33, v32;
	v32 =	vadd.f32 v49, v48;
	v49 =	vld [tilespmem:$0x12B40];
	[tilespmem:$0x16870] =	vst v15  }
0x141: {  	v35 =	vadd.f32 v35, v34;
	v34 =	vadd.f32 v53, v52;
	v53 =	vld [tilespmem:$0x12B50];
	[tilespmem:$0x16880] =	vst v17  }
0x142: {  	v37 =	vadd.f32 v37, v36;
	v36 =	vadd.f32 v57, v56;
	v57 =	vld [tilespmem:$0x12B60];
	[tilespmem:$0x16890] =	vst v19  }
0x143: {  	v0 =	vadd.f32 v5, v4;
	v4 =	vld [tilespmem:$0x12A30];
	[tilespmem:$0x168A0] =	vst v21  }
0x144: {  	v5 =	vld [tilespmem:$0xEA40];
	[tilespmem:$0x168B0] =	vst v23  }
0x145: {  	v29 =	vadd.f32 v29, v28;
	v9 =	vld [tilespmem:$0xEA60];
	[tilespmem:$0x168C0] =	vst v25  }
0x146: {  	v13 =	vld [tilespmem:$0xEA80];
	[tilespmem:$0x168D0] =	vst v27  }
0x147: {  	v15 =	vld [tilespmem:$0xEA90];
	[tilespmem:$0x168E0] =	vst v29  }
0x148: {  	v17 =	vld [tilespmem:$0xEAA0];
	[tilespmem:$0x168F0] =	vst v31  }
0x149: {  	v19 =	vld [tilespmem:$0xEAB0];
	[tilespmem:$0x16900] =	vst v33  }
0x14a: {  	v28 =	vadd.f32 v41, v40;
	[tilespmem:$0x16910] =	vst v35;
	v21 =	vld [tilespmem:$0xEAC0]  }
0x14b: {  	[tilespmem:$0x16920] =	vst v37;
	v23 =	vld [tilespmem:$0xEAD0]  }
0x14c: {  	[tilespmem:$0x16940] =	vst v28;
	v25 =	vld [tilespmem:$0xEAE0]  }
0x14d: {  	[tilespmem:$0x16960] =	vst v30;
	v28 =	vld [tilespmem:$0x12AF0]  }
0x14e: {  	[tilespmem:$0x16980] =	vst v32;
	v30 =	vld [tilespmem:$0x12B00]  }
0x14f: {  	[tilespmem:$0x169A0] =	vst v34;
	v32 =	vld [tilespmem:$0x12B10]  }
0x150: {  	v27 =	vadd.f32 v39, v38;
	[tilespmem:$0x169C0] =	vst v36;
	v39 =	vld [tilespmem:$0x1FFA0]  }
0x151: {  	v34 =	vld [tilespmem:$0x12B20];
	[tilespmem:$0x16820] =	vst v0  }
0x152: {  	v29 =	vadd.f32 v43, v42;
	v31 =	vadd.f32 v47, v46;
	v47 =	vld [tilespmem:$0xEB40];
	[tilespmem:$0x16930] =	vst v27  }
0x153: {  	[tilespmem:$0x1FFB0] =	vst v62;
	v62 =	vld [tilespmem:$0x12A00]  }
0x154: {  	v33 =	vadd.f32 v51, v50;
	v51 =	vld [tilespmem:$0xEB50];
	[tilespmem:$0x16950] =	vst v29  }
0x155: {  	v35 =	vadd.f32 v55, v54;
	v55 =	vld [tilespmem:$0xEB60];
	[tilespmem:$0x16970] =	vst v31  }
0x156: {  	v37 =	vadd.f32 v59, v58;
	v59 =	vld [tilespmem:$0xEB70];
	[tilespmem:$0x16990] =	vst v33  }
0x157: {  	v38 =	vadd.f32 v61, v60;
	v61 =	vld [tilespmem:$0x12B70];
	[tilespmem:$0x169B0] =	vst v35  }
0x158: {  	[tilespmem:$0x1FFC0] =	vst v62;
	v62 =	vld [tilespmem:$0xEA10]  }
0x159: {  	v27 =	vld [tilespmem:$0xEAF0];
	[tilespmem:$0x169D0] =	vst v37;
	v2 =	vadd.f32 v63, v39  }
0x15a: {  	v29 =	vld [tilespmem:$0xEB00];
	[tilespmem:$0x169E0] =	vst v38;
	v46 =	vadd.f32 v4, v3  }
0x15b: {  	v31 =	vld [tilespmem:$0xEB10];
	[tilespmem:$0x169F0] =	vst v2  }
0x15c: {  	v33 =	vld [tilespmem:$0xEB20];
	v56 =	vadd.f32 v14, v13;
	[tilespmem:$0x16A30] =	vst v46  }
0x15d: {  	v58 =	vadd.f32 v16, v15;
	[tilespmem:$0x1FFD0] =	vst v62;
	v62 =	vld [tilespmem:$0x12A10]  }
0x15e: {  	v35 =	vld [tilespmem:$0xEB30];
	v60 =	vadd.f32 v18, v17;
	[tilespmem:$0x16A80] =	vst v56  }
0x15f: {  	v37 =	vld [tilespmem:$0xEBA0];
	v21 =	vadd.f32 v22, v21;
	[tilespmem:$0x16A90] =	vst v58  }
0x160: {  	v40 =	vld [tilespmem:$0x1FFB0];
	[tilespmem:$0x16AA0] =	vst v60  }
0x161: {  	v23 =	vadd.f32 v24, v23;
	[tilespmem:$0x16AC0] =	vst v21;
	v41 =	vld [tilespmem:$0x1FFC0]  }
0x162: {  	v25 =	vadd.f32 v26, v25;
	[tilespmem:$0x1FFE0] =	vst v62;
	v62 =	vld [tilespmem:$0xEA20]  }
0x163: {  	[tilespmem:$0x16AD0] =	vst v23;
	v36 =	vadd.f32 v28, v27;
	v42 =	vld [tilespmem:$0x1FFD0]  }
0x164: {  	[tilespmem:$0x16AE0] =	vst v25;
	v38 =	vadd.f32 v30, v29;
	v43 =	vld [tilespmem:$0x1FFE0]  }
0x165: {  	v63 =	vld [tilespmem:$0xEB80];
	[tilespmem:$0x16AF0] =	vst v36  }
0x166: {  	v22 =	vld [tilespmem:$0x12B80];
	[tilespmem:$0x16B00] =	vst v38;
	v0 =	vadd.f32 v41, v40  }
0x167: {  	v40 =	vadd.f32 v32, v31;
	[tilespmem:$0x1FFF0] =	vst v62;
	v62 =	vadd.f32 v7, v6;
	v6 =	vld [tilespmem:$0x12A40]  }
0x168: {  	[tilespmem:$0x16A00] =	vst v0;
	v7 =	vld [tilespmem:$0xEA50]  }
0x169: {  	[tilespmem:$0x16B10] =	vst v40;
	v2 =	vadd.f32 v43, v42;
	v44 =	vld [tilespmem:$0x1FFF0]  }
0x16a: {  	v24 =	vld [tilespmem:$0xEB90];
	v42 =	vadd.f32 v34, v33;
	[tilespmem:$0x16830] =	vst v62  }
0x16b: {  	v26 =	vld [tilespmem:$0x12B90];
	v62 =	vadd.f32 v11, v10;
	[tilespmem:$0x16A10] =	vst v2  }
0x16c: {  	v39 =	vld [tilespmem:$0x12BA0];
	[tilespmem:$0x16B20] =	vst v42;
	v48 =	vadd.f32 v6, v5  }
0x16d: {  	v46 =	vld [tilespmem:$0x12BC0];
	[tilespmem:$0x16850] =	vst v62;
	v50 =	vadd.f32 v8, v7  }
0x16e: {  	v56 =	vld [tilespmem:$0xEBF0];
	v0 =	vadd.f32 v1, v44;
	[tilespmem:$0x16A40] =	vst v48  }
0x16f: {  	v58 =	vld [tilespmem:$0x12BF0];
	v1 =	vadd.f32 v45, v35;
	[tilespmem:$0x16A50] =	vst v50  }
0x170: {  	v41 =	vld [tilespmem:$0xEBB0];
	v45 =	vadd.f32 v49, v47;
	[tilespmem:$0x16A20] =	vst v0  }
0x171: {  	v10 =	vld [tilespmem:$0x12A60];
	v47 =	vadd.f32 v53, v51;
	[tilespmem:$0x16B30] =	vst v1  }
0x172: {  	v11 =	vld [tilespmem:$0xEA70];
	v49 =	vadd.f32 v57, v55;
	[tilespmem:$0x16B40] =	vst v45  }
0x173: {  	v43 =	vld [tilespmem:$0x12BB0];
	v51 =	vadd.f32 v61, v59;
	[tilespmem:$0x16B50] =	vst v47  }
0x174: {  	v62 =	vld [tilespmem:$0x12AB0];
	v53 =	vadd.f32 v22, v63;
	[tilespmem:$0x16B60] =	vst v49  }
0x175: {  	v44 =	vld [tilespmem:$0xEBC0];
	v55 =	vadd.f32 v26, v24;
	[tilespmem:$0x16B70] =	vst v51  }
0x176: {  	v52 =	vadd.f32 v10, v9;
	v48 =	vld [tilespmem:$0xEBD0];
	[tilespmem:$0x16B80] =	vst v53  }
0x177: {  	v54 =	vadd.f32 v12, v11;
	v50 =	vld [tilespmem:$0x12BD0];
	[tilespmem:$0x16B90] =	vst v55  }
0x178: {  	v57 =	vadd.f32 v39, v37;
	[tilespmem:$0x16A60] =	vst v52;
	v52 =	vld [tilespmem:$0xEBE0]  }
0x179: {  	v59 =	vadd.f32 v43, v41;
	[tilespmem:$0x16A70] =	vst v54;
	v54 =	vld [tilespmem:$0x12BE0]  }
0x17a: {  	v63 =	vadd.f32 v58, v56;
	[tilespmem:$0x16BA0] =	vst v57  }
0x17b: {  	[tilespmem:$0x16BB0] =	vst v59;
	v62 =	vadd.f32 v62, v19  }
0x17c: {  	[tilespmem:$0x16BF0] =	vst v63;
	v60 =	vadd.f32 v46, v44  }
0x17d: {  	[tilespmem:$0x16AB0] =	vst v62;
	v61 =	vadd.f32 v50, v48  }
0x17e: {  	s31 =	sadd.s32 $0x1, s31;
	[tilespmem:$0x16BC0] =	vst v60;
	v62 =	vadd.f32 v54, v52  }
0x17f: {  	p0 =	sne.s32 s31, s11;
	[tilespmem:$0x16BD0] =	vst v61  }
.Ltmp4:
0x180: {  	[tilespmem:$0x16BE0] =	vst v62;
	(pc) =	sbr.rel @p0 .LBB2_1-.Ltmp4, $4  }
0x181: {  	[hbm4b:s10+s2] =	stream.linear.scatter [tilespmem:s22], [sflag:$0x5], $0x400, $0x38;
	[tilespmem:$0x1A800] =	vst v63  }
0x182: {  	_ =	swait.ge [sflag:s12], $0x400  }
0x183: {  	[sflag:s12] =	ssyncset.done $0x0  }
0x184: {  	[sflag:s12] =	ssyncadd.s32 $0xFFFFFC00  }
0x185: {  	_ =	sfence.sel $0x180000  }
0x186: {  	[bflag:$0x0] =	sbarrier.arrive $0xFFFF  }
0x187: {  	_ =	strace $0x9000004A  }
0x188: {  	s0 =	stileid.u32;
	[bflag:$0x2] =	sbarrier.arrive $0xFFFF  }
0x189: {  	p0 =	sne.s32 s0, $0x0;
	s0 =	rddreg [dreg:$0x1]  }
0x18a: {  	s0 =	sadd.s32 @!p0 $0x100000, s0  }
0x18b: {  	[sflag:s0] =	ssyncadd.tile.s32 @!p0 $0x1;
	_ =	shalt  }
.Lfunc_end2:
_tile_overlayer_lowered:
.L_overlay_start_2:
0x18c: {  	(tag) =	ssettag $0x2  }
0x18d: {  	s0 =	rddreg [dreg:$0x0];
	s2 =	stileid.u32  }
0x18e: {  	s1 =	rddreg [dreg:$0x1];
	p0 =	sne.s32 s2, $0x0  }
0x18f: {  	s3 =	rddreg [dreg:$0x2];
	[bflag:$0x3] =	sbarrier.arrive $0xFFFF;
	s2 =	simm.s32 @!p0 $0x1C05  }
0x190: {  	[timem:s3], [sflag:s2] =	dma.local @!p0 [hbm:s0], s1  }
0x191: {  	s0 =	simm.s32 @!p0 $0x5  }
0x192: {  	_ =	swait.ge @!p0 [sflag:s0], s1  }
0x193: {  	s1 =	ssub.s32 @!p0 $0x0, s1;
	[sflag:s0] =	ssyncset.done @!p0 $0x0  }
0x194: {  	[sflag:s0] =	ssyncadd.s32 @!p0 s1  }
0x195: {  	[bflag:$0x3] =	sbarrier.arrive $0xFFFF  }
0x196: {  	_ =	shalt  }

// kernel: kernel.19.cloned.1.call-start
scs
__scs_entry_jumppad:
0x0: {  	(pc) =	sbr.rel $0x88, $3  }
0x1: {  	(tag) =	ssettag $0x0;
	lr =	simm.s32 $0x1  }
0x2: {  	[smem:$0x3F95] =	sst lr;
	_ =	strace $0xD0000000  }
0x3: {  	_ = 	snop  }
0x4: {  	_ = 	snop  }
0x5: {  	_ = 	snop  }
0x6: {  	_ = 	snop  }
0x7: {  	_ = 	snop  }
__scs_overlays_trampoline_lowered:
0x8: {  	[smem:$0x3FA4] =	sst s0  }
0x9: {  	[smem:$0x3FA5] =	sst s1  }
0xa: {  	[smem:$0x3FA6] =	sst s2  }
0xb: {  	[smem:$0x3FA7] =	sst s3  }
0xc: {  	[smem:$0x3FA8] =	sst s4  }
0xd: {  	[smem:$0x3FA9] =	sst s5  }
0xe: {  	[smem:$0x3FAA] =	sst s6  }
0xf: {  	[smem:$0x3FAB] =	sst s7  }
0x10: {  	[smem:$0x3FAC] =	sst s8  }
0x11: {  	[smem:$0x3FAD] =	sst s9;
	s0 =	simm.s32 @!p0 $0x0  }
0x12: {  	s1 =	sld [smem:$0x3F93];
	s0 =	simm.s32 @p0 $0x1  }
0x13: {  	[smem:$0x3FAE] =	sst s0;
	s0 =	simm.s32 @!p1 $0x0  }
0x14: {  	s2 =	sld [smem:$0x3F92];
	s0 =	simm.s32 @p1 $0x1  }
0x15: {  	[smem:$0x3FAF] =	sst s0;
	s0 =	simm.s32 @!p2 $0x0  }
0x16: {  	s3 =	sld [smem:$0x3FDB];
	s0 =	simm.s32 @p2 $0x1  }
0x17: {  	s4 =	simm.s32 $0x1BF5;
	[smem:$0x3FB1] =	sst s0  }
0x18: {  	s0 =	sld [smem:$0x3F94];
	_ =	swait.ge [sflag:s4], $0x0  }
0x19: {  	s7 =	sld [smem:$0x3F95]  }
0x1a: {  	s8 =	sadd.s32 $0xFFFFE003, lr  }
0x1b: {  	s9 =	sadd.s32 $0xFFFFFEF7, lr;
	s5 =	simm.s32 $0xFFFFFFFF;
	p2 =	slt.u32 s8, $0xFFFFF086  }
0x1c: {  	p1 =	slt.u32 s9, $0xF7A;
	s5 =	simm.s32 @!p2 $0x0  }
0x1d: {  	s5 =	simm.s32 @p1 $0x1;
	p0 =	seq.s32 s7, s2  }
0x1e: {  	s7 =	smul.u32 @!p0 $0xF7A, s2;
	p2 =	seq.s32 @!p0 s5, $0x0  }
0x1f: {  	s9 =	smul.u32 $0xF7A, s1;
	s8 =	simm.s32 @!p0 $0x1BF5;
	p2 =	por !p2, p0  }
0x20: {  	[sflag:s8] =	ssyncset.s32 @!p0 $0xFFFFF086;
	s6 =	sadd.s32 @!p0 s3, s7;
	s7 =	simm.s32 @!p0 $0x108  }
0x21: {  	s3 =	sadd.s32 s3, s9;
	s6 =	sadd.s32 @!p0 $0x88, s6;
	s7 =	simm.s32 @p2 $0x1082  }
0x22: {  	[simem:s7], [sflag:s8] =	dma.local @!p0 [hbm:s6], $0xF7A  }
0x23: {  	s9 =	sor.u32 $0xD0000000, s2;
	s6 =	simm.s32 $0x108;
	_ =	swait.ge @!p0 [sflag:s8], $0x0  }
0x24: {  	s3 =	sadd.s32 $0x88, s3;
	s6 =	simm.s32 @!p1 $0x1082;
	[sflag:s4] =	ssyncset.s32 $0xFFFFF086  }
0x25: {  	[simem:s6], [sflag:s4] =	dma.local [hbm:s3], $0xF7A  }
0x26: {  	[smem:$0x3F95] =	sst s1;
	(tag) =	ssettag s2;
	_ =	strace s9  }
0x27: {  	s1 =	sld [smem:$0x3FA5]  }
0x28: {  	s2 =	sld [smem:$0x3FA6]  }
0x29: {  	s4 =	sld [smem:$0x3FA8]  }
0x2a: {  	p0 =	seq.s32 s5, $0x0;
	s5 =	sld [smem:$0x3FA9]  }
0x2b: {  	s6 =	sld [smem:$0x3FAA]  }
0x2c: {  	s7 =	sld [smem:$0x3FAB]  }
0x2d: {  	s3 =	simm.s32 $0x108;
	s8 =	sld [smem:$0x3FAC]  }
0x2e: {  	s3 =	simm.s32 @!p0 $0x1082;
	s9 =	sld [smem:$0x3FAD]  }
0x2f: {  	lr =	sadd.s32 s0, s3;
	s0 =	sld [smem:$0x3FA4]  }
0x30: {  	s3 =	sld [smem:$0x3FA7]  }
0x31: {  	[smem:$0x3FB0] =	sst s10  }
0x32: {  	s10 =	sld [smem:$0x3FAE];
	_ =	sdelay $0x3  }
0x33: {  	p0 =	seq.s32 s10, $0x1;
	s10 =	sld [smem:$0x3FB0];
	_ =	sdelay $0x3  }
0x34: {  	[smem:$0x3FB0] =	sst s10  }
0x35: {  	s10 =	sld [smem:$0x3FAF];
	_ =	sdelay $0x3  }
0x36: {  	p1 =	seq.s32 s10, $0x1;
	s10 =	sld [smem:$0x3FB0];
	_ =	sdelay $0x3  }
0x37: {  	[smem:$0x3FB0] =	sst s10  }
0x38: {  	s10 =	sld [smem:$0x3FB1]  }
0x39: {  	_ = 	snop;
	(pc) =	sbr.ind lr, $3  }
0x3a: {  	_ = 	snop  }
0x3b: {  	_ = 	snop  }
0x3c: {  	p2 =	seq.s32 s10, $0x1;
	s10 =	sld [smem:$0x3FB0]  }
0x3d: {  	_ =	shalt  }
0x3e: {  	_ =	shalt  }
0x3f: {  	_ =	shalt  }
0x40: {  	_ =	shalt  }
0x41: {  	_ =	shalt  }
0x42: {  	_ =	shalt  }
0x43: {  	_ =	shalt  }
0x44: {  	_ =	shalt  }
0x45: {  	_ =	shalt  }
0x46: {  	_ =	shalt  }
0x47: {  	_ =	shalt  }
0x48: {  	_ =	shalt  }
0x49: {  	_ =	shalt  }
0x4a: {  	_ =	shalt  }
0x4b: {  	_ =	shalt  }
0x4c: {  	_ =	shalt  }
0x4d: {  	_ =	shalt  }
0x4e: {  	_ =	shalt  }
0x4f: {  	_ =	shalt  }
0x50: {  	_ =	shalt  }
0x51: {  	_ =	shalt  }
0x52: {  	_ =	shalt  }
0x53: {  	_ =	shalt  }
0x54: {  	_ =	shalt  }
0x55: {  	_ =	shalt  }
0x56: {  	_ =	shalt  }
0x57: {  	_ =	shalt  }
0x58: {  	_ =	shalt  }
0x59: {  	_ =	shalt  }
0x5a: {  	_ =	shalt  }
0x5b: {  	_ =	shalt  }
0x5c: {  	_ =	shalt  }
0x5d: {  	_ =	shalt  }
0x5e: {  	_ =	shalt  }
0x5f: {  	_ =	shalt  }
0x60: {  	_ =	shalt  }
0x61: {  	_ =	shalt  }
0x62: {  	_ =	shalt  }
0x63: {  	_ =	shalt  }
0x64: {  	_ =	shalt  }
0x65: {  	_ =	shalt  }
0x66: {  	_ =	shalt  }
0x67: {  	_ =	shalt  }
0x68: {  	_ =	shalt  }
0x69: {  	_ =	shalt  }
0x6a: {  	_ =	shalt  }
0x6b: {  	_ =	shalt  }
0x6c: {  	_ =	shalt  }
0x6d: {  	_ =	shalt  }
0x6e: {  	_ =	shalt  }
0x6f: {  	_ =	shalt  }
0x70: {  	_ =	shalt  }
0x71: {  	_ =	shalt  }
0x72: {  	_ =	shalt  }
0x73: {  	_ =	shalt  }
0x74: {  	_ =	shalt  }
0x75: {  	_ =	shalt  }
0x76: {  	_ =	shalt  }
0x77: {  	_ =	shalt  }
0x78: {  	_ =	shalt  }
0x79: {  	_ =	shalt  }
0x7a: {  	_ =	shalt  }
0x7b: {  	_ =	shalt  }
0x7c: {  	_ =	shalt  }
0x7d: {  	_ =	shalt  }
0x7e: {  	_ =	shalt  }
0x7f: {  	_ =	shalt  }
0x80: {  	_ =	shalt  }
0x81: {  	_ =	shalt  }
0x82: {  	_ =	shalt  }
0x83: {  	_ =	shalt  }
0x84: {  	_ =	shalt  }
0x85: {  	_ =	shalt  }
0x86: {  	_ =	shalt  }
0x87: {  	_ =	shalt  }
.Lfunc_end0:
.L_simem_size_0:
called_computation.3_lowered:
.L_overlay_start_0:
0x88: {  	s2 =	sld [smem:$0x3FD9]  }
0x89: {  	s3 =	sld [smem:$0x3FFE];
	_ =	sdelay $0x1  }
0x8a: {  	s1 =	srdreg.scid  }
0x8b: {  	s0 =	sand.u32 $0x1, s1  }
0x8c: {  	s17 =	sshll.u32 s0, $0xA;
	s2 =	sadd.s32 s3, s2  }
0x8d: {  	s2 =	sadd.s32 s2, s17  }
0x8e: {  	[smem:$0x3FBC] =	sst s2  }
0x8f: {  	_ = 	snop  }
0x90: {  	(tm) =	ssettm $0x1  }
0x91: {  	s18 =	sld [smem:$0x3FFB];
	_ =	sdelay $0x3  }
0x92: {  	_ =	strace s18  }
0x93: {  	s2 =	sld [smem:$0x3FFC];
	_ =	sdelay $0x3  }
0x94: {  	_ =	strace s2  }
0x95: {  	s2 =	sld [smem:$0x3FFD];
	_ =	sdelay $0x3  }
0x96: {  	_ =	strace s2  }
0x97: {  	_ =	strace $0x8FFFFFFF  }
0x98: {  	s19 =	sld [smem:$0x3FDB];
	_ =	sdelay $0x1  }
0x99: {  	s20 =	simm.s32 $_scs_section_size  }
0x9a: {  	s4 =	simm.s32 $_size__tile_overlayer_lowered;
	s5 =	simm.s32 $_tile_overlayer_lowered  }
0x9b: {  	s6 =	simm.s32 $0x1BFF;
	s21 =	sshll.u32 s5, $0x1;
	s3 =	sadd.s32 s20, s19  }
0x9c: {  	s22 =	simm.s32 $0x0;
	s4 =	sshll.u32 s4, $0x1;
	s5 =	sadd.s32 s21, s3  }
0x9d: {  	[timem:s22], [sflag:s6] =	dma.local [hbm:s5], s4  }
0x9e: {  	_ =	swait.ge [sflag:s6], s4  }
0x9f: {  	s4 =	ssub.s32 $0x0, s4;
	[sflag:s6] =	ssyncset.done $0x0  }
0xa0: {  	[sflag:s6] =	ssyncadd.s32 s4;
	_ =	sdelay $0x1  }
0xa1: {  	s23 =	simm.s32 $0x1B8B  }
0xa2: {  	_ =	swait.ge [sflag:s23], $0x1  }
0xa3: {  	[sflag:s23] =	ssyncset.done $0x0  }
0xa4: {  	[sflag:s23] =	ssyncadd.s32 $0xFFFFFFFF  }
0xa5: {  	s4 =	sld [smem:$0x0]  }
0xa6: {  	s5 =	sand.u32 $0xFFFFFFFE, s1  }
0xa7: {  	p0 =	sne.s32 s1, s5  }
0xa8: {  	s5 =	sshll.u32 @p0 s5, $0xE  }
0xa9: {  	s5 =	sadd.s32 @p0 $0x11B8D, s5;
	s6 =	sshll.u32 @p0 s4, $0x11  }
0xaa: {  	s5 =	sor.u32 @p0 s6, s5  }
0xab: {  	[sflag:s5] =	ssyncadd.remote.s32 @p0 $0x1;
	_ =	sdelay $0x1  }
0xac: {  	s5 =	simm.s32 @p0 $0x1B8D  }
0xad: {  	_ =	swait.eq @p0 [sflag:s5], $0x1  }
0xae: {  	[sflag:s5] =	ssyncadd.s32 @p0 $0xFFFFFFFF  }
0xaf: {  	s6 =	sshll.u32 @!p0 s1, $0xE  }
0xb0: {  	s6 =	sor.u32 @!p0 $0x4000, s6;
	s5 =	simm.s32 @!p0 $0x1B8D  }
0xb1: {  	s4 =	sshll.u32 @!p0 s4, $0x11;
	s6 =	sadd.s32 @!p0 $0x11B8D, s6;
	_ =	swait.eq @!p0 [sflag:s5], $0x1  }
0xb2: {  	s4 =	sor.u32 @!p0 s4, s6;
	[sflag:s5] =	ssyncadd.s32 @!p0 $0xFFFFFFFF  }
0xb3: {  	s25 =	simm.s32 $0x1B8E;
	s24 =	sld [smem:$0x3FFE];
	[sflag:s4] =	ssyncadd.remote.s32 @!p0 $0x1  }
0xb4: {  	s26 =	simm.s32 $execute0_lowered;
	[smem:$0x3FD2] =	sst s25  }
0xb5: {  	s5 =	sshll.u32 s26, $0x1;
	_ =	strace $0x8000004F;
	[dreg:$0x1] =	wrdreg $0xFFFFFFFF  }
0xb6: {  	s28 =	simm.s32 $_size_execute0_lowered;
	s3 =	sadd.s32 s3, s5;
	[dreg:$0x0] =	wrdreg $0x0  }
0xb7: {  	s5 =	sshll.u32 s28, $0x1;
	[dreg:$0x2] =	wrdreg s3  }
0xb8: {  	[dreg:$0x3] =	wrdreg s5  }
0xb9: {  	[dreg:$0x4] =	wrdreg $0xC0  }
0xba: {  	_ =	task [dreg:s22], $0x5FFFF  }
0xbb: {  	[dreg:$0x1] =	wrdreg $0xFFFFFFFF  }
0xbc: {  	[dreg:$0x0] =	wrdreg $0x60  }
0xbd: {  	[dreg:$0x2] =	wrdreg s24  }
0xbe: {  	[dreg:$0x3] =	wrdreg $0xA2800  }
0xbf: {  	[dreg:$0x4] =	wrdreg $0xA  }
0xc0: {  	_ =	task.clear_ibuf [dreg:s22], $0x5FFFF;
	_ =	strace $0x9000004F  }
0xc1: {  	s29 =	simm.s32 $0xA;
	_ =	strace $0x80000051  }
0xc2: {  	_ =	swait.ge [sflag:s29], $0x1  }
0xc3: {  	[sflag:s29] =	ssyncadd.s32 $0xFFFFFFFF  }
0xc4: {  	_ =	strace $0x90000051  }
0xc5: {  	_ =	sfence  }
0xc6: {  	s30 =	sld [smem:$0x0];
	_ =	sdelay $0x2  }
0xc7: {  	s31 =	sshll.u32 s1, $0xD;
	s1 =	sshrl.u32 s1, $0x2  }
0xc8: {  	s4 =	sand.u32 $0x4000, s31;
	s1 =	sadd.s32 s1, s30  }
0xc9: {  	s0 =	sor.u32 s4, s0;
	s1 =	sshll.u32 s1, $0x11  }
0xca: {  	s0 =	sor.u32 s1, s0  }
0xcb: {  	s0 =	sadd.s32 $0x8F2B, s0  }
0xcc: {  	[sflag:s0] =	ssyncadd.remote.s32 $0x1  }
0xcd: {  	_ =	sfence.sel $0xFFFF  }
0xce: {  	[dreg:$0x0] =	wrdreg $0xFFFFFFFF;
	(pc) =	sbr.abs _section_cstart, $3  }
0xcf: {  	[dreg:$0x1] =	wrdreg $0xFFFFFFFF  }
0xd0: {  	_ =	task.clear_ibuf [dreg:s22], $0x2FFFF;
	_ =	strace $0x9FFFFFFF  }
0xd1: {  	(tm) =	ssettm $0x7FFFFFFF  }
tec
execute0_lowered:
.L_overlay_start_1:
0x0: {  	(tag) =	ssettag $0x1  }
0x1: {  	s0 =	rddreg [dreg:$0x0]  }
0x2: {  	s2 =	rddreg [dreg:$0x1];
	s3 =	simm.s32 $0x0  }
0x3: {  	s13 =	stileid.u32;
	s6 =	srdreg.scid;
	s28 =	simm.s32 $0x5280  }
0x4: {  	s29 =	simm.s32 $0x180;
	s30 =	simm.s32 $0x7A80;
	s31 =	simm.s32 $0x1  }
0x5: {  	[smem:$0x7FF] =	sst s3;
	s1 =	smul.u32 $0x13800, s13;
	s4 =	sadd.s32 $0xA7A000, s0  }
0x6: {  	s7 =	sadd.s32 $0x14A00, s0;
	s8 =	sand.u32 $0x1, s6;
	s9 =	sshll.u32 s13, $0x1  }
0x7: {  	s10 =	smul.u32 $0x4E000, s13;
	s11 =	sadd.s32 $0x19A00, s0;
	s18 =	sshll.u32 s13, $0x6  }
0x8: {  	s19 =	sadd.s32 $0x138000, s2;
	s16 =	smul.u32 $0x27100, s13;
	p0 =	sne.s32 s13, $0xF  }
0x9: {  	_ =	strace $0x80000050;
	s6 =	ssub.s32 $0x2, s8;
	s14 =	smul.u32 $0x138800, s8  }
0xa: {  	s9 =	sor.u32 s8, s9;
	[dreg:$0x6] =	wrdreg s19;
	s19 =	smul.u32 $0x1388, s8  }
0xb: {  	s8 =	smul.u32 $0x13880, s8;
	s5 =	sshrl.u32 s1, $0x3;
	s12 =	sshrl.u32 s6, $0x1  }
0xc: {  	s17 =	sshrl.u32 s10, $0x2;
	s9 =	smul.u32 $0x1388, s9;
	s5 =	sadd.s32 s5, s0  }
0xd: {  	s12 =	ssub.s32 s6, s12;
	s6 =	sadd.s32 s17, s2;
	s0 =	sadd.s32 $0x8EE00, s0  }
0xe: {  	s1 =	sadd.s32 s1, s14;
	s17 =	smul.u32 $0x2710, s13;
	[dreg:$0x4] =	wrdreg s6  }
0xf: {  	s5 =	sadd.s32 $0x67E00, s5;
	s6 =	sor.u32 $0x1C09, s18;
	s20 =	sadd.s32 $0x12C0, s9  }
0x10: {  	[dreg:$0x7] =	wrdreg s0;
	s22 =	sadd.s32 $0x1310, s9;
	s26 =	sadd.s32 $0x1360, s9  }
0x11: {  	s18 =	sshrl.u32 s1, $0x3;
	[dreg:$0x5] =	wrdreg s5;
	s21 =	sshrl.u32 s20, $0x3  }
0x12: {  	s23 =	sshll.u32 s20, $0x4;
	s24 =	sshrl.u32 s22, $0x3;
	s10 =	sshll.u32 s22, $0x4  }
0x13: {  	s9 =	sshrl.u32 s26, $0x3;
	s20 =	sshrl.u32 s14, $0x3;
	s0 =	sadd.s32 s7, s21  }
0x14: {  	s1 =	sadd.s32 s19, s17;
	s25 =	sadd.s32 s7, s24;
	[dreg:$0x8] =	wrdreg s0  }
0x15: {  	s5 =	sadd.s32 s4, s10;
	s15 =	sadd.s32 s7, s9;
	[dreg:$0xa] =	wrdreg s25  }
0x16: {  	s22 =	sshrl.u32 s1, $0x3;
	s0 =	sadd.s32 s4, s23;
	[dreg:$0xb] =	wrdreg s5  }
0x17: {  	[dreg:$0xc] =	wrdreg s15;
	s23 =	smax.u32 s12, $0x1;
	s24 =	sadd.s32 s22, s7  }
0x18: {  	s25 =	sadd.s32 $0xF0, s1;
	s22 =	simm.s32 $0x9;
	[dreg:$0x9] =	wrdreg s0  }
0x19: {  	s5 =	simm.s32 $0x4;
	s12 =	simm.s32 $0x0;
	[dreg:$0x10] =	wrdreg s23  }
0x1a: {  	s0 =	sshll.u32 s26, $0x4;
	[dreg:$0x11] =	wrdreg s24;
	s26 =	sadd.s32 $0xA0, s1  }
0x1b: {  	s1 =	sadd.s32 $0x50, s1;
	s23 =	simm.s32 $0x280;
	s24 =	simm.s32 $0x80  }
0x1c: {  	s0 =	sadd.s32 s4, s0;
	s4 =	sadd.s32 s16, s4;
	s1 =	sshrl.u32 s1, $0x3  }
0x1d: {  	[dreg:$0xd] =	wrdreg s0;
	s0 =	sadd.s32 s11, s18;
	s21 =	sadd.s32 s8, s4  }
0x1e: {  	s4 =	sshrl.u32 s26, $0x3;
	s26 =	simm.s32 $0x100;
	[dreg:$0xe] =	wrdreg s0  }
0x1f: {  	s0 =	sadd.s32 s11, s20;
	[dreg:$0x3] =	wrdreg s21;
	s20 =	sadd.s32 s4, s7  }
0x20: {  	s21 =	sadd.s32 s1, s7;
	s1 =	simm.s32 $0x2;
	s0 =	sadd.s32 $0x27000, s0  }
0x21: {  	s4 =	simm.s32 $0x3;
	[dreg:$0xf] =	wrdreg s0;
	s0 =	sshrl.u32 s25, $0x3  }
0x22: {  	s25 =	simm.s32 $0x2A80;
	s19 =	sadd.s32 s0, s7;
	s0 =	simm.s32 $0x50  }
.LBB2_1:
0x23: {  	s7 =	rddreg [dreg:$0x4]  }
0x24: {  	s16 =	rddreg [dreg:$0x5];
	s13 =	sshrl.u32 s7, $0x3  }
0x25: {  	[spmem:s13], [sflag:s6] =	dma.local [hbm:s16], $0x2700  }
0x26: {  	_ =	swait.ge [sflag:s22], $0x2700  }
0x27: {  	[sflag:s22] =	ssyncset.done $0x0;
	s7 =	rddreg [dreg:$0x6]  }
0x28: {  	[sflag:s22] =	ssyncadd.s32 $0xFFFFD900;
	s14 =	sshrl.u32 @!p0 s7, $0x3;
	s7 =	rddreg [dreg:$0x7]  }
0x29: {  	[spmem:s14], [sflag:s6] =	dma.local @!p0 [hbm:s7], $0x100  }
0x2a: {  	s7 =	simm.s32 @!p0 $0x9  }
0x2b: {  	_ =	swait.ge @!p0 [sflag:s7], $0x100  }
0x2c: {  	[sflag:s7] =	ssyncset.done @!p0 $0x0  }
0x2d: {  	p1 =	por $0x1, $0x1;
	[sflag:s7] =	ssyncadd.s32 @!p0 $0xFFFFFF00  }
0x2e: {  	s7 =	simm.s32 @!p1 $0x5;
	[bflag:$0x0] =	sbarrier.arrive $0xFFFF  }
0x2f: {  	_ =	swait.ge @!p1 [sflag:s7], $0x2800  }
0x30: {  	[sflag:s7] =	ssyncset.done @!p1 $0x0  }
0x31: {  	[sflag:s7] =	ssyncadd.s32 @!p1 $0xFFFFD800;
	s7 =	simm.s32 @!p1 $0x6  }
0x32: {  	_ =	swait.ge @!p1 [sflag:s7], $0x2800  }
0x33: {  	[sflag:s7] =	ssyncset.done @!p1 $0x0  }
0x34: {  	s9 =	rddreg [dreg:$0x11];
	[sflag:s7] =	ssyncadd.s32 @!p1 $0xFFFFD800  }
0x35: {  	[tilespmem:s3], [sflag:$0x9] =	stream.linear.gather [hbm4b:s9+s3], $0x50, $0x38;
	[tilespmem:$0x1DB00] =	vst v63  }
0x36: {  	_ =	swait.ge [sflag:s22], $0x50  }
0x37: {  	s17 =	rddreg [dreg:$0x3];
	[sflag:s22] =	ssyncset.done $0x0  }
0x38: {  	[sflag:s22] =	ssyncadd.s32 $0xFFFFFFB0;
	s7 =	sadd.s32 $0x0, s17  }
0x39: {  	[tilespmem:s23], [sflag:$0x1] =	stream.linear.gather [hbm4b:s7+s3], $0x2800, $0x38;
	[tilespmem:$0x1DB00] =	vst v63  }
0x3a: {  	_ = 	snop  }
0x3b: {  	[tilespmem:s24], [sflag:$0x9] =	stream.linear.gather [hbm4b:s21+s3], $0x50, $0x38;
	[tilespmem:$0x1DB00] =	vst v63  }
0x3c: {  	_ =	swait.ge [sflag:s22], $0x50  }
0x3d: {  	[sflag:s22] =	ssyncset.done $0x0  }
0x3e: {  	s11 =	simm.s32 @!p1 $0x7;
	s8 =	sadd.s32 $0x500, s7;
	[sflag:s22] =	ssyncadd.s32 $0xFFFFFFB0  }
0x3f: {  	[tilespmem:s25], [sflag:$0x2] =	stream.linear.gather [hbm4b:s8+s3], $0x2800, $0x38;
	[tilespmem:$0x1DB00] =	vst v63  }
0x40: {  	_ =	swait.ge @!p1 [sflag:s11], $0x2800  }
0x41: {  	[sflag:s11] =	ssyncset.done @!p1 $0x0  }
0x42: {  	s8 =	simm.s32 @!p1 $0x8;
	[sflag:s11] =	ssyncadd.s32 @!p1 $0xFFFFD800  }
0x43: {  	_ =	swait.ge @!p1 [sflag:s8], $0x2800  }
0x44: {  	[sflag:s8] =	ssyncset.done @!p1 $0x0  }
0x45: {  	[sflag:s8] =	ssyncadd.s32 @!p1 $0xFFFFD800  }
0x46: {  	[tilespmem:s26], [sflag:$0x9] =	stream.linear.gather [hbm4b:s20+s3], $0x50, $0x38;
	[tilespmem:$0x1DB00] =	vst v63  }
0x47: {  	_ =	swait.ge [sflag:s22], $0x50  }
0x48: {  	[sflag:s22] =	ssyncset.done $0x0  }
0x49: {  	s18 =	sadd.s32 $0xA00, s7;
	[sflag:s22] =	ssyncadd.s32 $0xFFFFFFB0  }
0x4a: {  	[tilespmem:s28], [sflag:$0x3] =	stream.linear.gather [hbm4b:s18+s3], $0x2800, $0x38;
	[tilespmem:$0x1DB00] =	vst v63  }
0x4b: {  	_ = 	snop  }
0x4c: {  	[tilespmem:s29], [sflag:$0x9] =	stream.linear.gather [hbm4b:s19+s3], $0x50, $0x38;
	[tilespmem:$0x1DB00] =	vst v63  }
0x4d: {  	_ =	swait.ge [sflag:s22], $0x50  }
0x4e: {  	[sflag:s22] =	ssyncset.done $0x0  }
0x4f: {  	s7 =	sadd.s32 $0xF00, s7;
	[sflag:s22] =	ssyncadd.s32 $0xFFFFFFB0  }
0x50: {  	[tilespmem:s30], [sflag:$0x4] =	stream.linear.gather [hbm4b:s7+s3], $0x2800, $0x38;
	[tilespmem:$0x1DB00] =	vst v63  }
0x51: {  	_ =	swait.ge [sflag:s31], $0x2800  }
0x52: {  	[sflag:s31] =	ssyncset.done $0x0  }
0x53: {  	[sflag:s31] =	ssyncadd.s32 $0xFFFFD800  }
0x54: {  	[spmem:s2] =	stream.indirect.scatter.add.f32 [tilespmem:s23], [sflag:$0x5], $0x80, s3, s0, $0xb8;
	[tilespmem:$0x1DB00] =	vst v63  }
0x55: {  	_ =	swait.ge [sflag:s1], $0x2800  }
0x56: {  	[sflag:s1] =	ssyncset.done $0x0  }
0x57: {  	[sflag:s1] =	ssyncadd.s32 $0xFFFFD800  }
0x58: {  	[spmem:s2] =	stream.indirect.scatter.add.f32 [tilespmem:s25], [sflag:$0x6], $0x80, s24, s0, $0xb8;
	[tilespmem:$0x1DB00] =	vst v63  }
0x59: {  	_ =	swait.ge [sflag:s4], $0x2800  }
0x5a: {  	s15 =	sadd.s32 $0x28, s19;
	[sflag:s4] =	ssyncset.done $0x0  }
0x5b: {  	p2 =	por $0x0, $0x0;
	s16 =	sadd.s32 $0x28, s20;
	[sflag:s4] =	ssyncadd.s32 $0xFFFFD800  }
0x5c: {  	[spmem:s2] =	stream.indirect.scatter.add.f32 [tilespmem:s28], [sflag:$0x7], $0x80, s26, s0, $0xb8;
	[tilespmem:$0x1DB00] =	vst v63  }
0x5d: {  	s17 =	simm.s32 $0x1400;
	s11 =	sadd.s32 $0x28, s21;
	_ =	swait.ge [sflag:s5], $0x2800  }
0x5e: {  	s8 =	simm.s32 $0x2800;
	s7 =	sadd.s32 $0x28, s9;
	[sflag:s5] =	ssyncset.done $0x0  }
.LBB2_2:
0x5f: {  	s9 =	simm.s32 @!p2 $0x5;
	[sflag:s5] =	ssyncadd.s32 $0xFFFFD800  }
0x60: {  	[spmem:s2] =	stream.indirect.scatter.add.f32 [tilespmem:s30], [sflag:$0x8], $0x80, s29, s0, $0xb8;
	[tilespmem:$0x1DB00] =	vst v63  }
0x61: {  	_ =	swait.ge @!p2 [sflag:s9], $0x2800  }
0x62: {  	[sflag:s9] =	ssyncset.done @!p2 $0x0  }
0x63: {  	[sflag:s9] =	ssyncadd.s32 @!p2 $0xFFFFD800;
	s9 =	simm.s32 @!p2 $0x6  }
0x64: {  	_ =	swait.ge @!p2 [sflag:s9], $0x2800  }
0x65: {  	[sflag:s9] =	ssyncset.done @!p2 $0x0  }
0x66: {  	[sflag:s9] =	ssyncadd.s32 @!p2 $0xFFFFD800  }
0x67: {  	[tilespmem:s3], [sflag:$0x9] =	stream.linear.gather [hbm4b:s7+s3], $0x50, $0x38;
	[tilespmem:$0x1DB00] =	vst v63  }
0x68: {  	_ =	swait.ge [sflag:s22], $0x50  }
0x69: {  	s18 =	rddreg [dreg:$0x3];
	[sflag:s22] =	ssyncset.done $0x0  }
0x6a: {  	[sflag:s22] =	ssyncadd.s32 $0xFFFFFFB0;
	s9 =	sadd.s32 s17, s18  }
0x6b: {  	[tilespmem:s23], [sflag:$0x1] =	stream.linear.gather [hbm4b:s9+s3], $0x2800, $0x38;
	[tilespmem:$0x1DB00] =	vst v63  }
0x6c: {  	_ = 	snop  }
0x6d: {  	[tilespmem:s24], [sflag:$0x9] =	stream.linear.gather [hbm4b:s11+s3], $0x50, $0x38;
	[tilespmem:$0x1DB00] =	vst v63  }
0x6e: {  	s10 =	smov.u32 s8;
	_ =	swait.ge [sflag:s22], $0x50  }
0x6f: {  	s17 =	smov.u32 s10;
	[sflag:s22] =	ssyncset.done $0x0  }
0x70: {  	s18 =	simm.s32 @!p2 $0x7;
	s10 =	sadd.s32 $0x500, s9;
	[sflag:s22] =	ssyncadd.s32 $0xFFFFFFB0  }
0x71: {  	[tilespmem:s25], [sflag:$0x2] =	stream.linear.gather [hbm4b:s10+s3], $0x2800, $0x38;
	[tilespmem:$0x1DB00] =	vst v63  }
0x72: {  	_ =	swait.ge @!p2 [sflag:s18], $0x2800  }
0x73: {  	[sflag:s18] =	ssyncset.done @!p2 $0x0  }
0x74: {  	s10 =	simm.s32 @!p2 $0x8;
	[sflag:s18] =	ssyncadd.s32 @!p2 $0xFFFFD800  }
0x75: {  	_ =	swait.ge @!p2 [sflag:s10], $0x2800  }
0x76: {  	[sflag:s10] =	ssyncset.done @!p2 $0x0  }
0x77: {  	[sflag:s10] =	ssyncadd.s32 @!p2 $0xFFFFD800  }
0x78: {  	[tilespmem:s26], [sflag:$0x9] =	stream.linear.gather [hbm4b:s16+s3], $0x50, $0x38;
	[tilespmem:$0x1DB00] =	vst v63  }
0x79: {  	_ =	swait.ge [sflag:s22], $0x50  }
0x7a: {  	[sflag:s22] =	ssyncset.done $0x0  }
0x7b: {  	s18 =	sadd.s32 $0xA00, s9;
	[sflag:s22] =	ssyncadd.s32 $0xFFFFFFB0  }
0x7c: {  	[tilespmem:s28], [sflag:$0x3] =	stream.linear.gather [hbm4b:s18+s3], $0x2800, $0x38;
	[tilespmem:$0x1DB00] =	vst v63  }
0x7d: {  	_ = 	snop  }
0x7e: {  	[tilespmem:s29], [sflag:$0x9] =	stream.linear.gather [hbm4b:s15+s3], $0x50, $0x38;
	[tilespmem:$0x1DB00] =	vst v63  }
0x7f: {  	_ =	swait.ge [sflag:s22], $0x50  }
0x80: {  	[sflag:s22] =	ssyncset.done $0x0  }
0x81: {  	s9 =	sadd.s32 $0xF00, s9;
	[sflag:s22] =	ssyncadd.s32 $0xFFFFFFB0  }
0x82: {  	[tilespmem:s30], [sflag:$0x4] =	stream.linear.gather [hbm4b:s9+s3], $0x2800, $0x38;
	[tilespmem:$0x1DB00] =	vst v63  }
0x83: {  	_ =	swait.ge [sflag:s31], $0x2800  }
0x84: {  	[sflag:s31] =	ssyncset.done $0x0  }
0x85: {  	[sflag:s31] =	ssyncadd.s32 $0xFFFFD800  }
0x86: {  	[spmem:s2] =	stream.indirect.scatter.add.f32 [tilespmem:s23], [sflag:$0x5], $0x80, s3, s0, $0xb8;
	[tilespmem:$0x1DB00] =	vst v63  }
0x87: {  	_ =	swait.ge [sflag:s1], $0x2800  }
0x88: {  	[sflag:s1] =	ssyncset.done $0x0  }
0x89: {  	s8 =	sadd.s32 $0x1400, s8;
	[sflag:s1] =	ssyncadd.s32 $0xFFFFD800  }
0x8a: {  	[spmem:s2] =	stream.indirect.scatter.add.f32 [tilespmem:s25], [sflag:$0x6], $0x80, s24, s0, $0xb8;
	[tilespmem:$0x1DB00] =	vst v63  }
0x8b: {  	p1 =	sne.s32 s8, $0x12C00;
	_ =	swait.ge [sflag:s4], $0x2800  }
.Ltmp0:
0x8c: {  	[sflag:s4] =	ssyncset.done $0x0;
	(pc) =	sbr.rel @p1 .LBB2_2-.Ltmp0, $4  }
0x8d: {  	s7 =	sadd.s32 $0x28, s7;
	[sflag:s4] =	ssyncadd.s32 $0xFFFFD800  }
0x8e: {  	[spmem:s2] =	stream.indirect.scatter.add.f32 [tilespmem:s28], [sflag:$0x7], $0x80, s26, s0, $0xb8;
	[tilespmem:$0x1DB00] =	vst v63  }
0x8f: {  	s11 =	sadd.s32 $0x28, s11;
	p2 =	seq.s32 s17, $0x0;
	_ =	swait.ge [sflag:s5], $0x2800  }
0x90: {  	s16 =	sadd.s32 $0x28, s16;
	s15 =	sadd.s32 $0x28, s15;
	[sflag:s5] =	ssyncset.done $0x0  }
0x91: {  	s8 =	simm.s32 @!p2 $0x5;
	[sflag:s5] =	ssyncadd.s32 $0xFFFFD800  }
0x92: {  	[spmem:s2] =	stream.indirect.scatter.add.f32 [tilespmem:s30], [sflag:$0x8], $0x80, s29, s0, $0xb8;
	[tilespmem:$0x1DB00] =	vst v63  }
0x93: {  	_ =	swait.ge @!p2 [sflag:s8], $0x2800  }
0x94: {  	[sflag:s8] =	ssyncset.done @!p2 $0x0  }
0x95: {  	[sflag:s8] =	ssyncadd.s32 @!p2 $0xFFFFD800;
	s8 =	simm.s32 @!p2 $0x6  }
0x96: {  	_ =	swait.ge @!p2 [sflag:s8], $0x2800  }
0x97: {  	[sflag:s8] =	ssyncset.done @!p2 $0x0  }
0x98: {  	[sflag:s8] =	ssyncadd.s32 @!p2 $0xFFFFD800  }
0x99: {  	[tilespmem:s3], [sflag:$0x9] =	stream.linear.gather [hbm4b:s7+s3], $0x50, $0x38;
	[tilespmem:$0x1DB00] =	vst v63  }
0x9a: {  	_ =	swait.ge [sflag:s22], $0x50  }
0x9b: {  	s10 =	rddreg [dreg:$0x3];
	[sflag:s22] =	ssyncset.done $0x0  }
0x9c: {  	s7 =	sadd.s32 s17, s10;
	[sflag:s22] =	ssyncadd.s32 $0xFFFFFFB0  }
0x9d: {  	[tilespmem:s23], [sflag:$0x1] =	stream.linear.gather [hbm4b:s7+s3], $0x2800, $0x38;
	[tilespmem:$0x1DB00] =	vst v63  }
0x9e: {  	_ = 	snop  }
0x9f: {  	[tilespmem:s24], [sflag:$0x9] =	stream.linear.gather [hbm4b:s11+s3], $0x50, $0x38;
	[tilespmem:$0x1DB00] =	vst v63  }
0xa0: {  	_ =	swait.ge [sflag:s22], $0x50  }
0xa1: {  	[sflag:s22] =	ssyncset.done $0x0  }
0xa2: {  	s8 =	simm.s32 @!p2 $0x7;
	s18 =	sadd.s32 $0x500, s7;
	[sflag:s22] =	ssyncadd.s32 $0xFFFFFFB0  }
0xa3: {  	[tilespmem:s25], [sflag:$0x2] =	stream.linear.gather [hbm4b:s18+s3], $0x2800, $0x38;
	[tilespmem:$0x1DB00] =	vst v63  }
0xa4: {  	_ =	swait.ge @!p2 [sflag:s8], $0x2800  }
0xa5: {  	[sflag:s8] =	ssyncset.done @!p2 $0x0  }
0xa6: {  	[sflag:s8] =	ssyncadd.s32 @!p2 $0xFFFFD800;
	s8 =	simm.s32 @!p2 $0x8  }
0xa7: {  	_ =	swait.ge @!p2 [sflag:s8], $0x2800  }
0xa8: {  	[sflag:s8] =	ssyncset.done @!p2 $0x0  }
0xa9: {  	[sflag:s8] =	ssyncadd.s32 @!p2 $0xFFFFD800  }
0xaa: {  	[tilespmem:s26], [sflag:$0x9] =	stream.linear.gather [hbm4b:s16+s3], $0x50, $0x38;
	[tilespmem:$0x1DB00] =	vst v63  }
0xab: {  	_ =	swait.ge [sflag:s22], $0x50  }
0xac: {  	[sflag:s22] =	ssyncset.done $0x0  }
0xad: {  	s9 =	sadd.s32 $0xA00, s7;
	[sflag:s22] =	ssyncadd.s32 $0xFFFFFFB0  }
0xae: {  	[tilespmem:s28], [sflag:$0x3] =	stream.linear.gather [hbm4b:s9+s3], $0x2800, $0x38;
	[tilespmem:$0x1DB00] =	vst v63  }
0xaf: {  	_ = 	snop  }
0xb0: {  	[tilespmem:s29], [sflag:$0x9] =	stream.linear.gather [hbm4b:s15+s3], $0x50, $0x38;
	[tilespmem:$0x1DB00] =	vst v63  }
0xb1: {  	_ =	swait.ge [sflag:s22], $0x50  }
0xb2: {  	[sflag:s22] =	ssyncset.done $0x0  }
0xb3: {  	s7 =	sadd.s32 $0xF00, s7;
	[sflag:s22] =	ssyncadd.s32 $0xFFFFFFB0  }
0xb4: {  	[tilespmem:s30], [sflag:$0x4] =	stream.linear.gather [hbm4b:s7+s3], $0x2800, $0x38;
	[tilespmem:$0x1DB00] =	vst v63  }
0xb5: {  	_ =	swait.ge [sflag:s31], $0x2800  }
0xb6: {  	[sflag:s31] =	ssyncset.done $0x0  }
0xb7: {  	[sflag:s31] =	ssyncadd.s32 $0xFFFFD800  }
0xb8: {  	[spmem:s2] =	stream.indirect.scatter.add.f32 [tilespmem:s23], [sflag:$0x5], $0x80, s3, s0, $0xb8;
	[tilespmem:$0x1DB00] =	vst v63  }
0xb9: {  	_ =	swait.ge [sflag:s1], $0x2800  }
0xba: {  	[sflag:s1] =	ssyncset.done $0x0  }
0xbb: {  	[sflag:s1] =	ssyncadd.s32 $0xFFFFD800  }
0xbc: {  	[spmem:s2] =	stream.indirect.scatter.add.f32 [tilespmem:s25], [sflag:$0x6], $0x80, s24, s0, $0xb8;
	[tilespmem:$0x1DB00] =	vst v63  }
0xbd: {  	_ =	swait.ge [sflag:s4], $0x2800  }
0xbe: {  	[sflag:s4] =	ssyncset.done $0x0  }
0xbf: {  	[sflag:s4] =	ssyncadd.s32 $0xFFFFD800  }
0xc0: {  	[spmem:s2] =	stream.indirect.scatter.add.f32 [tilespmem:s28], [sflag:$0x7], $0x80, s26, s0, $0xb8;
	[tilespmem:$0x1DB00] =	vst v63  }
0xc1: {  	_ =	swait.ge [sflag:s5], $0x2800  }
0xc2: {  	[sflag:s5] =	ssyncset.done $0x0  }
0xc3: {  	s10 =	simm.s32 $0x5;
	[sflag:s5] =	ssyncadd.s32 $0xFFFFD800  }
0xc4: {  	[spmem:s2] =	stream.indirect.scatter.add.f32 [tilespmem:s30], [sflag:$0x8], $0x80, s29, s0, $0xb8;
	[tilespmem:$0x1DB00] =	vst v63  }
0xc5: {  	_ =	swait.ge [sflag:s10], $0x2800  }
0xc6: {  	[sflag:s10] =	ssyncset.done $0x0  }
0xc7: {  	s11 =	simm.s32 $0x6;
	[sflag:s10] =	ssyncadd.s32 $0xFFFFD800  }
0xc8: {  	_ =	swait.ge [sflag:s11], $0x2800  }
0xc9: {  	[sflag:s11] =	ssyncset.done $0x0  }
0xca: {  	s15 =	simm.s32 $0x7;
	[sflag:s11] =	ssyncadd.s32 $0xFFFFD800  }
0xcb: {  	_ =	swait.ge [sflag:s15], $0x2800  }
0xcc: {  	[sflag:s15] =	ssyncset.done $0x0  }
0xcd: {  	s16 =	simm.s32 $0x8;
	[sflag:s15] =	ssyncadd.s32 $0xFFFFD800  }
0xce: {  	_ =	swait.ge [sflag:s16], $0x2800  }
0xcf: {  	[sflag:s16] =	ssyncset.done $0x0  }
0xd0: {  	s17 =	rddreg [dreg:$0x8];
	[sflag:s16] =	ssyncadd.s32 $0xFFFFD800  }
0xd1: {  	[tilespmem:s3], [sflag:$0x9] =	stream.linear.gather [hbm4b:s17+s3], $0x50, $0x38;
	[tilespmem:$0x1DB00] =	vst v63  }
0xd2: {  	_ =	swait.ge [sflag:s22], $0x50  }
0xd3: {  	[sflag:s22] =	ssyncset.done $0x0  }
0xd4: {  	s18 =	rddreg [dreg:$0x9];
	[sflag:s22] =	ssyncadd.s32 $0xFFFFFFB0  }
0xd5: {  	[tilespmem:s23], [sflag:$0x9] =	stream.linear.gather [hbm4b:s18+s3], $0x2800, $0x38;
	[tilespmem:$0x1DB00] =	vst v63  }
0xd6: {  	_ =	swait.ge [sflag:s22], $0x2800  }
0xd7: {  	[sflag:s22] =	ssyncset.done $0x0  }
0xd8: {  	[sflag:s22] =	ssyncadd.s32 $0xFFFFD800  }
0xd9: {  	[spmem:s2] =	stream.indirect.scatter.add.f32 [tilespmem:s23], [sflag:$0x9], $0x80, s3, s0, $0xb8;
	[tilespmem:$0x1DB00] =	vst v63  }
0xda: {  	_ =	swait.ge [sflag:s22], $0x2800  }
0xdb: {  	[sflag:s22] =	ssyncset.done $0x0  }
0xdc: {  	s8 =	rddreg [dreg:$0xa];
	[sflag:s22] =	ssyncadd.s32 $0xFFFFD800  }
0xdd: {  	[tilespmem:s3], [sflag:$0x9] =	stream.linear.gather [hbm4b:s8+s3], $0x50, $0x38;
	[tilespmem:$0x1DB00] =	vst v63  }
0xde: {  	_ =	swait.ge [sflag:s22], $0x50  }
0xdf: {  	[sflag:s22] =	ssyncset.done $0x0  }
0xe0: {  	s9 =	rddreg [dreg:$0xb];
	[sflag:s22] =	ssyncadd.s32 $0xFFFFFFB0  }
0xe1: {  	[tilespmem:s23], [sflag:$0x9] =	stream.linear.gather [hbm4b:s9+s3], $0x2800, $0x38;
	[tilespmem:$0x1DB00] =	vst v63  }
0xe2: {  	_ =	swait.ge [sflag:s22], $0x2800  }
0xe3: {  	[sflag:s22] =	ssyncset.done $0x0  }
0xe4: {  	[sflag:s22] =	ssyncadd.s32 $0xFFFFD800  }
0xe5: {  	[spmem:s2] =	stream.indirect.scatter.add.f32 [tilespmem:s23], [sflag:$0x9], $0x80, s3, s0, $0xb8;
	[tilespmem:$0x1DB00] =	vst v63  }
0xe6: {  	_ =	swait.ge [sflag:s22], $0x2800  }
0xe7: {  	[sflag:s22] =	ssyncset.done $0x0  }
0xe8: {  	s11 =	simm.s32 $0x200;
	s10 =	rddreg [dreg:$0xc];
	[sflag:s22] =	ssyncadd.s32 $0xFFFFD800  }
0xe9: {  	[tilespmem:s11], [sflag:$0x9] =	stream.linear.gather [hbm4b:s10+s3], $0x28, $0x38;
	[tilespmem:$0x1DB00] =	vst v63  }
0xea: {  	_ =	swait.ge [sflag:s22], $0x28  }
0xeb: {  	[sflag:s22] =	ssyncset.done $0x0  }
0xec: {  	s15 =	rddreg [dreg:$0xd];
	[sflag:s22] =	ssyncadd.s32 $0xFFFFFFD8  }
0xed: {  	[tilespmem:s23], [sflag:$0x9] =	stream.linear.gather [hbm4b:s15+s3], $0x1400, $0x38;
	[tilespmem:$0x1DB00] =	vst v63  }
0xee: {  	_ =	swait.ge [sflag:s22], $0x1400  }
0xef: {  	[sflag:s22] =	ssyncset.done $0x0  }
0xf0: {  	s16 =	simm.s32 $0x28;
	[sflag:s22] =	ssyncadd.s32 $0xFFFFEC00  }
0xf1: {  	[spmem:s2] =	stream.indirect.scatter.add.f32 [tilespmem:s23], [sflag:$0x9], $0x80, s11, s16, $0xb8;
	[tilespmem:$0x1DB00] =	vst v63  }
0xf2: {  	_ =	swait.ge [sflag:s22], $0x1400  }
0xf3: {  	[sflag:s22] =	ssyncset.done $0x0  }
0xf4: {  	[sflag:s22] =	ssyncadd.s32 $0xFFFFEC00  }
0xf5: {  	[bflag:$0x0] =	sbarrier.arrive $0xFFFF  }
0xf6: {  	s17 =	rddreg [dreg:$0xe]  }
0xf7: {  	[hbm:s17], [sflag:s6] =	dma.local [spmem:s13], $0x2700  }
0xf8: {  	_ =	swait.ge [sflag:s22], $0x2700  }
0xf9: {  	[sflag:s22] =	ssyncset.done $0x0  }
0xfa: {  	s7 =	rddreg [dreg:$0xf];
	[sflag:s22] =	ssyncadd.s32 $0xFFFFD900  }
0xfb: {  	[hbm:s7], [sflag:s6] =	dma.local @!p0 [spmem:s14], $0x100  }
0xfc: {  	s7 =	simm.s32 @!p0 $0x9  }
0xfd: {  	_ =	swait.ge @!p0 [sflag:s7], $0x100  }
0xfe: {  	s12 =	sadd.s32 $0x1, s12;
	s18 =	rddreg [dreg:$0x10]  }
0xff: {  	p1 =	sne.s32 s12, s18  }
.Ltmp1:
0x100: {  	_ = 	snop;
	(pc) =	sbr.rel @p1 .LBB2_1-.Ltmp1, $3  }
0x101: {  	_ =	sdelay $0x1  }
0x102: {  	[sflag:s7] =	ssyncset.done @!p0 $0x0  }
0x103: {  	[sflag:s7] =	ssyncadd.s32 @!p0 $0xFFFFFF00  }
0x104: {  	_ =	sfence.sel $0x180000  }
0x105: {  	[bflag:$0x0] =	sbarrier.arrive $0xFFFF  }
0x106: {  	_ =	strace $0x90000050  }
0x107: {  	s0 =	stileid.u32;
	[bflag:$0x2] =	sbarrier.arrive $0xFFFF  }
0x108: {  	p0 =	sne.s32 s0, $0x0;
	s0 =	rddreg [dreg:$0x2]  }
0x109: {  	s0 =	sadd.s32 @!p0 $0x100000, s0  }
0x10a: {  	[sflag:s0] =	ssyncadd.tile.s32 @!p0 $0x1;
	_ =	shalt  }
.Lfunc_end2:
_tile_overlayer_lowered:
.L_overlay_start_2:
0x10b: {  	(tag) =	ssettag $0x2  }
0x10c: {  	s0 =	rddreg [dreg:$0x0];
	s2 =	stileid.u32  }
0x10d: {  	s1 =	rddreg [dreg:$0x1];
	p0 =	sne.s32 s2, $0x0  }
0x10e: {  	s3 =	rddreg [dreg:$0x2];
	[bflag:$0x3] =	sbarrier.arrive $0xFFFF;
	s2 =	simm.s32 @!p0 $0x1C09  }
0x10f: {  	[timem:s3], [sflag:s2] =	dma.local @!p0 [hbm:s0], s1  }
0x110: {  	s0 =	simm.s32 @!p0 $0x9  }
0x111: {  	_ =	swait.ge @!p0 [sflag:s0], s1  }
0x112: {  	s1 =	ssub.s32 @!p0 $0x0, s1;
	[sflag:s0] =	ssyncset.done @!p0 $0x0  }
0x113: {  	[sflag:s0] =	ssyncadd.s32 @!p0 s1  }
0x114: {  	[bflag:$0x3] =	sbarrier.arrive $0xFFFF  }
0x115: {  	_ =	shalt  }

</sc_bundles>
